<compile_context>
chip_gen: v7x
topology: tpu7x:2x2x1
jax: 0.10.2.dev20260603
libtpu: 0.0.44.dev20260713+nightly
codegen_flags: <defaults>
</compile_context>

<pallas_src>
import functools

import jax
import jax.numpy as jnp
from jax import lax
from jax.experimental import pallas as pl
from jax.experimental.pallas import tpu as pltpu
from jax.experimental.pallas import tpu_sc as plsc

EMB_DIM = 32
CHUNK = 512
GROUP = 10


@functools.lru_cache(maxsize=None)
def _make_table_transpose(V, D):
    info = plsc.get_sparse_core_info()
    NC, NS = info.num_cores, info.num_subcores
    NW = NC * NS
    W = 128
    n_full = V // W
    rem = V - n_full * W
    mesh = plsc.VectorSubcoreMesh(core_axis_name="c", subcore_axis_name="s")

    @functools.partial(
        pl.kernel,
        mesh=mesh,
        compiler_params=pltpu.CompilerParams(needs_layout_passes=False),
        out_type=jax.ShapeDtypeStruct((V * D,), jnp.float32),
        scratch_types=[
            pltpu.VMEM((D // 8, 8, W), jnp.float32),
            pltpu.VMEM((W * (D + 1),), jnp.float32),
            pltpu.VMEM((W * D,), jnp.float32),
            pltpu.SemaphoreType.DMA,
        ],
    )
    def transpose_kernel(src_hbm, tail_hbm, out_hbm, blk_v, tr_v, pk_v, sem):
        wid = lax.axis_index("s") * NC + lax.axis_index("c")
        iota = lax.iota(jnp.int32, 16)
        iota_p = iota * (D + 1)
        my_n = (n_full - wid + NW - 1) // NW

        @pl.when(wid == 0)
        def _copy_tail():
            pltpu.sync_copy(tail_hbm, out_hbm.at[pl.ds(n_full * W * D, rem * D)])

        def body(i, carry):
            j = wid + i * NW
            c0 = pl.multiple_of(j * W, W)
            dmas = [
                pltpu.async_copy(
                    src_hbm.at[pl.ds(tb * 8, 8), pl.ds(c0, W)], blk_v.at[tb], sem
                )
                for tb in range(D // 8)
            ]
            for h in dmas:
                h.wait()

            @plsc.parallel_loop(0, D, unroll=4, carry=None)
            def scat(d):
                for cg in range(W // 16):
                    v = blk_v[d // 8, d % 8, pl.ds(cg * 16, 16)]
                    plsc.store_scatter(
                        tr_v, [iota_p + (cg * 16 * (D + 1) + d)], v
                    )

            @plsc.parallel_loop(0, W, unroll=4, carry=None)
            def compact(c):
                for h in range(D // 16):
                    pk_v[pl.ds(c * D + h * 16, 16)] = tr_v[
                        pl.ds(c * (D + 1) + h * 16, 16)
                    ]

            pltpu.sync_copy(pk_v, out_hbm.at[pl.ds(c0 * D, W * D)])
            return carry

        lax.fori_loop(0, my_n, body, 0)

    return transpose_kernel


@functools.lru_cache(maxsize=None)
def _make_gather(T, B, D):
    info = plsc.get_sparse_core_info()
    NC, NS = info.num_cores, info.num_subcores
    NW = NC * NS
    C = CHUNK
    blocks_per_t = B // C
    n_blocks = T * blocks_per_t
    assert n_blocks % (NW * GROUP) == 0
    per_w = n_blocks // NW
    n_groups = per_w // GROUP
    mesh = plsc.VectorSubcoreMesh(core_axis_name="c", subcore_axis_name="s")

    @functools.partial(
        pl.kernel,
        mesh=mesh,
        compiler_params=pltpu.CompilerParams(
            use_tc_tiling_on_sc=False, needs_layout_passes=False
        ),
        out_type=jax.ShapeDtypeStruct((T, D, B), jnp.float32),
        scratch_types=[
            pltpu.VMEM((GROUP * C,), jnp.int32),
            pltpu.VMEM((2, C, D), jnp.float32),
            pltpu.VMEM((2, D, C + 1), jnp.float32),
            pltpu.SemaphoreType.DMA,
            pltpu.SemaphoreType.DMA,
            pltpu.SemaphoreType.DMA,
        ],
    )
    def gather_kernel(
        idx_hbm, table_hbm, out_hbm, idxg_v, rows_v, tr_v, sem_g0, sem_g1, sem_o
    ):
        wid = lax.axis_index("s") * NC + lax.axis_index("c")
        base = wid * per_w
        iota = lax.iota(jnp.int32, 16)
        sem_g = (sem_g0, sem_g1)

        iota_hi = iota + 16

        def tpose(b):
            @plsc.parallel_loop(0, C, unroll=8, carry=None)
            def tbody(r):
                rcol = jnp.full((16,), 0, jnp.int32) + r
                v0 = rows_v[b, r, pl.ds(0, 16)]
                v1 = rows_v[b, r, pl.ds(16, 16)]
                plsc.store_scatter(tr_v.at[b], [iota, rcol], v0)
                plsc.store_scatter(tr_v.at[b], [iota_hi, rcol], v1)

        def group_body(grp, carry):
            g0 = base + grp * GROUP
            pltpu.sync_copy(idx_hbm.at[pl.ds(g0 * C, GROUP * C)], idxg_v)
            gather = [None] * GROUP
            out_dma = [None] * GROUP
            gather[0] = pltpu.async_copy(
                table_hbm.at[idxg_v.at[pl.ds(0, C)]], rows_v.at[0], sem_g[0]
            )
            for k in range(GROUP):
                b = k % 2
                if k + 1 < GROUP:
                    gather[k + 1] = pltpu.async_copy(
                        table_hbm.at[idxg_v.at[pl.ds((k + 1) * C, C)]],
                        rows_v.at[(k + 1) % 2],
                        sem_g[(k + 1) % 2],
                    )
                gather[k].wait()
                if k >= 2:
                    out_dma[k - 2].wait()
                tpose(b)
                g = g0 + k
                t = g // blocks_per_t
                b0 = (g % blocks_per_t) * C
                out_dma[k] = pltpu.async_copy(
                    tr_v.at[b, :, pl.ds(0, C)], out_hbm.at[t, :, pl.ds(b0, C)], sem_o
                )
            out_dma[GROUP - 2].wait()
            out_dma[GROUP - 1].wait()
            return carry

        lax.fori_loop(0, n_groups, group_body, 0)

    return gather_kernel


def kernel(term_ids, emb_weight):
    B, T = term_ids.shape
    V, D = emb_weight.shape
    idx_flat = term_ids.T.astype(jnp.int32).reshape(-1)
    n_full = V // 128
    tail_flat = emb_weight[n_full * 128:].reshape(-1)
    t_lin = _make_table_transpose(V, D)(emb_weight.T, tail_flat)
    t_lin = jax.lax.optimization_barrier(t_lin)
    out = _make_gather(T, B, EMB_DIM)(idx_flat, t_lin.reshape(V, D))
    return out.transpose(2, 0, 1)

# --- scband reference (transcript-rebuilt; emitter-appended) ---
"""Pipeline reference for scband-goembedding-18124761989186 (READ-ONLY COPY).

The authoritative reference and input builder live on the scoring server;
editing this copy changes nothing except your own understanding.
"""

import jax, jax.numpy as jnp
import numpy as np

LABEL_SIZE = 1000000
EMB_DIM = 32

def setup_inputs(seed: int = 0) -> dict:
    key = jax.random.key(seed)
    k1, k2 = jax.random.split(key)
    term_ids = jax.random.randint(k1, (16384, 100), 0, LABEL_SIZE, dtype=jnp.int64 if jax.config.jax_enable_x64 else jnp.int32)
    emb_weight = jax.random.normal(k2, (LABEL_SIZE, EMB_DIM), dtype=jnp.float32)
    return {"term_ids": term_ids, "emb_weight": emb_weight}

def reference(term_ids, emb_weight):
    # GOEmbedding.forward: term_vec = self.emb(term_ids)
    term_vec = jnp.take(emb_weight, term_ids, axis=0)
    return term_vec

if __name__ == "__main__":
    import jax
    _d = setup_inputs()
    print(jax.jit(kernel)(*tuple(_d.values())))

</pallas_src>

<mosaic_0001>
#map = affine_map<(d0, d1) -> (0, 0)>
#map1 = affine_map<(d0, d1) -> (0)>
module attributes {stable_mosaic.version = 14 : i64} {
  func.func @transpose_kernel(%arg0: i32, %arg1: i32, %arg2: memref<32x1000000xf32, #tpu.memory_space<hbm>>, %arg3: memref<2048xf32, #tpu.memory_space<hbm>>, %arg4: memref<32000000xf32, #tpu.memory_space<hbm>>, %arg5: memref<4x8x128xf32, #tpu.memory_space<vmem>>, %arg6: memref<4224xf32, #tpu.memory_space<vmem>>, %arg7: memref<4096xf32, #tpu.memory_space<vmem>>, %arg8: memref<!tpu.dma_semaphore, #tpu.memory_space<semaphore_mem>>) attributes {dimension_semantics = [#tpu.dimension_semantics<core_parallel>, #tpu.dimension_semantics<subcore_parallel>], iteration_bounds = array<i64: 2, 16>, scalar_prefetch = 0 : i64, scratch_operands = 4 : i64, tpu.core_type = #tpu.core_type<sc_vector_subcore>, window_params = [{transform_indices = #map}, {transform_indices = #map1}, {transform_indices = #map1}]} {
    %mul3A = arith.constant 2 : i32
    %mul3A_0 = arith.muli %arg1, %mul3A : i32
    %add3A = arith.addi %mul3A_0, %arg0 : i32
    %iota3A = tpu.iota {dimensions = array<i32: 0>} : vector<16xi32>
    %mul3A_1 = arith.constant 33 : i32
    %mul3A_2 = vector.broadcast %mul3A_1 : i32 to vector<16xi32>
    %mul3A_3 = arith.muli %iota3A, %mul3A_2 : vector<16xi32>
    %sub3A = arith.constant 7812 : i32
    %sub3A_4 = arith.subi %sub3A, %add3A : i32
    %add3A_5 = arith.constant 32 : i32
    %add3A_6 = arith.addi %sub3A_4, %add3A_5 : i32
    %sub3A_7 = arith.constant 1 : i32
    %sub3A_8 = arith.subi %add3A_6, %sub3A_7 : i32
    %jit3A = arith.constant 32 : i32
    %div3A = arith.divsi %sub3A_8, %jit3A : i32
    %sign3A = arith.constant 0 : i32
    %sign3A_9 = arith.cmpi sgt, %sub3A_8, %sign3A : i32
    %sign3A_10 = arith.extui %sign3A_9 : i1 to i32
    %sign3A_11 = arith.constant 0 : i32
    %sign3A_12 = arith.cmpi slt, %sub3A_8, %sign3A_11 : i32
    %sign3A_13 = arith.extui %sign3A_12 : i1 to i32
    %sign3A_14 = arith.subi %sign3A_10, %sign3A_13 : i32
    %sign3A_15 = arith.constant 0 : i32
    %sign3A_16 = arith.cmpi sgt, %jit3A, %sign3A_15 : i32
    %sign3A_17 = arith.extui %sign3A_16 : i1 to i32
    %sign3A_18 = arith.constant 0 : i32
    %sign3A_19 = arith.cmpi slt, %jit3A, %sign3A_18 : i32
    %sign3A_20 = arith.extui %sign3A_19 : i1 to i32
    %sign3A_21 = arith.subi %sign3A_17, %sign3A_20 : i32
    %ne3A = arith.cmpi ne, %sign3A_14, %sign3A_21 : i32
    %rem3A = arith.remsi %sub3A_8, %jit3A : i32
    %ne3A_22 = arith.constant 0 : i32
    %ne3A_23 = arith.cmpi ne, %rem3A, %ne3A_22 : i32
    %and3A = arith.andi %ne3A, %ne3A_23 : i1
    %sub3A_24 = arith.constant 1 : i32
    %sub3A_25 = arith.subi %div3A, %sub3A_24 : i32
    %select_n3A = arith.select %and3A, %sub3A_25, %div3A : i32
    %eq3A = arith.constant 0 : i32
    %eq3A_26 = arith.cmpi eq, %add3A, %eq3A : i32
    %convert_element_type3A = arith.extui %eq3A_26 : i1 to i32
    %cond3A = arith.constant 0 : i32
    %cond3A_27 = arith.cmpi ne, %convert_element_type3A, %cond3A : i32
    scf.if %cond3A_27 {
      "tpu.region"() ({
        %run_scoped3A = tpu.sem_alloc : memref<!tpu.dma_semaphore, #tpu.memory_space<semaphore_mem>>
        %dma_start3A = arith.constant 31997952 : i32
        %dma_start3A_37 = tpu.memref_slice %arg4[%dma_start3A] : memref<32000000xf32, #tpu.memory_space<hbm>> -> memref<2048xf32, #tpu.memory_space<hbm>>
        tpu.enqueue_dma source(%arg3 : memref<2048xf32, #tpu.memory_space<hbm>>) target(%dma_start3A_37 : memref<2048xf32, #tpu.memory_space<hbm>>) target_semaphore(%run_scoped3A : memref<!tpu.dma_semaphore, #tpu.memory_space<semaphore_mem>>)
        %dma_wait3A = arith.constant 31997952 : i32
        %dma_wait3A_38 = tpu.memref_slice %arg4[%dma_wait3A] : memref<32000000xf32, #tpu.memory_space<hbm>> -> memref<2048xf32, #tpu.memory_space<hbm>>
        tpu.wait_dma2 semaphore(%run_scoped3A : memref<!tpu.dma_semaphore, #tpu.memory_space<semaphore_mem>>) src(%arg3 : memref<2048xf32, #tpu.memory_space<hbm>>) dst(%dma_wait3A_38 : memref<2048xf32, #tpu.memory_space<hbm>>)
        tpu.yield
      }) : () -> ()
    } else {
    }
    %while3A = arith.constant 0 : i32
    %while3A_28 = arith.constant 0 : i32
    %while3A_29 = arith.subi %select_n3A, %while3A_28 : i32
    %while3A_30 = arith.addi %while3A_28, %while3A_29 : i32
    %while3A_31 = arith.constant 1 : i32
    %while3A_32 = arith.divsi %while3A_29, %while3A_31 : i32
    %while3A_33 = arith.muli %while3A_32, %while3A_31 : i32
    %while3A_34 = arith.addi %while3A_28, %while3A_33 : i32
    %while3A_35 = arith.constant 1 : i32
    scf.for %while3A_37 = %while3A_28 to %while3A_34 step %while3A_35  : i32 {
      %mul3A_38 = arith.constant 32 : i32
      %mul3A_39 = arith.muli %while3A_37, %mul3A_38 : i32
      %add3A_40 = arith.addi %add3A, %mul3A_39 : i32
      %mul3A_41 = arith.constant 128 : i32
      %mul3A_42 = arith.muli %add3A_40, %mul3A_41 : i32
      %multiple_of3A = tpu.assume_multiple %mul3A_42, 128 : i32
      %dma_start3A = arith.constant 0 : i32
      %dma_start3A_43 = arith.constant 0 : i32
      %dma_start3A_44 = arith.constant 0 : i32
      %dma_start3A_45 = tpu.memref_slice %arg5[%dma_start3A, %dma_start3A_43, %dma_start3A_44] : memref<4x8x128xf32, #tpu.memory_space<vmem>> -> memref<1x8x128xf32, #tpu.memory_space<vmem>>
      %dma_start3A_46 = tpu.memref_squeeze %dma_start3A_45 : memref<1x8x128xf32, #tpu.memory_space<vmem>> -> memref<8x128xf32, #tpu.memory_space<vmem>>
      %dma_start3A_47 = arith.constant 0 : i32
      %dma_start3A_48 = tpu.memref_slice %arg2[%dma_start3A_47, %multiple_of3A] : memref<32x1000000xf32, #tpu.memory_space<hbm>> -> memref<8x128xf32, #tpu.memory_space<hbm>>
      %dma_start3A_49 = arith.constant 0 : i32
      %dma_start3A_50 = arith.constant 0 : i32
      %dma_start3A_51 = tpu.memref_slice %arg5[%dma_start3A, %dma_start3A_49, %dma_start3A_50] : memref<4x8x128xf32, #tpu.memory_space<vmem>> -> memref<1x8x128xf32, #tpu.memory_space<vmem>>
      %dma_start3A_52 = tpu.memref_squeeze %dma_start3A_51 : memref<1x8x128xf32, #tpu.memory_space<vmem>> -> memref<8x128xf32, #tpu.memory_space<vmem>>
      %dma_start3A_53 = arith.constant 0 : i32
      %dma_start3A_54 = tpu.memref_slice %arg2[%dma_start3A_53, %multiple_of3A] : memref<32x1000000xf32, #tpu.memory_space<hbm>> -> memref<8x128xf32, #tpu.memory_space<hbm>>
      tpu.enqueue_dma source(%dma_start3A_54 : memref<8x128xf32, #tpu.memory_space<hbm>>) target(%dma_start3A_52 : memref<8x128xf32, #tpu.memory_space<vmem>>) target_semaphore(%arg8 : memref<!tpu.dma_semaphore, #tpu.memory_space<semaphore_mem>>)
      %dma_start3A_55 = arith.constant 1 : i32
      %dma_start3A_56 = arith.constant 0 : i32
      %dma_start3A_57 = arith.constant 0 : i32
      %dma_start3A_58 = tpu.memref_slice %arg5[%dma_start3A_55, %dma_start3A_56, %dma_start3A_57] : memref<4x8x128xf32, #tpu.memory_space<vmem>> -> memref<1x8x128xf32, #tpu.memory_space<vmem>>
      %dma_start3A_59 = tpu.memref_squeeze %dma_start3A_58 : memref<1x8x128xf32, #tpu.memory_space<vmem>> -> memref<8x128xf32, #tpu.memory_space<vmem>>
      %dma_start3A_60 = arith.constant 8 : i32
      %dma_start3A_61 = tpu.memref_slice %arg2[%dma_start3A_60, %multiple_of3A] : memref<32x1000000xf32, #tpu.memory_space<hbm>> -> memref<8x128xf32, #tpu.memory_space<hbm>>
      %dma_start3A_62 = arith.constant 0 : i32
      %dma_start3A_63 = arith.constant 0 : i32
      %dma_start3A_64 = tpu.memref_slice %arg5[%dma_start3A_55, %dma_start3A_62, %dma_start3A_63] : memref<4x8x128xf32, #tpu.memory_space<vmem>> -> memref<1x8x128xf32, #tpu.memory_space<vmem>>
      %dma_start3A_65 = tpu.memref_squeeze %dma_start3A_64 : memref<1x8x128xf32, #tpu.memory_space<vmem>> -> memref<8x128xf32, #tpu.memory_space<vmem>>
      %dma_start3A_66 = arith.constant 8 : i32
      %dma_start3A_67 = tpu.memref_slice %arg2[%dma_start3A_66, %multiple_of3A] : memref<32x1000000xf32, #tpu.memory_space<hbm>> -> memref<8x128xf32, #tpu.memory_space<hbm>>
      tpu.enqueue_dma source(%dma_start3A_67 : memref<8x128xf32, #tpu.memory_space<hbm>>) target(%dma_start3A_65 : memref<8x128xf32, #tpu.memory_space<vmem>>) target_semaphore(%arg8 : memref<!tpu.dma_semaphore, #tpu.memory_space<semaphore_mem>>)
      %dma_start3A_68 = arith.constant 2 : i32
      %dma_start3A_69 = arith.constant 0 : i32
      %dma_start3A_70 = arith.constant 0 : i32
      %dma_start3A_71 = tpu.memref_slice %arg5[%dma_start3A_68, %dma_start3A_69, %dma_start3A_70] : memref<4x8x128xf32, #tpu.memory_space<vmem>> -> memref<1x8x128xf32, #tpu.memory_space<vmem>>
      %dma_start3A_72 = tpu.memref_squeeze %dma_start3A_71 : memref<1x8x128xf32, #tpu.memory_space<vmem>> -> memref<8x128xf32, #tpu.memory_space<vmem>>
      %dma_start3A_73 = arith.constant 16 : i32
      %dma_start3A_74 = tpu.memref_slice %arg2[%dma_start3A_73, %multiple_of3A] : memref<32x1000000xf32, #tpu.memory_space<hbm>> -> memref<8x128xf32, #tpu.memory_space<hbm>>
      %dma_start3A_75 = arith.constant 0 : i32
      %dma_start3A_76 = arith.constant 0 : i32
      %dma_start3A_77 = tpu.memref_slice %arg5[%dma_start3A_68, %dma_start3A_75, %dma_start3A_76] : memref<4x8x128xf32, #tpu.memory_space<vmem>> -> memref<1x8x128xf32, #tpu.memory_space<vmem>>
      %dma_start3A_78 = tpu.memref_squeeze %dma_start3A_77 : memref<1x8x128xf32, #tpu.memory_space<vmem>> -> memref<8x128xf32, #tpu.memory_space<vmem>>
      %dma_start3A_79 = arith.constant 16 : i32
      %dma_start3A_80 = tpu.memref_slice %arg2[%dma_start3A_79, %multiple_of3A] : memref<32x1000000xf32, #tpu.memory_space<hbm>> -> memref<8x128xf32, #tpu.memory_space<hbm>>
      tpu.enqueue_dma source(%dma_start3A_80 : memref<8x128xf32, #tpu.memory_space<hbm>>) target(%dma_start3A_78 : memref<8x128xf32, #tpu.memory_space<vmem>>) target_semaphore(%arg8 : memref<!tpu.dma_semaphore, #tpu.memory_space<semaphore_mem>>)
      %dma_start3A_81 = arith.constant 3 : i32
      %dma_start3A_82 = arith.constant 0 : i32
      %dma_start3A_83 = arith.constant 0 : i32
      %dma_start3A_84 = tpu.memref_slice %arg5[%dma_start3A_81, %dma_start3A_82, %dma_start3A_83] : memref<4x8x128xf32, #tpu.memory_space<vmem>> -> memref<1x8x128xf32, #tpu.memory_space<vmem>>
      %dma_start3A_85 = tpu.memref_squeeze %dma_start3A_84 : memref<1x8x128xf32, #tpu.memory_space<vmem>> -> memref<8x128xf32, #tpu.memory_space<vmem>>
      %dma_start3A_86 = arith.constant 24 : i32
      %dma_start3A_87 = tpu.memref_slice %arg2[%dma_start3A_86, %multiple_of3A] : memref<32x1000000xf32, #tpu.memory_space<hbm>> -> memref<8x128xf32, #tpu.memory_space<hbm>>
      %dma_start3A_88 = arith.constant 0 : i32
      %dma_start3A_89 = arith.constant 0 : i32
      %dma_start3A_90 = tpu.memref_slice %arg5[%dma_start3A_81, %dma_start3A_88, %dma_start3A_89] : memref<4x8x128xf32, #tpu.memory_space<vmem>> -> memref<1x8x128xf32, #tpu.memory_space<vmem>>
      %dma_start3A_91 = tpu.memref_squeeze %dma_start3A_90 : memref<1x8x128xf32, #tpu.memory_space<vmem>> -> memref<8x128xf32, #tpu.memory_space<vmem>>
      %dma_start3A_92 = arith.constant 24 : i32
      %dma_start3A_93 = tpu.memref_slice %arg2[%dma_start3A_92, %multiple_of3A] : memref<32x1000000xf32, #tpu.memory_space<hbm>> -> memref<8x128xf32, #tpu.memory_space<hbm>>
      tpu.enqueue_dma source(%dma_start3A_93 : memref<8x128xf32, #tpu.memory_space<hbm>>) target(%dma_start3A_91 : memref<8x128xf32, #tpu.memory_space<vmem>>) target_semaphore(%arg8 : memref<!tpu.dma_semaphore, #tpu.memory_space<semaphore_mem>>)
      %dma_wait3A = arith.constant 0 : i32
      %dma_wait3A_94 = arith.constant 0 : i32
      %dma_wait3A_95 = arith.constant 0 : i32
      %dma_wait3A_96 = tpu.memref_slice %arg5[%dma_wait3A, %dma_wait3A_94, %dma_wait3A_95] : memref<4x8x128xf32, #tpu.memory_space<vmem>> -> memref<1x8x128xf32, #tpu.memory_space<vmem>>
      %dma_wait3A_97 = tpu.memref_squeeze %dma_wait3A_96 : memref<1x8x128xf32, #tpu.memory_space<vmem>> -> memref<8x128xf32, #tpu.memory_space<vmem>>
      %dma_wait3A_98 = arith.constant 0 : i32
      %dma_wait3A_99 = tpu.memref_slice %arg2[%dma_wait3A_98, %multiple_of3A] : memref<32x1000000xf32, #tpu.memory_space<hbm>> -> memref<8x128xf32, #tpu.memory_space<hbm>>
      %dma_wait3A_100 = arith.constant 0 : i32
      %dma_wait3A_101 = arith.constant 0 : i32
      %dma_wait3A_102 = tpu.memref_slice %arg5[%dma_wait3A, %dma_wait3A_100, %dma_wait3A_101] : memref<4x8x128xf32, #tpu.memory_space<vmem>> -> memref<1x8x128xf32, #tpu.memory_space<vmem>>
      %dma_wait3A_103 = tpu.memref_squeeze %dma_wait3A_102 : memref<1x8x128xf32, #tpu.memory_space<vmem>> -> memref<8x128xf32, #tpu.memory_space<vmem>>
      %dma_wait3A_104 = arith.constant 0 : i32
      %dma_wait3A_105 = tpu.memref_slice %arg2[%dma_wait3A_104, %multiple_of3A] : memref<32x1000000xf32, #tpu.memory_space<hbm>> -> memref<8x128xf32, #tpu.memory_space<hbm>>
      tpu.wait_dma2 semaphore(%arg8 : memref<!tpu.dma_semaphore, #tpu.memory_space<semaphore_mem>>) src(%dma_wait3A_105 : memref<8x128xf32, #tpu.memory_space<hbm>>) dst(%dma_wait3A_103 : memref<8x128xf32, #tpu.memory_space<vmem>>)
      %dma_wait3A_106 = arith.constant 1 : i32
      %dma_wait3A_107 = arith.constant 0 : i32
      %dma_wait3A_108 = arith.constant 0 : i32
      %dma_wait3A_109 = tpu.memref_slice %arg5[%dma_wait3A_106, %dma_wait3A_107, %dma_wait3A_108] : memref<4x8x128xf32, #tpu.memory_space<vmem>> -> memref<1x8x128xf32, #tpu.memory_space<vmem>>
      %dma_wait3A_110 = tpu.memref_squeeze %dma_wait3A_109 : memref<1x8x128xf32, #tpu.memory_space<vmem>> -> memref<8x128xf32, #tpu.memory_space<vmem>>
      %dma_wait3A_111 = arith.constant 8 : i32
      %dma_wait3A_112 = tpu.memref_slice %arg2[%dma_wait3A_111, %multiple_of3A] : memref<32x1000000xf32, #tpu.memory_space<hbm>> -> memref<8x128xf32, #tpu.memory_space<hbm>>
      %dma_wait3A_113 = arith.constant 0 : i32
      %dma_wait3A_114 = arith.constant 0 : i32
      %dma_wait3A_115 = tpu.memref_slice %arg5[%dma_wait3A_106, %dma_wait3A_113, %dma_wait3A_114] : memref<4x8x128xf32, #tpu.memory_space<vmem>> -> memref<1x8x128xf32, #tpu.memory_space<vmem>>
      %dma_wait3A_116 = tpu.memref_squeeze %dma_wait3A_115 : memref<1x8x128xf32, #tpu.memory_space<vmem>> -> memref<8x128xf32, #tpu.memory_space<vmem>>
      %dma_wait3A_117 = arith.constant 8 : i32
      %dma_wait3A_118 = tpu.memref_slice %arg2[%dma_wait3A_117, %multiple_of3A] : memref<32x1000000xf32, #tpu.memory_space<hbm>> -> memref<8x128xf32, #tpu.memory_space<hbm>>
      tpu.wait_dma2 semaphore(%arg8 : memref<!tpu.dma_semaphore, #tpu.memory_space<semaphore_mem>>) src(%dma_wait3A_118 : memref<8x128xf32, #tpu.memory_space<hbm>>) dst(%dma_wait3A_116 : memref<8x128xf32, #tpu.memory_space<vmem>>)
      %dma_wait3A_119 = arith.constant 2 : i32
      %dma_wait3A_120 = arith.constant 0 : i32
      %dma_wait3A_121 = arith.constant 0 : i32
      %dma_wait3A_122 = tpu.memref_slice %arg5[%dma_wait3A_119, %dma_wait3A_120, %dma_wait3A_121] : memref<4x8x128xf32, #tpu.memory_space<vmem>> -> memref<1x8x128xf32, #tpu.memory_space<vmem>>
      %dma_wait3A_123 = tpu.memref_squeeze %dma_wait3A_122 : memref<1x8x128xf32, #tpu.memory_space<vmem>> -> memref<8x128xf32, #tpu.memory_space<vmem>>
      %dma_wait3A_124 = arith.constant 16 : i32
      %dma_wait3A_125 = tpu.memref_slice %arg2[%dma_wait3A_124, %multiple_of3A] : memref<32x1000000xf32, #tpu.memory_space<hbm>> -> memref<8x128xf32, #tpu.memory_space<hbm>>
      %dma_wait3A_126 = arith.constant 0 : i32
      %dma_wait3A_127 = arith.constant 0 : i32
      %dma_wait3A_128 = tpu.memref_slice %arg5[%dma_wait3A_119, %dma_wait3A_126, %dma_wait3A_127] : memref<4x8x128xf32, #tpu.memory_space<vmem>> -> memref<1x8x128xf32, #tpu.memory_space<vmem>>
      %dma_wait3A_129 = tpu.memref_squeeze %dma_wait3A_128 : memref<1x8x128xf32, #tpu.memory_space<vmem>> -> memref<8x128xf32, #tpu.memory_space<vmem>>
      %dma_wait3A_130 = arith.constant 16 : i32
      %dma_wait3A_131 = tpu.memref_slice %arg2[%dma_wait3A_130, %multiple_of3A] : memref<32x1000000xf32, #tpu.memory_space<hbm>> -> memref<8x128xf32, #tpu.memory_space<hbm>>
      tpu.wait_dma2 semaphore(%arg8 : memref<!tpu.dma_semaphore, #tpu.memory_space<semaphore_mem>>) src(%dma_wait3A_131 : memref<8x128xf32, #tpu.memory_space<hbm>>) dst(%dma_wait3A_129 : memref<8x128xf32, #tpu.memory_space<vmem>>)
      %dma_wait3A_132 = arith.constant 3 : i32
      %dma_wait3A_133 = arith.constant 0 : i32
      %dma_wait3A_134 = arith.constant 0 : i32
      %dma_wait3A_135 = tpu.memref_slice %arg5[%dma_wait3A_132, %dma_wait3A_133, %dma_wait3A_134] : memref<4x8x128xf32, #tpu.memory_space<vmem>> -> memref<1x8x128xf32, #tpu.memory_space<vmem>>
      %dma_wait3A_136 = tpu.memref_squeeze %dma_wait3A_135 : memref<1x8x128xf32, #tpu.memory_space<vmem>> -> memref<8x128xf32, #tpu.memory_space<vmem>>
      %dma_wait3A_137 = arith.constant 24 : i32
      %dma_wait3A_138 = tpu.memref_slice %arg2[%dma_wait3A_137, %multiple_of3A] : memref<32x1000000xf32, #tpu.memory_space<hbm>> -> memref<8x128xf32, #tpu.memory_space<hbm>>
      %dma_wait3A_139 = arith.constant 0 : i32
      %dma_wait3A_140 = arith.constant 0 : i32
      %dma_wait3A_141 = tpu.memref_slice %arg5[%dma_wait3A_132, %dma_wait3A_139, %dma_wait3A_140] : memref<4x8x128xf32, #tpu.memory_space<vmem>> -> memref<1x8x128xf32, #tpu.memory_space<vmem>>
      %dma_wait3A_142 = tpu.memref_squeeze %dma_wait3A_141 : memref<1x8x128xf32, #tpu.memory_space<vmem>> -> memref<8x128xf32, #tpu.memory_space<vmem>>
      %dma_wait3A_143 = arith.constant 24 : i32
      %dma_wait3A_144 = tpu.memref_slice %arg2[%dma_wait3A_143, %multiple_of3A] : memref<32x1000000xf32, #tpu.memory_space<hbm>> -> memref<8x128xf32, #tpu.memory_space<hbm>>
      tpu.wait_dma2 semaphore(%arg8 : memref<!tpu.dma_semaphore, #tpu.memory_space<semaphore_mem>>) src(%dma_wait3A_144 : memref<8x128xf32, #tpu.memory_space<hbm>>) dst(%dma_wait3A_142 : memref<8x128xf32, #tpu.memory_space<vmem>>)
      %parallel_loop3A = arith.constant 0 : i32
      %parallel_loop3A_145 = arith.constant 32 : i32
      %parallel_loop3A_146 = arith.constant 1 : i32
      scf.for %parallel_loop3A_152 = %parallel_loop3A to %parallel_loop3A_145 step %parallel_loop3A_146  : i32 {
        %parallel_loop3A_153 = arith.constant 8 : i32
        %parallel_loop3A_154 = arith.divsi %parallel_loop3A_152, %parallel_loop3A_153 : i32
        %parallel_loop3A_155 = arith.constant 0 : i32
        %parallel_loop3A_156 = arith.cmpi sgt, %parallel_loop3A_152, %parallel_loop3A_155 : i32
        %parallel_loop3A_157 = arith.extui %parallel_loop3A_156 : i1 to i32
        %parallel_loop3A_158 = arith.constant 0 : i32
        %parallel_loop3A_159 = arith.cmpi slt, %parallel_loop3A_152, %parallel_loop3A_158 : i32
        %parallel_loop3A_160 = arith.extui %parallel_loop3A_159 : i1 to i32
        %parallel_loop3A_161 = arith.subi %parallel_loop3A_157, %parallel_loop3A_160 : i32
        %parallel_loop3A_162 = arith.constant 0 : i32
        %parallel_loop3A_163 = arith.cmpi sgt, %parallel_loop3A_153, %parallel_loop3A_162 : i32
        %parallel_loop3A_164 = arith.extui %parallel_loop3A_163 : i1 to i32
        %parallel_loop3A_165 = arith.constant 0 : i32
        %parallel_loop3A_166 = arith.cmpi slt, %parallel_loop3A_153, %parallel_loop3A_165 : i32
        %parallel_loop3A_167 = arith.extui %parallel_loop3A_166 : i1 to i32
        %parallel_loop3A_168 = arith.subi %parallel_loop3A_164, %parallel_loop3A_167 : i32
        %parallel_loop3A_169 = arith.cmpi ne, %parallel_loop3A_161, %parallel_loop3A_168 : i32
        %parallel_loop3A_170 = arith.remsi %parallel_loop3A_152, %parallel_loop3A_153 : i32
        %parallel_loop3A_171 = arith.constant 0 : i32
        %parallel_loop3A_172 = arith.cmpi ne, %parallel_loop3A_170, %parallel_loop3A_171 : i32
        %parallel_loop3A_173 = arith.andi %parallel_loop3A_169, %parallel_loop3A_172 : i1
        %parallel_loop3A_174 = arith.constant 1 : i32
        %parallel_loop3A_175 = arith.subi %parallel_loop3A_154, %parallel_loop3A_174 : i32
        %parallel_loop3A_176 = arith.select %parallel_loop3A_173, %parallel_loop3A_175, %parallel_loop3A_154 : i32
        %parallel_loop3A_177 = arith.constant 8 : i32
        %parallel_loop3A_178 = arith.constant 0 : i32
        %parallel_loop3A_179 = arith.cmpi eq, %parallel_loop3A_177, %parallel_loop3A_178 : i32
        %parallel_loop3A_180 = arith.constant 1 : i32
        %parallel_loop3A_181 = arith.select %parallel_loop3A_179, %parallel_loop3A_180, %parallel_loop3A_177 : i32
        %parallel_loop3A_182 = arith.remsi %parallel_loop3A_152, %parallel_loop3A_181 : i32
        %parallel_loop3A_183 = arith.constant 0 : i32
        %parallel_loop3A_184 = arith.cmpi ne, %parallel_loop3A_182, %parallel_loop3A_183 : i32
        %parallel_loop3A_185 = arith.constant 0 : i32
        %parallel_loop3A_186 = arith.cmpi slt, %parallel_loop3A_182, %parallel_loop3A_185 : i32
        %parallel_loop3A_187 = arith.constant 0 : i32
        %parallel_loop3A_188 = arith.cmpi slt, %parallel_loop3A_181, %parallel_loop3A_187 : i32
        %parallel_loop3A_189 = arith.xori %parallel_loop3A_186, %parallel_loop3A_188 : i1
        %parallel_loop3A_190 = arith.andi %parallel_loop3A_189, %parallel_loop3A_184 : i1
        %parallel_loop3A_191 = arith.addi %parallel_loop3A_182, %parallel_loop3A_181 : i32
        %parallel_loop3A_192 = arith.select %parallel_loop3A_190, %parallel_loop3A_191, %parallel_loop3A_182 : i32
        %parallel_loop3A_193 = arith.index_cast %parallel_loop3A_176 : i32 to index
        %parallel_loop3A_194 = arith.index_cast %parallel_loop3A_192 : i32 to index
        %parallel_loop3A_195 = arith.constant 0 : index
        %parallel_loop3A_196 = tpu.vector_load %arg5[%parallel_loop3A_193, %parallel_loop3A_194, %parallel_loop3A_195] {strides = array<i32>} : memref<4x8x128xf32, #tpu.memory_space<vmem>>, vector<16xf32>,
        %parallel_loop3A_197 = arith.constant 0 : i32
        %parallel_loop3A_198 = arith.addi %parallel_loop3A_197, %parallel_loop3A_152 : i32
        %parallel_loop3A_199 = vector.broadcast %parallel_loop3A_198 : i32 to vector<16xi32>
        %parallel_loop3A_200 = arith.addi %mul3A_3, %parallel_loop3A_199 : vector<16xi32>
        tpu.vector_store_idx %arg6[%parallel_loop3A_200], %parallel_loop3A_196 : memref<4224xf32, #tpu.memory_space<vmem>>[vector<16xi32>], vector<16xf32>,
        %parallel_loop3A_201 = arith.constant 8 : i32
        %parallel_loop3A_202 = arith.divsi %parallel_loop3A_152, %parallel_loop3A_201 : i32
        %parallel_loop3A_203 = arith.constant 0 : i32
        %parallel_loop3A_204 = arith.cmpi sgt, %parallel_loop3A_152, %parallel_loop3A_203 : i32
        %parallel_loop3A_205 = arith.extui %parallel_loop3A_204 : i1 to i32
        %parallel_loop3A_206 = arith.constant 0 : i32
        %parallel_loop3A_207 = arith.cmpi slt, %parallel_loop3A_152, %parallel_loop3A_206 : i32
        %parallel_loop3A_208 = arith.extui %parallel_loop3A_207 : i1 to i32
        %parallel_loop3A_209 = arith.subi %parallel_loop3A_205, %parallel_loop3A_208 : i32
        %parallel_loop3A_210 = arith.constant 0 : i32
        %parallel_loop3A_211 = arith.cmpi sgt, %parallel_loop3A_201, %parallel_loop3A_210 : i32
        %parallel_loop3A_212 = arith.extui %parallel_loop3A_211 : i1 to i32
        %parallel_loop3A_213 = arith.constant 0 : i32
        %parallel_loop3A_214 = arith.cmpi slt, %parallel_loop3A_201, %parallel_loop3A_213 : i32
        %parallel_loop3A_215 = arith.extui %parallel_loop3A_214 : i1 to i32
        %parallel_loop3A_216 = arith.subi %parallel_loop3A_212, %parallel_loop3A_215 : i32
        %parallel_loop3A_217 = arith.cmpi ne, %parallel_loop3A_209, %parallel_loop3A_216 : i32
        %parallel_loop3A_218 = arith.remsi %parallel_loop3A_152, %parallel_loop3A_201 : i32
        %parallel_loop3A_219 = arith.constant 0 : i32
        %parallel_loop3A_220 = arith.cmpi ne, %parallel_loop3A_218, %parallel_loop3A_219 : i32
        %parallel_loop3A_221 = arith.andi %parallel_loop3A_217, %parallel_loop3A_220 : i1
        %parallel_loop3A_222 = arith.constant 1 : i32
        %parallel_loop3A_223 = arith.subi %parallel_loop3A_202, %parallel_loop3A_222 : i32
        %parallel_loop3A_224 = arith.select %parallel_loop3A_221, %parallel_loop3A_223, %parallel_loop3A_202 : i32
        %parallel_loop3A_225 = arith.constant 8 : i32
        %parallel_loop3A_226 = arith.constant 0 : i32
        %parallel_loop3A_227 = arith.cmpi eq, %parallel_loop3A_225, %parallel_loop3A_226 : i32
        %parallel_loop3A_228 = arith.constant 1 : i32
        %parallel_loop3A_229 = arith.select %parallel_loop3A_227, %parallel_loop3A_228, %parallel_loop3A_225 : i32
        %parallel_loop3A_230 = arith.remsi %parallel_loop3A_152, %parallel_loop3A_229 : i32
        %parallel_loop3A_231 = arith.constant 0 : i32
        %parallel_loop3A_232 = arith.cmpi ne, %parallel_loop3A_230, %parallel_loop3A_231 : i32
        %parallel_loop3A_233 = arith.constant 0 : i32
        %parallel_loop3A_234 = arith.cmpi slt, %parallel_loop3A_230, %parallel_loop3A_233 : i32
        %parallel_loop3A_235 = arith.constant 0 : i32
        %parallel_loop3A_236 = arith.cmpi slt, %parallel_loop3A_229, %parallel_loop3A_235 : i32
        %parallel_loop3A_237 = arith.xori %parallel_loop3A_234, %parallel_loop3A_236 : i1
        %parallel_loop3A_238 = arith.andi %parallel_loop3A_237, %parallel_loop3A_232 : i1
        %parallel_loop3A_239 = arith.addi %parallel_loop3A_230, %parallel_loop3A_229 : i32
        %parallel_loop3A_240 = arith.select %parallel_loop3A_238, %parallel_loop3A_239, %parallel_loop3A_230 : i32
        %parallel_loop3A_241 = arith.index_cast %parallel_loop3A_224 : i32 to index
        %parallel_loop3A_242 = arith.index_cast %parallel_loop3A_240 : i32 to index
        %parallel_loop3A_243 = arith.constant 16 : index
        %parallel_loop3A_244 = tpu.vector_load %arg5[%parallel_loop3A_241, %parallel_loop3A_242, %parallel_loop3A_243] {strides = array<i32>} : memref<4x8x128xf32, #tpu.memory_space<vmem>>, vector<16xf32>,
        %parallel_loop3A_245 = arith.constant 528 : i32
        %parallel_loop3A_246 = arith.addi %parallel_loop3A_245, %parallel_loop3A_152 : i32
        %parallel_loop3A_247 = vector.broadcast %parallel_loop3A_246 : i32 to vector<16xi32>
        %parallel_loop3A_248 = arith.addi %mul3A_3, %parallel_loop3A_247 : vector<16xi32>
        tpu.vector_store_idx %arg6[%parallel_loop3A_248], %parallel_loop3A_244 : memref<4224xf32, #tpu.memory_space<vmem>>[vector<16xi32>], vector<16xf32>,
        %parallel_loop3A_249 = arith.constant 8 : i32
        %parallel_loop3A_250 = arith.divsi %parallel_loop3A_152, %parallel_loop3A_249 : i32
        %parallel_loop3A_251 = arith.constant 0 : i32
        %parallel_loop3A_252 = arith.cmpi sgt, %parallel_loop3A_152, %parallel_loop3A_251 : i32
        %parallel_loop3A_253 = arith.extui %parallel_loop3A_252 : i1 to i32
        %parallel_loop3A_254 = arith.constant 0 : i32
        %parallel_loop3A_255 = arith.cmpi slt, %parallel_loop3A_152, %parallel_loop3A_254 : i32
        %parallel_loop3A_256 = arith.extui %parallel_loop3A_255 : i1 to i32
        %parallel_loop3A_257 = arith.subi %parallel_loop3A_253, %parallel_loop3A_256 : i32
        %parallel_loop3A_258 = arith.constant 0 : i32
        %parallel_loop3A_259 = arith.cmpi sgt, %parallel_loop3A_249, %parallel_loop3A_258 : i32
        %parallel_loop3A_260 = arith.extui %parallel_loop3A_259 : i1 to i32
        %parallel_loop3A_261 = arith.constant 0 : i32
        %parallel_loop3A_262 = arith.cmpi slt, %parallel_loop3A_249, %parallel_loop3A_261 : i32
        %parallel_loop3A_263 = arith.extui %parallel_loop3A_262 : i1 to i32
        %parallel_loop3A_264 = arith.subi %parallel_loop3A_260, %parallel_loop3A_263 : i32
        %parallel_loop3A_265 = arith.cmpi ne, %parallel_loop3A_257, %parallel_loop3A_264 : i32
        %parallel_loop3A_266 = arith.remsi %parallel_loop3A_152, %parallel_loop3A_249 : i32
        %parallel_loop3A_267 = arith.constant 0 : i32
        %parallel_loop3A_268 = arith.cmpi ne, %parallel_loop3A_266, %parallel_loop3A_267 : i32
        %parallel_loop3A_269 = arith.andi %parallel_loop3A_265, %parallel_loop3A_268 : i1
        %parallel_loop3A_270 = arith.constant 1 : i32
        %parallel_loop3A_271 = arith.subi %parallel_loop3A_250, %parallel_loop3A_270 : i32
        %parallel_loop3A_272 = arith.select %parallel_loop3A_269, %parallel_loop3A_271, %parallel_loop3A_250 : i32
        %parallel_loop3A_273 = arith.constant 8 : i32
        %parallel_loop3A_274 = arith.constant 0 : i32
        %parallel_loop3A_275 = arith.cmpi eq, %parallel_loop3A_273, %parallel_loop3A_274 : i32
        %parallel_loop3A_276 = arith.constant 1 : i32
        %parallel_loop3A_277 = arith.select %parallel_loop3A_275, %parallel_loop3A_276, %parallel_loop3A_273 : i32
        %parallel_loop3A_278 = arith.remsi %parallel_loop3A_152, %parallel_loop3A_277 : i32
        %parallel_loop3A_279 = arith.constant 0 : i32
        %parallel_loop3A_280 = arith.cmpi ne, %parallel_loop3A_278, %parallel_loop3A_279 : i32
        %parallel_loop3A_281 = arith.constant 0 : i32
        %parallel_loop3A_282 = arith.cmpi slt, %parallel_loop3A_278, %parallel_loop3A_281 : i32
        %parallel_loop3A_283 = arith.constant 0 : i32
        %parallel_loop3A_284 = arith.cmpi slt, %parallel_loop3A_277, %parallel_loop3A_283 : i32
        %parallel_loop3A_285 = arith.xori %parallel_loop3A_282, %parallel_loop3A_284 : i1
        %parallel_loop3A_286 = arith.andi %parallel_loop3A_285, %parallel_loop3A_280 : i1
        %parallel_loop3A_287 = arith.addi %parallel_loop3A_278, %parallel_loop3A_277 : i32
        %parallel_loop3A_288 = arith.select %parallel_loop3A_286, %parallel_loop3A_287, %parallel_loop3A_278 : i32
        %parallel_loop3A_289 = arith.index_cast %parallel_loop3A_272 : i32 to index
        %parallel_loop3A_290 = arith.index_cast %parallel_loop3A_288 : i32 to index
        %parallel_loop3A_291 = arith.constant 32 : index
        %parallel_loop3A_292 = tpu.vector_load %arg5[%parallel_loop3A_289, %parallel_loop3A_290, %parallel_loop3A_291] {strides = array<i32>} : memref<4x8x128xf32, #tpu.memory_space<vmem>>, vector<16xf32>,
        %parallel_loop3A_293 = arith.constant 1056 : i32
        %parallel_loop3A_294 = arith.addi %parallel_loop3A_293, %parallel_loop3A_152 : i32
        %parallel_loop3A_295 = vector.broadcast %parallel_loop3A_294 : i32 to vector<16xi32>
        %parallel_loop3A_296 = arith.addi %mul3A_3, %parallel_loop3A_295 : vector<16xi32>
        tpu.vector_store_idx %arg6[%parallel_loop3A_296], %parallel_loop3A_292 : memref<4224xf32, #tpu.memory_space<vmem>>[vector<16xi32>], vector<16xf32>,
        %parallel_loop3A_297 = arith.constant 8 : i32
        %parallel_loop3A_298 = arith.divsi %parallel_loop3A_152, %parallel_loop3A_297 : i32
        %parallel_loop3A_299 = arith.constant 0 : i32
        %parallel_loop3A_300 = arith.cmpi sgt, %parallel_loop3A_152, %parallel_loop3A_299 : i32
        %parallel_loop3A_301 = arith.extui %parallel_loop3A_300 : i1 to i32
        %parallel_loop3A_302 = arith.constant 0 : i32
        %parallel_loop3A_303 = arith.cmpi slt, %parallel_loop3A_152, %parallel_loop3A_302 : i32
        %parallel_loop3A_304 = arith.extui %parallel_loop3A_303 : i1 to i32
        %parallel_loop3A_305 = arith.subi %parallel_loop3A_301, %parallel_loop3A_304 : i32
        %parallel_loop3A_306 = arith.constant 0 : i32
        %parallel_loop3A_307 = arith.cmpi sgt, %parallel_loop3A_297, %parallel_loop3A_306 : i32
        %parallel_loop3A_308 = arith.extui %parallel_loop3A_307 : i1 to i32
        %parallel_loop3A_309 = arith.constant 0 : i32
        %parallel_loop3A_310 = arith.cmpi slt, %parallel_loop3A_297, %parallel_loop3A_309 : i32
        %parallel_loop3A_311 = arith.extui %parallel_loop3A_310 : i1 to i32
        %parallel_loop3A_312 = arith.subi %parallel_loop3A_308, %parallel_loop3A_311 : i32
        %parallel_loop3A_313 = arith.cmpi ne, %parallel_loop3A_305, %parallel_loop3A_312 : i32
        %parallel_loop3A_314 = arith.remsi %parallel_loop3A_152, %parallel_loop3A_297 : i32
        %parallel_loop3A_315 = arith.constant 0 : i32
        %parallel_loop3A_316 = arith.cmpi ne, %parallel_loop3A_314, %parallel_loop3A_315 : i32
        %parallel_loop3A_317 = arith.andi %parallel_loop3A_313, %parallel_loop3A_316 : i1
        %parallel_loop3A_318 = arith.constant 1 : i32
        %parallel_loop3A_319 = arith.subi %parallel_loop3A_298, %parallel_loop3A_318 : i32
        %parallel_loop3A_320 = arith.select %parallel_loop3A_317, %parallel_loop3A_319, %parallel_loop3A_298 : i32
        %parallel_loop3A_321 = arith.constant 8 : i32
        %parallel_loop3A_322 = arith.constant 0 : i32
        %parallel_loop3A_323 = arith.cmpi eq, %parallel_loop3A_321, %parallel_loop3A_322 : i32
        %parallel_loop3A_324 = arith.constant 1 : i32
        %parallel_loop3A_325 = arith.select %parallel_loop3A_323, %parallel_loop3A_324, %parallel_loop3A_321 : i32
        %parallel_loop3A_326 = arith.remsi %parallel_loop3A_152, %parallel_loop3A_325 : i32
        %parallel_loop3A_327 = arith.constant 0 : i32
        %parallel_loop3A_328 = arith.cmpi ne, %parallel_loop3A_326, %parallel_loop3A_327 : i32
        %parallel_loop3A_329 = arith.constant 0 : i32
        %parallel_loop3A_330 = arith.cmpi slt, %parallel_loop3A_326, %parallel_loop3A_329 : i32
        %parallel_loop3A_331 = arith.constant 0 : i32
        %parallel_loop3A_332 = arith.cmpi slt, %parallel_loop3A_325, %parallel_loop3A_331 : i32
        %parallel_loop3A_333 = arith.xori %parallel_loop3A_330, %parallel_loop3A_332 : i1
        %parallel_loop3A_334 = arith.andi %parallel_loop3A_333, %parallel_loop3A_328 : i1
        %parallel_loop3A_335 = arith.addi %parallel_loop3A_326, %parallel_loop3A_325 : i32
        %parallel_loop3A_336 = arith.select %parallel_loop3A_334, %parallel_loop3A_335, %parallel_loop3A_326 : i32
        %parallel_loop3A_337 = arith.index_cast %parallel_loop3A_320 : i32 to index
        %parallel_loop3A_338 = arith.index_cast %parallel_loop3A_336 : i32 to index
        %parallel_loop3A_339 = arith.constant 48 : index
        %parallel_loop3A_340 = tpu.vector_load %arg5[%parallel_loop3A_337, %parallel_loop3A_338, %parallel_loop3A_339] {strides = array<i32>} : memref<4x8x128xf32, #tpu.memory_space<vmem>>, vector<16xf32>,
        %parallel_loop3A_341 = arith.constant 1584 : i32
        %parallel_loop3A_342 = arith.addi %parallel_loop3A_341, %parallel_loop3A_152 : i32
        %parallel_loop3A_343 = vector.broadcast %parallel_loop3A_342 : i32 to vector<16xi32>
        %parallel_loop3A_344 = arith.addi %mul3A_3, %parallel_loop3A_343 : vector<16xi32>
        tpu.vector_store_idx %arg6[%parallel_loop3A_344], %parallel_loop3A_340 : memref<4224xf32, #tpu.memory_space<vmem>>[vector<16xi32>], vector<16xf32>,
        %parallel_loop3A_345 = arith.constant 8 : i32
        %parallel_loop3A_346 = arith.divsi %parallel_loop3A_152, %parallel_loop3A_345 : i32
        %parallel_loop3A_347 = arith.constant 0 : i32
        %parallel_loop3A_348 = arith.cmpi sgt, %parallel_loop3A_152, %parallel_loop3A_347 : i32
        %parallel_loop3A_349 = arith.extui %parallel_loop3A_348 : i1 to i32
        %parallel_loop3A_350 = arith.constant 0 : i32
        %parallel_loop3A_351 = arith.cmpi slt, %parallel_loop3A_152, %parallel_loop3A_350 : i32
        %parallel_loop3A_352 = arith.extui %parallel_loop3A_351 : i1 to i32
        %parallel_loop3A_353 = arith.subi %parallel_loop3A_349, %parallel_loop3A_352 : i32
        %parallel_loop3A_354 = arith.constant 0 : i32
        %parallel_loop3A_355 = arith.cmpi sgt, %parallel_loop3A_345, %parallel_loop3A_354 : i32
        %parallel_loop3A_356 = arith.extui %parallel_loop3A_355 : i1 to i32
        %parallel_loop3A_357 = arith.constant 0 : i32
        %parallel_loop3A_358 = arith.cmpi slt, %parallel_loop3A_345, %parallel_loop3A_357 : i32
        %parallel_loop3A_359 = arith.extui %parallel_loop3A_358 : i1 to i32
        %parallel_loop3A_360 = arith.subi %parallel_loop3A_356, %parallel_loop3A_359 : i32
        %parallel_loop3A_361 = arith.cmpi ne, %parallel_loop3A_353, %parallel_loop3A_360 : i32
        %parallel_loop3A_362 = arith.remsi %parallel_loop3A_152, %parallel_loop3A_345 : i32
        %parallel_loop3A_363 = arith.constant 0 : i32
        %parallel_loop3A_364 = arith.cmpi ne, %parallel_loop3A_362, %parallel_loop3A_363 : i32
        %parallel_loop3A_365 = arith.andi %parallel_loop3A_361, %parallel_loop3A_364 : i1
        %parallel_loop3A_366 = arith.constant 1 : i32
        %parallel_loop3A_367 = arith.subi %parallel_loop3A_346, %parallel_loop3A_366 : i32
        %parallel_loop3A_368 = arith.select %parallel_loop3A_365, %parallel_loop3A_367, %parallel_loop3A_346 : i32
        %parallel_loop3A_369 = arith.constant 8 : i32
        %parallel_loop3A_370 = arith.constant 0 : i32
        %parallel_loop3A_371 = arith.cmpi eq, %parallel_loop3A_369, %parallel_loop3A_370 : i32
        %parallel_loop3A_372 = arith.constant 1 : i32
        %parallel_loop3A_373 = arith.select %parallel_loop3A_371, %parallel_loop3A_372, %parallel_loop3A_369 : i32
        %parallel_loop3A_374 = arith.remsi %parallel_loop3A_152, %parallel_loop3A_373 : i32
        %parallel_loop3A_375 = arith.constant 0 : i32
        %parallel_loop3A_376 = arith.cmpi ne, %parallel_loop3A_374, %parallel_loop3A_375 : i32
        %parallel_loop3A_377 = arith.constant 0 : i32
        %parallel_loop3A_378 = arith.cmpi slt, %parallel_loop3A_374, %parallel_loop3A_377 : i32
        %parallel_loop3A_379 = arith.constant 0 : i32
        %parallel_loop3A_380 = arith.cmpi slt, %parallel_loop3A_373, %parallel_loop3A_379 : i32
        %parallel_loop3A_381 = arith.xori %parallel_loop3A_378, %parallel_loop3A_380 : i1
        %parallel_loop3A_382 = arith.andi %parallel_loop3A_381, %parallel_loop3A_376 : i1
        %parallel_loop3A_383 = arith.addi %parallel_loop3A_374, %parallel_loop3A_373 : i32
        %parallel_loop3A_384 = arith.select %parallel_loop3A_382, %parallel_loop3A_383, %parallel_loop3A_374 : i32
        %parallel_loop3A_385 = arith.index_cast %parallel_loop3A_368 : i32 to index
        %parallel_loop3A_386 = arith.index_cast %parallel_loop3A_384 : i32 to index
        %parallel_loop3A_387 = arith.constant 64 : index
        %parallel_loop3A_388 = tpu.vector_load %arg5[%parallel_loop3A_385, %parallel_loop3A_386, %parallel_loop3A_387] {strides = array<i32>} : memref<4x8x128xf32, #tpu.memory_space<vmem>>, vector<16xf32>,
        %parallel_loop3A_389 = arith.constant 2112 : i32
        %parallel_loop3A_390 = arith.addi %parallel_loop3A_389, %parallel_loop3A_152 : i32
        %parallel_loop3A_391 = vector.broadcast %parallel_loop3A_390 : i32 to vector<16xi32>
        %parallel_loop3A_392 = arith.addi %mul3A_3, %parallel_loop3A_391 : vector<16xi32>
        tpu.vector_store_idx %arg6[%parallel_loop3A_392], %parallel_loop3A_388 : memref<4224xf32, #tpu.memory_space<vmem>>[vector<16xi32>], vector<16xf32>,
        %parallel_loop3A_393 = arith.constant 8 : i32
        %parallel_loop3A_394 = arith.divsi %parallel_loop3A_152, %parallel_loop3A_393 : i32
        %parallel_loop3A_395 = arith.constant 0 : i32
        %parallel_loop3A_396 = arith.cmpi sgt, %parallel_loop3A_152, %parallel_loop3A_395 : i32
        %parallel_loop3A_397 = arith.extui %parallel_loop3A_396 : i1 to i32
        %parallel_loop3A_398 = arith.constant 0 : i32
        %parallel_loop3A_399 = arith.cmpi slt, %parallel_loop3A_152, %parallel_loop3A_398 : i32
        %parallel_loop3A_400 = arith.extui %parallel_loop3A_399 : i1 to i32
        %parallel_loop3A_401 = arith.subi %parallel_loop3A_397, %parallel_loop3A_400 : i32
        %parallel_loop3A_402 = arith.constant 0 : i32
        %parallel_loop3A_403 = arith.cmpi sgt, %parallel_loop3A_393, %parallel_loop3A_402 : i32
        %parallel_loop3A_404 = arith.extui %parallel_loop3A_403 : i1 to i32
        %parallel_loop3A_405 = arith.constant 0 : i32
        %parallel_loop3A_406 = arith.cmpi slt, %parallel_loop3A_393, %parallel_loop3A_405 : i32
        %parallel_loop3A_407 = arith.extui %parallel_loop3A_406 : i1 to i32
        %parallel_loop3A_408 = arith.subi %parallel_loop3A_404, %parallel_loop3A_407 : i32
        %parallel_loop3A_409 = arith.cmpi ne, %parallel_loop3A_401, %parallel_loop3A_408 : i32
        %parallel_loop3A_410 = arith.remsi %parallel_loop3A_152, %parallel_loop3A_393 : i32
        %parallel_loop3A_411 = arith.constant 0 : i32
        %parallel_loop3A_412 = arith.cmpi ne, %parallel_loop3A_410, %parallel_loop3A_411 : i32
        %parallel_loop3A_413 = arith.andi %parallel_loop3A_409, %parallel_loop3A_412 : i1
        %parallel_loop3A_414 = arith.constant 1 : i32
        %parallel_loop3A_415 = arith.subi %parallel_loop3A_394, %parallel_loop3A_414 : i32
        %parallel_loop3A_416 = arith.select %parallel_loop3A_413, %parallel_loop3A_415, %parallel_loop3A_394 : i32
        %parallel_loop3A_417 = arith.constant 8 : i32
        %parallel_loop3A_418 = arith.constant 0 : i32
        %parallel_loop3A_419 = arith.cmpi eq, %parallel_loop3A_417, %parallel_loop3A_418 : i32
        %parallel_loop3A_420 = arith.constant 1 : i32
        %parallel_loop3A_421 = arith.select %parallel_loop3A_419, %parallel_loop3A_420, %parallel_loop3A_417 : i32
        %parallel_loop3A_422 = arith.remsi %parallel_loop3A_152, %parallel_loop3A_421 : i32
        %parallel_loop3A_423 = arith.constant 0 : i32
        %parallel_loop3A_424 = arith.cmpi ne, %parallel_loop3A_422, %parallel_loop3A_423 : i32
        %parallel_loop3A_425 = arith.constant 0 : i32
        %parallel_loop3A_426 = arith.cmpi slt, %parallel_loop3A_422, %parallel_loop3A_425 : i32
        %parallel_loop3A_427 = arith.constant 0 : i32
        %parallel_loop3A_428 = arith.cmpi slt, %parallel_loop3A_421, %parallel_loop3A_427 : i32
        %parallel_loop3A_429 = arith.xori %parallel_loop3A_426, %parallel_loop3A_428 : i1
        %parallel_loop3A_430 = arith.andi %parallel_loop3A_429, %parallel_loop3A_424 : i1
        %parallel_loop3A_431 = arith.addi %parallel_loop3A_422, %parallel_loop3A_421 : i32
        %parallel_loop3A_432 = arith.select %parallel_loop3A_430, %parallel_loop3A_431, %parallel_loop3A_422 : i32
        %parallel_loop3A_433 = arith.index_cast %parallel_loop3A_416 : i32 to index
        %parallel_loop3A_434 = arith.index_cast %parallel_loop3A_432 : i32 to index
        %parallel_loop3A_435 = arith.constant 80 : index
        %parallel_loop3A_436 = tpu.vector_load %arg5[%parallel_loop3A_433, %parallel_loop3A_434, %parallel_loop3A_435] {strides = array<i32>} : memref<4x8x128xf32, #tpu.memory_space<vmem>>, vector<16xf32>,
        %parallel_loop3A_437 = arith.constant 2640 : i32
        %parallel_loop3A_438 = arith.addi %parallel_loop3A_437, %parallel_loop3A_152 : i32
        %parallel_loop3A_439 = vector.broadcast %parallel_loop3A_438 : i32 to vector<16xi32>
        %parallel_loop3A_440 = arith.addi %mul3A_3, %parallel_loop3A_439 : vector<16xi32>
        tpu.vector_store_idx %arg6[%parallel_loop3A_440], %parallel_loop3A_436 : memref<4224xf32, #tpu.memory_space<vmem>>[vector<16xi32>], vector<16xf32>,
        %parallel_loop3A_441 = arith.constant 8 : i32
        %parallel_loop3A_442 = arith.divsi %parallel_loop3A_152, %parallel_loop3A_441 : i32
        %parallel_loop3A_443 = arith.constant 0 : i32
        %parallel_loop3A_444 = arith.cmpi sgt, %parallel_loop3A_152, %parallel_loop3A_443 : i32
        %parallel_loop3A_445 = arith.extui %parallel_loop3A_444 : i1 to i32
        %parallel_loop3A_446 = arith.constant 0 : i32
        %parallel_loop3A_447 = arith.cmpi slt, %parallel_loop3A_152, %parallel_loop3A_446 : i32
        %parallel_loop3A_448 = arith.extui %parallel_loop3A_447 : i1 to i32
        %parallel_loop3A_449 = arith.subi %parallel_loop3A_445, %parallel_loop3A_448 : i32
        %parallel_loop3A_450 = arith.constant 0 : i32
        %parallel_loop3A_451 = arith.cmpi sgt, %parallel_loop3A_441, %parallel_loop3A_450 : i32
        %parallel_loop3A_452 = arith.extui %parallel_loop3A_451 : i1 to i32
        %parallel_loop3A_453 = arith.constant 0 : i32
        %parallel_loop3A_454 = arith.cmpi slt, %parallel_loop3A_441, %parallel_loop3A_453 : i32
        %parallel_loop3A_455 = arith.extui %parallel_loop3A_454 : i1 to i32
        %parallel_loop3A_456 = arith.subi %parallel_loop3A_452, %parallel_loop3A_455 : i32
        %parallel_loop3A_457 = arith.cmpi ne, %parallel_loop3A_449, %parallel_loop3A_456 : i32
        %parallel_loop3A_458 = arith.remsi %parallel_loop3A_152, %parallel_loop3A_441 : i32
        %parallel_loop3A_459 = arith.constant 0 : i32
        %parallel_loop3A_460 = arith.cmpi ne, %parallel_loop3A_458, %parallel_loop3A_459 : i32
        %parallel_loop3A_461 = arith.andi %parallel_loop3A_457, %parallel_loop3A_460 : i1
        %parallel_loop3A_462 = arith.constant 1 : i32
        %parallel_loop3A_463 = arith.subi %parallel_loop3A_442, %parallel_loop3A_462 : i32
        %parallel_loop3A_464 = arith.select %parallel_loop3A_461, %parallel_loop3A_463, %parallel_loop3A_442 : i32
        %parallel_loop3A_465 = arith.constant 8 : i32
        %parallel_loop3A_466 = arith.constant 0 : i32
        %parallel_loop3A_467 = arith.cmpi eq, %parallel_loop3A_465, %parallel_loop3A_466 : i32
        %parallel_loop3A_468 = arith.constant 1 : i32
        %parallel_loop3A_469 = arith.select %parallel_loop3A_467, %parallel_loop3A_468, %parallel_loop3A_465 : i32
        %parallel_loop3A_470 = arith.remsi %parallel_loop3A_152, %parallel_loop3A_469 : i32
        %parallel_loop3A_471 = arith.constant 0 : i32
        %parallel_loop3A_472 = arith.cmpi ne, %parallel_loop3A_470, %parallel_loop3A_471 : i32
        %parallel_loop3A_473 = arith.constant 0 : i32
        %parallel_loop3A_474 = arith.cmpi slt, %parallel_loop3A_470, %parallel_loop3A_473 : i32
        %parallel_loop3A_475 = arith.constant 0 : i32
        %parallel_loop3A_476 = arith.cmpi slt, %parallel_loop3A_469, %parallel_loop3A_475 : i32
        %parallel_loop3A_477 = arith.xori %parallel_loop3A_474, %parallel_loop3A_476 : i1
        %parallel_loop3A_478 = arith.andi %parallel_loop3A_477, %parallel_loop3A_472 : i1
        %parallel_loop3A_479 = arith.addi %parallel_loop3A_470, %parallel_loop3A_469 : i32
        %parallel_loop3A_480 = arith.select %parallel_loop3A_478, %parallel_loop3A_479, %parallel_loop3A_470 : i32
        %parallel_loop3A_481 = arith.index_cast %parallel_loop3A_464 : i32 to index
        %parallel_loop3A_482 = arith.index_cast %parallel_loop3A_480 : i32 to index
        %parallel_loop3A_483 = arith.constant 96 : index
        %parallel_loop3A_484 = tpu.vector_load %arg5[%parallel_loop3A_481, %parallel_loop3A_482, %parallel_loop3A_483] {strides = array<i32>} : memref<4x8x128xf32, #tpu.memory_space<vmem>>, vector<16xf32>,
        %parallel_loop3A_485 = arith.constant 3168 : i32
        %parallel_loop3A_486 = arith.addi %parallel_loop3A_485, %parallel_loop3A_152 : i32
        %parallel_loop3A_487 = vector.broadcast %parallel_loop3A_486 : i32 to vector<16xi32>
        %parallel_loop3A_488 = arith.addi %mul3A_3, %parallel_loop3A_487 : vector<16xi32>
        tpu.vector_store_idx %arg6[%parallel_loop3A_488], %parallel_loop3A_484 : memref<4224xf32, #tpu.memory_space<vmem>>[vector<16xi32>], vector<16xf32>,
        %parallel_loop3A_489 = arith.constant 8 : i32
        %parallel_loop3A_490 = arith.divsi %parallel_loop3A_152, %parallel_loop3A_489 : i32
        %parallel_loop3A_491 = arith.constant 0 : i32
        %parallel_loop3A_492 = arith.cmpi sgt, %parallel_loop3A_152, %parallel_loop3A_491 : i32
        %parallel_loop3A_493 = arith.extui %parallel_loop3A_492 : i1 to i32
        %parallel_loop3A_494 = arith.constant 0 : i32
        %parallel_loop3A_495 = arith.cmpi slt, %parallel_loop3A_152, %parallel_loop3A_494 : i32
        %parallel_loop3A_496 = arith.extui %parallel_loop3A_495 : i1 to i32
        %parallel_loop3A_497 = arith.subi %parallel_loop3A_493, %parallel_loop3A_496 : i32
        %parallel_loop3A_498 = arith.constant 0 : i32
        %parallel_loop3A_499 = arith.cmpi sgt, %parallel_loop3A_489, %parallel_loop3A_498 : i32
        %parallel_loop3A_500 = arith.extui %parallel_loop3A_499 : i1 to i32
        %parallel_loop3A_501 = arith.constant 0 : i32
        %parallel_loop3A_502 = arith.cmpi slt, %parallel_loop3A_489, %parallel_loop3A_501 : i32
        %parallel_loop3A_503 = arith.extui %parallel_loop3A_502 : i1 to i32
        %parallel_loop3A_504 = arith.subi %parallel_loop3A_500, %parallel_loop3A_503 : i32
        %parallel_loop3A_505 = arith.cmpi ne, %parallel_loop3A_497, %parallel_loop3A_504 : i32
        %parallel_loop3A_506 = arith.remsi %parallel_loop3A_152, %parallel_loop3A_489 : i32
        %parallel_loop3A_507 = arith.constant 0 : i32
        %parallel_loop3A_508 = arith.cmpi ne, %parallel_loop3A_506, %parallel_loop3A_507 : i32
        %parallel_loop3A_509 = arith.andi %parallel_loop3A_505, %parallel_loop3A_508 : i1
        %parallel_loop3A_510 = arith.constant 1 : i32
        %parallel_loop3A_511 = arith.subi %parallel_loop3A_490, %parallel_loop3A_510 : i32
        %parallel_loop3A_512 = arith.select %parallel_loop3A_509, %parallel_loop3A_511, %parallel_loop3A_490 : i32
        %parallel_loop3A_513 = arith.constant 8 : i32
        %parallel_loop3A_514 = arith.constant 0 : i32
        %parallel_loop3A_515 = arith.cmpi eq, %parallel_loop3A_513, %parallel_loop3A_514 : i32
        %parallel_loop3A_516 = arith.constant 1 : i32
        %parallel_loop3A_517 = arith.select %parallel_loop3A_515, %parallel_loop3A_516, %parallel_loop3A_513 : i32
        %parallel_loop3A_518 = arith.remsi %parallel_loop3A_152, %parallel_loop3A_517 : i32
        %parallel_loop3A_519 = arith.constant 0 : i32
        %parallel_loop3A_520 = arith.cmpi ne, %parallel_loop3A_518, %parallel_loop3A_519 : i32
        %parallel_loop3A_521 = arith.constant 0 : i32
        %parallel_loop3A_522 = arith.cmpi slt, %parallel_loop3A_518, %parallel_loop3A_521 : i32
        %parallel_loop3A_523 = arith.constant 0 : i32
        %parallel_loop3A_524 = arith.cmpi slt, %parallel_loop3A_517, %parallel_loop3A_523 : i32
        %parallel_loop3A_525 = arith.xori %parallel_loop3A_522, %parallel_loop3A_524 : i1
        %parallel_loop3A_526 = arith.andi %parallel_loop3A_525, %parallel_loop3A_520 : i1
        %parallel_loop3A_527 = arith.addi %parallel_loop3A_518, %parallel_loop3A_517 : i32
        %parallel_loop3A_528 = arith.select %parallel_loop3A_526, %parallel_loop3A_527, %parallel_loop3A_518 : i32
        %parallel_loop3A_529 = arith.index_cast %parallel_loop3A_512 : i32 to index
        %parallel_loop3A_530 = arith.index_cast %parallel_loop3A_528 : i32 to index
        %parallel_loop3A_531 = arith.constant 112 : index
        %parallel_loop3A_532 = tpu.vector_load %arg5[%parallel_loop3A_529, %parallel_loop3A_530, %parallel_loop3A_531] {strides = array<i32>} : memref<4x8x128xf32, #tpu.memory_space<vmem>>, vector<16xf32>,
        %parallel_loop3A_533 = arith.constant 3696 : i32
        %parallel_loop3A_534 = arith.addi %parallel_loop3A_533, %parallel_loop3A_152 : i32
        %parallel_loop3A_535 = vector.broadcast %parallel_loop3A_534 : i32 to vector<16xi32>
        %parallel_loop3A_536 = arith.addi %mul3A_3, %parallel_loop3A_535 : vector<16xi32>
        tpu.vector_store_idx %arg6[%parallel_loop3A_536], %parallel_loop3A_532 : memref<4224xf32, #tpu.memory_space<vmem>>[vector<16xi32>], vector<16xf32>,
      } {sc.loop_unroll_factor = 4 : i64, sc.parallel_access}
      %parallel_loop3A_147 = arith.constant 0 : i32
      %parallel_loop3A_148 = arith.constant 128 : i32
      %parallel_loop3A_149 = arith.constant 1 : i32
      scf.for %parallel_loop3A_152 = %parallel_loop3A_147 to %parallel_loop3A_148 step %parallel_loop3A_149  : i32 {
        %parallel_loop3A_153 = arith.constant 33 : i32
        %parallel_loop3A_154 = arith.muli %parallel_loop3A_152, %parallel_loop3A_153 : i32
        %parallel_loop3A_155 = arith.constant 0 : i32
        %parallel_loop3A_156 = arith.addi %parallel_loop3A_154, %parallel_loop3A_155 : i32
        %parallel_loop3A_157 = arith.index_cast %parallel_loop3A_156 : i32 to index
        %parallel_loop3A_158 = tpu.vector_load %arg6[%parallel_loop3A_157] {strides = array<i32>} : memref<4224xf32, #tpu.memory_space<vmem>>, vector<16xf32>,
        %parallel_loop3A_159 = arith.constant 32 : i32
        %parallel_loop3A_160 = arith.muli %parallel_loop3A_152, %parallel_loop3A_159 : i32
        %parallel_loop3A_161 = arith.constant 0 : i32
        %parallel_loop3A_162 = arith.addi %parallel_loop3A_160, %parallel_loop3A_161 : i32
        %parallel_loop3A_163 = arith.index_cast %parallel_loop3A_162 : i32 to index
        %parallel_loop3A_164 = tpu.vector_load %arg7[%parallel_loop3A_163] {strides = array<i32>} : memref<4096xf32, #tpu.memory_space<vmem>>, vector<16xf32>,
        tpu.vector_store %arg7[%parallel_loop3A_163], %parallel_loop3A_158 {strides = array<i32>} : memref<4096xf32, #tpu.memory_space<vmem>>, vector<16xf32>,
        %parallel_loop3A_165 = arith.constant 33 : i32
        %parallel_loop3A_166 = arith.muli %parallel_loop3A_152, %parallel_loop3A_165 : i32
        %parallel_loop3A_167 = arith.constant 16 : i32
        %parallel_loop3A_168 = arith.addi %parallel_loop3A_166, %parallel_loop3A_167 : i32
        %parallel_loop3A_169 = arith.index_cast %parallel_loop3A_168 : i32 to index
        %parallel_loop3A_170 = tpu.vector_load %arg6[%parallel_loop3A_169] {strides = array<i32>} : memref<4224xf32, #tpu.memory_space<vmem>>, vector<16xf32>,
        %parallel_loop3A_171 = arith.constant 32 : i32
        %parallel_loop3A_172 = arith.muli %parallel_loop3A_152, %parallel_loop3A_171 : i32
        %parallel_loop3A_173 = arith.constant 16 : i32
        %parallel_loop3A_174 = arith.addi %parallel_loop3A_172, %parallel_loop3A_173 : i32
        %parallel_loop3A_175 = arith.index_cast %parallel_loop3A_174 : i32 to index
        %parallel_loop3A_176 = tpu.vector_load %arg7[%parallel_loop3A_175] {strides = array<i32>} : memref<4096xf32, #tpu.memory_space<vmem>>, vector<16xf32>,
        tpu.vector_store %arg7[%parallel_loop3A_175], %parallel_loop3A_170 {strides = array<i32>} : memref<4096xf32, #tpu.memory_space<vmem>>, vector<16xf32>,
      } {sc.loop_unroll_factor = 4 : i64, sc.parallel_access}
      %mul3A_150 = arith.constant 32 : i32
      %mul3A_151 = arith.muli %multiple_of3A, %mul3A_150 : i32
      "tpu.region"() ({
        %run_scoped3A = tpu.sem_alloc : memref<!tpu.dma_semaphore, #tpu.memory_space<semaphore_mem>>
        %dma_start3A_152 = tpu.memref_slice %arg4[%mul3A_151] : memref<32000000xf32, #tpu.memory_space<hbm>> -> memref<4096xf32, #tpu.memory_space<hbm>>
        %dma_start3A_153 = tpu.memref_slice %arg4[%mul3A_151] : memref<32000000xf32, #tpu.memory_space<hbm>> -> memref<4096xf32, #tpu.memory_space<hbm>>
        tpu.enqueue_dma source(%arg7 : memref<4096xf32, #tpu.memory_space<vmem>>) target(%dma_start3A_153 : memref<4096xf32, #tpu.memory_space<hbm>>) target_semaphore(%run_scoped3A : memref<!tpu.dma_semaphore, #tpu.memory_space<semaphore_mem>>)
        %dma_wait3A_154 = tpu.memref_slice %arg4[%mul3A_151] : memref<32000000xf32, #tpu.memory_space<hbm>> -> memref<4096xf32, #tpu.memory_space<hbm>>
        %dma_wait3A_155 = tpu.memref_slice %arg4[%mul3A_151] : memref<32000000xf32, #tpu.memory_space<hbm>> -> memref<4096xf32, #tpu.memory_space<hbm>>
        tpu.wait_dma2 semaphore(%run_scoped3A : memref<!tpu.dma_semaphore, #tpu.memory_space<semaphore_mem>>) src(%arg7 : memref<4096xf32, #tpu.memory_space<vmem>>) dst(%dma_wait3A_155 : memref<4096xf32, #tpu.memory_space<hbm>>)
        tpu.yield
      }) : () -> ()
    }
    %while3A_36 = arith.constant 1 : i32
    scf.for %while3A_37 = %while3A_34 to %while3A_30 step %while3A_36  : i32 {
      %mul3A_38 = arith.constant 32 : i32
      %mul3A_39 = arith.muli %while3A_37, %mul3A_38 : i32
      %add3A_40 = arith.addi %add3A, %mul3A_39 : i32
      %mul3A_41 = arith.constant 128 : i32
      %mul3A_42 = arith.muli %add3A_40, %mul3A_41 : i32
      %multiple_of3A = tpu.assume_multiple %mul3A_42, 128 : i32
      %dma_start3A = arith.constant 0 : i32
      %dma_start3A_43 = arith.constant 0 : i32
      %dma_start3A_44 = arith.constant 0 : i32
      %dma_start3A_45 = tpu.memref_slice %arg5[%dma_start3A, %dma_start3A_43, %dma_start3A_44] : memref<4x8x128xf32, #tpu.memory_space<vmem>> -> memref<1x8x128xf32, #tpu.memory_space<vmem>>
      %dma_start3A_46 = tpu.memref_squeeze %dma_start3A_45 : memref<1x8x128xf32, #tpu.memory_space<vmem>> -> memref<8x128xf32, #tpu.memory_space<vmem>>
      %dma_start3A_47 = arith.constant 0 : i32
      %dma_start3A_48 = tpu.memref_slice %arg2[%dma_start3A_47, %multiple_of3A] : memref<32x1000000xf32, #tpu.memory_space<hbm>> -> memref<8x128xf32, #tpu.memory_space<hbm>>
      %dma_start3A_49 = arith.constant 0 : i32
      %dma_start3A_50 = arith.constant 0 : i32
      %dma_start3A_51 = tpu.memref_slice %arg5[%dma_start3A, %dma_start3A_49, %dma_start3A_50] : memref<4x8x128xf32, #tpu.memory_space<vmem>> -> memref<1x8x128xf32, #tpu.memory_space<vmem>>
      %dma_start3A_52 = tpu.memref_squeeze %dma_start3A_51 : memref<1x8x128xf32, #tpu.memory_space<vmem>> -> memref<8x128xf32, #tpu.memory_space<vmem>>
      %dma_start3A_53 = arith.constant 0 : i32
      %dma_start3A_54 = tpu.memref_slice %arg2[%dma_start3A_53, %multiple_of3A] : memref<32x1000000xf32, #tpu.memory_space<hbm>> -> memref<8x128xf32, #tpu.memory_space<hbm>>
      tpu.enqueue_dma source(%dma_start3A_54 : memref<8x128xf32, #tpu.memory_space<hbm>>) target(%dma_start3A_52 : memref<8x128xf32, #tpu.memory_space<vmem>>) target_semaphore(%arg8 : memref<!tpu.dma_semaphore, #tpu.memory_space<semaphore_mem>>)
      %dma_start3A_55 = arith.constant 1 : i32
      %dma_start3A_56 = arith.constant 0 : i32
      %dma_start3A_57 = arith.constant 0 : i32
      %dma_start3A_58 = tpu.memref_slice %arg5[%dma_start3A_55, %dma_start3A_56, %dma_start3A_57] : memref<4x8x128xf32, #tpu.memory_space<vmem>> -> memref<1x8x128xf32, #tpu.memory_space<vmem>>
      %dma_start3A_59 = tpu.memref_squeeze %dma_start3A_58 : memref<1x8x128xf32, #tpu.memory_space<vmem>> -> memref<8x128xf32, #tpu.memory_space<vmem>>
      %dma_start3A_60 = arith.constant 8 : i32
      %dma_start3A_61 = tpu.memref_slice %arg2[%dma_start3A_60, %multiple_of3A] : memref<32x1000000xf32, #tpu.memory_space<hbm>> -> memref<8x128xf32, #tpu.memory_space<hbm>>
      %dma_start3A_62 = arith.constant 0 : i32
      %dma_start3A_63 = arith.constant 0 : i32
      %dma_start3A_64 = tpu.memref_slice %arg5[%dma_start3A_55, %dma_start3A_62, %dma_start3A_63] : memref<4x8x128xf32, #tpu.memory_space<vmem>> -> memref<1x8x128xf32, #tpu.memory_space<vmem>>
      %dma_start3A_65 = tpu.memref_squeeze %dma_start3A_64 : memref<1x8x128xf32, #tpu.memory_space<vmem>> -> memref<8x128xf32, #tpu.memory_space<vmem>>
      %dma_start3A_66 = arith.constant 8 : i32
      %dma_start3A_67 = tpu.memref_slice %arg2[%dma_start3A_66, %multiple_of3A] : memref<32x1000000xf32, #tpu.memory_space<hbm>> -> memref<8x128xf32, #tpu.memory_space<hbm>>
      tpu.enqueue_dma source(%dma_start3A_67 : memref<8x128xf32, #tpu.memory_space<hbm>>) target(%dma_start3A_65 : memref<8x128xf32, #tpu.memory_space<vmem>>) target_semaphore(%arg8 : memref<!tpu.dma_semaphore, #tpu.memory_space<semaphore_mem>>)
      %dma_start3A_68 = arith.constant 2 : i32
      %dma_start3A_69 = arith.constant 0 : i32
      %dma_start3A_70 = arith.constant 0 : i32
      %dma_start3A_71 = tpu.memref_slice %arg5[%dma_start3A_68, %dma_start3A_69, %dma_start3A_70] : memref<4x8x128xf32, #tpu.memory_space<vmem>> -> memref<1x8x128xf32, #tpu.memory_space<vmem>>
      %dma_start3A_72 = tpu.memref_squeeze %dma_start3A_71 : memref<1x8x128xf32, #tpu.memory_space<vmem>> -> memref<8x128xf32, #tpu.memory_space<vmem>>
      %dma_start3A_73 = arith.constant 16 : i32
      %dma_start3A_74 = tpu.memref_slice %arg2[%dma_start3A_73, %multiple_of3A] : memref<32x1000000xf32, #tpu.memory_space<hbm>> -> memref<8x128xf32, #tpu.memory_space<hbm>>
      %dma_start3A_75 = arith.constant 0 : i32
      %dma_start3A_76 = arith.constant 0 : i32
      %dma_start3A_77 = tpu.memref_slice %arg5[%dma_start3A_68, %dma_start3A_75, %dma_start3A_76] : memref<4x8x128xf32, #tpu.memory_space<vmem>> -> memref<1x8x128xf32, #tpu.memory_space<vmem>>
      %dma_start3A_78 = tpu.memref_squeeze %dma_start3A_77 : memref<1x8x128xf32, #tpu.memory_space<vmem>> -> memref<8x128xf32, #tpu.memory_space<vmem>>
      %dma_start3A_79 = arith.constant 16 : i32
      %dma_start3A_80 = tpu.memref_slice %arg2[%dma_start3A_79, %multiple_of3A] : memref<32x1000000xf32, #tpu.memory_space<hbm>> -> memref<8x128xf32, #tpu.memory_space<hbm>>
      tpu.enqueue_dma source(%dma_start3A_80 : memref<8x128xf32, #tpu.memory_space<hbm>>) target(%dma_start3A_78 : memref<8x128xf32, #tpu.memory_space<vmem>>) target_semaphore(%arg8 : memref<!tpu.dma_semaphore, #tpu.memory_space<semaphore_mem>>)
      %dma_start3A_81 = arith.constant 3 : i32
      %dma_start3A_82 = arith.constant 0 : i32
      %dma_start3A_83 = arith.constant 0 : i32
      %dma_start3A_84 = tpu.memref_slice %arg5[%dma_start3A_81, %dma_start3A_82, %dma_start3A_83] : memref<4x8x128xf32, #tpu.memory_space<vmem>> -> memref<1x8x128xf32, #tpu.memory_space<vmem>>
      %dma_start3A_85 = tpu.memref_squeeze %dma_start3A_84 : memref<1x8x128xf32, #tpu.memory_space<vmem>> -> memref<8x128xf32, #tpu.memory_space<vmem>>
      %dma_start3A_86 = arith.constant 24 : i32
      %dma_start3A_87 = tpu.memref_slice %arg2[%dma_start3A_86, %multiple_of3A] : memref<32x1000000xf32, #tpu.memory_space<hbm>> -> memref<8x128xf32, #tpu.memory_space<hbm>>
      %dma_start3A_88 = arith.constant 0 : i32
      %dma_start3A_89 = arith.constant 0 : i32
      %dma_start3A_90 = tpu.memref_slice %arg5[%dma_start3A_81, %dma_start3A_88, %dma_start3A_89] : memref<4x8x128xf32, #tpu.memory_space<vmem>> -> memref<1x8x128xf32, #tpu.memory_space<vmem>>
      %dma_start3A_91 = tpu.memref_squeeze %dma_start3A_90 : memref<1x8x128xf32, #tpu.memory_space<vmem>> -> memref<8x128xf32, #tpu.memory_space<vmem>>
      %dma_start3A_92 = arith.constant 24 : i32
      %dma_start3A_93 = tpu.memref_slice %arg2[%dma_start3A_92, %multiple_of3A] : memref<32x1000000xf32, #tpu.memory_space<hbm>> -> memref<8x128xf32, #tpu.memory_space<hbm>>
      tpu.enqueue_dma source(%dma_start3A_93 : memref<8x128xf32, #tpu.memory_space<hbm>>) target(%dma_start3A_91 : memref<8x128xf32, #tpu.memory_space<vmem>>) target_semaphore(%arg8 : memref<!tpu.dma_semaphore, #tpu.memory_space<semaphore_mem>>)
      %dma_wait3A = arith.constant 0 : i32
      %dma_wait3A_94 = arith.constant 0 : i32
      %dma_wait3A_95 = arith.constant 0 : i32
      %dma_wait3A_96 = tpu.memref_slice %arg5[%dma_wait3A, %dma_wait3A_94, %dma_wait3A_95] : memref<4x8x128xf32, #tpu.memory_space<vmem>> -> memref<1x8x128xf32, #tpu.memory_space<vmem>>
      %dma_wait3A_97 = tpu.memref_squeeze %dma_wait3A_96 : memref<1x8x128xf32, #tpu.memory_space<vmem>> -> memref<8x128xf32, #tpu.memory_space<vmem>>
      %dma_wait3A_98 = arith.constant 0 : i32
      %dma_wait3A_99 = tpu.memref_slice %arg2[%dma_wait3A_98, %multiple_of3A] : memref<32x1000000xf32, #tpu.memory_space<hbm>> -> memref<8x128xf32, #tpu.memory_space<hbm>>
      %dma_wait3A_100 = arith.constant 0 : i32
      %dma_wait3A_101 = arith.constant 0 : i32
      %dma_wait3A_102 = tpu.memref_slice %arg5[%dma_wait3A, %dma_wait3A_100, %dma_wait3A_101] : memref<4x8x128xf32, #tpu.memory_space<vmem>> -> memref<1x8x128xf32, #tpu.memory_space<vmem>>
      %dma_wait3A_103 = tpu.memref_squeeze %dma_wait3A_102 : memref<1x8x128xf32, #tpu.memory_space<vmem>> -> memref<8x128xf32, #tpu.memory_space<vmem>>
      %dma_wait3A_104 = arith.constant 0 : i32
      %dma_wait3A_105 = tpu.memref_slice %arg2[%dma_wait3A_104, %multiple_of3A] : memref<32x1000000xf32, #tpu.memory_space<hbm>> -> memref<8x128xf32, #tpu.memory_space<hbm>>
      tpu.wait_dma2 semaphore(%arg8 : memref<!tpu.dma_semaphore, #tpu.memory_space<semaphore_mem>>) src(%dma_wait3A_105 : memref<8x128xf32, #tpu.memory_space<hbm>>) dst(%dma_wait3A_103 : memref<8x128xf32, #tpu.memory_space<vmem>>)
      %dma_wait3A_106 = arith.constant 1 : i32
      %dma_wait3A_107 = arith.constant 0 : i32
      %dma_wait3A_108 = arith.constant 0 : i32
      %dma_wait3A_109 = tpu.memref_slice %arg5[%dma_wait3A_106, %dma_wait3A_107, %dma_wait3A_108] : memref<4x8x128xf32, #tpu.memory_space<vmem>> -> memref<1x8x128xf32, #tpu.memory_space<vmem>>
      %dma_wait3A_110 = tpu.memref_squeeze %dma_wait3A_109 : memref<1x8x128xf32, #tpu.memory_space<vmem>> -> memref<8x128xf32, #tpu.memory_space<vmem>>
      %dma_wait3A_111 = arith.constant 8 : i32
      %dma_wait3A_112 = tpu.memref_slice %arg2[%dma_wait3A_111, %multiple_of3A] : memref<32x1000000xf32, #tpu.memory_space<hbm>> -> memref<8x128xf32, #tpu.memory_space<hbm>>
      %dma_wait3A_113 = arith.constant 0 : i32
      %dma_wait3A_114 = arith.constant 0 : i32
      %dma_wait3A_115 = tpu.memref_slice %arg5[%dma_wait3A_106, %dma_wait3A_113, %dma_wait3A_114] : memref<4x8x128xf32, #tpu.memory_space<vmem>> -> memref<1x8x128xf32, #tpu.memory_space<vmem>>
      %dma_wait3A_116 = tpu.memref_squeeze %dma_wait3A_115 : memref<1x8x128xf32, #tpu.memory_space<vmem>> -> memref<8x128xf32, #tpu.memory_space<vmem>>
      %dma_wait3A_117 = arith.constant 8 : i32
      %dma_wait3A_118 = tpu.memref_slice %arg2[%dma_wait3A_117, %multiple_of3A] : memref<32x1000000xf32, #tpu.memory_space<hbm>> -> memref<8x128xf32, #tpu.memory_space<hbm>>
      tpu.wait_dma2 semaphore(%arg8 : memref<!tpu.dma_semaphore, #tpu.memory_space<semaphore_mem>>) src(%dma_wait3A_118 : memref<8x128xf32, #tpu.memory_space<hbm>>) dst(%dma_wait3A_116 : memref<8x128xf32, #tpu.memory_space<vmem>>)
      %dma_wait3A_119 = arith.constant 2 : i32
      %dma_wait3A_120 = arith.constant 0 : i32
      %dma_wait3A_121 = arith.constant 0 : i32
      %dma_wait3A_122 = tpu.memref_slice %arg5[%dma_wait3A_119, %dma_wait3A_120, %dma_wait3A_121] : memref<4x8x128xf32, #tpu.memory_space<vmem>> -> memref<1x8x128xf32, #tpu.memory_space<vmem>>
      %dma_wait3A_123 = tpu.memref_squeeze %dma_wait3A_122 : memref<1x8x128xf32, #tpu.memory_space<vmem>> -> memref<8x128xf32, #tpu.memory_space<vmem>>
      %dma_wait3A_124 = arith.constant 16 : i32
      %dma_wait3A_125 = tpu.memref_slice %arg2[%dma_wait3A_124, %multiple_of3A] : memref<32x1000000xf32, #tpu.memory_space<hbm>> -> memref<8x128xf32, #tpu.memory_space<hbm>>
      %dma_wait3A_126 = arith.constant 0 : i32
      %dma_wait3A_127 = arith.constant 0 : i32
      %dma_wait3A_128 = tpu.memref_slice %arg5[%dma_wait3A_119, %dma_wait3A_126, %dma_wait3A_127] : memref<4x8x128xf32, #tpu.memory_space<vmem>> -> memref<1x8x128xf32, #tpu.memory_space<vmem>>
      %dma_wait3A_129 = tpu.memref_squeeze %dma_wait3A_128 : memref<1x8x128xf32, #tpu.memory_space<vmem>> -> memref<8x128xf32, #tpu.memory_space<vmem>>
      %dma_wait3A_130 = arith.constant 16 : i32
      %dma_wait3A_131 = tpu.memref_slice %arg2[%dma_wait3A_130, %multiple_of3A] : memref<32x1000000xf32, #tpu.memory_space<hbm>> -> memref<8x128xf32, #tpu.memory_space<hbm>>
      tpu.wait_dma2 semaphore(%arg8 : memref<!tpu.dma_semaphore, #tpu.memory_space<semaphore_mem>>) src(%dma_wait3A_131 : memref<8x128xf32, #tpu.memory_space<hbm>>) dst(%dma_wait3A_129 : memref<8x128xf32, #tpu.memory_space<vmem>>)
      %dma_wait3A_132 = arith.constant 3 : i32
      %dma_wait3A_133 = arith.constant 0 : i32
      %dma_wait3A_134 = arith.constant 0 : i32
      %dma_wait3A_135 = tpu.memref_slice %arg5[%dma_wait3A_132, %dma_wait3A_133, %dma_wait3A_134] : memref<4x8x128xf32, #tpu.memory_space<vmem>> -> memref<1x8x128xf32, #tpu.memory_space<vmem>>
      %dma_wait3A_136 = tpu.memref_squeeze %dma_wait3A_135 : memref<1x8x128xf32, #tpu.memory_space<vmem>> -> memref<8x128xf32, #tpu.memory_space<vmem>>
      %dma_wait3A_137 = arith.constant 24 : i32
      %dma_wait3A_138 = tpu.memref_slice %arg2[%dma_wait3A_137, %multiple_of3A] : memref<32x1000000xf32, #tpu.memory_space<hbm>> -> memref<8x128xf32, #tpu.memory_space<hbm>>
      %dma_wait3A_139 = arith.constant 0 : i32
      %dma_wait3A_140 = arith.constant 0 : i32
      %dma_wait3A_141 = tpu.memref_slice %arg5[%dma_wait3A_132, %dma_wait3A_139, %dma_wait3A_140] : memref<4x8x128xf32, #tpu.memory_space<vmem>> -> memref<1x8x128xf32, #tpu.memory_space<vmem>>
      %dma_wait3A_142 = tpu.memref_squeeze %dma_wait3A_141 : memref<1x8x128xf32, #tpu.memory_space<vmem>> -> memref<8x128xf32, #tpu.memory_space<vmem>>
      %dma_wait3A_143 = arith.constant 24 : i32
      %dma_wait3A_144 = tpu.memref_slice %arg2[%dma_wait3A_143, %multiple_of3A] : memref<32x1000000xf32, #tpu.memory_space<hbm>> -> memref<8x128xf32, #tpu.memory_space<hbm>>
      tpu.wait_dma2 semaphore(%arg8 : memref<!tpu.dma_semaphore, #tpu.memory_space<semaphore_mem>>) src(%dma_wait3A_144 : memref<8x128xf32, #tpu.memory_space<hbm>>) dst(%dma_wait3A_142 : memref<8x128xf32, #tpu.memory_space<vmem>>)
      %parallel_loop3A = arith.constant 0 : i32
      %parallel_loop3A_145 = arith.constant 32 : i32
      %parallel_loop3A_146 = arith.constant 1 : i32
      scf.for %parallel_loop3A_152 = %parallel_loop3A to %parallel_loop3A_145 step %parallel_loop3A_146  : i32 {
        %parallel_loop3A_153 = arith.constant 8 : i32
        %parallel_loop3A_154 = arith.divsi %parallel_loop3A_152, %parallel_loop3A_153 : i32
        %parallel_loop3A_155 = arith.constant 0 : i32
        %parallel_loop3A_156 = arith.cmpi sgt, %parallel_loop3A_152, %parallel_loop3A_155 : i32
        %parallel_loop3A_157 = arith.extui %parallel_loop3A_156 : i1 to i32
        %parallel_loop3A_158 = arith.constant 0 : i32
        %parallel_loop3A_159 = arith.cmpi slt, %parallel_loop3A_152, %parallel_loop3A_158 : i32
        %parallel_loop3A_160 = arith.extui %parallel_loop3A_159 : i1 to i32
        %parallel_loop3A_161 = arith.subi %parallel_loop3A_157, %parallel_loop3A_160 : i32
        %parallel_loop3A_162 = arith.constant 0 : i32
        %parallel_loop3A_163 = arith.cmpi sgt, %parallel_loop3A_153, %parallel_loop3A_162 : i32
        %parallel_loop3A_164 = arith.extui %parallel_loop3A_163 : i1 to i32
        %parallel_loop3A_165 = arith.constant 0 : i32
        %parallel_loop3A_166 = arith.cmpi slt, %parallel_loop3A_153, %parallel_loop3A_165 : i32
        %parallel_loop3A_167 = arith.extui %parallel_loop3A_166 : i1 to i32
        %parallel_loop3A_168 = arith.subi %parallel_loop3A_164, %parallel_loop3A_167 : i32
        %parallel_loop3A_169 = arith.cmpi ne, %parallel_loop3A_161, %parallel_loop3A_168 : i32
        %parallel_loop3A_170 = arith.remsi %parallel_loop3A_152, %parallel_loop3A_153 : i32
        %parallel_loop3A_171 = arith.constant 0 : i32
        %parallel_loop3A_172 = arith.cmpi ne, %parallel_loop3A_170, %parallel_loop3A_171 : i32
        %parallel_loop3A_173 = arith.andi %parallel_loop3A_169, %parallel_loop3A_172 : i1
        %parallel_loop3A_174 = arith.constant 1 : i32
        %parallel_loop3A_175 = arith.subi %parallel_loop3A_154, %parallel_loop3A_174 : i32
        %parallel_loop3A_176 = arith.select %parallel_loop3A_173, %parallel_loop3A_175, %parallel_loop3A_154 : i32
        %parallel_loop3A_177 = arith.constant 8 : i32
        %parallel_loop3A_178 = arith.constant 0 : i32
        %parallel_loop3A_179 = arith.cmpi eq, %parallel_loop3A_177, %parallel_loop3A_178 : i32
        %parallel_loop3A_180 = arith.constant 1 : i32
        %parallel_loop3A_181 = arith.select %parallel_loop3A_179, %parallel_loop3A_180, %parallel_loop3A_177 : i32
        %parallel_loop3A_182 = arith.remsi %parallel_loop3A_152, %parallel_loop3A_181 : i32
        %parallel_loop3A_183 = arith.constant 0 : i32
        %parallel_loop3A_184 = arith.cmpi ne, %parallel_loop3A_182, %parallel_loop3A_183 : i32
        %parallel_loop3A_185 = arith.constant 0 : i32
        %parallel_loop3A_186 = arith.cmpi slt, %parallel_loop3A_182, %parallel_loop3A_185 : i32
        %parallel_loop3A_187 = arith.constant 0 : i32
        %parallel_loop3A_188 = arith.cmpi slt, %parallel_loop3A_181, %parallel_loop3A_187 : i32
        %parallel_loop3A_189 = arith.xori %parallel_loop3A_186, %parallel_loop3A_188 : i1
        %parallel_loop3A_190 = arith.andi %parallel_loop3A_189, %parallel_loop3A_184 : i1
        %parallel_loop3A_191 = arith.addi %parallel_loop3A_182, %parallel_loop3A_181 : i32
        %parallel_loop3A_192 = arith.select %parallel_loop3A_190, %parallel_loop3A_191, %parallel_loop3A_182 : i32
        %parallel_loop3A_193 = arith.index_cast %parallel_loop3A_176 : i32 to index
        %parallel_loop3A_194 = arith.index_cast %parallel_loop3A_192 : i32 to index
        %parallel_loop3A_195 = arith.constant 0 : index
        %parallel_loop3A_196 = tpu.vector_load %arg5[%parallel_loop3A_193, %parallel_loop3A_194, %parallel_loop3A_195] {strides = array<i32>} : memref<4x8x128xf32, #tpu.memory_space<vmem>>, vector<16xf32>,
        %parallel_loop3A_197 = arith.constant 0 : i32
        %parallel_loop3A_198 = arith.addi %parallel_loop3A_197, %parallel_loop3A_152 : i32
        %parallel_loop3A_199 = vector.broadcast %parallel_loop3A_198 : i32 to vector<16xi32>
        %parallel_loop3A_200 = arith.addi %mul3A_3, %parallel_loop3A_199 : vector<16xi32>
        tpu.vector_store_idx %arg6[%parallel_loop3A_200], %parallel_loop3A_196 : memref<4224xf32, #tpu.memory_space<vmem>>[vector<16xi32>], vector<16xf32>,
        %parallel_loop3A_201 = arith.constant 8 : i32
        %parallel_loop3A_202 = arith.divsi %parallel_loop3A_152, %parallel_loop3A_201 : i32
        %parallel_loop3A_203 = arith.constant 0 : i32
        %parallel_loop3A_204 = arith.cmpi sgt, %parallel_loop3A_152, %parallel_loop3A_203 : i32
        %parallel_loop3A_205 = arith.extui %parallel_loop3A_204 : i1 to i32
        %parallel_loop3A_206 = arith.constant 0 : i32
        %parallel_loop3A_207 = arith.cmpi slt, %parallel_loop3A_152, %parallel_loop3A_206 : i32
        %parallel_loop3A_208 = arith.extui %parallel_loop3A_207 : i1 to i32
        %parallel_loop3A_209 = arith.subi %parallel_loop3A_205, %parallel_loop3A_208 : i32
        %parallel_loop3A_210 = arith.constant 0 : i32
        %parallel_loop3A_211 = arith.cmpi sgt, %parallel_loop3A_201, %parallel_loop3A_210 : i32
        %parallel_loop3A_212 = arith.extui %parallel_loop3A_211 : i1 to i32
        %parallel_loop3A_213 = arith.constant 0 : i32
        %parallel_loop3A_214 = arith.cmpi slt, %parallel_loop3A_201, %parallel_loop3A_213 : i32
        %parallel_loop3A_215 = arith.extui %parallel_loop3A_214 : i1 to i32
        %parallel_loop3A_216 = arith.subi %parallel_loop3A_212, %parallel_loop3A_215 : i32
        %parallel_loop3A_217 = arith.cmpi ne, %parallel_loop3A_209, %parallel_loop3A_216 : i32
        %parallel_loop3A_218 = arith.remsi %parallel_loop3A_152, %parallel_loop3A_201 : i32
        %parallel_loop3A_219 = arith.constant 0 : i32
        %parallel_loop3A_220 = arith.cmpi ne, %parallel_loop3A_218, %parallel_loop3A_219 : i32
        %parallel_loop3A_221 = arith.andi %parallel_loop3A_217, %parallel_loop3A_220 : i1
        %parallel_loop3A_222 = arith.constant 1 : i32
        %parallel_loop3A_223 = arith.subi %parallel_loop3A_202, %parallel_loop3A_222 : i32
        %parallel_loop3A_224 = arith.select %parallel_loop3A_221, %parallel_loop3A_223, %parallel_loop3A_202 : i32
        %parallel_loop3A_225 = arith.constant 8 : i32
        %parallel_loop3A_226 = arith.constant 0 : i32
        %parallel_loop3A_227 = arith.cmpi eq, %parallel_loop3A_225, %parallel_loop3A_226 : i32
        %parallel_loop3A_228 = arith.constant 1 : i32
        %parallel_loop3A_229 = arith.select %parallel_loop3A_227, %parallel_loop3A_228, %parallel_loop3A_225 : i32
        %parallel_loop3A_230 = arith.remsi %parallel_loop3A_152, %parallel_loop3A_229 : i32
        %parallel_loop3A_231 = arith.constant 0 : i32
        %parallel_loop3A_232 = arith.cmpi ne, %parallel_loop3A_230, %parallel_loop3A_231 : i32
        %parallel_loop3A_233 = arith.constant 0 : i32
        %parallel_loop3A_234 = arith.cmpi slt, %parallel_loop3A_230, %parallel_loop3A_233 : i32
        %parallel_loop3A_235 = arith.constant 0 : i32
        %parallel_loop3A_236 = arith.cmpi slt, %parallel_loop3A_229, %parallel_loop3A_235 : i32
        %parallel_loop3A_237 = arith.xori %parallel_loop3A_234, %parallel_loop3A_236 : i1
        %parallel_loop3A_238 = arith.andi %parallel_loop3A_237, %parallel_loop3A_232 : i1
        %parallel_loop3A_239 = arith.addi %parallel_loop3A_230, %parallel_loop3A_229 : i32
        %parallel_loop3A_240 = arith.select %parallel_loop3A_238, %parallel_loop3A_239, %parallel_loop3A_230 : i32
        %parallel_loop3A_241 = arith.index_cast %parallel_loop3A_224 : i32 to index
        %parallel_loop3A_242 = arith.index_cast %parallel_loop3A_240 : i32 to index
        %parallel_loop3A_243 = arith.constant 16 : index
        %parallel_loop3A_244 = tpu.vector_load %arg5[%parallel_loop3A_241, %parallel_loop3A_242, %parallel_loop3A_243] {strides = array<i32>} : memref<4x8x128xf32, #tpu.memory_space<vmem>>, vector<16xf32>,
        %parallel_loop3A_245 = arith.constant 528 : i32
        %parallel_loop3A_246 = arith.addi %parallel_loop3A_245, %parallel_loop3A_152 : i32
        %parallel_loop3A_247 = vector.broadcast %parallel_loop3A_246 : i32 to vector<16xi32>
        %parallel_loop3A_248 = arith.addi %mul3A_3, %parallel_loop3A_247 : vector<16xi32>
        tpu.vector_store_idx %arg6[%parallel_loop3A_248], %parallel_loop3A_244 : memref<4224xf32, #tpu.memory_space<vmem>>[vector<16xi32>], vector<16xf32>,
        %parallel_loop3A_249 = arith.constant 8 : i32
        %parallel_loop3A_250 = arith.divsi %parallel_loop3A_152, %parallel_loop3A_249 : i32
        %parallel_loop3A_251 = arith.constant 0 : i32
        %parallel_loop3A_252 = arith.cmpi sgt, %parallel_loop3A_152, %parallel_loop3A_251 : i32
        %parallel_loop3A_253 = arith.extui %parallel_loop3A_252 : i1 to i32
        %parallel_loop3A_254 = arith.constant 0 : i32
        %parallel_loop3A_255 = arith.cmpi slt, %parallel_loop3A_152, %parallel_loop3A_254 : i32
        %parallel_loop3A_256 = arith.extui %parallel_loop3A_255 : i1 to i32
        %parallel_loop3A_257 = arith.subi %parallel_loop3A_253, %parallel_loop3A_256 : i32
        %parallel_loop3A_258 = arith.constant 0 : i32
        %parallel_loop3A_259 = arith.cmpi sgt, %parallel_loop3A_249, %parallel_loop3A_258 : i32
        %parallel_loop3A_260 = arith.extui %parallel_loop3A_259 : i1 to i32
        %parallel_loop3A_261 = arith.constant 0 : i32
        %parallel_loop3A_262 = arith.cmpi slt, %parallel_loop3A_249, %parallel_loop3A_261 : i32
        %parallel_loop3A_263 = arith.extui %parallel_loop3A_262 : i1 to i32
        %parallel_loop3A_264 = arith.subi %parallel_loop3A_260, %parallel_loop3A_263 : i32
        %parallel_loop3A_265 = arith.cmpi ne, %parallel_loop3A_257, %parallel_loop3A_264 : i32
        %parallel_loop3A_266 = arith.remsi %parallel_loop3A_152, %parallel_loop3A_249 : i32
        %parallel_loop3A_267 = arith.constant 0 : i32
        %parallel_loop3A_268 = arith.cmpi ne, %parallel_loop3A_266, %parallel_loop3A_267 : i32
        %parallel_loop3A_269 = arith.andi %parallel_loop3A_265, %parallel_loop3A_268 : i1
        %parallel_loop3A_270 = arith.constant 1 : i32
        %parallel_loop3A_271 = arith.subi %parallel_loop3A_250, %parallel_loop3A_270 : i32
        %parallel_loop3A_272 = arith.select %parallel_loop3A_269, %parallel_loop3A_271, %parallel_loop3A_250 : i32
        %parallel_loop3A_273 = arith.constant 8 : i32
        %parallel_loop3A_274 = arith.constant 0 : i32
        %parallel_loop3A_275 = arith.cmpi eq, %parallel_loop3A_273, %parallel_loop3A_274 : i32
        %parallel_loop3A_276 = arith.constant 1 : i32
        %parallel_loop3A_277 = arith.select %parallel_loop3A_275, %parallel_loop3A_276, %parallel_loop3A_273 : i32
        %parallel_loop3A_278 = arith.remsi %parallel_loop3A_152, %parallel_loop3A_277 : i32
        %parallel_loop3A_279 = arith.constant 0 : i32
        %parallel_loop3A_280 = arith.cmpi ne, %parallel_loop3A_278, %parallel_loop3A_279 : i32
        %parallel_loop3A_281 = arith.constant 0 : i32
        %parallel_loop3A_282 = arith.cmpi slt, %parallel_loop3A_278, %parallel_loop3A_281 : i32
        %parallel_loop3A_283 = arith.constant 0 : i32
        %parallel_loop3A_284 = arith.cmpi slt, %parallel_loop3A_277, %parallel_loop3A_283 : i32
        %parallel_loop3A_285 = arith.xori %parallel_loop3A_282, %parallel_loop3A_284 : i1
        %parallel_loop3A_286 = arith.andi %parallel_loop3A_285, %parallel_loop3A_280 : i1
        %parallel_loop3A_287 = arith.addi %parallel_loop3A_278, %parallel_loop3A_277 : i32
        %parallel_loop3A_288 = arith.select %parallel_loop3A_286, %parallel_loop3A_287, %parallel_loop3A_278 : i32
        %parallel_loop3A_289 = arith.index_cast %parallel_loop3A_272 : i32 to index
        %parallel_loop3A_290 = arith.index_cast %parallel_loop3A_288 : i32 to index
        %parallel_loop3A_291 = arith.constant 32 : index
        %parallel_loop3A_292 = tpu.vector_load %arg5[%parallel_loop3A_289, %parallel_loop3A_290, %parallel_loop3A_291] {strides = array<i32>} : memref<4x8x128xf32, #tpu.memory_space<vmem>>, vector<16xf32>,
        %parallel_loop3A_293 = arith.constant 1056 : i32
        %parallel_loop3A_294 = arith.addi %parallel_loop3A_293, %parallel_loop3A_152 : i32
        %parallel_loop3A_295 = vector.broadcast %parallel_loop3A_294 : i32 to vector<16xi32>
        %parallel_loop3A_296 = arith.addi %mul3A_3, %parallel_loop3A_295 : vector<16xi32>
        tpu.vector_store_idx %arg6[%parallel_loop3A_296], %parallel_loop3A_292 : memref<4224xf32, #tpu.memory_space<vmem>>[vector<16xi32>], vector<16xf32>,
        %parallel_loop3A_297 = arith.constant 8 : i32
        %parallel_loop3A_298 = arith.divsi %parallel_loop3A_152, %parallel_loop3A_297 : i32
        %parallel_loop3A_299 = arith.constant 0 : i32
        %parallel_loop3A_300 = arith.cmpi sgt, %parallel_loop3A_152, %parallel_loop3A_299 : i32
        %parallel_loop3A_301 = arith.extui %parallel_loop3A_300 : i1 to i32
        %parallel_loop3A_302 = arith.constant 0 : i32
        %parallel_loop3A_303 = arith.cmpi slt, %parallel_loop3A_152, %parallel_loop3A_302 : i32
        %parallel_loop3A_304 = arith.extui %parallel_loop3A_303 : i1 to i32
        %parallel_loop3A_305 = arith.subi %parallel_loop3A_301, %parallel_loop3A_304 : i32
        %parallel_loop3A_306 = arith.constant 0 : i32
        %parallel_loop3A_307 = arith.cmpi sgt, %parallel_loop3A_297, %parallel_loop3A_306 : i32
        %parallel_loop3A_308 = arith.extui %parallel_loop3A_307 : i1 to i32
        %parallel_loop3A_309 = arith.constant 0 : i32
        %parallel_loop3A_310 = arith.cmpi slt, %parallel_loop3A_297, %parallel_loop3A_309 : i32
        %parallel_loop3A_311 = arith.extui %parallel_loop3A_310 : i1 to i32
        %parallel_loop3A_312 = arith.subi %parallel_loop3A_308, %parallel_loop3A_311 : i32
        %parallel_loop3A_313 = arith.cmpi ne, %parallel_loop3A_305, %parallel_loop3A_312 : i32
        %parallel_loop3A_314 = arith.remsi %parallel_loop3A_152, %parallel_loop3A_297 : i32
        %parallel_loop3A_315 = arith.constant 0 : i32
        %parallel_loop3A_316 = arith.cmpi ne, %parallel_loop3A_314, %parallel_loop3A_315 : i32
        %parallel_loop3A_317 = arith.andi %parallel_loop3A_313, %parallel_loop3A_316 : i1
        %parallel_loop3A_318 = arith.constant 1 : i32
        %parallel_loop3A_319 = arith.subi %parallel_loop3A_298, %parallel_loop3A_318 : i32
        %parallel_loop3A_320 = arith.select %parallel_loop3A_317, %parallel_loop3A_319, %parallel_loop3A_298 : i32
        %parallel_loop3A_321 = arith.constant 8 : i32
        %parallel_loop3A_322 = arith.constant 0 : i32
        %parallel_loop3A_323 = arith.cmpi eq, %parallel_loop3A_321, %parallel_loop3A_322 : i32
        %parallel_loop3A_324 = arith.constant 1 : i32
        %parallel_loop3A_325 = arith.select %parallel_loop3A_323, %parallel_loop3A_324, %parallel_loop3A_321 : i32
        %parallel_loop3A_326 = arith.remsi %parallel_loop3A_152, %parallel_loop3A_325 : i32
        %parallel_loop3A_327 = arith.constant 0 : i32
        %parallel_loop3A_328 = arith.cmpi ne, %parallel_loop3A_326, %parallel_loop3A_327 : i32
        %parallel_loop3A_329 = arith.constant 0 : i32
        %parallel_loop3A_330 = arith.cmpi slt, %parallel_loop3A_326, %parallel_loop3A_329 : i32
        %parallel_loop3A_331 = arith.constant 0 : i32
        %parallel_loop3A_332 = arith.cmpi slt, %parallel_loop3A_325, %parallel_loop3A_331 : i32
        %parallel_loop3A_333 = arith.xori %parallel_loop3A_330, %parallel_loop3A_332 : i1
        %parallel_loop3A_334 = arith.andi %parallel_loop3A_333, %parallel_loop3A_328 : i1
        %parallel_loop3A_335 = arith.addi %parallel_loop3A_326, %parallel_loop3A_325 : i32
        %parallel_loop3A_336 = arith.select %parallel_loop3A_334, %parallel_loop3A_335, %parallel_loop3A_326 : i32
        %parallel_loop3A_337 = arith.index_cast %parallel_loop3A_320 : i32 to index
        %parallel_loop3A_338 = arith.index_cast %parallel_loop3A_336 : i32 to index
        %parallel_loop3A_339 = arith.constant 48 : index
        %parallel_loop3A_340 = tpu.vector_load %arg5[%parallel_loop3A_337, %parallel_loop3A_338, %parallel_loop3A_339] {strides = array<i32>} : memref<4x8x128xf32, #tpu.memory_space<vmem>>, vector<16xf32>,
        %parallel_loop3A_341 = arith.constant 1584 : i32
        %parallel_loop3A_342 = arith.addi %parallel_loop3A_341, %parallel_loop3A_152 : i32
        %parallel_loop3A_343 = vector.broadcast %parallel_loop3A_342 : i32 to vector<16xi32>
        %parallel_loop3A_344 = arith.addi %mul3A_3, %parallel_loop3A_343 : vector<16xi32>
        tpu.vector_store_idx %arg6[%parallel_loop3A_344], %parallel_loop3A_340 : memref<4224xf32, #tpu.memory_space<vmem>>[vector<16xi32>], vector<16xf32>,
        %parallel_loop3A_345 = arith.constant 8 : i32
        %parallel_loop3A_346 = arith.divsi %parallel_loop3A_152, %parallel_loop3A_345 : i32
        %parallel_loop3A_347 = arith.constant 0 : i32
        %parallel_loop3A_348 = arith.cmpi sgt, %parallel_loop3A_152, %parallel_loop3A_347 : i32
        %parallel_loop3A_349 = arith.extui %parallel_loop3A_348 : i1 to i32
        %parallel_loop3A_350 = arith.constant 0 : i32
        %parallel_loop3A_351 = arith.cmpi slt, %parallel_loop3A_152, %parallel_loop3A_350 : i32
        %parallel_loop3A_352 = arith.extui %parallel_loop3A_351 : i1 to i32
        %parallel_loop3A_353 = arith.subi %parallel_loop3A_349, %parallel_loop3A_352 : i32
        %parallel_loop3A_354 = arith.constant 0 : i32
        %parallel_loop3A_355 = arith.cmpi sgt, %parallel_loop3A_345, %parallel_loop3A_354 : i32
        %parallel_loop3A_356 = arith.extui %parallel_loop3A_355 : i1 to i32
        %parallel_loop3A_357 = arith.constant 0 : i32
        %parallel_loop3A_358 = arith.cmpi slt, %parallel_loop3A_345, %parallel_loop3A_357 : i32
        %parallel_loop3A_359 = arith.extui %parallel_loop3A_358 : i1 to i32
        %parallel_loop3A_360 = arith.subi %parallel_loop3A_356, %parallel_loop3A_359 : i32
        %parallel_loop3A_361 = arith.cmpi ne, %parallel_loop3A_353, %parallel_loop3A_360 : i32
        %parallel_loop3A_362 = arith.remsi %parallel_loop3A_152, %parallel_loop3A_345 : i32
        %parallel_loop3A_363 = arith.constant 0 : i32
        %parallel_loop3A_364 = arith.cmpi ne, %parallel_loop3A_362, %parallel_loop3A_363 : i32
        %parallel_loop3A_365 = arith.andi %parallel_loop3A_361, %parallel_loop3A_364 : i1
        %parallel_loop3A_366 = arith.constant 1 : i32
        %parallel_loop3A_367 = arith.subi %parallel_loop3A_346, %parallel_loop3A_366 : i32
        %parallel_loop3A_368 = arith.select %parallel_loop3A_365, %parallel_loop3A_367, %parallel_loop3A_346 : i32
        %parallel_loop3A_369 = arith.constant 8 : i32
        %parallel_loop3A_370 = arith.constant 0 : i32
        %parallel_loop3A_371 = arith.cmpi eq, %parallel_loop3A_369, %parallel_loop3A_370 : i32
        %parallel_loop3A_372 = arith.constant 1 : i32
        %parallel_loop3A_373 = arith.select %parallel_loop3A_371, %parallel_loop3A_372, %parallel_loop3A_369 : i32
        %parallel_loop3A_374 = arith.remsi %parallel_loop3A_152, %parallel_loop3A_373 : i32
        %parallel_loop3A_375 = arith.constant 0 : i32
        %parallel_loop3A_376 = arith.cmpi ne, %parallel_loop3A_374, %parallel_loop3A_375 : i32
        %parallel_loop3A_377 = arith.constant 0 : i32
        %parallel_loop3A_378 = arith.cmpi slt, %parallel_loop3A_374, %parallel_loop3A_377 : i32
        %parallel_loop3A_379 = arith.constant 0 : i32
        %parallel_loop3A_380 = arith.cmpi slt, %parallel_loop3A_373, %parallel_loop3A_379 : i32
        %parallel_loop3A_381 = arith.xori %parallel_loop3A_378, %parallel_loop3A_380 : i1
        %parallel_loop3A_382 = arith.andi %parallel_loop3A_381, %parallel_loop3A_376 : i1
        %parallel_loop3A_383 = arith.addi %parallel_loop3A_374, %parallel_loop3A_373 : i32
        %parallel_loop3A_384 = arith.select %parallel_loop3A_382, %parallel_loop3A_383, %parallel_loop3A_374 : i32
        %parallel_loop3A_385 = arith.index_cast %parallel_loop3A_368 : i32 to index
        %parallel_loop3A_386 = arith.index_cast %parallel_loop3A_384 : i32 to index
        %parallel_loop3A_387 = arith.constant 64 : index
        %parallel_loop3A_388 = tpu.vector_load %arg5[%parallel_loop3A_385, %parallel_loop3A_386, %parallel_loop3A_387] {strides = array<i32>} : memref<4x8x128xf32, #tpu.memory_space<vmem>>, vector<16xf32>,
        %parallel_loop3A_389 = arith.constant 2112 : i32
        %parallel_loop3A_390 = arith.addi %parallel_loop3A_389, %parallel_loop3A_152 : i32
        %parallel_loop3A_391 = vector.broadcast %parallel_loop3A_390 : i32 to vector<16xi32>
        %parallel_loop3A_392 = arith.addi %mul3A_3, %parallel_loop3A_391 : vector<16xi32>
        tpu.vector_store_idx %arg6[%parallel_loop3A_392], %parallel_loop3A_388 : memref<4224xf32, #tpu.memory_space<vmem>>[vector<16xi32>], vector<16xf32>,
        %parallel_loop3A_393 = arith.constant 8 : i32
        %parallel_loop3A_394 = arith.divsi %parallel_loop3A_152, %parallel_loop3A_393 : i32
        %parallel_loop3A_395 = arith.constant 0 : i32
        %parallel_loop3A_396 = arith.cmpi sgt, %parallel_loop3A_152, %parallel_loop3A_395 : i32
        %parallel_loop3A_397 = arith.extui %parallel_loop3A_396 : i1 to i32
        %parallel_loop3A_398 = arith.constant 0 : i32
        %parallel_loop3A_399 = arith.cmpi slt, %parallel_loop3A_152, %parallel_loop3A_398 : i32
        %parallel_loop3A_400 = arith.extui %parallel_loop3A_399 : i1 to i32
        %parallel_loop3A_401 = arith.subi %parallel_loop3A_397, %parallel_loop3A_400 : i32
        %parallel_loop3A_402 = arith.constant 0 : i32
        %parallel_loop3A_403 = arith.cmpi sgt, %parallel_loop3A_393, %parallel_loop3A_402 : i32
        %parallel_loop3A_404 = arith.extui %parallel_loop3A_403 : i1 to i32
        %parallel_loop3A_405 = arith.constant 0 : i32
        %parallel_loop3A_406 = arith.cmpi slt, %parallel_loop3A_393, %parallel_loop3A_405 : i32
        %parallel_loop3A_407 = arith.extui %parallel_loop3A_406 : i1 to i32
        %parallel_loop3A_408 = arith.subi %parallel_loop3A_404, %parallel_loop3A_407 : i32
        %parallel_loop3A_409 = arith.cmpi ne, %parallel_loop3A_401, %parallel_loop3A_408 : i32
        %parallel_loop3A_410 = arith.remsi %parallel_loop3A_152, %parallel_loop3A_393 : i32
        %parallel_loop3A_411 = arith.constant 0 : i32
        %parallel_loop3A_412 = arith.cmpi ne, %parallel_loop3A_410, %parallel_loop3A_411 : i32
        %parallel_loop3A_413 = arith.andi %parallel_loop3A_409, %parallel_loop3A_412 : i1
        %parallel_loop3A_414 = arith.constant 1 : i32
        %parallel_loop3A_415 = arith.subi %parallel_loop3A_394, %parallel_loop3A_414 : i32
        %parallel_loop3A_416 = arith.select %parallel_loop3A_413, %parallel_loop3A_415, %parallel_loop3A_394 : i32
        %parallel_loop3A_417 = arith.constant 8 : i32
        %parallel_loop3A_418 = arith.constant 0 : i32
        %parallel_loop3A_419 = arith.cmpi eq, %parallel_loop3A_417, %parallel_loop3A_418 : i32
        %parallel_loop3A_420 = arith.constant 1 : i32
        %parallel_loop3A_421 = arith.select %parallel_loop3A_419, %parallel_loop3A_420, %parallel_loop3A_417 : i32
        %parallel_loop3A_422 = arith.remsi %parallel_loop3A_152, %parallel_loop3A_421 : i32
        %parallel_loop3A_423 = arith.constant 0 : i32
        %parallel_loop3A_424 = arith.cmpi ne, %parallel_loop3A_422, %parallel_loop3A_423 : i32
        %parallel_loop3A_425 = arith.constant 0 : i32
        %parallel_loop3A_426 = arith.cmpi slt, %parallel_loop3A_422, %parallel_loop3A_425 : i32
        %parallel_loop3A_427 = arith.constant 0 : i32
        %parallel_loop3A_428 = arith.cmpi slt, %parallel_loop3A_421, %parallel_loop3A_427 : i32
        %parallel_loop3A_429 = arith.xori %parallel_loop3A_426, %parallel_loop3A_428 : i1
        %parallel_loop3A_430 = arith.andi %parallel_loop3A_429, %parallel_loop3A_424 : i1
        %parallel_loop3A_431 = arith.addi %parallel_loop3A_422, %parallel_loop3A_421 : i32
        %parallel_loop3A_432 = arith.select %parallel_loop3A_430, %parallel_loop3A_431, %parallel_loop3A_422 : i32
        %parallel_loop3A_433 = arith.index_cast %parallel_loop3A_416 : i32 to index
        %parallel_loop3A_434 = arith.index_cast %parallel_loop3A_432 : i32 to index
        %parallel_loop3A_435 = arith.constant 80 : index
        %parallel_loop3A_436 = tpu.vector_load %arg5[%parallel_loop3A_433, %parallel_loop3A_434, %parallel_loop3A_435] {strides = array<i32>} : memref<4x8x128xf32, #tpu.memory_space<vmem>>, vector<16xf32>,
        %parallel_loop3A_437 = arith.constant 2640 : i32
        %parallel_loop3A_438 = arith.addi %parallel_loop3A_437, %parallel_loop3A_152 : i32
        %parallel_loop3A_439 = vector.broadcast %parallel_loop3A_438 : i32 to vector<16xi32>
        %parallel_loop3A_440 = arith.addi %mul3A_3, %parallel_loop3A_439 : vector<16xi32>
        tpu.vector_store_idx %arg6[%parallel_loop3A_440], %parallel_loop3A_436 : memref<4224xf32, #tpu.memory_space<vmem>>[vector<16xi32>], vector<16xf32>,
        %parallel_loop3A_441 = arith.constant 8 : i32
        %parallel_loop3A_442 = arith.divsi %parallel_loop3A_152, %parallel_loop3A_441 : i32
        %parallel_loop3A_443 = arith.constant 0 : i32
        %parallel_loop3A_444 = arith.cmpi sgt, %parallel_loop3A_152, %parallel_loop3A_443 : i32
        %parallel_loop3A_445 = arith.extui %parallel_loop3A_444 : i1 to i32
        %parallel_loop3A_446 = arith.constant 0 : i32
        %parallel_loop3A_447 = arith.cmpi slt, %parallel_loop3A_152, %parallel_loop3A_446 : i32
        %parallel_loop3A_448 = arith.extui %parallel_loop3A_447 : i1 to i32
        %parallel_loop3A_449 = arith.subi %parallel_loop3A_445, %parallel_loop3A_448 : i32
        %parallel_loop3A_450 = arith.constant 0 : i32
        %parallel_loop3A_451 = arith.cmpi sgt, %parallel_loop3A_441, %parallel_loop3A_450 : i32
        %parallel_loop3A_452 = arith.extui %parallel_loop3A_451 : i1 to i32
        %parallel_loop3A_453 = arith.constant 0 : i32
        %parallel_loop3A_454 = arith.cmpi slt, %parallel_loop3A_441, %parallel_loop3A_453 : i32
        %parallel_loop3A_455 = arith.extui %parallel_loop3A_454 : i1 to i32
        %parallel_loop3A_456 = arith.subi %parallel_loop3A_452, %parallel_loop3A_455 : i32
        %parallel_loop3A_457 = arith.cmpi ne, %parallel_loop3A_449, %parallel_loop3A_456 : i32
        %parallel_loop3A_458 = arith.remsi %parallel_loop3A_152, %parallel_loop3A_441 : i32
        %parallel_loop3A_459 = arith.constant 0 : i32
        %parallel_loop3A_460 = arith.cmpi ne, %parallel_loop3A_458, %parallel_loop3A_459 : i32
        %parallel_loop3A_461 = arith.andi %parallel_loop3A_457, %parallel_loop3A_460 : i1
        %parallel_loop3A_462 = arith.constant 1 : i32
        %parallel_loop3A_463 = arith.subi %parallel_loop3A_442, %parallel_loop3A_462 : i32
        %parallel_loop3A_464 = arith.select %parallel_loop3A_461, %parallel_loop3A_463, %parallel_loop3A_442 : i32
        %parallel_loop3A_465 = arith.constant 8 : i32
        %parallel_loop3A_466 = arith.constant 0 : i32
        %parallel_loop3A_467 = arith.cmpi eq, %parallel_loop3A_465, %parallel_loop3A_466 : i32
        %parallel_loop3A_468 = arith.constant 1 : i32
        %parallel_loop3A_469 = arith.select %parallel_loop3A_467, %parallel_loop3A_468, %parallel_loop3A_465 : i32
        %parallel_loop3A_470 = arith.remsi %parallel_loop3A_152, %parallel_loop3A_469 : i32
        %parallel_loop3A_471 = arith.constant 0 : i32
        %parallel_loop3A_472 = arith.cmpi ne, %parallel_loop3A_470, %parallel_loop3A_471 : i32
        %parallel_loop3A_473 = arith.constant 0 : i32
        %parallel_loop3A_474 = arith.cmpi slt, %parallel_loop3A_470, %parallel_loop3A_473 : i32
        %parallel_loop3A_475 = arith.constant 0 : i32
        %parallel_loop3A_476 = arith.cmpi slt, %parallel_loop3A_469, %parallel_loop3A_475 : i32
        %parallel_loop3A_477 = arith.xori %parallel_loop3A_474, %parallel_loop3A_476 : i1
        %parallel_loop3A_478 = arith.andi %parallel_loop3A_477, %parallel_loop3A_472 : i1
        %parallel_loop3A_479 = arith.addi %parallel_loop3A_470, %parallel_loop3A_469 : i32
        %parallel_loop3A_480 = arith.select %parallel_loop3A_478, %parallel_loop3A_479, %parallel_loop3A_470 : i32
        %parallel_loop3A_481 = arith.index_cast %parallel_loop3A_464 : i32 to index
        %parallel_loop3A_482 = arith.index_cast %parallel_loop3A_480 : i32 to index
        %parallel_loop3A_483 = arith.constant 96 : index
        %parallel_loop3A_484 = tpu.vector_load %arg5[%parallel_loop3A_481, %parallel_loop3A_482, %parallel_loop3A_483] {strides = array<i32>} : memref<4x8x128xf32, #tpu.memory_space<vmem>>, vector<16xf32>,
        %parallel_loop3A_485 = arith.constant 3168 : i32
        %parallel_loop3A_486 = arith.addi %parallel_loop3A_485, %parallel_loop3A_152 : i32
        %parallel_loop3A_487 = vector.broadcast %parallel_loop3A_486 : i32 to vector<16xi32>
        %parallel_loop3A_488 = arith.addi %mul3A_3, %parallel_loop3A_487 : vector<16xi32>
        tpu.vector_store_idx %arg6[%parallel_loop3A_488], %parallel_loop3A_484 : memref<4224xf32, #tpu.memory_space<vmem>>[vector<16xi32>], vector<16xf32>,
        %parallel_loop3A_489 = arith.constant 8 : i32
        %parallel_loop3A_490 = arith.divsi %parallel_loop3A_152, %parallel_loop3A_489 : i32
        %parallel_loop3A_491 = arith.constant 0 : i32
        %parallel_loop3A_492 = arith.cmpi sgt, %parallel_loop3A_152, %parallel_loop3A_491 : i32
        %parallel_loop3A_493 = arith.extui %parallel_loop3A_492 : i1 to i32
        %parallel_loop3A_494 = arith.constant 0 : i32
        %parallel_loop3A_495 = arith.cmpi slt, %parallel_loop3A_152, %parallel_loop3A_494 : i32
        %parallel_loop3A_496 = arith.extui %parallel_loop3A_495 : i1 to i32
        %parallel_loop3A_497 = arith.subi %parallel_loop3A_493, %parallel_loop3A_496 : i32
        %parallel_loop3A_498 = arith.constant 0 : i32
        %parallel_loop3A_499 = arith.cmpi sgt, %parallel_loop3A_489, %parallel_loop3A_498 : i32
        %parallel_loop3A_500 = arith.extui %parallel_loop3A_499 : i1 to i32
        %parallel_loop3A_501 = arith.constant 0 : i32
        %parallel_loop3A_502 = arith.cmpi slt, %parallel_loop3A_489, %parallel_loop3A_501 : i32
        %parallel_loop3A_503 = arith.extui %parallel_loop3A_502 : i1 to i32
        %parallel_loop3A_504 = arith.subi %parallel_loop3A_500, %parallel_loop3A_503 : i32
        %parallel_loop3A_505 = arith.cmpi ne, %parallel_loop3A_497, %parallel_loop3A_504 : i32
        %parallel_loop3A_506 = arith.remsi %parallel_loop3A_152, %parallel_loop3A_489 : i32
        %parallel_loop3A_507 = arith.constant 0 : i32
        %parallel_loop3A_508 = arith.cmpi ne, %parallel_loop3A_506, %parallel_loop3A_507 : i32
        %parallel_loop3A_509 = arith.andi %parallel_loop3A_505, %parallel_loop3A_508 : i1
        %parallel_loop3A_510 = arith.constant 1 : i32
        %parallel_loop3A_511 = arith.subi %parallel_loop3A_490, %parallel_loop3A_510 : i32
        %parallel_loop3A_512 = arith.select %parallel_loop3A_509, %parallel_loop3A_511, %parallel_loop3A_490 : i32
        %parallel_loop3A_513 = arith.constant 8 : i32
        %parallel_loop3A_514 = arith.constant 0 : i32
        %parallel_loop3A_515 = arith.cmpi eq, %parallel_loop3A_513, %parallel_loop3A_514 : i32
        %parallel_loop3A_516 = arith.constant 1 : i32
        %parallel_loop3A_517 = arith.select %parallel_loop3A_515, %parallel_loop3A_516, %parallel_loop3A_513 : i32
        %parallel_loop3A_518 = arith.remsi %parallel_loop3A_152, %parallel_loop3A_517 : i32
        %parallel_loop3A_519 = arith.constant 0 : i32
        %parallel_loop3A_520 = arith.cmpi ne, %parallel_loop3A_518, %parallel_loop3A_519 : i32
        %parallel_loop3A_521 = arith.constant 0 : i32
        %parallel_loop3A_522 = arith.cmpi slt, %parallel_loop3A_518, %parallel_loop3A_521 : i32
        %parallel_loop3A_523 = arith.constant 0 : i32
        %parallel_loop3A_524 = arith.cmpi slt, %parallel_loop3A_517, %parallel_loop3A_523 : i32
        %parallel_loop3A_525 = arith.xori %parallel_loop3A_522, %parallel_loop3A_524 : i1
        %parallel_loop3A_526 = arith.andi %parallel_loop3A_525, %parallel_loop3A_520 : i1
        %parallel_loop3A_527 = arith.addi %parallel_loop3A_518, %parallel_loop3A_517 : i32
        %parallel_loop3A_528 = arith.select %parallel_loop3A_526, %parallel_loop3A_527, %parallel_loop3A_518 : i32
        %parallel_loop3A_529 = arith.index_cast %parallel_loop3A_512 : i32 to index
        %parallel_loop3A_530 = arith.index_cast %parallel_loop3A_528 : i32 to index
        %parallel_loop3A_531 = arith.constant 112 : index
        %parallel_loop3A_532 = tpu.vector_load %arg5[%parallel_loop3A_529, %parallel_loop3A_530, %parallel_loop3A_531] {strides = array<i32>} : memref<4x8x128xf32, #tpu.memory_space<vmem>>, vector<16xf32>,
        %parallel_loop3A_533 = arith.constant 3696 : i32
        %parallel_loop3A_534 = arith.addi %parallel_loop3A_533, %parallel_loop3A_152 : i32
        %parallel_loop3A_535 = vector.broadcast %parallel_loop3A_534 : i32 to vector<16xi32>
        %parallel_loop3A_536 = arith.addi %mul3A_3, %parallel_loop3A_535 : vector<16xi32>
        tpu.vector_store_idx %arg6[%parallel_loop3A_536], %parallel_loop3A_532 : memref<4224xf32, #tpu.memory_space<vmem>>[vector<16xi32>], vector<16xf32>,
      } {sc.loop_unroll_factor = 4 : i64, sc.parallel_access}
      %parallel_loop3A_147 = arith.constant 0 : i32
      %parallel_loop3A_148 = arith.constant 128 : i32
      %parallel_loop3A_149 = arith.constant 1 : i32
      scf.for %parallel_loop3A_152 = %parallel_loop3A_147 to %parallel_loop3A_148 step %parallel_loop3A_149  : i32 {
        %parallel_loop3A_153 = arith.constant 33 : i32
        %parallel_loop3A_154 = arith.muli %parallel_loop3A_152, %parallel_loop3A_153 : i32
        %parallel_loop3A_155 = arith.constant 0 : i32
        %parallel_loop3A_156 = arith.addi %parallel_loop3A_154, %parallel_loop3A_155 : i32
        %parallel_loop3A_157 = arith.index_cast %parallel_loop3A_156 : i32 to index
        %parallel_loop3A_158 = tpu.vector_load %arg6[%parallel_loop3A_157] {strides = array<i32>} : memref<4224xf32, #tpu.memory_space<vmem>>, vector<16xf32>,
        %parallel_loop3A_159 = arith.constant 32 : i32
        %parallel_loop3A_160 = arith.muli %parallel_loop3A_152, %parallel_loop3A_159 : i32
        %parallel_loop3A_161 = arith.constant 0 : i32
        %parallel_loop3A_162 = arith.addi %parallel_loop3A_160, %parallel_loop3A_161 : i32
        %parallel_loop3A_163 = arith.index_cast %parallel_loop3A_162 : i32 to index
        %parallel_loop3A_164 = tpu.vector_load %arg7[%parallel_loop3A_163] {strides = array<i32>} : memref<4096xf32, #tpu.memory_space<vmem>>, vector<16xf32>,
        tpu.vector_store %arg7[%parallel_loop3A_163], %parallel_loop3A_158 {strides = array<i32>} : memref<4096xf32, #tpu.memory_space<vmem>>, vector<16xf32>,
        %parallel_loop3A_165 = arith.constant 33 : i32
        %parallel_loop3A_166 = arith.muli %parallel_loop3A_152, %parallel_loop3A_165 : i32
        %parallel_loop3A_167 = arith.constant 16 : i32
        %parallel_loop3A_168 = arith.addi %parallel_loop3A_166, %parallel_loop3A_167 : i32
        %parallel_loop3A_169 = arith.index_cast %parallel_loop3A_168 : i32 to index
        %parallel_loop3A_170 = tpu.vector_load %arg6[%parallel_loop3A_169] {strides = array<i32>} : memref<4224xf32, #tpu.memory_space<vmem>>, vector<16xf32>,
        %parallel_loop3A_171 = arith.constant 32 : i32
        %parallel_loop3A_172 = arith.muli %parallel_loop3A_152, %parallel_loop3A_171 : i32
        %parallel_loop3A_173 = arith.constant 16 : i32
        %parallel_loop3A_174 = arith.addi %parallel_loop3A_172, %parallel_loop3A_173 : i32
        %parallel_loop3A_175 = arith.index_cast %parallel_loop3A_174 : i32 to index
        %parallel_loop3A_176 = tpu.vector_load %arg7[%parallel_loop3A_175] {strides = array<i32>} : memref<4096xf32, #tpu.memory_space<vmem>>, vector<16xf32>,
        tpu.vector_store %arg7[%parallel_loop3A_175], %parallel_loop3A_170 {strides = array<i32>} : memref<4096xf32, #tpu.memory_space<vmem>>, vector<16xf32>,
      } {sc.loop_unroll_factor = 4 : i64, sc.parallel_access}
      %mul3A_150 = arith.constant 32 : i32
      %mul3A_151 = arith.muli %multiple_of3A, %mul3A_150 : i32
      "tpu.region"() ({
        %run_scoped3A = tpu.sem_alloc : memref<!tpu.dma_semaphore, #tpu.memory_space<semaphore_mem>>
        %dma_start3A_152 = tpu.memref_slice %arg4[%mul3A_151] : memref<32000000xf32, #tpu.memory_space<hbm>> -> memref<4096xf32, #tpu.memory_space<hbm>>
        %dma_start3A_153 = tpu.memref_slice %arg4[%mul3A_151] : memref<32000000xf32, #tpu.memory_space<hbm>> -> memref<4096xf32, #tpu.memory_space<hbm>>
        tpu.enqueue_dma source(%arg7 : memref<4096xf32, #tpu.memory_space<vmem>>) target(%dma_start3A_153 : memref<4096xf32, #tpu.memory_space<hbm>>) target_semaphore(%run_scoped3A : memref<!tpu.dma_semaphore, #tpu.memory_space<semaphore_mem>>)
        %dma_wait3A_154 = tpu.memref_slice %arg4[%mul3A_151] : memref<32000000xf32, #tpu.memory_space<hbm>> -> memref<4096xf32, #tpu.memory_space<hbm>>
        %dma_wait3A_155 = tpu.memref_slice %arg4[%mul3A_151] : memref<32000000xf32, #tpu.memory_space<hbm>> -> memref<4096xf32, #tpu.memory_space<hbm>>
        tpu.wait_dma2 semaphore(%run_scoped3A : memref<!tpu.dma_semaphore, #tpu.memory_space<semaphore_mem>>) src(%arg7 : memref<4096xf32, #tpu.memory_space<vmem>>) dst(%dma_wait3A_155 : memref<4096xf32, #tpu.memory_space<hbm>>)
        tpu.yield
      }) : () -> ()
    }
    return
  }
}

#map = affine_map<(d0, d1) -> (0)>
#map1 = affine_map<(d0, d1) -> (0, 0)>
#map2 = affine_map<(d0, d1) -> (0, 0, 0)>
module attributes {stable_mosaic.version = 14 : i64} {
  func.func @gather_kernel(%arg0: i32, %arg1: i32, %arg2: memref<1638400xi32, #tpu.memory_space<hbm>>, %arg3: memref<1000000x32xf32, #tpu.memory_space<hbm>>, %arg4: memref<100x32x16384xf32, #tpu.memory_space<hbm>>, %arg5: memref<5120xi32, #tpu.memory_space<vmem>>, %arg6: memref<2x512x32xf32, #tpu.memory_space<vmem>>, %arg7: memref<2x32x513xf32, #tpu.memory_space<vmem>>, %arg8: memref<!tpu.dma_semaphore, #tpu.memory_space<semaphore_mem>>, %arg9: memref<!tpu.dma_semaphore, #tpu.memory_space<semaphore_mem>>, %arg10: memref<!tpu.dma_semaphore, #tpu.memory_space<semaphore_mem>>) attributes {dimension_semantics = [#tpu.dimension_semantics<core_parallel>, #tpu.dimension_semantics<subcore_parallel>], iteration_bounds = array<i64: 2, 16>, scalar_prefetch = 0 : i64, scratch_operands = 6 : i64, tpu.core_type = #tpu.core_type<sc_vector_subcore>, window_params = [{transform_indices = #map}, {transform_indices = #map1}, {transform_indices = #map2}]} {
    %mul3A = arith.constant 2 : i32
    %mul3A_0 = arith.muli %arg1, %mul3A : i32
    %add3A = arith.addi %mul3A_0, %arg0 : i32
    %mul3A_1 = arith.constant 100 : i32
    %mul3A_2 = arith.muli %add3A, %mul3A_1 : i32
    %iota3A = tpu.iota {dimensions = array<i32: 0>} : vector<16xi32>
    %add3A_3 = arith.constant 16 : i32
    %add3A_4 = vector.broadcast %add3A_3 : i32 to vector<16xi32>
    %add3A_5 = arith.addi %iota3A, %add3A_4 : vector<16xi32>
    %scan3A = arith.constant 0 : i32
    %scan3A_6 = arith.constant 0 : i32
    %scan3A_7 = arith.constant 10 : i32
    %scan3A_8 = arith.addi %scan3A_6, %scan3A_7 : i32
    %scan3A_9 = arith.constant 1 : i32
    scf.for %scan3A_11 = %scan3A_6 to %scan3A_8 step %scan3A_9  : i32 {
      %mul3A_12 = arith.constant 10 : i32
      %mul3A_13 = arith.muli %scan3A_11, %mul3A_12 : i32
      %add3A_14 = arith.addi %mul3A_2, %mul3A_13 : i32
      %mul3A_15 = arith.constant 512 : i32
      %mul3A_16 = arith.muli %add3A_14, %mul3A_15 : i32
      "tpu.region"() ({
        %run_scoped3A = tpu.sem_alloc : memref<!tpu.dma_semaphore, #tpu.memory_space<semaphore_mem>>
        %dma_start3A_974 = tpu.memref_slice %arg2[%mul3A_16] : memref<1638400xi32, #tpu.memory_space<hbm>> -> memref<5120xi32, #tpu.memory_space<hbm>>
        %dma_start3A_975 = tpu.memref_slice %arg2[%mul3A_16] : memref<1638400xi32, #tpu.memory_space<hbm>> -> memref<5120xi32, #tpu.memory_space<hbm>>
        tpu.enqueue_dma source(%dma_start3A_975 : memref<5120xi32, #tpu.memory_space<hbm>>) target(%arg5 : memref<5120xi32, #tpu.memory_space<vmem>>) target_semaphore(%run_scoped3A : memref<!tpu.dma_semaphore, #tpu.memory_space<semaphore_mem>>)
        %dma_wait3A_976 = tpu.memref_slice %arg2[%mul3A_16] : memref<1638400xi32, #tpu.memory_space<hbm>> -> memref<5120xi32, #tpu.memory_space<hbm>>
        %dma_wait3A_977 = tpu.memref_slice %arg2[%mul3A_16] : memref<1638400xi32, #tpu.memory_space<hbm>> -> memref<5120xi32, #tpu.memory_space<hbm>>
        tpu.wait_dma2 semaphore(%run_scoped3A : memref<!tpu.dma_semaphore, #tpu.memory_space<semaphore_mem>>) src(%dma_wait3A_977 : memref<5120xi32, #tpu.memory_space<hbm>>) dst(%arg5 : memref<5120xi32, #tpu.memory_space<vmem>>)
        tpu.yield
      }) : () -> ()
      %dma_start3A = arith.constant 0 : i32
      %dma_start3A_17 = arith.constant 0 : i32
      %dma_start3A_18 = arith.constant 0 : i32
      %dma_start3A_19 = tpu.memref_slice %arg6[%dma_start3A, %dma_start3A_17, %dma_start3A_18] : memref<2x512x32xf32, #tpu.memory_space<vmem>> -> memref<1x512x32xf32, #tpu.memory_space<vmem>>
      %dma_start3A_20 = tpu.memref_squeeze %dma_start3A_19 : memref<1x512x32xf32, #tpu.memory_space<vmem>> -> memref<512x32xf32, #tpu.memory_space<vmem>>
      %dma_start3A_21 = arith.constant 0 : i32
      %dma_start3A_22 = tpu.memref_slice %arg5[%dma_start3A_21] : memref<5120xi32, #tpu.memory_space<vmem>> -> memref<512xi32, #tpu.memory_space<vmem>>
      %dma_start3A_23 = arith.constant 0 : i32
      %dma_start3A_24 = arith.constant 0 : i32
      %dma_start3A_25 = tpu.memref_slice %arg3[%dma_start3A_23, %dma_start3A_24] : memref<1000000x32xf32, #tpu.memory_space<hbm>> -> memref<1000000x32xf32, #tpu.memory_space<hbm>>
      tpu.enqueue_indirect_dma source(%dma_start3A_25 : memref<1000000x32xf32, #tpu.memory_space<hbm>>) target(%dma_start3A_20 : memref<512x32xf32, #tpu.memory_space<vmem>>) offsets(%dma_start3A_22 : memref<512xi32, #tpu.memory_space<vmem>>) semaphore(%arg8 : memref<!tpu.dma_semaphore, #tpu.memory_space<semaphore_mem>>)
      %dma_start3A_26 = arith.constant 1 : i32
      %dma_start3A_27 = arith.constant 0 : i32
      %dma_start3A_28 = arith.constant 0 : i32
      %dma_start3A_29 = tpu.memref_slice %arg6[%dma_start3A_26, %dma_start3A_27, %dma_start3A_28] : memref<2x512x32xf32, #tpu.memory_space<vmem>> -> memref<1x512x32xf32, #tpu.memory_space<vmem>>
      %dma_start3A_30 = tpu.memref_squeeze %dma_start3A_29 : memref<1x512x32xf32, #tpu.memory_space<vmem>> -> memref<512x32xf32, #tpu.memory_space<vmem>>
      %dma_start3A_31 = arith.constant 512 : i32
      %dma_start3A_32 = tpu.memref_slice %arg5[%dma_start3A_31] : memref<5120xi32, #tpu.memory_space<vmem>> -> memref<512xi32, #tpu.memory_space<vmem>>
      %dma_start3A_33 = arith.constant 0 : i32
      %dma_start3A_34 = arith.constant 0 : i32
      %dma_start3A_35 = tpu.memref_slice %arg3[%dma_start3A_33, %dma_start3A_34] : memref<1000000x32xf32, #tpu.memory_space<hbm>> -> memref<1000000x32xf32, #tpu.memory_space<hbm>>
      tpu.enqueue_indirect_dma source(%dma_start3A_35 : memref<1000000x32xf32, #tpu.memory_space<hbm>>) target(%dma_start3A_30 : memref<512x32xf32, #tpu.memory_space<vmem>>) offsets(%dma_start3A_32 : memref<512xi32, #tpu.memory_space<vmem>>) semaphore(%arg9 : memref<!tpu.dma_semaphore, #tpu.memory_space<semaphore_mem>>)
      %dma_wait3A = arith.constant 0 : i32
      %dma_wait3A_36 = arith.constant 0 : i32
      %dma_wait3A_37 = arith.constant 0 : i32
      %dma_wait3A_38 = tpu.memref_slice %arg6[%dma_wait3A, %dma_wait3A_36, %dma_wait3A_37] : memref<2x512x32xf32, #tpu.memory_space<vmem>> -> memref<1x512x32xf32, #tpu.memory_space<vmem>>
      %dma_wait3A_39 = tpu.memref_squeeze %dma_wait3A_38 : memref<1x512x32xf32, #tpu.memory_space<vmem>> -> memref<512x32xf32, #tpu.memory_space<vmem>>
      %dma_wait3A_40 = arith.constant 0 : i32
      %dma_wait3A_41 = tpu.memref_slice %arg5[%dma_wait3A_40] : memref<5120xi32, #tpu.memory_space<vmem>> -> memref<512xi32, #tpu.memory_space<vmem>>
      %dma_wait3A_42 = arith.constant 0 : i32
      %dma_wait3A_43 = arith.constant 0 : i32
      %dma_wait3A_44 = tpu.memref_slice %arg3[%dma_wait3A_42, %dma_wait3A_43] : memref<1000000x32xf32, #tpu.memory_space<hbm>> -> memref<1000000x32xf32, #tpu.memory_space<hbm>>
      tpu.wait_indirect_dma semaphore(%arg8 : memref<!tpu.dma_semaphore, #tpu.memory_space<semaphore_mem>>) src(%dma_wait3A_44 : memref<1000000x32xf32, #tpu.memory_space<hbm>>) dst(%dma_wait3A_39 : memref<512x32xf32, #tpu.memory_space<vmem>>)
      %parallel_loop3A = arith.constant 0 : i32
      %parallel_loop3A_45 = arith.constant 512 : i32
      %parallel_loop3A_46 = arith.constant 1 : i32
      scf.for %parallel_loop3A_974 = %parallel_loop3A to %parallel_loop3A_45 step %parallel_loop3A_46  : i32 {
        %parallel_loop3A_975 = arith.constant 0 : i32
        %parallel_loop3A_976 = vector.broadcast %parallel_loop3A_975 : i32 to vector<16xi32>
        %parallel_loop3A_977 = vector.broadcast %parallel_loop3A_974 : i32 to vector<16xi32>
        %parallel_loop3A_978 = arith.addi %parallel_loop3A_976, %parallel_loop3A_977 : vector<16xi32>
        %parallel_loop3A_979 = arith.constant 0 : i32
        %parallel_loop3A_980 = arith.index_cast %parallel_loop3A_979 : i32 to index
        %parallel_loop3A_981 = arith.index_cast %parallel_loop3A_974 : i32 to index
        %parallel_loop3A_982 = arith.constant 0 : index
        %parallel_loop3A_983 = tpu.vector_load %arg6[%parallel_loop3A_980, %parallel_loop3A_981, %parallel_loop3A_982] {strides = array<i32>} : memref<2x512x32xf32, #tpu.memory_space<vmem>>, vector<16xf32>,
        %parallel_loop3A_984 = arith.constant 0 : i32
        %parallel_loop3A_985 = arith.index_cast %parallel_loop3A_984 : i32 to index
        %parallel_loop3A_986 = arith.index_cast %parallel_loop3A_974 : i32 to index
        %parallel_loop3A_987 = arith.constant 16 : index
        %parallel_loop3A_988 = tpu.vector_load %arg6[%parallel_loop3A_985, %parallel_loop3A_986, %parallel_loop3A_987] {strides = array<i32>} : memref<2x512x32xf32, #tpu.memory_space<vmem>>, vector<16xf32>,
        %parallel_loop3A_989 = arith.constant 0 : i32
        %parallel_loop3A_990 = arith.constant 0 : i32
        %parallel_loop3A_991 = arith.constant 0 : i32
        %parallel_loop3A_992 = tpu.memref_slice %arg7[%parallel_loop3A_989, %parallel_loop3A_990, %parallel_loop3A_991] : memref<2x32x513xf32, #tpu.memory_space<vmem>> -> memref<1x32x513xf32, #tpu.memory_space<vmem>>
        %parallel_loop3A_993 = tpu.memref_squeeze %parallel_loop3A_992 : memref<1x32x513xf32, #tpu.memory_space<vmem>> -> memref<32x513xf32, #tpu.memory_space<vmem>>
        tpu.vector_store_idx %parallel_loop3A_993[%iota3A, %parallel_loop3A_978], %parallel_loop3A_983 : memref<32x513xf32, #tpu.memory_space<vmem>>[vector<16xi32>, vector<16xi32>], vector<16xf32>,
        %parallel_loop3A_994 = arith.constant 0 : i32
        %parallel_loop3A_995 = arith.constant 0 : i32
        %parallel_loop3A_996 = arith.constant 0 : i32
        %parallel_loop3A_997 = tpu.memref_slice %arg7[%parallel_loop3A_994, %parallel_loop3A_995, %parallel_loop3A_996] : memref<2x32x513xf32, #tpu.memory_space<vmem>> -> memref<1x32x513xf32, #tpu.memory_space<vmem>>
        %parallel_loop3A_998 = tpu.memref_squeeze %parallel_loop3A_997 : memref<1x32x513xf32, #tpu.memory_space<vmem>> -> memref<32x513xf32, #tpu.memory_space<vmem>>
        tpu.vector_store_idx %parallel_loop3A_998[%add3A_5, %parallel_loop3A_978], %parallel_loop3A_988 : memref<32x513xf32, #tpu.memory_space<vmem>>[vector<16xi32>, vector<16xi32>], vector<16xf32>,
      } {sc.loop_unroll_factor = 8 : i64, sc.parallel_access}
      %add3A_47 = arith.constant 0 : i32
      %add3A_48 = arith.addi %add3A_14, %add3A_47 : i32
      %jit3A = arith.constant 32 : i32
      %div3A = arith.divsi %add3A_48, %jit3A : i32
      %sign3A = arith.constant 0 : i32
      %sign3A_49 = arith.cmpi sgt, %add3A_48, %sign3A : i32
      %sign3A_50 = arith.extui %sign3A_49 : i1 to i32
      %sign3A_51 = arith.constant 0 : i32
      %sign3A_52 = arith.cmpi slt, %add3A_48, %sign3A_51 : i32
      %sign3A_53 = arith.extui %sign3A_52 : i1 to i32
      %sign3A_54 = arith.subi %sign3A_50, %sign3A_53 : i32
      %sign3A_55 = arith.constant 0 : i32
      %sign3A_56 = arith.cmpi sgt, %jit3A, %sign3A_55 : i32
      %sign3A_57 = arith.extui %sign3A_56 : i1 to i32
      %sign3A_58 = arith.constant 0 : i32
      %sign3A_59 = arith.cmpi slt, %jit3A, %sign3A_58 : i32
      %sign3A_60 = arith.extui %sign3A_59 : i1 to i32
      %sign3A_61 = arith.subi %sign3A_57, %sign3A_60 : i32
      %ne3A = arith.cmpi ne, %sign3A_54, %sign3A_61 : i32
      %rem3A = arith.remsi %add3A_48, %jit3A : i32
      %ne3A_62 = arith.constant 0 : i32
      %ne3A_63 = arith.cmpi ne, %rem3A, %ne3A_62 : i32
      %and3A = arith.andi %ne3A, %ne3A_63 : i1
      %sub3A = arith.constant 1 : i32
      %sub3A_64 = arith.subi %div3A, %sub3A : i32
      %select_n3A = arith.select %and3A, %sub3A_64, %div3A : i32
      %jit3A_65 = arith.constant 32 : i32
      %eq3A = arith.constant 0 : i32
      %eq3A_66 = arith.cmpi eq, %jit3A_65, %eq3A : i32
      %jit3A_67 = arith.constant 1 : i32
      %select_n3A_68 = arith.select %eq3A_66, %jit3A_67, %jit3A_65 : i32
      %rem3A_69 = arith.remsi %add3A_48, %select_n3A_68 : i32
      %ne3A_70 = arith.constant 0 : i32
      %ne3A_71 = arith.cmpi ne, %rem3A_69, %ne3A_70 : i32
      %lt3A = arith.constant 0 : i32
      %lt3A_72 = arith.cmpi slt, %rem3A_69, %lt3A : i32
      %lt3A_73 = arith.constant 0 : i32
      %lt3A_74 = arith.cmpi slt, %select_n3A_68, %lt3A_73 : i32
      %ne3A_75 = arith.xori %lt3A_72, %lt3A_74 : i1
      %and3A_76 = arith.andi %ne3A_75, %ne3A_71 : i1
      %add3A_77 = arith.addi %rem3A_69, %select_n3A_68 : i32
      %select_n3A_78 = arith.select %and3A_76, %add3A_77, %rem3A_69 : i32
      %mul3A_79 = arith.constant 512 : i32
      %mul3A_80 = arith.muli %select_n3A_78, %mul3A_79 : i32
      %dma_start3A_81 = arith.constant 0 : i32
      %dma_start3A_82 = arith.constant 0 : i32
      %dma_start3A_83 = arith.constant 0 : i32
      %dma_start3A_84 = tpu.memref_slice %arg7[%dma_start3A_81, %dma_start3A_82, %dma_start3A_83] : memref<2x32x513xf32, #tpu.memory_space<vmem>> -> memref<1x32x512xf32, #tpu.memory_space<vmem>>
      %dma_start3A_85 = tpu.memref_squeeze %dma_start3A_84 : memref<1x32x512xf32, #tpu.memory_space<vmem>> -> memref<32x512xf32, #tpu.memory_space<vmem>>
      %dma_start3A_86 = arith.constant 0 : i32
      %dma_start3A_87 = tpu.memref_slice %arg4[%select_n3A, %dma_start3A_86, %mul3A_80] : memref<100x32x16384xf32, #tpu.memory_space<hbm>> -> memref<1x32x512xf32, #tpu.memory_space<hbm>>
      %dma_start3A_88 = tpu.memref_squeeze %dma_start3A_87 : memref<1x32x512xf32, #tpu.memory_space<hbm>> -> memref<32x512xf32, #tpu.memory_space<hbm>>
      %dma_start3A_89 = arith.constant 0 : i32
      %dma_start3A_90 = tpu.memref_slice %arg4[%select_n3A, %dma_start3A_89, %mul3A_80] : memref<100x32x16384xf32, #tpu.memory_space<hbm>> -> memref<1x32x512xf32, #tpu.memory_space<hbm>>
      %dma_start3A_91 = tpu.memref_squeeze %dma_start3A_90 : memref<1x32x512xf32, #tpu.memory_space<hbm>> -> memref<32x512xf32, #tpu.memory_space<hbm>>
      %dma_start3A_92 = arith.constant 0 : i32
      %dma_start3A_93 = arith.constant 0 : i32
      %dma_start3A_94 = tpu.memref_slice %arg7[%dma_start3A_81, %dma_start3A_92, %dma_start3A_93] : memref<2x32x513xf32, #tpu.memory_space<vmem>> -> memref<1x32x512xf32, #tpu.memory_space<vmem>>
      %dma_start3A_95 = tpu.memref_squeeze %dma_start3A_94 : memref<1x32x512xf32, #tpu.memory_space<vmem>> -> memref<32x512xf32, #tpu.memory_space<vmem>>
      tpu.enqueue_dma source(%dma_start3A_95 : memref<32x512xf32, #tpu.memory_space<vmem>>) target(%dma_start3A_91 : memref<32x512xf32, #tpu.memory_space<hbm>>) target_semaphore(%arg10 : memref<!tpu.dma_semaphore, #tpu.memory_space<semaphore_mem>>)
      %dma_start3A_96 = arith.constant 0 : i32
      %dma_start3A_97 = arith.constant 0 : i32
      %dma_start3A_98 = arith.constant 0 : i32
      %dma_start3A_99 = tpu.memref_slice %arg6[%dma_start3A_96, %dma_start3A_97, %dma_start3A_98] : memref<2x512x32xf32, #tpu.memory_space<vmem>> -> memref<1x512x32xf32, #tpu.memory_space<vmem>>
      %dma_start3A_100 = tpu.memref_squeeze %dma_start3A_99 : memref<1x512x32xf32, #tpu.memory_space<vmem>> -> memref<512x32xf32, #tpu.memory_space<vmem>>
      %dma_start3A_101 = arith.constant 1024 : i32
      %dma_start3A_102 = tpu.memref_slice %arg5[%dma_start3A_101] : memref<5120xi32, #tpu.memory_space<vmem>> -> memref<512xi32, #tpu.memory_space<vmem>>
      %dma_start3A_103 = arith.constant 0 : i32
      %dma_start3A_104 = arith.constant 0 : i32
      %dma_start3A_105 = tpu.memref_slice %arg3[%dma_start3A_103, %dma_start3A_104] : memref<1000000x32xf32, #tpu.memory_space<hbm>> -> memref<1000000x32xf32, #tpu.memory_space<hbm>>
      tpu.enqueue_indirect_dma source(%dma_start3A_105 : memref<1000000x32xf32, #tpu.memory_space<hbm>>) target(%dma_start3A_100 : memref<512x32xf32, #tpu.memory_space<vmem>>) offsets(%dma_start3A_102 : memref<512xi32, #tpu.memory_space<vmem>>) semaphore(%arg8 : memref<!tpu.dma_semaphore, #tpu.memory_space<semaphore_mem>>)
      %dma_wait3A_106 = arith.constant 1 : i32
      %dma_wait3A_107 = arith.constant 0 : i32
      %dma_wait3A_108 = arith.constant 0 : i32
      %dma_wait3A_109 = tpu.memref_slice %arg6[%dma_wait3A_106, %dma_wait3A_107, %dma_wait3A_108] : memref<2x512x32xf32, #tpu.memory_space<vmem>> -> memref<1x512x32xf32, #tpu.memory_space<vmem>>
      %dma_wait3A_110 = tpu.memref_squeeze %dma_wait3A_109 : memref<1x512x32xf32, #tpu.memory_space<vmem>> -> memref<512x32xf32, #tpu.memory_space<vmem>>
      %dma_wait3A_111 = arith.constant 512 : i32
      %dma_wait3A_112 = tpu.memref_slice %arg5[%dma_wait3A_111] : memref<5120xi32, #tpu.memory_space<vmem>> -> memref<512xi32, #tpu.memory_space<vmem>>
      %dma_wait3A_113 = arith.constant 0 : i32
      %dma_wait3A_114 = arith.constant 0 : i32
      %dma_wait3A_115 = tpu.memref_slice %arg3[%dma_wait3A_113, %dma_wait3A_114] : memref<1000000x32xf32, #tpu.memory_space<hbm>> -> memref<1000000x32xf32, #tpu.memory_space<hbm>>
      tpu.wait_indirect_dma semaphore(%arg9 : memref<!tpu.dma_semaphore, #tpu.memory_space<semaphore_mem>>) src(%dma_wait3A_115 : memref<1000000x32xf32, #tpu.memory_space<hbm>>) dst(%dma_wait3A_110 : memref<512x32xf32, #tpu.memory_space<vmem>>)
      %parallel_loop3A_116 = arith.constant 0 : i32
      %parallel_loop3A_117 = arith.constant 512 : i32
      %parallel_loop3A_118 = arith.constant 1 : i32
      scf.for %parallel_loop3A_974 = %parallel_loop3A_116 to %parallel_loop3A_117 step %parallel_loop3A_118  : i32 {
        %parallel_loop3A_975 = arith.constant 0 : i32
        %parallel_loop3A_976 = vector.broadcast %parallel_loop3A_975 : i32 to vector<16xi32>
        %parallel_loop3A_977 = vector.broadcast %parallel_loop3A_974 : i32 to vector<16xi32>
        %parallel_loop3A_978 = arith.addi %parallel_loop3A_976, %parallel_loop3A_977 : vector<16xi32>
        %parallel_loop3A_979 = arith.constant 1 : i32
        %parallel_loop3A_980 = arith.index_cast %parallel_loop3A_979 : i32 to index
        %parallel_loop3A_981 = arith.index_cast %parallel_loop3A_974 : i32 to index
        %parallel_loop3A_982 = arith.constant 0 : index
        %parallel_loop3A_983 = tpu.vector_load %arg6[%parallel_loop3A_980, %parallel_loop3A_981, %parallel_loop3A_982] {strides = array<i32>} : memref<2x512x32xf32, #tpu.memory_space<vmem>>, vector<16xf32>,
        %parallel_loop3A_984 = arith.constant 1 : i32
        %parallel_loop3A_985 = arith.index_cast %parallel_loop3A_984 : i32 to index
        %parallel_loop3A_986 = arith.index_cast %parallel_loop3A_974 : i32 to index
        %parallel_loop3A_987 = arith.constant 16 : index
        %parallel_loop3A_988 = tpu.vector_load %arg6[%parallel_loop3A_985, %parallel_loop3A_986, %parallel_loop3A_987] {strides = array<i32>} : memref<2x512x32xf32, #tpu.memory_space<vmem>>, vector<16xf32>,
        %parallel_loop3A_989 = arith.constant 1 : i32
        %parallel_loop3A_990 = arith.constant 0 : i32
        %parallel_loop3A_991 = arith.constant 0 : i32
        %parallel_loop3A_992 = tpu.memref_slice %arg7[%parallel_loop3A_989, %parallel_loop3A_990, %parallel_loop3A_991] : memref<2x32x513xf32, #tpu.memory_space<vmem>> -> memref<1x32x513xf32, #tpu.memory_space<vmem>>
        %parallel_loop3A_993 = tpu.memref_squeeze %parallel_loop3A_992 : memref<1x32x513xf32, #tpu.memory_space<vmem>> -> memref<32x513xf32, #tpu.memory_space<vmem>>
        tpu.vector_store_idx %parallel_loop3A_993[%iota3A, %parallel_loop3A_978], %parallel_loop3A_983 : memref<32x513xf32, #tpu.memory_space<vmem>>[vector<16xi32>, vector<16xi32>], vector<16xf32>,
        %parallel_loop3A_994 = arith.constant 1 : i32
        %parallel_loop3A_995 = arith.constant 0 : i32
        %parallel_loop3A_996 = arith.constant 0 : i32
        %parallel_loop3A_997 = tpu.memref_slice %arg7[%parallel_loop3A_994, %parallel_loop3A_995, %parallel_loop3A_996] : memref<2x32x513xf32, #tpu.memory_space<vmem>> -> memref<1x32x513xf32, #tpu.memory_space<vmem>>
        %parallel_loop3A_998 = tpu.memref_squeeze %parallel_loop3A_997 : memref<1x32x513xf32, #tpu.memory_space<vmem>> -> memref<32x513xf32, #tpu.memory_space<vmem>>
        tpu.vector_store_idx %parallel_loop3A_998[%add3A_5, %parallel_loop3A_978], %parallel_loop3A_988 : memref<32x513xf32, #tpu.memory_space<vmem>>[vector<16xi32>, vector<16xi32>], vector<16xf32>,
      } {sc.loop_unroll_factor = 8 : i64, sc.parallel_access}
      %add3A_119 = arith.constant 1 : i32
      %add3A_120 = arith.addi %add3A_14, %add3A_119 : i32
      %jit3A_121 = arith.constant 32 : i32
      %div3A_122 = arith.divsi %add3A_120, %jit3A_121 : i32
      %sign3A_123 = arith.constant 0 : i32
      %sign3A_124 = arith.cmpi sgt, %add3A_120, %sign3A_123 : i32
      %sign3A_125 = arith.extui %sign3A_124 : i1 to i32
      %sign3A_126 = arith.constant 0 : i32
      %sign3A_127 = arith.cmpi slt, %add3A_120, %sign3A_126 : i32
      %sign3A_128 = arith.extui %sign3A_127 : i1 to i32
      %sign3A_129 = arith.subi %sign3A_125, %sign3A_128 : i32
      %sign3A_130 = arith.constant 0 : i32
      %sign3A_131 = arith.cmpi sgt, %jit3A_121, %sign3A_130 : i32
      %sign3A_132 = arith.extui %sign3A_131 : i1 to i32
      %sign3A_133 = arith.constant 0 : i32
      %sign3A_134 = arith.cmpi slt, %jit3A_121, %sign3A_133 : i32
      %sign3A_135 = arith.extui %sign3A_134 : i1 to i32
      %sign3A_136 = arith.subi %sign3A_132, %sign3A_135 : i32
      %ne3A_137 = arith.cmpi ne, %sign3A_129, %sign3A_136 : i32
      %rem3A_138 = arith.remsi %add3A_120, %jit3A_121 : i32
      %ne3A_139 = arith.constant 0 : i32
      %ne3A_140 = arith.cmpi ne, %rem3A_138, %ne3A_139 : i32
      %and3A_141 = arith.andi %ne3A_137, %ne3A_140 : i1
      %sub3A_142 = arith.constant 1 : i32
      %sub3A_143 = arith.subi %div3A_122, %sub3A_142 : i32
      %select_n3A_144 = arith.select %and3A_141, %sub3A_143, %div3A_122 : i32
      %jit3A_145 = arith.constant 32 : i32
      %eq3A_146 = arith.constant 0 : i32
      %eq3A_147 = arith.cmpi eq, %jit3A_145, %eq3A_146 : i32
      %jit3A_148 = arith.constant 1 : i32
      %select_n3A_149 = arith.select %eq3A_147, %jit3A_148, %jit3A_145 : i32
      %rem3A_150 = arith.remsi %add3A_120, %select_n3A_149 : i32
      %ne3A_151 = arith.constant 0 : i32
      %ne3A_152 = arith.cmpi ne, %rem3A_150, %ne3A_151 : i32
      %lt3A_153 = arith.constant 0 : i32
      %lt3A_154 = arith.cmpi slt, %rem3A_150, %lt3A_153 : i32
      %lt3A_155 = arith.constant 0 : i32
      %lt3A_156 = arith.cmpi slt, %select_n3A_149, %lt3A_155 : i32
      %ne3A_157 = arith.xori %lt3A_154, %lt3A_156 : i1
      %and3A_158 = arith.andi %ne3A_157, %ne3A_152 : i1
      %add3A_159 = arith.addi %rem3A_150, %select_n3A_149 : i32
      %select_n3A_160 = arith.select %and3A_158, %add3A_159, %rem3A_150 : i32
      %mul3A_161 = arith.constant 512 : i32
      %mul3A_162 = arith.muli %select_n3A_160, %mul3A_161 : i32
      %dma_start3A_163 = arith.constant 1 : i32
      %dma_start3A_164 = arith.constant 0 : i32
      %dma_start3A_165 = arith.constant 0 : i32
      %dma_start3A_166 = tpu.memref_slice %arg7[%dma_start3A_163, %dma_start3A_164, %dma_start3A_165] : memref<2x32x513xf32, #tpu.memory_space<vmem>> -> memref<1x32x512xf32, #tpu.memory_space<vmem>>
      %dma_start3A_167 = tpu.memref_squeeze %dma_start3A_166 : memref<1x32x512xf32, #tpu.memory_space<vmem>> -> memref<32x512xf32, #tpu.memory_space<vmem>>
      %dma_start3A_168 = arith.constant 0 : i32
      %dma_start3A_169 = tpu.memref_slice %arg4[%select_n3A_144, %dma_start3A_168, %mul3A_162] : memref<100x32x16384xf32, #tpu.memory_space<hbm>> -> memref<1x32x512xf32, #tpu.memory_space<hbm>>
      %dma_start3A_170 = tpu.memref_squeeze %dma_start3A_169 : memref<1x32x512xf32, #tpu.memory_space<hbm>> -> memref<32x512xf32, #tpu.memory_space<hbm>>
      %dma_start3A_171 = arith.constant 0 : i32
      %dma_start3A_172 = tpu.memref_slice %arg4[%select_n3A_144, %dma_start3A_171, %mul3A_162] : memref<100x32x16384xf32, #tpu.memory_space<hbm>> -> memref<1x32x512xf32, #tpu.memory_space<hbm>>
      %dma_start3A_173 = tpu.memref_squeeze %dma_start3A_172 : memref<1x32x512xf32, #tpu.memory_space<hbm>> -> memref<32x512xf32, #tpu.memory_space<hbm>>
      %dma_start3A_174 = arith.constant 0 : i32
      %dma_start3A_175 = arith.constant 0 : i32
      %dma_start3A_176 = tpu.memref_slice %arg7[%dma_start3A_163, %dma_start3A_174, %dma_start3A_175] : memref<2x32x513xf32, #tpu.memory_space<vmem>> -> memref<1x32x512xf32, #tpu.memory_space<vmem>>
      %dma_start3A_177 = tpu.memref_squeeze %dma_start3A_176 : memref<1x32x512xf32, #tpu.memory_space<vmem>> -> memref<32x512xf32, #tpu.memory_space<vmem>>
      tpu.enqueue_dma source(%dma_start3A_177 : memref<32x512xf32, #tpu.memory_space<vmem>>) target(%dma_start3A_173 : memref<32x512xf32, #tpu.memory_space<hbm>>) target_semaphore(%arg10 : memref<!tpu.dma_semaphore, #tpu.memory_space<semaphore_mem>>)
      %dma_start3A_178 = arith.constant 1 : i32
      %dma_start3A_179 = arith.constant 0 : i32
      %dma_start3A_180 = arith.constant 0 : i32
      %dma_start3A_181 = tpu.memref_slice %arg6[%dma_start3A_178, %dma_start3A_179, %dma_start3A_180] : memref<2x512x32xf32, #tpu.memory_space<vmem>> -> memref<1x512x32xf32, #tpu.memory_space<vmem>>
      %dma_start3A_182 = tpu.memref_squeeze %dma_start3A_181 : memref<1x512x32xf32, #tpu.memory_space<vmem>> -> memref<512x32xf32, #tpu.memory_space<vmem>>
      %dma_start3A_183 = arith.constant 1536 : i32
      %dma_start3A_184 = tpu.memref_slice %arg5[%dma_start3A_183] : memref<5120xi32, #tpu.memory_space<vmem>> -> memref<512xi32, #tpu.memory_space<vmem>>
      %dma_start3A_185 = arith.constant 0 : i32
      %dma_start3A_186 = arith.constant 0 : i32
      %dma_start3A_187 = tpu.memref_slice %arg3[%dma_start3A_185, %dma_start3A_186] : memref<1000000x32xf32, #tpu.memory_space<hbm>> -> memref<1000000x32xf32, #tpu.memory_space<hbm>>
      tpu.enqueue_indirect_dma source(%dma_start3A_187 : memref<1000000x32xf32, #tpu.memory_space<hbm>>) target(%dma_start3A_182 : memref<512x32xf32, #tpu.memory_space<vmem>>) offsets(%dma_start3A_184 : memref<512xi32, #tpu.memory_space<vmem>>) semaphore(%arg9 : memref<!tpu.dma_semaphore, #tpu.memory_space<semaphore_mem>>)
      %dma_wait3A_188 = arith.constant 0 : i32
      %dma_wait3A_189 = arith.constant 0 : i32
      %dma_wait3A_190 = arith.constant 0 : i32
      %dma_wait3A_191 = tpu.memref_slice %arg6[%dma_wait3A_188, %dma_wait3A_189, %dma_wait3A_190] : memref<2x512x32xf32, #tpu.memory_space<vmem>> -> memref<1x512x32xf32, #tpu.memory_space<vmem>>
      %dma_wait3A_192 = tpu.memref_squeeze %dma_wait3A_191 : memref<1x512x32xf32, #tpu.memory_space<vmem>> -> memref<512x32xf32, #tpu.memory_space<vmem>>
      %dma_wait3A_193 = arith.constant 1024 : i32
      %dma_wait3A_194 = tpu.memref_slice %arg5[%dma_wait3A_193] : memref<5120xi32, #tpu.memory_space<vmem>> -> memref<512xi32, #tpu.memory_space<vmem>>
      %dma_wait3A_195 = arith.constant 0 : i32
      %dma_wait3A_196 = arith.constant 0 : i32
      %dma_wait3A_197 = tpu.memref_slice %arg3[%dma_wait3A_195, %dma_wait3A_196] : memref<1000000x32xf32, #tpu.memory_space<hbm>> -> memref<1000000x32xf32, #tpu.memory_space<hbm>>
      tpu.wait_indirect_dma semaphore(%arg8 : memref<!tpu.dma_semaphore, #tpu.memory_space<semaphore_mem>>) src(%dma_wait3A_197 : memref<1000000x32xf32, #tpu.memory_space<hbm>>) dst(%dma_wait3A_192 : memref<512x32xf32, #tpu.memory_space<vmem>>)
      %dma_wait3A_198 = arith.constant 0 : i32
      %dma_wait3A_199 = arith.constant 0 : i32
      %dma_wait3A_200 = arith.constant 0 : i32
      %dma_wait3A_201 = tpu.memref_slice %arg7[%dma_wait3A_198, %dma_wait3A_199, %dma_wait3A_200] : memref<2x32x513xf32, #tpu.memory_space<vmem>> -> memref<1x32x512xf32, #tpu.memory_space<vmem>>
      %dma_wait3A_202 = tpu.memref_squeeze %dma_wait3A_201 : memref<1x32x512xf32, #tpu.memory_space<vmem>> -> memref<32x512xf32, #tpu.memory_space<vmem>>
      %dma_wait3A_203 = arith.constant 0 : i32
      %dma_wait3A_204 = tpu.memref_slice %arg4[%select_n3A, %dma_wait3A_203, %mul3A_80] : memref<100x32x16384xf32, #tpu.memory_space<hbm>> -> memref<1x32x512xf32, #tpu.memory_space<hbm>>
      %dma_wait3A_205 = tpu.memref_squeeze %dma_wait3A_204 : memref<1x32x512xf32, #tpu.memory_space<hbm>> -> memref<32x512xf32, #tpu.memory_space<hbm>>
      %dma_wait3A_206 = arith.constant 0 : i32
      %dma_wait3A_207 = tpu.memref_slice %arg4[%select_n3A, %dma_wait3A_206, %mul3A_80] : memref<100x32x16384xf32, #tpu.memory_space<hbm>> -> memref<1x32x512xf32, #tpu.memory_space<hbm>>
      %dma_wait3A_208 = tpu.memref_squeeze %dma_wait3A_207 : memref<1x32x512xf32, #tpu.memory_space<hbm>> -> memref<32x512xf32, #tpu.memory_space<hbm>>
      %dma_wait3A_209 = arith.constant 0 : i32
      %dma_wait3A_210 = arith.constant 0 : i32
      %dma_wait3A_211 = tpu.memref_slice %arg7[%dma_wait3A_198, %dma_wait3A_209, %dma_wait3A_210] : memref<2x32x513xf32, #tpu.memory_space<vmem>> -> memref<1x32x512xf32, #tpu.memory_space<vmem>>
      %dma_wait3A_212 = tpu.memref_squeeze %dma_wait3A_211 : memref<1x32x512xf32, #tpu.memory_space<vmem>> -> memref<32x512xf32, #tpu.memory_space<vmem>>
      tpu.wait_dma2 semaphore(%arg10 : memref<!tpu.dma_semaphore, #tpu.memory_space<semaphore_mem>>) src(%dma_wait3A_212 : memref<32x512xf32, #tpu.memory_space<vmem>>) dst(%dma_wait3A_208 : memref<32x512xf32, #tpu.memory_space<hbm>>)
      %parallel_loop3A_213 = arith.constant 0 : i32
      %parallel_loop3A_214 = arith.constant 512 : i32
      %parallel_loop3A_215 = arith.constant 1 : i32
      scf.for %parallel_loop3A_974 = %parallel_loop3A_213 to %parallel_loop3A_214 step %parallel_loop3A_215  : i32 {
        %parallel_loop3A_975 = arith.constant 0 : i32
        %parallel_loop3A_976 = vector.broadcast %parallel_loop3A_975 : i32 to vector<16xi32>
        %parallel_loop3A_977 = vector.broadcast %parallel_loop3A_974 : i32 to vector<16xi32>
        %parallel_loop3A_978 = arith.addi %parallel_loop3A_976, %parallel_loop3A_977 : vector<16xi32>
        %parallel_loop3A_979 = arith.constant 0 : i32
        %parallel_loop3A_980 = arith.index_cast %parallel_loop3A_979 : i32 to index
        %parallel_loop3A_981 = arith.index_cast %parallel_loop3A_974 : i32 to index
        %parallel_loop3A_982 = arith.constant 0 : index
        %parallel_loop3A_983 = tpu.vector_load %arg6[%parallel_loop3A_980, %parallel_loop3A_981, %parallel_loop3A_982] {strides = array<i32>} : memref<2x512x32xf32, #tpu.memory_space<vmem>>, vector<16xf32>,
        %parallel_loop3A_984 = arith.constant 0 : i32
        %parallel_loop3A_985 = arith.index_cast %parallel_loop3A_984 : i32 to index
        %parallel_loop3A_986 = arith.index_cast %parallel_loop3A_974 : i32 to index
        %parallel_loop3A_987 = arith.constant 16 : index
        %parallel_loop3A_988 = tpu.vector_load %arg6[%parallel_loop3A_985, %parallel_loop3A_986, %parallel_loop3A_987] {strides = array<i32>} : memref<2x512x32xf32, #tpu.memory_space<vmem>>, vector<16xf32>,
        %parallel_loop3A_989 = arith.constant 0 : i32
        %parallel_loop3A_990 = arith.constant 0 : i32
        %parallel_loop3A_991 = arith.constant 0 : i32
        %parallel_loop3A_992 = tpu.memref_slice %arg7[%parallel_loop3A_989, %parallel_loop3A_990, %parallel_loop3A_991] : memref<2x32x513xf32, #tpu.memory_space<vmem>> -> memref<1x32x513xf32, #tpu.memory_space<vmem>>
        %parallel_loop3A_993 = tpu.memref_squeeze %parallel_loop3A_992 : memref<1x32x513xf32, #tpu.memory_space<vmem>> -> memref<32x513xf32, #tpu.memory_space<vmem>>
        tpu.vector_store_idx %parallel_loop3A_993[%iota3A, %parallel_loop3A_978], %parallel_loop3A_983 : memref<32x513xf32, #tpu.memory_space<vmem>>[vector<16xi32>, vector<16xi32>], vector<16xf32>,
        %parallel_loop3A_994 = arith.constant 0 : i32
        %parallel_loop3A_995 = arith.constant 0 : i32
        %parallel_loop3A_996 = arith.constant 0 : i32
        %parallel_loop3A_997 = tpu.memref_slice %arg7[%parallel_loop3A_994, %parallel_loop3A_995, %parallel_loop3A_996] : memref<2x32x513xf32, #tpu.memory_space<vmem>> -> memref<1x32x513xf32, #tpu.memory_space<vmem>>
        %parallel_loop3A_998 = tpu.memref_squeeze %parallel_loop3A_997 : memref<1x32x513xf32, #tpu.memory_space<vmem>> -> memref<32x513xf32, #tpu.memory_space<vmem>>
        tpu.vector_store_idx %parallel_loop3A_998[%add3A_5, %parallel_loop3A_978], %parallel_loop3A_988 : memref<32x513xf32, #tpu.memory_space<vmem>>[vector<16xi32>, vector<16xi32>], vector<16xf32>,
      } {sc.loop_unroll_factor = 8 : i64, sc.parallel_access}
      %add3A_216 = arith.constant 2 : i32
      %add3A_217 = arith.addi %add3A_14, %add3A_216 : i32
      %jit3A_218 = arith.constant 32 : i32
      %div3A_219 = arith.divsi %add3A_217, %jit3A_218 : i32
      %sign3A_220 = arith.constant 0 : i32
      %sign3A_221 = arith.cmpi sgt, %add3A_217, %sign3A_220 : i32
      %sign3A_222 = arith.extui %sign3A_221 : i1 to i32
      %sign3A_223 = arith.constant 0 : i32
      %sign3A_224 = arith.cmpi slt, %add3A_217, %sign3A_223 : i32
      %sign3A_225 = arith.extui %sign3A_224 : i1 to i32
      %sign3A_226 = arith.subi %sign3A_222, %sign3A_225 : i32
      %sign3A_227 = arith.constant 0 : i32
      %sign3A_228 = arith.cmpi sgt, %jit3A_218, %sign3A_227 : i32
      %sign3A_229 = arith.extui %sign3A_228 : i1 to i32
      %sign3A_230 = arith.constant 0 : i32
      %sign3A_231 = arith.cmpi slt, %jit3A_218, %sign3A_230 : i32
      %sign3A_232 = arith.extui %sign3A_231 : i1 to i32
      %sign3A_233 = arith.subi %sign3A_229, %sign3A_232 : i32
      %ne3A_234 = arith.cmpi ne, %sign3A_226, %sign3A_233 : i32
      %rem3A_235 = arith.remsi %add3A_217, %jit3A_218 : i32
      %ne3A_236 = arith.constant 0 : i32
      %ne3A_237 = arith.cmpi ne, %rem3A_235, %ne3A_236 : i32
      %and3A_238 = arith.andi %ne3A_234, %ne3A_237 : i1
      %sub3A_239 = arith.constant 1 : i32
      %sub3A_240 = arith.subi %div3A_219, %sub3A_239 : i32
      %select_n3A_241 = arith.select %and3A_238, %sub3A_240, %div3A_219 : i32
      %jit3A_242 = arith.constant 32 : i32
      %eq3A_243 = arith.constant 0 : i32
      %eq3A_244 = arith.cmpi eq, %jit3A_242, %eq3A_243 : i32
      %jit3A_245 = arith.constant 1 : i32
      %select_n3A_246 = arith.select %eq3A_244, %jit3A_245, %jit3A_242 : i32
      %rem3A_247 = arith.remsi %add3A_217, %select_n3A_246 : i32
      %ne3A_248 = arith.constant 0 : i32
      %ne3A_249 = arith.cmpi ne, %rem3A_247, %ne3A_248 : i32
      %lt3A_250 = arith.constant 0 : i32
      %lt3A_251 = arith.cmpi slt, %rem3A_247, %lt3A_250 : i32
      %lt3A_252 = arith.constant 0 : i32
      %lt3A_253 = arith.cmpi slt, %select_n3A_246, %lt3A_252 : i32
      %ne3A_254 = arith.xori %lt3A_251, %lt3A_253 : i1
      %and3A_255 = arith.andi %ne3A_254, %ne3A_249 : i1
      %add3A_256 = arith.addi %rem3A_247, %select_n3A_246 : i32
      %select_n3A_257 = arith.select %and3A_255, %add3A_256, %rem3A_247 : i32
      %mul3A_258 = arith.constant 512 : i32
      %mul3A_259 = arith.muli %select_n3A_257, %mul3A_258 : i32
      %dma_start3A_260 = arith.constant 0 : i32
      %dma_start3A_261 = arith.constant 0 : i32
      %dma_start3A_262 = arith.constant 0 : i32
      %dma_start3A_263 = tpu.memref_slice %arg7[%dma_start3A_260, %dma_start3A_261, %dma_start3A_262] : memref<2x32x513xf32, #tpu.memory_space<vmem>> -> memref<1x32x512xf32, #tpu.memory_space<vmem>>
      %dma_start3A_264 = tpu.memref_squeeze %dma_start3A_263 : memref<1x32x512xf32, #tpu.memory_space<vmem>> -> memref<32x512xf32, #tpu.memory_space<vmem>>
      %dma_start3A_265 = arith.constant 0 : i32
      %dma_start3A_266 = tpu.memref_slice %arg4[%select_n3A_241, %dma_start3A_265, %mul3A_259] : memref<100x32x16384xf32, #tpu.memory_space<hbm>> -> memref<1x32x512xf32, #tpu.memory_space<hbm>>
      %dma_start3A_267 = tpu.memref_squeeze %dma_start3A_266 : memref<1x32x512xf32, #tpu.memory_space<hbm>> -> memref<32x512xf32, #tpu.memory_space<hbm>>
      %dma_start3A_268 = arith.constant 0 : i32
      %dma_start3A_269 = tpu.memref_slice %arg4[%select_n3A_241, %dma_start3A_268, %mul3A_259] : memref<100x32x16384xf32, #tpu.memory_space<hbm>> -> memref<1x32x512xf32, #tpu.memory_space<hbm>>
      %dma_start3A_270 = tpu.memref_squeeze %dma_start3A_269 : memref<1x32x512xf32, #tpu.memory_space<hbm>> -> memref<32x512xf32, #tpu.memory_space<hbm>>
      %dma_start3A_271 = arith.constant 0 : i32
      %dma_start3A_272 = arith.constant 0 : i32
      %dma_start3A_273 = tpu.memref_slice %arg7[%dma_start3A_260, %dma_start3A_271, %dma_start3A_272] : memref<2x32x513xf32, #tpu.memory_space<vmem>> -> memref<1x32x512xf32, #tpu.memory_space<vmem>>
      %dma_start3A_274 = tpu.memref_squeeze %dma_start3A_273 : memref<1x32x512xf32, #tpu.memory_space<vmem>> -> memref<32x512xf32, #tpu.memory_space<vmem>>
      tpu.enqueue_dma source(%dma_start3A_274 : memref<32x512xf32, #tpu.memory_space<vmem>>) target(%dma_start3A_270 : memref<32x512xf32, #tpu.memory_space<hbm>>) target_semaphore(%arg10 : memref<!tpu.dma_semaphore, #tpu.memory_space<semaphore_mem>>)
      %dma_start3A_275 = arith.constant 0 : i32
      %dma_start3A_276 = arith.constant 0 : i32
      %dma_start3A_277 = arith.constant 0 : i32
      %dma_start3A_278 = tpu.memref_slice %arg6[%dma_start3A_275, %dma_start3A_276, %dma_start3A_277] : memref<2x512x32xf32, #tpu.memory_space<vmem>> -> memref<1x512x32xf32, #tpu.memory_space<vmem>>
      %dma_start3A_279 = tpu.memref_squeeze %dma_start3A_278 : memref<1x512x32xf32, #tpu.memory_space<vmem>> -> memref<512x32xf32, #tpu.memory_space<vmem>>
      %dma_start3A_280 = arith.constant 2048 : i32
      %dma_start3A_281 = tpu.memref_slice %arg5[%dma_start3A_280] : memref<5120xi32, #tpu.memory_space<vmem>> -> memref<512xi32, #tpu.memory_space<vmem>>
      %dma_start3A_282 = arith.constant 0 : i32
      %dma_start3A_283 = arith.constant 0 : i32
      %dma_start3A_284 = tpu.memref_slice %arg3[%dma_start3A_282, %dma_start3A_283] : memref<1000000x32xf32, #tpu.memory_space<hbm>> -> memref<1000000x32xf32, #tpu.memory_space<hbm>>
      tpu.enqueue_indirect_dma source(%dma_start3A_284 : memref<1000000x32xf32, #tpu.memory_space<hbm>>) target(%dma_start3A_279 : memref<512x32xf32, #tpu.memory_space<vmem>>) offsets(%dma_start3A_281 : memref<512xi32, #tpu.memory_space<vmem>>) semaphore(%arg8 : memref<!tpu.dma_semaphore, #tpu.memory_space<semaphore_mem>>)
      %dma_wait3A_285 = arith.constant 1 : i32
      %dma_wait3A_286 = arith.constant 0 : i32
      %dma_wait3A_287 = arith.constant 0 : i32
      %dma_wait3A_288 = tpu.memref_slice %arg6[%dma_wait3A_285, %dma_wait3A_286, %dma_wait3A_287] : memref<2x512x32xf32, #tpu.memory_space<vmem>> -> memref<1x512x32xf32, #tpu.memory_space<vmem>>
      %dma_wait3A_289 = tpu.memref_squeeze %dma_wait3A_288 : memref<1x512x32xf32, #tpu.memory_space<vmem>> -> memref<512x32xf32, #tpu.memory_space<vmem>>
      %dma_wait3A_290 = arith.constant 1536 : i32
      %dma_wait3A_291 = tpu.memref_slice %arg5[%dma_wait3A_290] : memref<5120xi32, #tpu.memory_space<vmem>> -> memref<512xi32, #tpu.memory_space<vmem>>
      %dma_wait3A_292 = arith.constant 0 : i32
      %dma_wait3A_293 = arith.constant 0 : i32
      %dma_wait3A_294 = tpu.memref_slice %arg3[%dma_wait3A_292, %dma_wait3A_293] : memref<1000000x32xf32, #tpu.memory_space<hbm>> -> memref<1000000x32xf32, #tpu.memory_space<hbm>>
      tpu.wait_indirect_dma semaphore(%arg9 : memref<!tpu.dma_semaphore, #tpu.memory_space<semaphore_mem>>) src(%dma_wait3A_294 : memref<1000000x32xf32, #tpu.memory_space<hbm>>) dst(%dma_wait3A_289 : memref<512x32xf32, #tpu.memory_space<vmem>>)
      %dma_wait3A_295 = arith.constant 1 : i32
      %dma_wait3A_296 = arith.constant 0 : i32
      %dma_wait3A_297 = arith.constant 0 : i32
      %dma_wait3A_298 = tpu.memref_slice %arg7[%dma_wait3A_295, %dma_wait3A_296, %dma_wait3A_297] : memref<2x32x513xf32, #tpu.memory_space<vmem>> -> memref<1x32x512xf32, #tpu.memory_space<vmem>>
      %dma_wait3A_299 = tpu.memref_squeeze %dma_wait3A_298 : memref<1x32x512xf32, #tpu.memory_space<vmem>> -> memref<32x512xf32, #tpu.memory_space<vmem>>
      %dma_wait3A_300 = arith.constant 0 : i32
      %dma_wait3A_301 = tpu.memref_slice %arg4[%select_n3A_144, %dma_wait3A_300, %mul3A_162] : memref<100x32x16384xf32, #tpu.memory_space<hbm>> -> memref<1x32x512xf32, #tpu.memory_space<hbm>>
      %dma_wait3A_302 = tpu.memref_squeeze %dma_wait3A_301 : memref<1x32x512xf32, #tpu.memory_space<hbm>> -> memref<32x512xf32, #tpu.memory_space<hbm>>
      %dma_wait3A_303 = arith.constant 0 : i32
      %dma_wait3A_304 = tpu.memref_slice %arg4[%select_n3A_144, %dma_wait3A_303, %mul3A_162] : memref<100x32x16384xf32, #tpu.memory_space<hbm>> -> memref<1x32x512xf32, #tpu.memory_space<hbm>>
      %dma_wait3A_305 = tpu.memref_squeeze %dma_wait3A_304 : memref<1x32x512xf32, #tpu.memory_space<hbm>> -> memref<32x512xf32, #tpu.memory_space<hbm>>
      %dma_wait3A_306 = arith.constant 0 : i32
      %dma_wait3A_307 = arith.constant 0 : i32
      %dma_wait3A_308 = tpu.memref_slice %arg7[%dma_wait3A_295, %dma_wait3A_306, %dma_wait3A_307] : memref<2x32x513xf32, #tpu.memory_space<vmem>> -> memref<1x32x512xf32, #tpu.memory_space<vmem>>
      %dma_wait3A_309 = tpu.memref_squeeze %dma_wait3A_308 : memref<1x32x512xf32, #tpu.memory_space<vmem>> -> memref<32x512xf32, #tpu.memory_space<vmem>>
      tpu.wait_dma2 semaphore(%arg10 : memref<!tpu.dma_semaphore, #tpu.memory_space<semaphore_mem>>) src(%dma_wait3A_309 : memref<32x512xf32, #tpu.memory_space<vmem>>) dst(%dma_wait3A_305 : memref<32x512xf32, #tpu.memory_space<hbm>>)
      %parallel_loop3A_310 = arith.constant 0 : i32
      %parallel_loop3A_311 = arith.constant 512 : i32
      %parallel_loop3A_312 = arith.constant 1 : i32
      scf.for %parallel_loop3A_974 = %parallel_loop3A_310 to %parallel_loop3A_311 step %parallel_loop3A_312  : i32 {
        %parallel_loop3A_975 = arith.constant 0 : i32
        %parallel_loop3A_976 = vector.broadcast %parallel_loop3A_975 : i32 to vector<16xi32>
        %parallel_loop3A_977 = vector.broadcast %parallel_loop3A_974 : i32 to vector<16xi32>
        %parallel_loop3A_978 = arith.addi %parallel_loop3A_976, %parallel_loop3A_977 : vector<16xi32>
        %parallel_loop3A_979 = arith.constant 1 : i32
        %parallel_loop3A_980 = arith.index_cast %parallel_loop3A_979 : i32 to index
        %parallel_loop3A_981 = arith.index_cast %parallel_loop3A_974 : i32 to index
        %parallel_loop3A_982 = arith.constant 0 : index
        %parallel_loop3A_983 = tpu.vector_load %arg6[%parallel_loop3A_980, %parallel_loop3A_981, %parallel_loop3A_982] {strides = array<i32>} : memref<2x512x32xf32, #tpu.memory_space<vmem>>, vector<16xf32>,
        %parallel_loop3A_984 = arith.constant 1 : i32
        %parallel_loop3A_985 = arith.index_cast %parallel_loop3A_984 : i32 to index
        %parallel_loop3A_986 = arith.index_cast %parallel_loop3A_974 : i32 to index
        %parallel_loop3A_987 = arith.constant 16 : index
        %parallel_loop3A_988 = tpu.vector_load %arg6[%parallel_loop3A_985, %parallel_loop3A_986, %parallel_loop3A_987] {strides = array<i32>} : memref<2x512x32xf32, #tpu.memory_space<vmem>>, vector<16xf32>,
        %parallel_loop3A_989 = arith.constant 1 : i32
        %parallel_loop3A_990 = arith.constant 0 : i32
        %parallel_loop3A_991 = arith.constant 0 : i32
        %parallel_loop3A_992 = tpu.memref_slice %arg7[%parallel_loop3A_989, %parallel_loop3A_990, %parallel_loop3A_991] : memref<2x32x513xf32, #tpu.memory_space<vmem>> -> memref<1x32x513xf32, #tpu.memory_space<vmem>>
        %parallel_loop3A_993 = tpu.memref_squeeze %parallel_loop3A_992 : memref<1x32x513xf32, #tpu.memory_space<vmem>> -> memref<32x513xf32, #tpu.memory_space<vmem>>
        tpu.vector_store_idx %parallel_loop3A_993[%iota3A, %parallel_loop3A_978], %parallel_loop3A_983 : memref<32x513xf32, #tpu.memory_space<vmem>>[vector<16xi32>, vector<16xi32>], vector<16xf32>,
        %parallel_loop3A_994 = arith.constant 1 : i32
        %parallel_loop3A_995 = arith.constant 0 : i32
        %parallel_loop3A_996 = arith.constant 0 : i32
        %parallel_loop3A_997 = tpu.memref_slice %arg7[%parallel_loop3A_994, %parallel_loop3A_995, %parallel_loop3A_996] : memref<2x32x513xf32, #tpu.memory_space<vmem>> -> memref<1x32x513xf32, #tpu.memory_space<vmem>>
        %parallel_loop3A_998 = tpu.memref_squeeze %parallel_loop3A_997 : memref<1x32x513xf32, #tpu.memory_space<vmem>> -> memref<32x513xf32, #tpu.memory_space<vmem>>
        tpu.vector_store_idx %parallel_loop3A_998[%add3A_5, %parallel_loop3A_978], %parallel_loop3A_988 : memref<32x513xf32, #tpu.memory_space<vmem>>[vector<16xi32>, vector<16xi32>], vector<16xf32>,
      } {sc.loop_unroll_factor = 8 : i64, sc.parallel_access}
      %add3A_313 = arith.constant 3 : i32
      %add3A_314 = arith.addi %add3A_14, %add3A_313 : i32
      %jit3A_315 = arith.constant 32 : i32
      %div3A_316 = arith.divsi %add3A_314, %jit3A_315 : i32
      %sign3A_317 = arith.constant 0 : i32
      %sign3A_318 = arith.cmpi sgt, %add3A_314, %sign3A_317 : i32
      %sign3A_319 = arith.extui %sign3A_318 : i1 to i32
      %sign3A_320 = arith.constant 0 : i32
      %sign3A_321 = arith.cmpi slt, %add3A_314, %sign3A_320 : i32
      %sign3A_322 = arith.extui %sign3A_321 : i1 to i32
      %sign3A_323 = arith.subi %sign3A_319, %sign3A_322 : i32
      %sign3A_324 = arith.constant 0 : i32
      %sign3A_325 = arith.cmpi sgt, %jit3A_315, %sign3A_324 : i32
      %sign3A_326 = arith.extui %sign3A_325 : i1 to i32
      %sign3A_327 = arith.constant 0 : i32
      %sign3A_328 = arith.cmpi slt, %jit3A_315, %sign3A_327 : i32
      %sign3A_329 = arith.extui %sign3A_328 : i1 to i32
      %sign3A_330 = arith.subi %sign3A_326, %sign3A_329 : i32
      %ne3A_331 = arith.cmpi ne, %sign3A_323, %sign3A_330 : i32
      %rem3A_332 = arith.remsi %add3A_314, %jit3A_315 : i32
      %ne3A_333 = arith.constant 0 : i32
      %ne3A_334 = arith.cmpi ne, %rem3A_332, %ne3A_333 : i32
      %and3A_335 = arith.andi %ne3A_331, %ne3A_334 : i1
      %sub3A_336 = arith.constant 1 : i32
      %sub3A_337 = arith.subi %div3A_316, %sub3A_336 : i32
      %select_n3A_338 = arith.select %and3A_335, %sub3A_337, %div3A_316 : i32
      %jit3A_339 = arith.constant 32 : i32
      %eq3A_340 = arith.constant 0 : i32
      %eq3A_341 = arith.cmpi eq, %jit3A_339, %eq3A_340 : i32
      %jit3A_342 = arith.constant 1 : i32
      %select_n3A_343 = arith.select %eq3A_341, %jit3A_342, %jit3A_339 : i32
      %rem3A_344 = arith.remsi %add3A_314, %select_n3A_343 : i32
      %ne3A_345 = arith.constant 0 : i32
      %ne3A_346 = arith.cmpi ne, %rem3A_344, %ne3A_345 : i32
      %lt3A_347 = arith.constant 0 : i32
      %lt3A_348 = arith.cmpi slt, %rem3A_344, %lt3A_347 : i32
      %lt3A_349 = arith.constant 0 : i32
      %lt3A_350 = arith.cmpi slt, %select_n3A_343, %lt3A_349 : i32
      %ne3A_351 = arith.xori %lt3A_348, %lt3A_350 : i1
      %and3A_352 = arith.andi %ne3A_351, %ne3A_346 : i1
      %add3A_353 = arith.addi %rem3A_344, %select_n3A_343 : i32
      %select_n3A_354 = arith.select %and3A_352, %add3A_353, %rem3A_344 : i32
      %mul3A_355 = arith.constant 512 : i32
      %mul3A_356 = arith.muli %select_n3A_354, %mul3A_355 : i32
      %dma_start3A_357 = arith.constant 1 : i32
      %dma_start3A_358 = arith.constant 0 : i32
      %dma_start3A_359 = arith.constant 0 : i32
      %dma_start3A_360 = tpu.memref_slice %arg7[%dma_start3A_357, %dma_start3A_358, %dma_start3A_359] : memref<2x32x513xf32, #tpu.memory_space<vmem>> -> memref<1x32x512xf32, #tpu.memory_space<vmem>>
      %dma_start3A_361 = tpu.memref_squeeze %dma_start3A_360 : memref<1x32x512xf32, #tpu.memory_space<vmem>> -> memref<32x512xf32, #tpu.memory_space<vmem>>
      %dma_start3A_362 = arith.constant 0 : i32
      %dma_start3A_363 = tpu.memref_slice %arg4[%select_n3A_338, %dma_start3A_362, %mul3A_356] : memref<100x32x16384xf32, #tpu.memory_space<hbm>> -> memref<1x32x512xf32, #tpu.memory_space<hbm>>
      %dma_start3A_364 = tpu.memref_squeeze %dma_start3A_363 : memref<1x32x512xf32, #tpu.memory_space<hbm>> -> memref<32x512xf32, #tpu.memory_space<hbm>>
      %dma_start3A_365 = arith.constant 0 : i32
      %dma_start3A_366 = tpu.memref_slice %arg4[%select_n3A_338, %dma_start3A_365, %mul3A_356] : memref<100x32x16384xf32, #tpu.memory_space<hbm>> -> memref<1x32x512xf32, #tpu.memory_space<hbm>>
      %dma_start3A_367 = tpu.memref_squeeze %dma_start3A_366 : memref<1x32x512xf32, #tpu.memory_space<hbm>> -> memref<32x512xf32, #tpu.memory_space<hbm>>
      %dma_start3A_368 = arith.constant 0 : i32
      %dma_start3A_369 = arith.constant 0 : i32
      %dma_start3A_370 = tpu.memref_slice %arg7[%dma_start3A_357, %dma_start3A_368, %dma_start3A_369] : memref<2x32x513xf32, #tpu.memory_space<vmem>> -> memref<1x32x512xf32, #tpu.memory_space<vmem>>
      %dma_start3A_371 = tpu.memref_squeeze %dma_start3A_370 : memref<1x32x512xf32, #tpu.memory_space<vmem>> -> memref<32x512xf32, #tpu.memory_space<vmem>>
      tpu.enqueue_dma source(%dma_start3A_371 : memref<32x512xf32, #tpu.memory_space<vmem>>) target(%dma_start3A_367 : memref<32x512xf32, #tpu.memory_space<hbm>>) target_semaphore(%arg10 : memref<!tpu.dma_semaphore, #tpu.memory_space<semaphore_mem>>)
      %dma_start3A_372 = arith.constant 1 : i32
      %dma_start3A_373 = arith.constant 0 : i32
      %dma_start3A_374 = arith.constant 0 : i32
      %dma_start3A_375 = tpu.memref_slice %arg6[%dma_start3A_372, %dma_start3A_373, %dma_start3A_374] : memref<2x512x32xf32, #tpu.memory_space<vmem>> -> memref<1x512x32xf32, #tpu.memory_space<vmem>>
      %dma_start3A_376 = tpu.memref_squeeze %dma_start3A_375 : memref<1x512x32xf32, #tpu.memory_space<vmem>> -> memref<512x32xf32, #tpu.memory_space<vmem>>
      %dma_start3A_377 = arith.constant 2560 : i32
      %dma_start3A_378 = tpu.memref_slice %arg5[%dma_start3A_377] : memref<5120xi32, #tpu.memory_space<vmem>> -> memref<512xi32, #tpu.memory_space<vmem>>
      %dma_start3A_379 = arith.constant 0 : i32
      %dma_start3A_380 = arith.constant 0 : i32
      %dma_start3A_381 = tpu.memref_slice %arg3[%dma_start3A_379, %dma_start3A_380] : memref<1000000x32xf32, #tpu.memory_space<hbm>> -> memref<1000000x32xf32, #tpu.memory_space<hbm>>
      tpu.enqueue_indirect_dma source(%dma_start3A_381 : memref<1000000x32xf32, #tpu.memory_space<hbm>>) target(%dma_start3A_376 : memref<512x32xf32, #tpu.memory_space<vmem>>) offsets(%dma_start3A_378 : memref<512xi32, #tpu.memory_space<vmem>>) semaphore(%arg9 : memref<!tpu.dma_semaphore, #tpu.memory_space<semaphore_mem>>)
      %dma_wait3A_382 = arith.constant 0 : i32
      %dma_wait3A_383 = arith.constant 0 : i32
      %dma_wait3A_384 = arith.constant 0 : i32
      %dma_wait3A_385 = tpu.memref_slice %arg6[%dma_wait3A_382, %dma_wait3A_383, %dma_wait3A_384] : memref<2x512x32xf32, #tpu.memory_space<vmem>> -> memref<1x512x32xf32, #tpu.memory_space<vmem>>
      %dma_wait3A_386 = tpu.memref_squeeze %dma_wait3A_385 : memref<1x512x32xf32, #tpu.memory_space<vmem>> -> memref<512x32xf32, #tpu.memory_space<vmem>>
      %dma_wait3A_387 = arith.constant 2048 : i32
      %dma_wait3A_388 = tpu.memref_slice %arg5[%dma_wait3A_387] : memref<5120xi32, #tpu.memory_space<vmem>> -> memref<512xi32, #tpu.memory_space<vmem>>
      %dma_wait3A_389 = arith.constant 0 : i32
      %dma_wait3A_390 = arith.constant 0 : i32
      %dma_wait3A_391 = tpu.memref_slice %arg3[%dma_wait3A_389, %dma_wait3A_390] : memref<1000000x32xf32, #tpu.memory_space<hbm>> -> memref<1000000x32xf32, #tpu.memory_space<hbm>>
      tpu.wait_indirect_dma semaphore(%arg8 : memref<!tpu.dma_semaphore, #tpu.memory_space<semaphore_mem>>) src(%dma_wait3A_391 : memref<1000000x32xf32, #tpu.memory_space<hbm>>) dst(%dma_wait3A_386 : memref<512x32xf32, #tpu.memory_space<vmem>>)
      %dma_wait3A_392 = arith.constant 0 : i32
      %dma_wait3A_393 = arith.constant 0 : i32
      %dma_wait3A_394 = arith.constant 0 : i32
      %dma_wait3A_395 = tpu.memref_slice %arg7[%dma_wait3A_392, %dma_wait3A_393, %dma_wait3A_394] : memref<2x32x513xf32, #tpu.memory_space<vmem>> -> memref<1x32x512xf32, #tpu.memory_space<vmem>>
      %dma_wait3A_396 = tpu.memref_squeeze %dma_wait3A_395 : memref<1x32x512xf32, #tpu.memory_space<vmem>> -> memref<32x512xf32, #tpu.memory_space<vmem>>
      %dma_wait3A_397 = arith.constant 0 : i32
      %dma_wait3A_398 = tpu.memref_slice %arg4[%select_n3A_241, %dma_wait3A_397, %mul3A_259] : memref<100x32x16384xf32, #tpu.memory_space<hbm>> -> memref<1x32x512xf32, #tpu.memory_space<hbm>>
      %dma_wait3A_399 = tpu.memref_squeeze %dma_wait3A_398 : memref<1x32x512xf32, #tpu.memory_space<hbm>> -> memref<32x512xf32, #tpu.memory_space<hbm>>
      %dma_wait3A_400 = arith.constant 0 : i32
      %dma_wait3A_401 = tpu.memref_slice %arg4[%select_n3A_241, %dma_wait3A_400, %mul3A_259] : memref<100x32x16384xf32, #tpu.memory_space<hbm>> -> memref<1x32x512xf32, #tpu.memory_space<hbm>>
      %dma_wait3A_402 = tpu.memref_squeeze %dma_wait3A_401 : memref<1x32x512xf32, #tpu.memory_space<hbm>> -> memref<32x512xf32, #tpu.memory_space<hbm>>
      %dma_wait3A_403 = arith.constant 0 : i32
      %dma_wait3A_404 = arith.constant 0 : i32
      %dma_wait3A_405 = tpu.memref_slice %arg7[%dma_wait3A_392, %dma_wait3A_403, %dma_wait3A_404] : memref<2x32x513xf32, #tpu.memory_space<vmem>> -> memref<1x32x512xf32, #tpu.memory_space<vmem>>
      %dma_wait3A_406 = tpu.memref_squeeze %dma_wait3A_405 : memref<1x32x512xf32, #tpu.memory_space<vmem>> -> memref<32x512xf32, #tpu.memory_space<vmem>>
      tpu.wait_dma2 semaphore(%arg10 : memref<!tpu.dma_semaphore, #tpu.memory_space<semaphore_mem>>) src(%dma_wait3A_406 : memref<32x512xf32, #tpu.memory_space<vmem>>) dst(%dma_wait3A_402 : memref<32x512xf32, #tpu.memory_space<hbm>>)
      %parallel_loop3A_407 = arith.constant 0 : i32
      %parallel_loop3A_408 = arith.constant 512 : i32
      %parallel_loop3A_409 = arith.constant 1 : i32
      scf.for %parallel_loop3A_974 = %parallel_loop3A_407 to %parallel_loop3A_408 step %parallel_loop3A_409  : i32 {
        %parallel_loop3A_975 = arith.constant 0 : i32
        %parallel_loop3A_976 = vector.broadcast %parallel_loop3A_975 : i32 to vector<16xi32>
        %parallel_loop3A_977 = vector.broadcast %parallel_loop3A_974 : i32 to vector<16xi32>
        %parallel_loop3A_978 = arith.addi %parallel_loop3A_976, %parallel_loop3A_977 : vector<16xi32>
        %parallel_loop3A_979 = arith.constant 0 : i32
        %parallel_loop3A_980 = arith.index_cast %parallel_loop3A_979 : i32 to index
        %parallel_loop3A_981 = arith.index_cast %parallel_loop3A_974 : i32 to index
        %parallel_loop3A_982 = arith.constant 0 : index
        %parallel_loop3A_983 = tpu.vector_load %arg6[%parallel_loop3A_980, %parallel_loop3A_981, %parallel_loop3A_982] {strides = array<i32>} : memref<2x512x32xf32, #tpu.memory_space<vmem>>, vector<16xf32>,
        %parallel_loop3A_984 = arith.constant 0 : i32
        %parallel_loop3A_985 = arith.index_cast %parallel_loop3A_984 : i32 to index
        %parallel_loop3A_986 = arith.index_cast %parallel_loop3A_974 : i32 to index
        %parallel_loop3A_987 = arith.constant 16 : index
        %parallel_loop3A_988 = tpu.vector_load %arg6[%parallel_loop3A_985, %parallel_loop3A_986, %parallel_loop3A_987] {strides = array<i32>} : memref<2x512x32xf32, #tpu.memory_space<vmem>>, vector<16xf32>,
        %parallel_loop3A_989 = arith.constant 0 : i32
        %parallel_loop3A_990 = arith.constant 0 : i32
        %parallel_loop3A_991 = arith.constant 0 : i32
        %parallel_loop3A_992 = tpu.memref_slice %arg7[%parallel_loop3A_989, %parallel_loop3A_990, %parallel_loop3A_991] : memref<2x32x513xf32, #tpu.memory_space<vmem>> -> memref<1x32x513xf32, #tpu.memory_space<vmem>>
        %parallel_loop3A_993 = tpu.memref_squeeze %parallel_loop3A_992 : memref<1x32x513xf32, #tpu.memory_space<vmem>> -> memref<32x513xf32, #tpu.memory_space<vmem>>
        tpu.vector_store_idx %parallel_loop3A_993[%iota3A, %parallel_loop3A_978], %parallel_loop3A_983 : memref<32x513xf32, #tpu.memory_space<vmem>>[vector<16xi32>, vector<16xi32>], vector<16xf32>,
        %parallel_loop3A_994 = arith.constant 0 : i32
        %parallel_loop3A_995 = arith.constant 0 : i32
        %parallel_loop3A_996 = arith.constant 0 : i32
        %parallel_loop3A_997 = tpu.memref_slice %arg7[%parallel_loop3A_994, %parallel_loop3A_995, %parallel_loop3A_996] : memref<2x32x513xf32, #tpu.memory_space<vmem>> -> memref<1x32x513xf32, #tpu.memory_space<vmem>>
        %parallel_loop3A_998 = tpu.memref_squeeze %parallel_loop3A_997 : memref<1x32x513xf32, #tpu.memory_space<vmem>> -> memref<32x513xf32, #tpu.memory_space<vmem>>
        tpu.vector_store_idx %parallel_loop3A_998[%add3A_5, %parallel_loop3A_978], %parallel_loop3A_988 : memref<32x513xf32, #tpu.memory_space<vmem>>[vector<16xi32>, vector<16xi32>], vector<16xf32>,
      } {sc.loop_unroll_factor = 8 : i64, sc.parallel_access}
      %add3A_410 = arith.constant 4 : i32
      %add3A_411 = arith.addi %add3A_14, %add3A_410 : i32
      %jit3A_412 = arith.constant 32 : i32
      %div3A_413 = arith.divsi %add3A_411, %jit3A_412 : i32
      %sign3A_414 = arith.constant 0 : i32
      %sign3A_415 = arith.cmpi sgt, %add3A_411, %sign3A_414 : i32
      %sign3A_416 = arith.extui %sign3A_415 : i1 to i32
      %sign3A_417 = arith.constant 0 : i32
      %sign3A_418 = arith.cmpi slt, %add3A_411, %sign3A_417 : i32
      %sign3A_419 = arith.extui %sign3A_418 : i1 to i32
      %sign3A_420 = arith.subi %sign3A_416, %sign3A_419 : i32
      %sign3A_421 = arith.constant 0 : i32
      %sign3A_422 = arith.cmpi sgt, %jit3A_412, %sign3A_421 : i32
      %sign3A_423 = arith.extui %sign3A_422 : i1 to i32
      %sign3A_424 = arith.constant 0 : i32
      %sign3A_425 = arith.cmpi slt, %jit3A_412, %sign3A_424 : i32
      %sign3A_426 = arith.extui %sign3A_425 : i1 to i32
      %sign3A_427 = arith.subi %sign3A_423, %sign3A_426 : i32
      %ne3A_428 = arith.cmpi ne, %sign3A_420, %sign3A_427 : i32
      %rem3A_429 = arith.remsi %add3A_411, %jit3A_412 : i32
      %ne3A_430 = arith.constant 0 : i32
      %ne3A_431 = arith.cmpi ne, %rem3A_429, %ne3A_430 : i32
      %and3A_432 = arith.andi %ne3A_428, %ne3A_431 : i1
      %sub3A_433 = arith.constant 1 : i32
      %sub3A_434 = arith.subi %div3A_413, %sub3A_433 : i32
      %select_n3A_435 = arith.select %and3A_432, %sub3A_434, %div3A_413 : i32
      %jit3A_436 = arith.constant 32 : i32
      %eq3A_437 = arith.constant 0 : i32
      %eq3A_438 = arith.cmpi eq, %jit3A_436, %eq3A_437 : i32
      %jit3A_439 = arith.constant 1 : i32
      %select_n3A_440 = arith.select %eq3A_438, %jit3A_439, %jit3A_436 : i32
      %rem3A_441 = arith.remsi %add3A_411, %select_n3A_440 : i32
      %ne3A_442 = arith.constant 0 : i32
      %ne3A_443 = arith.cmpi ne, %rem3A_441, %ne3A_442 : i32
      %lt3A_444 = arith.constant 0 : i32
      %lt3A_445 = arith.cmpi slt, %rem3A_441, %lt3A_444 : i32
      %lt3A_446 = arith.constant 0 : i32
      %lt3A_447 = arith.cmpi slt, %select_n3A_440, %lt3A_446 : i32
      %ne3A_448 = arith.xori %lt3A_445, %lt3A_447 : i1
      %and3A_449 = arith.andi %ne3A_448, %ne3A_443 : i1
      %add3A_450 = arith.addi %rem3A_441, %select_n3A_440 : i32
      %select_n3A_451 = arith.select %and3A_449, %add3A_450, %rem3A_441 : i32
      %mul3A_452 = arith.constant 512 : i32
      %mul3A_453 = arith.muli %select_n3A_451, %mul3A_452 : i32
      %dma_start3A_454 = arith.constant 0 : i32
      %dma_start3A_455 = arith.constant 0 : i32
      %dma_start3A_456 = arith.constant 0 : i32
      %dma_start3A_457 = tpu.memref_slice %arg7[%dma_start3A_454, %dma_start3A_455, %dma_start3A_456] : memref<2x32x513xf32, #tpu.memory_space<vmem>> -> memref<1x32x512xf32, #tpu.memory_space<vmem>>
      %dma_start3A_458 = tpu.memref_squeeze %dma_start3A_457 : memref<1x32x512xf32, #tpu.memory_space<vmem>> -> memref<32x512xf32, #tpu.memory_space<vmem>>
      %dma_start3A_459 = arith.constant 0 : i32
      %dma_start3A_460 = tpu.memref_slice %arg4[%select_n3A_435, %dma_start3A_459, %mul3A_453] : memref<100x32x16384xf32, #tpu.memory_space<hbm>> -> memref<1x32x512xf32, #tpu.memory_space<hbm>>
      %dma_start3A_461 = tpu.memref_squeeze %dma_start3A_460 : memref<1x32x512xf32, #tpu.memory_space<hbm>> -> memref<32x512xf32, #tpu.memory_space<hbm>>
      %dma_start3A_462 = arith.constant 0 : i32
      %dma_start3A_463 = tpu.memref_slice %arg4[%select_n3A_435, %dma_start3A_462, %mul3A_453] : memref<100x32x16384xf32, #tpu.memory_space<hbm>> -> memref<1x32x512xf32, #tpu.memory_space<hbm>>
      %dma_start3A_464 = tpu.memref_squeeze %dma_start3A_463 : memref<1x32x512xf32, #tpu.memory_space<hbm>> -> memref<32x512xf32, #tpu.memory_space<hbm>>
      %dma_start3A_465 = arith.constant 0 : i32
      %dma_start3A_466 = arith.constant 0 : i32
      %dma_start3A_467 = tpu.memref_slice %arg7[%dma_start3A_454, %dma_start3A_465, %dma_start3A_466] : memref<2x32x513xf32, #tpu.memory_space<vmem>> -> memref<1x32x512xf32, #tpu.memory_space<vmem>>
      %dma_start3A_468 = tpu.memref_squeeze %dma_start3A_467 : memref<1x32x512xf32, #tpu.memory_space<vmem>> -> memref<32x512xf32, #tpu.memory_space<vmem>>
      tpu.enqueue_dma source(%dma_start3A_468 : memref<32x512xf32, #tpu.memory_space<vmem>>) target(%dma_start3A_464 : memref<32x512xf32, #tpu.memory_space<hbm>>) target_semaphore(%arg10 : memref<!tpu.dma_semaphore, #tpu.memory_space<semaphore_mem>>)
      %dma_start3A_469 = arith.constant 0 : i32
      %dma_start3A_470 = arith.constant 0 : i32
      %dma_start3A_471 = arith.constant 0 : i32
      %dma_start3A_472 = tpu.memref_slice %arg6[%dma_start3A_469, %dma_start3A_470, %dma_start3A_471] : memref<2x512x32xf32, #tpu.memory_space<vmem>> -> memref<1x512x32xf32, #tpu.memory_space<vmem>>
      %dma_start3A_473 = tpu.memref_squeeze %dma_start3A_472 : memref<1x512x32xf32, #tpu.memory_space<vmem>> -> memref<512x32xf32, #tpu.memory_space<vmem>>
      %dma_start3A_474 = arith.constant 3072 : i32
      %dma_start3A_475 = tpu.memref_slice %arg5[%dma_start3A_474] : memref<5120xi32, #tpu.memory_space<vmem>> -> memref<512xi32, #tpu.memory_space<vmem>>
      %dma_start3A_476 = arith.constant 0 : i32
      %dma_start3A_477 = arith.constant 0 : i32
      %dma_start3A_478 = tpu.memref_slice %arg3[%dma_start3A_476, %dma_start3A_477] : memref<1000000x32xf32, #tpu.memory_space<hbm>> -> memref<1000000x32xf32, #tpu.memory_space<hbm>>
      tpu.enqueue_indirect_dma source(%dma_start3A_478 : memref<1000000x32xf32, #tpu.memory_space<hbm>>) target(%dma_start3A_473 : memref<512x32xf32, #tpu.memory_space<vmem>>) offsets(%dma_start3A_475 : memref<512xi32, #tpu.memory_space<vmem>>) semaphore(%arg8 : memref<!tpu.dma_semaphore, #tpu.memory_space<semaphore_mem>>)
      %dma_wait3A_479 = arith.constant 1 : i32
      %dma_wait3A_480 = arith.constant 0 : i32
      %dma_wait3A_481 = arith.constant 0 : i32
      %dma_wait3A_482 = tpu.memref_slice %arg6[%dma_wait3A_479, %dma_wait3A_480, %dma_wait3A_481] : memref<2x512x32xf32, #tpu.memory_space<vmem>> -> memref<1x512x32xf32, #tpu.memory_space<vmem>>
      %dma_wait3A_483 = tpu.memref_squeeze %dma_wait3A_482 : memref<1x512x32xf32, #tpu.memory_space<vmem>> -> memref<512x32xf32, #tpu.memory_space<vmem>>
      %dma_wait3A_484 = arith.constant 2560 : i32
      %dma_wait3A_485 = tpu.memref_slice %arg5[%dma_wait3A_484] : memref<5120xi32, #tpu.memory_space<vmem>> -> memref<512xi32, #tpu.memory_space<vmem>>
      %dma_wait3A_486 = arith.constant 0 : i32
      %dma_wait3A_487 = arith.constant 0 : i32
      %dma_wait3A_488 = tpu.memref_slice %arg3[%dma_wait3A_486, %dma_wait3A_487] : memref<1000000x32xf32, #tpu.memory_space<hbm>> -> memref<1000000x32xf32, #tpu.memory_space<hbm>>
      tpu.wait_indirect_dma semaphore(%arg9 : memref<!tpu.dma_semaphore, #tpu.memory_space<semaphore_mem>>) src(%dma_wait3A_488 : memref<1000000x32xf32, #tpu.memory_space<hbm>>) dst(%dma_wait3A_483 : memref<512x32xf32, #tpu.memory_space<vmem>>)
      %dma_wait3A_489 = arith.constant 1 : i32
      %dma_wait3A_490 = arith.constant 0 : i32
      %dma_wait3A_491 = arith.constant 0 : i32
      %dma_wait3A_492 = tpu.memref_slice %arg7[%dma_wait3A_489, %dma_wait3A_490, %dma_wait3A_491] : memref<2x32x513xf32, #tpu.memory_space<vmem>> -> memref<1x32x512xf32, #tpu.memory_space<vmem>>
      %dma_wait3A_493 = tpu.memref_squeeze %dma_wait3A_492 : memref<1x32x512xf32, #tpu.memory_space<vmem>> -> memref<32x512xf32, #tpu.memory_space<vmem>>
      %dma_wait3A_494 = arith.constant 0 : i32
      %dma_wait3A_495 = tpu.memref_slice %arg4[%select_n3A_338, %dma_wait3A_494, %mul3A_356] : memref<100x32x16384xf32, #tpu.memory_space<hbm>> -> memref<1x32x512xf32, #tpu.memory_space<hbm>>
      %dma_wait3A_496 = tpu.memref_squeeze %dma_wait3A_495 : memref<1x32x512xf32, #tpu.memory_space<hbm>> -> memref<32x512xf32, #tpu.memory_space<hbm>>
      %dma_wait3A_497 = arith.constant 0 : i32
      %dma_wait3A_498 = tpu.memref_slice %arg4[%select_n3A_338, %dma_wait3A_497, %mul3A_356] : memref<100x32x16384xf32, #tpu.memory_space<hbm>> -> memref<1x32x512xf32, #tpu.memory_space<hbm>>
      %dma_wait3A_499 = tpu.memref_squeeze %dma_wait3A_498 : memref<1x32x512xf32, #tpu.memory_space<hbm>> -> memref<32x512xf32, #tpu.memory_space<hbm>>
      %dma_wait3A_500 = arith.constant 0 : i32
      %dma_wait3A_501 = arith.constant 0 : i32
      %dma_wait3A_502 = tpu.memref_slice %arg7[%dma_wait3A_489, %dma_wait3A_500, %dma_wait3A_501] : memref<2x32x513xf32, #tpu.memory_space<vmem>> -> memref<1x32x512xf32, #tpu.memory_space<vmem>>
      %dma_wait3A_503 = tpu.memref_squeeze %dma_wait3A_502 : memref<1x32x512xf32, #tpu.memory_space<vmem>> -> memref<32x512xf32, #tpu.memory_space<vmem>>
      tpu.wait_dma2 semaphore(%arg10 : memref<!tpu.dma_semaphore, #tpu.memory_space<semaphore_mem>>) src(%dma_wait3A_503 : memref<32x512xf32, #tpu.memory_space<vmem>>) dst(%dma_wait3A_499 : memref<32x512xf32, #tpu.memory_space<hbm>>)
      %parallel_loop3A_504 = arith.constant 0 : i32
      %parallel_loop3A_505 = arith.constant 512 : i32
      %parallel_loop3A_506 = arith.constant 1 : i32
      scf.for %parallel_loop3A_974 = %parallel_loop3A_504 to %parallel_loop3A_505 step %parallel_loop3A_506  : i32 {
        %parallel_loop3A_975 = arith.constant 0 : i32
        %parallel_loop3A_976 = vector.broadcast %parallel_loop3A_975 : i32 to vector<16xi32>
        %parallel_loop3A_977 = vector.broadcast %parallel_loop3A_974 : i32 to vector<16xi32>
        %parallel_loop3A_978 = arith.addi %parallel_loop3A_976, %parallel_loop3A_977 : vector<16xi32>
        %parallel_loop3A_979 = arith.constant 1 : i32
        %parallel_loop3A_980 = arith.index_cast %parallel_loop3A_979 : i32 to index
        %parallel_loop3A_981 = arith.index_cast %parallel_loop3A_974 : i32 to index
        %parallel_loop3A_982 = arith.constant 0 : index
        %parallel_loop3A_983 = tpu.vector_load %arg6[%parallel_loop3A_980, %parallel_loop3A_981, %parallel_loop3A_982] {strides = array<i32>} : memref<2x512x32xf32, #tpu.memory_space<vmem>>, vector<16xf32>,
        %parallel_loop3A_984 = arith.constant 1 : i32
        %parallel_loop3A_985 = arith.index_cast %parallel_loop3A_984 : i32 to index
        %parallel_loop3A_986 = arith.index_cast %parallel_loop3A_974 : i32 to index
        %parallel_loop3A_987 = arith.constant 16 : index
        %parallel_loop3A_988 = tpu.vector_load %arg6[%parallel_loop3A_985, %parallel_loop3A_986, %parallel_loop3A_987] {strides = array<i32>} : memref<2x512x32xf32, #tpu.memory_space<vmem>>, vector<16xf32>,
        %parallel_loop3A_989 = arith.constant 1 : i32
        %parallel_loop3A_990 = arith.constant 0 : i32
        %parallel_loop3A_991 = arith.constant 0 : i32
        %parallel_loop3A_992 = tpu.memref_slice %arg7[%parallel_loop3A_989, %parallel_loop3A_990, %parallel_loop3A_991] : memref<2x32x513xf32, #tpu.memory_space<vmem>> -> memref<1x32x513xf32, #tpu.memory_space<vmem>>
        %parallel_loop3A_993 = tpu.memref_squeeze %parallel_loop3A_992 : memref<1x32x513xf32, #tpu.memory_space<vmem>> -> memref<32x513xf32, #tpu.memory_space<vmem>>
        tpu.vector_store_idx %parallel_loop3A_993[%iota3A, %parallel_loop3A_978], %parallel_loop3A_983 : memref<32x513xf32, #tpu.memory_space<vmem>>[vector<16xi32>, vector<16xi32>], vector<16xf32>,
        %parallel_loop3A_994 = arith.constant 1 : i32
        %parallel_loop3A_995 = arith.constant 0 : i32
        %parallel_loop3A_996 = arith.constant 0 : i32
        %parallel_loop3A_997 = tpu.memref_slice %arg7[%parallel_loop3A_994, %parallel_loop3A_995, %parallel_loop3A_996] : memref<2x32x513xf32, #tpu.memory_space<vmem>> -> memref<1x32x513xf32, #tpu.memory_space<vmem>>
        %parallel_loop3A_998 = tpu.memref_squeeze %parallel_loop3A_997 : memref<1x32x513xf32, #tpu.memory_space<vmem>> -> memref<32x513xf32, #tpu.memory_space<vmem>>
        tpu.vector_store_idx %parallel_loop3A_998[%add3A_5, %parallel_loop3A_978], %parallel_loop3A_988 : memref<32x513xf32, #tpu.memory_space<vmem>>[vector<16xi32>, vector<16xi32>], vector<16xf32>,
      } {sc.loop_unroll_factor = 8 : i64, sc.parallel_access}
      %add3A_507 = arith.constant 5 : i32
      %add3A_508 = arith.addi %add3A_14, %add3A_507 : i32
      %jit3A_509 = arith.constant 32 : i32
      %div3A_510 = arith.divsi %add3A_508, %jit3A_509 : i32
      %sign3A_511 = arith.constant 0 : i32
      %sign3A_512 = arith.cmpi sgt, %add3A_508, %sign3A_511 : i32
      %sign3A_513 = arith.extui %sign3A_512 : i1 to i32
      %sign3A_514 = arith.constant 0 : i32
      %sign3A_515 = arith.cmpi slt, %add3A_508, %sign3A_514 : i32
      %sign3A_516 = arith.extui %sign3A_515 : i1 to i32
      %sign3A_517 = arith.subi %sign3A_513, %sign3A_516 : i32
      %sign3A_518 = arith.constant 0 : i32
      %sign3A_519 = arith.cmpi sgt, %jit3A_509, %sign3A_518 : i32
      %sign3A_520 = arith.extui %sign3A_519 : i1 to i32
      %sign3A_521 = arith.constant 0 : i32
      %sign3A_522 = arith.cmpi slt, %jit3A_509, %sign3A_521 : i32
      %sign3A_523 = arith.extui %sign3A_522 : i1 to i32
      %sign3A_524 = arith.subi %sign3A_520, %sign3A_523 : i32
      %ne3A_525 = arith.cmpi ne, %sign3A_517, %sign3A_524 : i32
      %rem3A_526 = arith.remsi %add3A_508, %jit3A_509 : i32
      %ne3A_527 = arith.constant 0 : i32
      %ne3A_528 = arith.cmpi ne, %rem3A_526, %ne3A_527 : i32
      %and3A_529 = arith.andi %ne3A_525, %ne3A_528 : i1
      %sub3A_530 = arith.constant 1 : i32
      %sub3A_531 = arith.subi %div3A_510, %sub3A_530 : i32
      %select_n3A_532 = arith.select %and3A_529, %sub3A_531, %div3A_510 : i32
      %jit3A_533 = arith.constant 32 : i32
      %eq3A_534 = arith.constant 0 : i32
      %eq3A_535 = arith.cmpi eq, %jit3A_533, %eq3A_534 : i32
      %jit3A_536 = arith.constant 1 : i32
      %select_n3A_537 = arith.select %eq3A_535, %jit3A_536, %jit3A_533 : i32
      %rem3A_538 = arith.remsi %add3A_508, %select_n3A_537 : i32
      %ne3A_539 = arith.constant 0 : i32
      %ne3A_540 = arith.cmpi ne, %rem3A_538, %ne3A_539 : i32
      %lt3A_541 = arith.constant 0 : i32
      %lt3A_542 = arith.cmpi slt, %rem3A_538, %lt3A_541 : i32
      %lt3A_543 = arith.constant 0 : i32
      %lt3A_544 = arith.cmpi slt, %select_n3A_537, %lt3A_543 : i32
      %ne3A_545 = arith.xori %lt3A_542, %lt3A_544 : i1
      %and3A_546 = arith.andi %ne3A_545, %ne3A_540 : i1
      %add3A_547 = arith.addi %rem3A_538, %select_n3A_537 : i32
      %select_n3A_548 = arith.select %and3A_546, %add3A_547, %rem3A_538 : i32
      %mul3A_549 = arith.constant 512 : i32
      %mul3A_550 = arith.muli %select_n3A_548, %mul3A_549 : i32
      %dma_start3A_551 = arith.constant 1 : i32
      %dma_start3A_552 = arith.constant 0 : i32
      %dma_start3A_553 = arith.constant 0 : i32
      %dma_start3A_554 = tpu.memref_slice %arg7[%dma_start3A_551, %dma_start3A_552, %dma_start3A_553] : memref<2x32x513xf32, #tpu.memory_space<vmem>> -> memref<1x32x512xf32, #tpu.memory_space<vmem>>
      %dma_start3A_555 = tpu.memref_squeeze %dma_start3A_554 : memref<1x32x512xf32, #tpu.memory_space<vmem>> -> memref<32x512xf32, #tpu.memory_space<vmem>>
      %dma_start3A_556 = arith.constant 0 : i32
      %dma_start3A_557 = tpu.memref_slice %arg4[%select_n3A_532, %dma_start3A_556, %mul3A_550] : memref<100x32x16384xf32, #tpu.memory_space<hbm>> -> memref<1x32x512xf32, #tpu.memory_space<hbm>>
      %dma_start3A_558 = tpu.memref_squeeze %dma_start3A_557 : memref<1x32x512xf32, #tpu.memory_space<hbm>> -> memref<32x512xf32, #tpu.memory_space<hbm>>
      %dma_start3A_559 = arith.constant 0 : i32
      %dma_start3A_560 = tpu.memref_slice %arg4[%select_n3A_532, %dma_start3A_559, %mul3A_550] : memref<100x32x16384xf32, #tpu.memory_space<hbm>> -> memref<1x32x512xf32, #tpu.memory_space<hbm>>
      %dma_start3A_561 = tpu.memref_squeeze %dma_start3A_560 : memref<1x32x512xf32, #tpu.memory_space<hbm>> -> memref<32x512xf32, #tpu.memory_space<hbm>>
      %dma_start3A_562 = arith.constant 0 : i32
      %dma_start3A_563 = arith.constant 0 : i32
      %dma_start3A_564 = tpu.memref_slice %arg7[%dma_start3A_551, %dma_start3A_562, %dma_start3A_563] : memref<2x32x513xf32, #tpu.memory_space<vmem>> -> memref<1x32x512xf32, #tpu.memory_space<vmem>>
      %dma_start3A_565 = tpu.memref_squeeze %dma_start3A_564 : memref<1x32x512xf32, #tpu.memory_space<vmem>> -> memref<32x512xf32, #tpu.memory_space<vmem>>
      tpu.enqueue_dma source(%dma_start3A_565 : memref<32x512xf32, #tpu.memory_space<vmem>>) target(%dma_start3A_561 : memref<32x512xf32, #tpu.memory_space<hbm>>) target_semaphore(%arg10 : memref<!tpu.dma_semaphore, #tpu.memory_space<semaphore_mem>>)
      %dma_start3A_566 = arith.constant 1 : i32
      %dma_start3A_567 = arith.constant 0 : i32
      %dma_start3A_568 = arith.constant 0 : i32
      %dma_start3A_569 = tpu.memref_slice %arg6[%dma_start3A_566, %dma_start3A_567, %dma_start3A_568] : memref<2x512x32xf32, #tpu.memory_space<vmem>> -> memref<1x512x32xf32, #tpu.memory_space<vmem>>
      %dma_start3A_570 = tpu.memref_squeeze %dma_start3A_569 : memref<1x512x32xf32, #tpu.memory_space<vmem>> -> memref<512x32xf32, #tpu.memory_space<vmem>>
      %dma_start3A_571 = arith.constant 3584 : i32
      %dma_start3A_572 = tpu.memref_slice %arg5[%dma_start3A_571] : memref<5120xi32, #tpu.memory_space<vmem>> -> memref<512xi32, #tpu.memory_space<vmem>>
      %dma_start3A_573 = arith.constant 0 : i32
      %dma_start3A_574 = arith.constant 0 : i32
      %dma_start3A_575 = tpu.memref_slice %arg3[%dma_start3A_573, %dma_start3A_574] : memref<1000000x32xf32, #tpu.memory_space<hbm>> -> memref<1000000x32xf32, #tpu.memory_space<hbm>>
      tpu.enqueue_indirect_dma source(%dma_start3A_575 : memref<1000000x32xf32, #tpu.memory_space<hbm>>) target(%dma_start3A_570 : memref<512x32xf32, #tpu.memory_space<vmem>>) offsets(%dma_start3A_572 : memref<512xi32, #tpu.memory_space<vmem>>) semaphore(%arg9 : memref<!tpu.dma_semaphore, #tpu.memory_space<semaphore_mem>>)
      %dma_wait3A_576 = arith.constant 0 : i32
      %dma_wait3A_577 = arith.constant 0 : i32
      %dma_wait3A_578 = arith.constant 0 : i32
      %dma_wait3A_579 = tpu.memref_slice %arg6[%dma_wait3A_576, %dma_wait3A_577, %dma_wait3A_578] : memref<2x512x32xf32, #tpu.memory_space<vmem>> -> memref<1x512x32xf32, #tpu.memory_space<vmem>>
      %dma_wait3A_580 = tpu.memref_squeeze %dma_wait3A_579 : memref<1x512x32xf32, #tpu.memory_space<vmem>> -> memref<512x32xf32, #tpu.memory_space<vmem>>
      %dma_wait3A_581 = arith.constant 3072 : i32
      %dma_wait3A_582 = tpu.memref_slice %arg5[%dma_wait3A_581] : memref<5120xi32, #tpu.memory_space<vmem>> -> memref<512xi32, #tpu.memory_space<vmem>>
      %dma_wait3A_583 = arith.constant 0 : i32
      %dma_wait3A_584 = arith.constant 0 : i32
      %dma_wait3A_585 = tpu.memref_slice %arg3[%dma_wait3A_583, %dma_wait3A_584] : memref<1000000x32xf32, #tpu.memory_space<hbm>> -> memref<1000000x32xf32, #tpu.memory_space<hbm>>
      tpu.wait_indirect_dma semaphore(%arg8 : memref<!tpu.dma_semaphore, #tpu.memory_space<semaphore_mem>>) src(%dma_wait3A_585 : memref<1000000x32xf32, #tpu.memory_space<hbm>>) dst(%dma_wait3A_580 : memref<512x32xf32, #tpu.memory_space<vmem>>)
      %dma_wait3A_586 = arith.constant 0 : i32
      %dma_wait3A_587 = arith.constant 0 : i32
      %dma_wait3A_588 = arith.constant 0 : i32
      %dma_wait3A_589 = tpu.memref_slice %arg7[%dma_wait3A_586, %dma_wait3A_587, %dma_wait3A_588] : memref<2x32x513xf32, #tpu.memory_space<vmem>> -> memref<1x32x512xf32, #tpu.memory_space<vmem>>
      %dma_wait3A_590 = tpu.memref_squeeze %dma_wait3A_589 : memref<1x32x512xf32, #tpu.memory_space<vmem>> -> memref<32x512xf32, #tpu.memory_space<vmem>>
      %dma_wait3A_591 = arith.constant 0 : i32
      %dma_wait3A_592 = tpu.memref_slice %arg4[%select_n3A_435, %dma_wait3A_591, %mul3A_453] : memref<100x32x16384xf32, #tpu.memory_space<hbm>> -> memref<1x32x512xf32, #tpu.memory_space<hbm>>
      %dma_wait3A_593 = tpu.memref_squeeze %dma_wait3A_592 : memref<1x32x512xf32, #tpu.memory_space<hbm>> -> memref<32x512xf32, #tpu.memory_space<hbm>>
      %dma_wait3A_594 = arith.constant 0 : i32
      %dma_wait3A_595 = tpu.memref_slice %arg4[%select_n3A_435, %dma_wait3A_594, %mul3A_453] : memref<100x32x16384xf32, #tpu.memory_space<hbm>> -> memref<1x32x512xf32, #tpu.memory_space<hbm>>
      %dma_wait3A_596 = tpu.memref_squeeze %dma_wait3A_595 : memref<1x32x512xf32, #tpu.memory_space<hbm>> -> memref<32x512xf32, #tpu.memory_space<hbm>>
      %dma_wait3A_597 = arith.constant 0 : i32
      %dma_wait3A_598 = arith.constant 0 : i32
      %dma_wait3A_599 = tpu.memref_slice %arg7[%dma_wait3A_586, %dma_wait3A_597, %dma_wait3A_598] : memref<2x32x513xf32, #tpu.memory_space<vmem>> -> memref<1x32x512xf32, #tpu.memory_space<vmem>>
      %dma_wait3A_600 = tpu.memref_squeeze %dma_wait3A_599 : memref<1x32x512xf32, #tpu.memory_space<vmem>> -> memref<32x512xf32, #tpu.memory_space<vmem>>
      tpu.wait_dma2 semaphore(%arg10 : memref<!tpu.dma_semaphore, #tpu.memory_space<semaphore_mem>>) src(%dma_wait3A_600 : memref<32x512xf32, #tpu.memory_space<vmem>>) dst(%dma_wait3A_596 : memref<32x512xf32, #tpu.memory_space<hbm>>)
      %parallel_loop3A_601 = arith.constant 0 : i32
      %parallel_loop3A_602 = arith.constant 512 : i32
      %parallel_loop3A_603 = arith.constant 1 : i32
      scf.for %parallel_loop3A_974 = %parallel_loop3A_601 to %parallel_loop3A_602 step %parallel_loop3A_603  : i32 {
        %parallel_loop3A_975 = arith.constant 0 : i32
        %parallel_loop3A_976 = vector.broadcast %parallel_loop3A_975 : i32 to vector<16xi32>
        %parallel_loop3A_977 = vector.broadcast %parallel_loop3A_974 : i32 to vector<16xi32>
        %parallel_loop3A_978 = arith.addi %parallel_loop3A_976, %parallel_loop3A_977 : vector<16xi32>
        %parallel_loop3A_979 = arith.constant 0 : i32
        %parallel_loop3A_980 = arith.index_cast %parallel_loop3A_979 : i32 to index
        %parallel_loop3A_981 = arith.index_cast %parallel_loop3A_974 : i32 to index
        %parallel_loop3A_982 = arith.constant 0 : index
        %parallel_loop3A_983 = tpu.vector_load %arg6[%parallel_loop3A_980, %parallel_loop3A_981, %parallel_loop3A_982] {strides = array<i32>} : memref<2x512x32xf32, #tpu.memory_space<vmem>>, vector<16xf32>,
        %parallel_loop3A_984 = arith.constant 0 : i32
        %parallel_loop3A_985 = arith.index_cast %parallel_loop3A_984 : i32 to index
        %parallel_loop3A_986 = arith.index_cast %parallel_loop3A_974 : i32 to index
        %parallel_loop3A_987 = arith.constant 16 : index
        %parallel_loop3A_988 = tpu.vector_load %arg6[%parallel_loop3A_985, %parallel_loop3A_986, %parallel_loop3A_987] {strides = array<i32>} : memref<2x512x32xf32, #tpu.memory_space<vmem>>, vector<16xf32>,
        %parallel_loop3A_989 = arith.constant 0 : i32
        %parallel_loop3A_990 = arith.constant 0 : i32
        %parallel_loop3A_991 = arith.constant 0 : i32
        %parallel_loop3A_992 = tpu.memref_slice %arg7[%parallel_loop3A_989, %parallel_loop3A_990, %parallel_loop3A_991] : memref<2x32x513xf32, #tpu.memory_space<vmem>> -> memref<1x32x513xf32, #tpu.memory_space<vmem>>
        %parallel_loop3A_993 = tpu.memref_squeeze %parallel_loop3A_992 : memref<1x32x513xf32, #tpu.memory_space<vmem>> -> memref<32x513xf32, #tpu.memory_space<vmem>>
        tpu.vector_store_idx %parallel_loop3A_993[%iota3A, %parallel_loop3A_978], %parallel_loop3A_983 : memref<32x513xf32, #tpu.memory_space<vmem>>[vector<16xi32>, vector<16xi32>], vector<16xf32>,
        %parallel_loop3A_994 = arith.constant 0 : i32
        %parallel_loop3A_995 = arith.constant 0 : i32
        %parallel_loop3A_996 = arith.constant 0 : i32
        %parallel_loop3A_997 = tpu.memref_slice %arg7[%parallel_loop3A_994, %parallel_loop3A_995, %parallel_loop3A_996] : memref<2x32x513xf32, #tpu.memory_space<vmem>> -> memref<1x32x513xf32, #tpu.memory_space<vmem>>
        %parallel_loop3A_998 = tpu.memref_squeeze %parallel_loop3A_997 : memref<1x32x513xf32, #tpu.memory_space<vmem>> -> memref<32x513xf32, #tpu.memory_space<vmem>>
        tpu.vector_store_idx %parallel_loop3A_998[%add3A_5, %parallel_loop3A_978], %parallel_loop3A_988 : memref<32x513xf32, #tpu.memory_space<vmem>>[vector<16xi32>, vector<16xi32>], vector<16xf32>,
      } {sc.loop_unroll_factor = 8 : i64, sc.parallel_access}
      %add3A_604 = arith.constant 6 : i32
      %add3A_605 = arith.addi %add3A_14, %add3A_604 : i32
      %jit3A_606 = arith.constant 32 : i32
      %div3A_607 = arith.divsi %add3A_605, %jit3A_606 : i32
      %sign3A_608 = arith.constant 0 : i32
      %sign3A_609 = arith.cmpi sgt, %add3A_605, %sign3A_608 : i32
      %sign3A_610 = arith.extui %sign3A_609 : i1 to i32
      %sign3A_611 = arith.constant 0 : i32
      %sign3A_612 = arith.cmpi slt, %add3A_605, %sign3A_611 : i32
      %sign3A_613 = arith.extui %sign3A_612 : i1 to i32
      %sign3A_614 = arith.subi %sign3A_610, %sign3A_613 : i32
      %sign3A_615 = arith.constant 0 : i32
      %sign3A_616 = arith.cmpi sgt, %jit3A_606, %sign3A_615 : i32
      %sign3A_617 = arith.extui %sign3A_616 : i1 to i32
      %sign3A_618 = arith.constant 0 : i32
      %sign3A_619 = arith.cmpi slt, %jit3A_606, %sign3A_618 : i32
      %sign3A_620 = arith.extui %sign3A_619 : i1 to i32
      %sign3A_621 = arith.subi %sign3A_617, %sign3A_620 : i32
      %ne3A_622 = arith.cmpi ne, %sign3A_614, %sign3A_621 : i32
      %rem3A_623 = arith.remsi %add3A_605, %jit3A_606 : i32
      %ne3A_624 = arith.constant 0 : i32
      %ne3A_625 = arith.cmpi ne, %rem3A_623, %ne3A_624 : i32
      %and3A_626 = arith.andi %ne3A_622, %ne3A_625 : i1
      %sub3A_627 = arith.constant 1 : i32
      %sub3A_628 = arith.subi %div3A_607, %sub3A_627 : i32
      %select_n3A_629 = arith.select %and3A_626, %sub3A_628, %div3A_607 : i32
      %jit3A_630 = arith.constant 32 : i32
      %eq3A_631 = arith.constant 0 : i32
      %eq3A_632 = arith.cmpi eq, %jit3A_630, %eq3A_631 : i32
      %jit3A_633 = arith.constant 1 : i32
      %select_n3A_634 = arith.select %eq3A_632, %jit3A_633, %jit3A_630 : i32
      %rem3A_635 = arith.remsi %add3A_605, %select_n3A_634 : i32
      %ne3A_636 = arith.constant 0 : i32
      %ne3A_637 = arith.cmpi ne, %rem3A_635, %ne3A_636 : i32
      %lt3A_638 = arith.constant 0 : i32
      %lt3A_639 = arith.cmpi slt, %rem3A_635, %lt3A_638 : i32
      %lt3A_640 = arith.constant 0 : i32
      %lt3A_641 = arith.cmpi slt, %select_n3A_634, %lt3A_640 : i32
      %ne3A_642 = arith.xori %lt3A_639, %lt3A_641 : i1
      %and3A_643 = arith.andi %ne3A_642, %ne3A_637 : i1
      %add3A_644 = arith.addi %rem3A_635, %select_n3A_634 : i32
      %select_n3A_645 = arith.select %and3A_643, %add3A_644, %rem3A_635 : i32
      %mul3A_646 = arith.constant 512 : i32
      %mul3A_647 = arith.muli %select_n3A_645, %mul3A_646 : i32
      %dma_start3A_648 = arith.constant 0 : i32
      %dma_start3A_649 = arith.constant 0 : i32
      %dma_start3A_650 = arith.constant 0 : i32
      %dma_start3A_651 = tpu.memref_slice %arg7[%dma_start3A_648, %dma_start3A_649, %dma_start3A_650] : memref<2x32x513xf32, #tpu.memory_space<vmem>> -> memref<1x32x512xf32, #tpu.memory_space<vmem>>
      %dma_start3A_652 = tpu.memref_squeeze %dma_start3A_651 : memref<1x32x512xf32, #tpu.memory_space<vmem>> -> memref<32x512xf32, #tpu.memory_space<vmem>>
      %dma_start3A_653 = arith.constant 0 : i32
      %dma_start3A_654 = tpu.memref_slice %arg4[%select_n3A_629, %dma_start3A_653, %mul3A_647] : memref<100x32x16384xf32, #tpu.memory_space<hbm>> -> memref<1x32x512xf32, #tpu.memory_space<hbm>>
      %dma_start3A_655 = tpu.memref_squeeze %dma_start3A_654 : memref<1x32x512xf32, #tpu.memory_space<hbm>> -> memref<32x512xf32, #tpu.memory_space<hbm>>
      %dma_start3A_656 = arith.constant 0 : i32
      %dma_start3A_657 = tpu.memref_slice %arg4[%select_n3A_629, %dma_start3A_656, %mul3A_647] : memref<100x32x16384xf32, #tpu.memory_space<hbm>> -> memref<1x32x512xf32, #tpu.memory_space<hbm>>
      %dma_start3A_658 = tpu.memref_squeeze %dma_start3A_657 : memref<1x32x512xf32, #tpu.memory_space<hbm>> -> memref<32x512xf32, #tpu.memory_space<hbm>>
      %dma_start3A_659 = arith.constant 0 : i32
      %dma_start3A_660 = arith.constant 0 : i32
      %dma_start3A_661 = tpu.memref_slice %arg7[%dma_start3A_648, %dma_start3A_659, %dma_start3A_660] : memref<2x32x513xf32, #tpu.memory_space<vmem>> -> memref<1x32x512xf32, #tpu.memory_space<vmem>>
      %dma_start3A_662 = tpu.memref_squeeze %dma_start3A_661 : memref<1x32x512xf32, #tpu.memory_space<vmem>> -> memref<32x512xf32, #tpu.memory_space<vmem>>
      tpu.enqueue_dma source(%dma_start3A_662 : memref<32x512xf32, #tpu.memory_space<vmem>>) target(%dma_start3A_658 : memref<32x512xf32, #tpu.memory_space<hbm>>) target_semaphore(%arg10 : memref<!tpu.dma_semaphore, #tpu.memory_space<semaphore_mem>>)
      %dma_start3A_663 = arith.constant 0 : i32
      %dma_start3A_664 = arith.constant 0 : i32
      %dma_start3A_665 = arith.constant 0 : i32
      %dma_start3A_666 = tpu.memref_slice %arg6[%dma_start3A_663, %dma_start3A_664, %dma_start3A_665] : memref<2x512x32xf32, #tpu.memory_space<vmem>> -> memref<1x512x32xf32, #tpu.memory_space<vmem>>
      %dma_start3A_667 = tpu.memref_squeeze %dma_start3A_666 : memref<1x512x32xf32, #tpu.memory_space<vmem>> -> memref<512x32xf32, #tpu.memory_space<vmem>>
      %dma_start3A_668 = arith.constant 4096 : i32
      %dma_start3A_669 = tpu.memref_slice %arg5[%dma_start3A_668] : memref<5120xi32, #tpu.memory_space<vmem>> -> memref<512xi32, #tpu.memory_space<vmem>>
      %dma_start3A_670 = arith.constant 0 : i32
      %dma_start3A_671 = arith.constant 0 : i32
      %dma_start3A_672 = tpu.memref_slice %arg3[%dma_start3A_670, %dma_start3A_671] : memref<1000000x32xf32, #tpu.memory_space<hbm>> -> memref<1000000x32xf32, #tpu.memory_space<hbm>>
      tpu.enqueue_indirect_dma source(%dma_start3A_672 : memref<1000000x32xf32, #tpu.memory_space<hbm>>) target(%dma_start3A_667 : memref<512x32xf32, #tpu.memory_space<vmem>>) offsets(%dma_start3A_669 : memref<512xi32, #tpu.memory_space<vmem>>) semaphore(%arg8 : memref<!tpu.dma_semaphore, #tpu.memory_space<semaphore_mem>>)
      %dma_wait3A_673 = arith.constant 1 : i32
      %dma_wait3A_674 = arith.constant 0 : i32
      %dma_wait3A_675 = arith.constant 0 : i32
      %dma_wait3A_676 = tpu.memref_slice %arg6[%dma_wait3A_673, %dma_wait3A_674, %dma_wait3A_675] : memref<2x512x32xf32, #tpu.memory_space<vmem>> -> memref<1x512x32xf32, #tpu.memory_space<vmem>>
      %dma_wait3A_677 = tpu.memref_squeeze %dma_wait3A_676 : memref<1x512x32xf32, #tpu.memory_space<vmem>> -> memref<512x32xf32, #tpu.memory_space<vmem>>
      %dma_wait3A_678 = arith.constant 3584 : i32
      %dma_wait3A_679 = tpu.memref_slice %arg5[%dma_wait3A_678] : memref<5120xi32, #tpu.memory_space<vmem>> -> memref<512xi32, #tpu.memory_space<vmem>>
      %dma_wait3A_680 = arith.constant 0 : i32
      %dma_wait3A_681 = arith.constant 0 : i32
      %dma_wait3A_682 = tpu.memref_slice %arg3[%dma_wait3A_680, %dma_wait3A_681] : memref<1000000x32xf32, #tpu.memory_space<hbm>> -> memref<1000000x32xf32, #tpu.memory_space<hbm>>
      tpu.wait_indirect_dma semaphore(%arg9 : memref<!tpu.dma_semaphore, #tpu.memory_space<semaphore_mem>>) src(%dma_wait3A_682 : memref<1000000x32xf32, #tpu.memory_space<hbm>>) dst(%dma_wait3A_677 : memref<512x32xf32, #tpu.memory_space<vmem>>)
      %dma_wait3A_683 = arith.constant 1 : i32
      %dma_wait3A_684 = arith.constant 0 : i32
      %dma_wait3A_685 = arith.constant 0 : i32
      %dma_wait3A_686 = tpu.memref_slice %arg7[%dma_wait3A_683, %dma_wait3A_684, %dma_wait3A_685] : memref<2x32x513xf32, #tpu.memory_space<vmem>> -> memref<1x32x512xf32, #tpu.memory_space<vmem>>
      %dma_wait3A_687 = tpu.memref_squeeze %dma_wait3A_686 : memref<1x32x512xf32, #tpu.memory_space<vmem>> -> memref<32x512xf32, #tpu.memory_space<vmem>>
      %dma_wait3A_688 = arith.constant 0 : i32
      %dma_wait3A_689 = tpu.memref_slice %arg4[%select_n3A_532, %dma_wait3A_688, %mul3A_550] : memref<100x32x16384xf32, #tpu.memory_space<hbm>> -> memref<1x32x512xf32, #tpu.memory_space<hbm>>
      %dma_wait3A_690 = tpu.memref_squeeze %dma_wait3A_689 : memref<1x32x512xf32, #tpu.memory_space<hbm>> -> memref<32x512xf32, #tpu.memory_space<hbm>>
      %dma_wait3A_691 = arith.constant 0 : i32
      %dma_wait3A_692 = tpu.memref_slice %arg4[%select_n3A_532, %dma_wait3A_691, %mul3A_550] : memref<100x32x16384xf32, #tpu.memory_space<hbm>> -> memref<1x32x512xf32, #tpu.memory_space<hbm>>
      %dma_wait3A_693 = tpu.memref_squeeze %dma_wait3A_692 : memref<1x32x512xf32, #tpu.memory_space<hbm>> -> memref<32x512xf32, #tpu.memory_space<hbm>>
      %dma_wait3A_694 = arith.constant 0 : i32
      %dma_wait3A_695 = arith.constant 0 : i32
      %dma_wait3A_696 = tpu.memref_slice %arg7[%dma_wait3A_683, %dma_wait3A_694, %dma_wait3A_695] : memref<2x32x513xf32, #tpu.memory_space<vmem>> -> memref<1x32x512xf32, #tpu.memory_space<vmem>>
      %dma_wait3A_697 = tpu.memref_squeeze %dma_wait3A_696 : memref<1x32x512xf32, #tpu.memory_space<vmem>> -> memref<32x512xf32, #tpu.memory_space<vmem>>
      tpu.wait_dma2 semaphore(%arg10 : memref<!tpu.dma_semaphore, #tpu.memory_space<semaphore_mem>>) src(%dma_wait3A_697 : memref<32x512xf32, #tpu.memory_space<vmem>>) dst(%dma_wait3A_693 : memref<32x512xf32, #tpu.memory_space<hbm>>)
      %parallel_loop3A_698 = arith.constant 0 : i32
      %parallel_loop3A_699 = arith.constant 512 : i32
      %parallel_loop3A_700 = arith.constant 1 : i32
      scf.for %parallel_loop3A_974 = %parallel_loop3A_698 to %parallel_loop3A_699 step %parallel_loop3A_700  : i32 {
        %parallel_loop3A_975 = arith.constant 0 : i32
        %parallel_loop3A_976 = vector.broadcast %parallel_loop3A_975 : i32 to vector<16xi32>
        %parallel_loop3A_977 = vector.broadcast %parallel_loop3A_974 : i32 to vector<16xi32>
        %parallel_loop3A_978 = arith.addi %parallel_loop3A_976, %parallel_loop3A_977 : vector<16xi32>
        %parallel_loop3A_979 = arith.constant 1 : i32
        %parallel_loop3A_980 = arith.index_cast %parallel_loop3A_979 : i32 to index
        %parallel_loop3A_981 = arith.index_cast %parallel_loop3A_974 : i32 to index
        %parallel_loop3A_982 = arith.constant 0 : index
        %parallel_loop3A_983 = tpu.vector_load %arg6[%parallel_loop3A_980, %parallel_loop3A_981, %parallel_loop3A_982] {strides = array<i32>} : memref<2x512x32xf32, #tpu.memory_space<vmem>>, vector<16xf32>,
        %parallel_loop3A_984 = arith.constant 1 : i32
        %parallel_loop3A_985 = arith.index_cast %parallel_loop3A_984 : i32 to index
        %parallel_loop3A_986 = arith.index_cast %parallel_loop3A_974 : i32 to index
        %parallel_loop3A_987 = arith.constant 16 : index
        %parallel_loop3A_988 = tpu.vector_load %arg6[%parallel_loop3A_985, %parallel_loop3A_986, %parallel_loop3A_987] {strides = array<i32>} : memref<2x512x32xf32, #tpu.memory_space<vmem>>, vector<16xf32>,
        %parallel_loop3A_989 = arith.constant 1 : i32
        %parallel_loop3A_990 = arith.constant 0 : i32
        %parallel_loop3A_991 = arith.constant 0 : i32
        %parallel_loop3A_992 = tpu.memref_slice %arg7[%parallel_loop3A_989, %parallel_loop3A_990, %parallel_loop3A_991] : memref<2x32x513xf32, #tpu.memory_space<vmem>> -> memref<1x32x513xf32, #tpu.memory_space<vmem>>
        %parallel_loop3A_993 = tpu.memref_squeeze %parallel_loop3A_992 : memref<1x32x513xf32, #tpu.memory_space<vmem>> -> memref<32x513xf32, #tpu.memory_space<vmem>>
        tpu.vector_store_idx %parallel_loop3A_993[%iota3A, %parallel_loop3A_978], %parallel_loop3A_983 : memref<32x513xf32, #tpu.memory_space<vmem>>[vector<16xi32>, vector<16xi32>], vector<16xf32>,
        %parallel_loop3A_994 = arith.constant 1 : i32
        %parallel_loop3A_995 = arith.constant 0 : i32
        %parallel_loop3A_996 = arith.constant 0 : i32
        %parallel_loop3A_997 = tpu.memref_slice %arg7[%parallel_loop3A_994, %parallel_loop3A_995, %parallel_loop3A_996] : memref<2x32x513xf32, #tpu.memory_space<vmem>> -> memref<1x32x513xf32, #tpu.memory_space<vmem>>
        %parallel_loop3A_998 = tpu.memref_squeeze %parallel_loop3A_997 : memref<1x32x513xf32, #tpu.memory_space<vmem>> -> memref<32x513xf32, #tpu.memory_space<vmem>>
        tpu.vector_store_idx %parallel_loop3A_998[%add3A_5, %parallel_loop3A_978], %parallel_loop3A_988 : memref<32x513xf32, #tpu.memory_space<vmem>>[vector<16xi32>, vector<16xi32>], vector<16xf32>,
      } {sc.loop_unroll_factor = 8 : i64, sc.parallel_access}
      %add3A_701 = arith.constant 7 : i32
      %add3A_702 = arith.addi %add3A_14, %add3A_701 : i32
      %jit3A_703 = arith.constant 32 : i32
      %div3A_704 = arith.divsi %add3A_702, %jit3A_703 : i32
      %sign3A_705 = arith.constant 0 : i32
      %sign3A_706 = arith.cmpi sgt, %add3A_702, %sign3A_705 : i32
      %sign3A_707 = arith.extui %sign3A_706 : i1 to i32
      %sign3A_708 = arith.constant 0 : i32
      %sign3A_709 = arith.cmpi slt, %add3A_702, %sign3A_708 : i32
      %sign3A_710 = arith.extui %sign3A_709 : i1 to i32
      %sign3A_711 = arith.subi %sign3A_707, %sign3A_710 : i32
      %sign3A_712 = arith.constant 0 : i32
      %sign3A_713 = arith.cmpi sgt, %jit3A_703, %sign3A_712 : i32
      %sign3A_714 = arith.extui %sign3A_713 : i1 to i32
      %sign3A_715 = arith.constant 0 : i32
      %sign3A_716 = arith.cmpi slt, %jit3A_703, %sign3A_715 : i32
      %sign3A_717 = arith.extui %sign3A_716 : i1 to i32
      %sign3A_718 = arith.subi %sign3A_714, %sign3A_717 : i32
      %ne3A_719 = arith.cmpi ne, %sign3A_711, %sign3A_718 : i32
      %rem3A_720 = arith.remsi %add3A_702, %jit3A_703 : i32
      %ne3A_721 = arith.constant 0 : i32
      %ne3A_722 = arith.cmpi ne, %rem3A_720, %ne3A_721 : i32
      %and3A_723 = arith.andi %ne3A_719, %ne3A_722 : i1
      %sub3A_724 = arith.constant 1 : i32
      %sub3A_725 = arith.subi %div3A_704, %sub3A_724 : i32
      %select_n3A_726 = arith.select %and3A_723, %sub3A_725, %div3A_704 : i32
      %jit3A_727 = arith.constant 32 : i32
      %eq3A_728 = arith.constant 0 : i32
      %eq3A_729 = arith.cmpi eq, %jit3A_727, %eq3A_728 : i32
      %jit3A_730 = arith.constant 1 : i32
      %select_n3A_731 = arith.select %eq3A_729, %jit3A_730, %jit3A_727 : i32
      %rem3A_732 = arith.remsi %add3A_702, %select_n3A_731 : i32
      %ne3A_733 = arith.constant 0 : i32
      %ne3A_734 = arith.cmpi ne, %rem3A_732, %ne3A_733 : i32
      %lt3A_735 = arith.constant 0 : i32
      %lt3A_736 = arith.cmpi slt, %rem3A_732, %lt3A_735 : i32
      %lt3A_737 = arith.constant 0 : i32
      %lt3A_738 = arith.cmpi slt, %select_n3A_731, %lt3A_737 : i32
      %ne3A_739 = arith.xori %lt3A_736, %lt3A_738 : i1
      %and3A_740 = arith.andi %ne3A_739, %ne3A_734 : i1
      %add3A_741 = arith.addi %rem3A_732, %select_n3A_731 : i32
      %select_n3A_742 = arith.select %and3A_740, %add3A_741, %rem3A_732 : i32
      %mul3A_743 = arith.constant 512 : i32
      %mul3A_744 = arith.muli %select_n3A_742, %mul3A_743 : i32
      %dma_start3A_745 = arith.constant 1 : i32
      %dma_start3A_746 = arith.constant 0 : i32
      %dma_start3A_747 = arith.constant 0 : i32
      %dma_start3A_748 = tpu.memref_slice %arg7[%dma_start3A_745, %dma_start3A_746, %dma_start3A_747] : memref<2x32x513xf32, #tpu.memory_space<vmem>> -> memref<1x32x512xf32, #tpu.memory_space<vmem>>
      %dma_start3A_749 = tpu.memref_squeeze %dma_start3A_748 : memref<1x32x512xf32, #tpu.memory_space<vmem>> -> memref<32x512xf32, #tpu.memory_space<vmem>>
      %dma_start3A_750 = arith.constant 0 : i32
      %dma_start3A_751 = tpu.memref_slice %arg4[%select_n3A_726, %dma_start3A_750, %mul3A_744] : memref<100x32x16384xf32, #tpu.memory_space<hbm>> -> memref<1x32x512xf32, #tpu.memory_space<hbm>>
      %dma_start3A_752 = tpu.memref_squeeze %dma_start3A_751 : memref<1x32x512xf32, #tpu.memory_space<hbm>> -> memref<32x512xf32, #tpu.memory_space<hbm>>
      %dma_start3A_753 = arith.constant 0 : i32
      %dma_start3A_754 = tpu.memref_slice %arg4[%select_n3A_726, %dma_start3A_753, %mul3A_744] : memref<100x32x16384xf32, #tpu.memory_space<hbm>> -> memref<1x32x512xf32, #tpu.memory_space<hbm>>
      %dma_start3A_755 = tpu.memref_squeeze %dma_start3A_754 : memref<1x32x512xf32, #tpu.memory_space<hbm>> -> memref<32x512xf32, #tpu.memory_space<hbm>>
      %dma_start3A_756 = arith.constant 0 : i32
      %dma_start3A_757 = arith.constant 0 : i32
      %dma_start3A_758 = tpu.memref_slice %arg7[%dma_start3A_745, %dma_start3A_756, %dma_start3A_757] : memref<2x32x513xf32, #tpu.memory_space<vmem>> -> memref<1x32x512xf32, #tpu.memory_space<vmem>>
      %dma_start3A_759 = tpu.memref_squeeze %dma_start3A_758 : memref<1x32x512xf32, #tpu.memory_space<vmem>> -> memref<32x512xf32, #tpu.memory_space<vmem>>
      tpu.enqueue_dma source(%dma_start3A_759 : memref<32x512xf32, #tpu.memory_space<vmem>>) target(%dma_start3A_755 : memref<32x512xf32, #tpu.memory_space<hbm>>) target_semaphore(%arg10 : memref<!tpu.dma_semaphore, #tpu.memory_space<semaphore_mem>>)
      %dma_start3A_760 = arith.constant 1 : i32
      %dma_start3A_761 = arith.constant 0 : i32
      %dma_start3A_762 = arith.constant 0 : i32
      %dma_start3A_763 = tpu.memref_slice %arg6[%dma_start3A_760, %dma_start3A_761, %dma_start3A_762] : memref<2x512x32xf32, #tpu.memory_space<vmem>> -> memref<1x512x32xf32, #tpu.memory_space<vmem>>
      %dma_start3A_764 = tpu.memref_squeeze %dma_start3A_763 : memref<1x512x32xf32, #tpu.memory_space<vmem>> -> memref<512x32xf32, #tpu.memory_space<vmem>>
      %dma_start3A_765 = arith.constant 4608 : i32
      %dma_start3A_766 = tpu.memref_slice %arg5[%dma_start3A_765] : memref<5120xi32, #tpu.memory_space<vmem>> -> memref<512xi32, #tpu.memory_space<vmem>>
      %dma_start3A_767 = arith.constant 0 : i32
      %dma_start3A_768 = arith.constant 0 : i32
      %dma_start3A_769 = tpu.memref_slice %arg3[%dma_start3A_767, %dma_start3A_768] : memref<1000000x32xf32, #tpu.memory_space<hbm>> -> memref<1000000x32xf32, #tpu.memory_space<hbm>>
      tpu.enqueue_indirect_dma source(%dma_start3A_769 : memref<1000000x32xf32, #tpu.memory_space<hbm>>) target(%dma_start3A_764 : memref<512x32xf32, #tpu.memory_space<vmem>>) offsets(%dma_start3A_766 : memref<512xi32, #tpu.memory_space<vmem>>) semaphore(%arg9 : memref<!tpu.dma_semaphore, #tpu.memory_space<semaphore_mem>>)
      %dma_wait3A_770 = arith.constant 0 : i32
      %dma_wait3A_771 = arith.constant 0 : i32
      %dma_wait3A_772 = arith.constant 0 : i32
      %dma_wait3A_773 = tpu.memref_slice %arg6[%dma_wait3A_770, %dma_wait3A_771, %dma_wait3A_772] : memref<2x512x32xf32, #tpu.memory_space<vmem>> -> memref<1x512x32xf32, #tpu.memory_space<vmem>>
      %dma_wait3A_774 = tpu.memref_squeeze %dma_wait3A_773 : memref<1x512x32xf32, #tpu.memory_space<vmem>> -> memref<512x32xf32, #tpu.memory_space<vmem>>
      %dma_wait3A_775 = arith.constant 4096 : i32
      %dma_wait3A_776 = tpu.memref_slice %arg5[%dma_wait3A_775] : memref<5120xi32, #tpu.memory_space<vmem>> -> memref<512xi32, #tpu.memory_space<vmem>>
      %dma_wait3A_777 = arith.constant 0 : i32
      %dma_wait3A_778 = arith.constant 0 : i32
      %dma_wait3A_779 = tpu.memref_slice %arg3[%dma_wait3A_777, %dma_wait3A_778] : memref<1000000x32xf32, #tpu.memory_space<hbm>> -> memref<1000000x32xf32, #tpu.memory_space<hbm>>
      tpu.wait_indirect_dma semaphore(%arg8 : memref<!tpu.dma_semaphore, #tpu.memory_space<semaphore_mem>>) src(%dma_wait3A_779 : memref<1000000x32xf32, #tpu.memory_space<hbm>>) dst(%dma_wait3A_774 : memref<512x32xf32, #tpu.memory_space<vmem>>)
      %dma_wait3A_780 = arith.constant 0 : i32
      %dma_wait3A_781 = arith.constant 0 : i32
      %dma_wait3A_782 = arith.constant 0 : i32
      %dma_wait3A_783 = tpu.memref_slice %arg7[%dma_wait3A_780, %dma_wait3A_781, %dma_wait3A_782] : memref<2x32x513xf32, #tpu.memory_space<vmem>> -> memref<1x32x512xf32, #tpu.memory_space<vmem>>
      %dma_wait3A_784 = tpu.memref_squeeze %dma_wait3A_783 : memref<1x32x512xf32, #tpu.memory_space<vmem>> -> memref<32x512xf32, #tpu.memory_space<vmem>>
      %dma_wait3A_785 = arith.constant 0 : i32
      %dma_wait3A_786 = tpu.memref_slice %arg4[%select_n3A_629, %dma_wait3A_785, %mul3A_647] : memref<100x32x16384xf32, #tpu.memory_space<hbm>> -> memref<1x32x512xf32, #tpu.memory_space<hbm>>
      %dma_wait3A_787 = tpu.memref_squeeze %dma_wait3A_786 : memref<1x32x512xf32, #tpu.memory_space<hbm>> -> memref<32x512xf32, #tpu.memory_space<hbm>>
      %dma_wait3A_788 = arith.constant 0 : i32
      %dma_wait3A_789 = tpu.memref_slice %arg4[%select_n3A_629, %dma_wait3A_788, %mul3A_647] : memref<100x32x16384xf32, #tpu.memory_space<hbm>> -> memref<1x32x512xf32, #tpu.memory_space<hbm>>
      %dma_wait3A_790 = tpu.memref_squeeze %dma_wait3A_789 : memref<1x32x512xf32, #tpu.memory_space<hbm>> -> memref<32x512xf32, #tpu.memory_space<hbm>>
      %dma_wait3A_791 = arith.constant 0 : i32
      %dma_wait3A_792 = arith.constant 0 : i32
      %dma_wait3A_793 = tpu.memref_slice %arg7[%dma_wait3A_780, %dma_wait3A_791, %dma_wait3A_792] : memref<2x32x513xf32, #tpu.memory_space<vmem>> -> memref<1x32x512xf32, #tpu.memory_space<vmem>>
      %dma_wait3A_794 = tpu.memref_squeeze %dma_wait3A_793 : memref<1x32x512xf32, #tpu.memory_space<vmem>> -> memref<32x512xf32, #tpu.memory_space<vmem>>
      tpu.wait_dma2 semaphore(%arg10 : memref<!tpu.dma_semaphore, #tpu.memory_space<semaphore_mem>>) src(%dma_wait3A_794 : memref<32x512xf32, #tpu.memory_space<vmem>>) dst(%dma_wait3A_790 : memref<32x512xf32, #tpu.memory_space<hbm>>)
      %parallel_loop3A_795 = arith.constant 0 : i32
      %parallel_loop3A_796 = arith.constant 512 : i32
      %parallel_loop3A_797 = arith.constant 1 : i32
      scf.for %parallel_loop3A_974 = %parallel_loop3A_795 to %parallel_loop3A_796 step %parallel_loop3A_797  : i32 {
        %parallel_loop3A_975 = arith.constant 0 : i32
        %parallel_loop3A_976 = vector.broadcast %parallel_loop3A_975 : i32 to vector<16xi32>
        %parallel_loop3A_977 = vector.broadcast %parallel_loop3A_974 : i32 to vector<16xi32>
        %parallel_loop3A_978 = arith.addi %parallel_loop3A_976, %parallel_loop3A_977 : vector<16xi32>
        %parallel_loop3A_979 = arith.constant 0 : i32
        %parallel_loop3A_980 = arith.index_cast %parallel_loop3A_979 : i32 to index
        %parallel_loop3A_981 = arith.index_cast %parallel_loop3A_974 : i32 to index
        %parallel_loop3A_982 = arith.constant 0 : index
        %parallel_loop3A_983 = tpu.vector_load %arg6[%parallel_loop3A_980, %parallel_loop3A_981, %parallel_loop3A_982] {strides = array<i32>} : memref<2x512x32xf32, #tpu.memory_space<vmem>>, vector<16xf32>,
        %parallel_loop3A_984 = arith.constant 0 : i32
        %parallel_loop3A_985 = arith.index_cast %parallel_loop3A_984 : i32 to index
        %parallel_loop3A_986 = arith.index_cast %parallel_loop3A_974 : i32 to index
        %parallel_loop3A_987 = arith.constant 16 : index
        %parallel_loop3A_988 = tpu.vector_load %arg6[%parallel_loop3A_985, %parallel_loop3A_986, %parallel_loop3A_987] {strides = array<i32>} : memref<2x512x32xf32, #tpu.memory_space<vmem>>, vector<16xf32>,
        %parallel_loop3A_989 = arith.constant 0 : i32
        %parallel_loop3A_990 = arith.constant 0 : i32
        %parallel_loop3A_991 = arith.constant 0 : i32
        %parallel_loop3A_992 = tpu.memref_slice %arg7[%parallel_loop3A_989, %parallel_loop3A_990, %parallel_loop3A_991] : memref<2x32x513xf32, #tpu.memory_space<vmem>> -> memref<1x32x513xf32, #tpu.memory_space<vmem>>
        %parallel_loop3A_993 = tpu.memref_squeeze %parallel_loop3A_992 : memref<1x32x513xf32, #tpu.memory_space<vmem>> -> memref<32x513xf32, #tpu.memory_space<vmem>>
        tpu.vector_store_idx %parallel_loop3A_993[%iota3A, %parallel_loop3A_978], %parallel_loop3A_983 : memref<32x513xf32, #tpu.memory_space<vmem>>[vector<16xi32>, vector<16xi32>], vector<16xf32>,
        %parallel_loop3A_994 = arith.constant 0 : i32
        %parallel_loop3A_995 = arith.constant 0 : i32
        %parallel_loop3A_996 = arith.constant 0 : i32
        %parallel_loop3A_997 = tpu.memref_slice %arg7[%parallel_loop3A_994, %parallel_loop3A_995, %parallel_loop3A_996] : memref<2x32x513xf32, #tpu.memory_space<vmem>> -> memref<1x32x513xf32, #tpu.memory_space<vmem>>
        %parallel_loop3A_998 = tpu.memref_squeeze %parallel_loop3A_997 : memref<1x32x513xf32, #tpu.memory_space<vmem>> -> memref<32x513xf32, #tpu.memory_space<vmem>>
        tpu.vector_store_idx %parallel_loop3A_998[%add3A_5, %parallel_loop3A_978], %parallel_loop3A_988 : memref<32x513xf32, #tpu.memory_space<vmem>>[vector<16xi32>, vector<16xi32>], vector<16xf32>,
      } {sc.loop_unroll_factor = 8 : i64, sc.parallel_access}
      %add3A_798 = arith.constant 8 : i32
      %add3A_799 = arith.addi %add3A_14, %add3A_798 : i32
      %jit3A_800 = arith.constant 32 : i32
      %div3A_801 = arith.divsi %add3A_799, %jit3A_800 : i32
      %sign3A_802 = arith.constant 0 : i32
      %sign3A_803 = arith.cmpi sgt, %add3A_799, %sign3A_802 : i32
      %sign3A_804 = arith.extui %sign3A_803 : i1 to i32
      %sign3A_805 = arith.constant 0 : i32
      %sign3A_806 = arith.cmpi slt, %add3A_799, %sign3A_805 : i32
      %sign3A_807 = arith.extui %sign3A_806 : i1 to i32
      %sign3A_808 = arith.subi %sign3A_804, %sign3A_807 : i32
      %sign3A_809 = arith.constant 0 : i32
      %sign3A_810 = arith.cmpi sgt, %jit3A_800, %sign3A_809 : i32
      %sign3A_811 = arith.extui %sign3A_810 : i1 to i32
      %sign3A_812 = arith.constant 0 : i32
      %sign3A_813 = arith.cmpi slt, %jit3A_800, %sign3A_812 : i32
      %sign3A_814 = arith.extui %sign3A_813 : i1 to i32
      %sign3A_815 = arith.subi %sign3A_811, %sign3A_814 : i32
      %ne3A_816 = arith.cmpi ne, %sign3A_808, %sign3A_815 : i32
      %rem3A_817 = arith.remsi %add3A_799, %jit3A_800 : i32
      %ne3A_818 = arith.constant 0 : i32
      %ne3A_819 = arith.cmpi ne, %rem3A_817, %ne3A_818 : i32
      %and3A_820 = arith.andi %ne3A_816, %ne3A_819 : i1
      %sub3A_821 = arith.constant 1 : i32
      %sub3A_822 = arith.subi %div3A_801, %sub3A_821 : i32
      %select_n3A_823 = arith.select %and3A_820, %sub3A_822, %div3A_801 : i32
      %jit3A_824 = arith.constant 32 : i32
      %eq3A_825 = arith.constant 0 : i32
      %eq3A_826 = arith.cmpi eq, %jit3A_824, %eq3A_825 : i32
      %jit3A_827 = arith.constant 1 : i32
      %select_n3A_828 = arith.select %eq3A_826, %jit3A_827, %jit3A_824 : i32
      %rem3A_829 = arith.remsi %add3A_799, %select_n3A_828 : i32
      %ne3A_830 = arith.constant 0 : i32
      %ne3A_831 = arith.cmpi ne, %rem3A_829, %ne3A_830 : i32
      %lt3A_832 = arith.constant 0 : i32
      %lt3A_833 = arith.cmpi slt, %rem3A_829, %lt3A_832 : i32
      %lt3A_834 = arith.constant 0 : i32
      %lt3A_835 = arith.cmpi slt, %select_n3A_828, %lt3A_834 : i32
      %ne3A_836 = arith.xori %lt3A_833, %lt3A_835 : i1
      %and3A_837 = arith.andi %ne3A_836, %ne3A_831 : i1
      %add3A_838 = arith.addi %rem3A_829, %select_n3A_828 : i32
      %select_n3A_839 = arith.select %and3A_837, %add3A_838, %rem3A_829 : i32
      %mul3A_840 = arith.constant 512 : i32
      %mul3A_841 = arith.muli %select_n3A_839, %mul3A_840 : i32
      %dma_start3A_842 = arith.constant 0 : i32
      %dma_start3A_843 = arith.constant 0 : i32
      %dma_start3A_844 = arith.constant 0 : i32
      %dma_start3A_845 = tpu.memref_slice %arg7[%dma_start3A_842, %dma_start3A_843, %dma_start3A_844] : memref<2x32x513xf32, #tpu.memory_space<vmem>> -> memref<1x32x512xf32, #tpu.memory_space<vmem>>
      %dma_start3A_846 = tpu.memref_squeeze %dma_start3A_845 : memref<1x32x512xf32, #tpu.memory_space<vmem>> -> memref<32x512xf32, #tpu.memory_space<vmem>>
      %dma_start3A_847 = arith.constant 0 : i32
      %dma_start3A_848 = tpu.memref_slice %arg4[%select_n3A_823, %dma_start3A_847, %mul3A_841] : memref<100x32x16384xf32, #tpu.memory_space<hbm>> -> memref<1x32x512xf32, #tpu.memory_space<hbm>>
      %dma_start3A_849 = tpu.memref_squeeze %dma_start3A_848 : memref<1x32x512xf32, #tpu.memory_space<hbm>> -> memref<32x512xf32, #tpu.memory_space<hbm>>
      %dma_start3A_850 = arith.constant 0 : i32
      %dma_start3A_851 = tpu.memref_slice %arg4[%select_n3A_823, %dma_start3A_850, %mul3A_841] : memref<100x32x16384xf32, #tpu.memory_space<hbm>> -> memref<1x32x512xf32, #tpu.memory_space<hbm>>
      %dma_start3A_852 = tpu.memref_squeeze %dma_start3A_851 : memref<1x32x512xf32, #tpu.memory_space<hbm>> -> memref<32x512xf32, #tpu.memory_space<hbm>>
      %dma_start3A_853 = arith.constant 0 : i32
      %dma_start3A_854 = arith.constant 0 : i32
      %dma_start3A_855 = tpu.memref_slice %arg7[%dma_start3A_842, %dma_start3A_853, %dma_start3A_854] : memref<2x32x513xf32, #tpu.memory_space<vmem>> -> memref<1x32x512xf32, #tpu.memory_space<vmem>>
      %dma_start3A_856 = tpu.memref_squeeze %dma_start3A_855 : memref<1x32x512xf32, #tpu.memory_space<vmem>> -> memref<32x512xf32, #tpu.memory_space<vmem>>
      tpu.enqueue_dma source(%dma_start3A_856 : memref<32x512xf32, #tpu.memory_space<vmem>>) target(%dma_start3A_852 : memref<32x512xf32, #tpu.memory_space<hbm>>) target_semaphore(%arg10 : memref<!tpu.dma_semaphore, #tpu.memory_space<semaphore_mem>>)
      %dma_wait3A_857 = arith.constant 1 : i32
      %dma_wait3A_858 = arith.constant 0 : i32
      %dma_wait3A_859 = arith.constant 0 : i32
      %dma_wait3A_860 = tpu.memref_slice %arg6[%dma_wait3A_857, %dma_wait3A_858, %dma_wait3A_859] : memref<2x512x32xf32, #tpu.memory_space<vmem>> -> memref<1x512x32xf32, #tpu.memory_space<vmem>>
      %dma_wait3A_861 = tpu.memref_squeeze %dma_wait3A_860 : memref<1x512x32xf32, #tpu.memory_space<vmem>> -> memref<512x32xf32, #tpu.memory_space<vmem>>
      %dma_wait3A_862 = arith.constant 4608 : i32
      %dma_wait3A_863 = tpu.memref_slice %arg5[%dma_wait3A_862] : memref<5120xi32, #tpu.memory_space<vmem>> -> memref<512xi32, #tpu.memory_space<vmem>>
      %dma_wait3A_864 = arith.constant 0 : i32
      %dma_wait3A_865 = arith.constant 0 : i32
      %dma_wait3A_866 = tpu.memref_slice %arg3[%dma_wait3A_864, %dma_wait3A_865] : memref<1000000x32xf32, #tpu.memory_space<hbm>> -> memref<1000000x32xf32, #tpu.memory_space<hbm>>
      tpu.wait_indirect_dma semaphore(%arg9 : memref<!tpu.dma_semaphore, #tpu.memory_space<semaphore_mem>>) src(%dma_wait3A_866 : memref<1000000x32xf32, #tpu.memory_space<hbm>>) dst(%dma_wait3A_861 : memref<512x32xf32, #tpu.memory_space<vmem>>)
      %dma_wait3A_867 = arith.constant 1 : i32
      %dma_wait3A_868 = arith.constant 0 : i32
      %dma_wait3A_869 = arith.constant 0 : i32
      %dma_wait3A_870 = tpu.memref_slice %arg7[%dma_wait3A_867, %dma_wait3A_868, %dma_wait3A_869] : memref<2x32x513xf32, #tpu.memory_space<vmem>> -> memref<1x32x512xf32, #tpu.memory_space<vmem>>
      %dma_wait3A_871 = tpu.memref_squeeze %dma_wait3A_870 : memref<1x32x512xf32, #tpu.memory_space<vmem>> -> memref<32x512xf32, #tpu.memory_space<vmem>>
      %dma_wait3A_872 = arith.constant 0 : i32
      %dma_wait3A_873 = tpu.memref_slice %arg4[%select_n3A_726, %dma_wait3A_872, %mul3A_744] : memref<100x32x16384xf32, #tpu.memory_space<hbm>> -> memref<1x32x512xf32, #tpu.memory_space<hbm>>
      %dma_wait3A_874 = tpu.memref_squeeze %dma_wait3A_873 : memref<1x32x512xf32, #tpu.memory_space<hbm>> -> memref<32x512xf32, #tpu.memory_space<hbm>>
      %dma_wait3A_875 = arith.constant 0 : i32
      %dma_wait3A_876 = tpu.memref_slice %arg4[%select_n3A_726, %dma_wait3A_875, %mul3A_744] : memref<100x32x16384xf32, #tpu.memory_space<hbm>> -> memref<1x32x512xf32, #tpu.memory_space<hbm>>
      %dma_wait3A_877 = tpu.memref_squeeze %dma_wait3A_876 : memref<1x32x512xf32, #tpu.memory_space<hbm>> -> memref<32x512xf32, #tpu.memory_space<hbm>>
      %dma_wait3A_878 = arith.constant 0 : i32
      %dma_wait3A_879 = arith.constant 0 : i32
      %dma_wait3A_880 = tpu.memref_slice %arg7[%dma_wait3A_867, %dma_wait3A_878, %dma_wait3A_879] : memref<2x32x513xf32, #tpu.memory_space<vmem>> -> memref<1x32x512xf32, #tpu.memory_space<vmem>>
      %dma_wait3A_881 = tpu.memref_squeeze %dma_wait3A_880 : memref<1x32x512xf32, #tpu.memory_space<vmem>> -> memref<32x512xf32, #tpu.memory_space<vmem>>
      tpu.wait_dma2 semaphore(%arg10 : memref<!tpu.dma_semaphore, #tpu.memory_space<semaphore_mem>>) src(%dma_wait3A_881 : memref<32x512xf32, #tpu.memory_space<vmem>>) dst(%dma_wait3A_877 : memref<32x512xf32, #tpu.memory_space<hbm>>)
      %parallel_loop3A_882 = arith.constant 0 : i32
      %parallel_loop3A_883 = arith.constant 512 : i32
      %parallel_loop3A_884 = arith.constant 1 : i32
      scf.for %parallel_loop3A_974 = %parallel_loop3A_882 to %parallel_loop3A_883 step %parallel_loop3A_884  : i32 {
        %parallel_loop3A_975 = arith.constant 0 : i32
        %parallel_loop3A_976 = vector.broadcast %parallel_loop3A_975 : i32 to vector<16xi32>
        %parallel_loop3A_977 = vector.broadcast %parallel_loop3A_974 : i32 to vector<16xi32>
        %parallel_loop3A_978 = arith.addi %parallel_loop3A_976, %parallel_loop3A_977 : vector<16xi32>
        %parallel_loop3A_979 = arith.constant 1 : i32
        %parallel_loop3A_980 = arith.index_cast %parallel_loop3A_979 : i32 to index
        %parallel_loop3A_981 = arith.index_cast %parallel_loop3A_974 : i32 to index
        %parallel_loop3A_982 = arith.constant 0 : index
        %parallel_loop3A_983 = tpu.vector_load %arg6[%parallel_loop3A_980, %parallel_loop3A_981, %parallel_loop3A_982] {strides = array<i32>} : memref<2x512x32xf32, #tpu.memory_space<vmem>>, vector<16xf32>,
        %parallel_loop3A_984 = arith.constant 1 : i32
        %parallel_loop3A_985 = arith.index_cast %parallel_loop3A_984 : i32 to index
        %parallel_loop3A_986 = arith.index_cast %parallel_loop3A_974 : i32 to index
        %parallel_loop3A_987 = arith.constant 16 : index
        %parallel_loop3A_988 = tpu.vector_load %arg6[%parallel_loop3A_985, %parallel_loop3A_986, %parallel_loop3A_987] {strides = array<i32>} : memref<2x512x32xf32, #tpu.memory_space<vmem>>, vector<16xf32>,
        %parallel_loop3A_989 = arith.constant 1 : i32
        %parallel_loop3A_990 = arith.constant 0 : i32
        %parallel_loop3A_991 = arith.constant 0 : i32
        %parallel_loop3A_992 = tpu.memref_slice %arg7[%parallel_loop3A_989, %parallel_loop3A_990, %parallel_loop3A_991] : memref<2x32x513xf32, #tpu.memory_space<vmem>> -> memref<1x32x513xf32, #tpu.memory_space<vmem>>
        %parallel_loop3A_993 = tpu.memref_squeeze %parallel_loop3A_992 : memref<1x32x513xf32, #tpu.memory_space<vmem>> -> memref<32x513xf32, #tpu.memory_space<vmem>>
        tpu.vector_store_idx %parallel_loop3A_993[%iota3A, %parallel_loop3A_978], %parallel_loop3A_983 : memref<32x513xf32, #tpu.memory_space<vmem>>[vector<16xi32>, vector<16xi32>], vector<16xf32>,
        %parallel_loop3A_994 = arith.constant 1 : i32
        %parallel_loop3A_995 = arith.constant 0 : i32
        %parallel_loop3A_996 = arith.constant 0 : i32
        %parallel_loop3A_997 = tpu.memref_slice %arg7[%parallel_loop3A_994, %parallel_loop3A_995, %parallel_loop3A_996] : memref<2x32x513xf32, #tpu.memory_space<vmem>> -> memref<1x32x513xf32, #tpu.memory_space<vmem>>
        %parallel_loop3A_998 = tpu.memref_squeeze %parallel_loop3A_997 : memref<1x32x513xf32, #tpu.memory_space<vmem>> -> memref<32x513xf32, #tpu.memory_space<vmem>>
        tpu.vector_store_idx %parallel_loop3A_998[%add3A_5, %parallel_loop3A_978], %parallel_loop3A_988 : memref<32x513xf32, #tpu.memory_space<vmem>>[vector<16xi32>, vector<16xi32>], vector<16xf32>,
      } {sc.loop_unroll_factor = 8 : i64, sc.parallel_access}
      %add3A_885 = arith.constant 9 : i32
      %add3A_886 = arith.addi %add3A_14, %add3A_885 : i32
      %jit3A_887 = arith.constant 32 : i32
      %div3A_888 = arith.divsi %add3A_886, %jit3A_887 : i32
      %sign3A_889 = arith.constant 0 : i32
      %sign3A_890 = arith.cmpi sgt, %add3A_886, %sign3A_889 : i32
      %sign3A_891 = arith.extui %sign3A_890 : i1 to i32
      %sign3A_892 = arith.constant 0 : i32
      %sign3A_893 = arith.cmpi slt, %add3A_886, %sign3A_892 : i32
      %sign3A_894 = arith.extui %sign3A_893 : i1 to i32
      %sign3A_895 = arith.subi %sign3A_891, %sign3A_894 : i32
      %sign3A_896 = arith.constant 0 : i32
      %sign3A_897 = arith.cmpi sgt, %jit3A_887, %sign3A_896 : i32
      %sign3A_898 = arith.extui %sign3A_897 : i1 to i32
      %sign3A_899 = arith.constant 0 : i32
      %sign3A_900 = arith.cmpi slt, %jit3A_887, %sign3A_899 : i32
      %sign3A_901 = arith.extui %sign3A_900 : i1 to i32
      %sign3A_902 = arith.subi %sign3A_898, %sign3A_901 : i32
      %ne3A_903 = arith.cmpi ne, %sign3A_895, %sign3A_902 : i32
      %rem3A_904 = arith.remsi %add3A_886, %jit3A_887 : i32
      %ne3A_905 = arith.constant 0 : i32
      %ne3A_906 = arith.cmpi ne, %rem3A_904, %ne3A_905 : i32
      %and3A_907 = arith.andi %ne3A_903, %ne3A_906 : i1
      %sub3A_908 = arith.constant 1 : i32
      %sub3A_909 = arith.subi %div3A_888, %sub3A_908 : i32
      %select_n3A_910 = arith.select %and3A_907, %sub3A_909, %div3A_888 : i32
      %jit3A_911 = arith.constant 32 : i32
      %eq3A_912 = arith.constant 0 : i32
      %eq3A_913 = arith.cmpi eq, %jit3A_911, %eq3A_912 : i32
      %jit3A_914 = arith.constant 1 : i32
      %select_n3A_915 = arith.select %eq3A_913, %jit3A_914, %jit3A_911 : i32
      %rem3A_916 = arith.remsi %add3A_886, %select_n3A_915 : i32
      %ne3A_917 = arith.constant 0 : i32
      %ne3A_918 = arith.cmpi ne, %rem3A_916, %ne3A_917 : i32
      %lt3A_919 = arith.constant 0 : i32
      %lt3A_920 = arith.cmpi slt, %rem3A_916, %lt3A_919 : i32
      %lt3A_921 = arith.constant 0 : i32
      %lt3A_922 = arith.cmpi slt, %select_n3A_915, %lt3A_921 : i32
      %ne3A_923 = arith.xori %lt3A_920, %lt3A_922 : i1
      %and3A_924 = arith.andi %ne3A_923, %ne3A_918 : i1
      %add3A_925 = arith.addi %rem3A_916, %select_n3A_915 : i32
      %select_n3A_926 = arith.select %and3A_924, %add3A_925, %rem3A_916 : i32
      %mul3A_927 = arith.constant 512 : i32
      %mul3A_928 = arith.muli %select_n3A_926, %mul3A_927 : i32
      %dma_start3A_929 = arith.constant 1 : i32
      %dma_start3A_930 = arith.constant 0 : i32
      %dma_start3A_931 = arith.constant 0 : i32
      %dma_start3A_932 = tpu.memref_slice %arg7[%dma_start3A_929, %dma_start3A_930, %dma_start3A_931] : memref<2x32x513xf32, #tpu.memory_space<vmem>> -> memref<1x32x512xf32, #tpu.memory_space<vmem>>
      %dma_start3A_933 = tpu.memref_squeeze %dma_start3A_932 : memref<1x32x512xf32, #tpu.memory_space<vmem>> -> memref<32x512xf32, #tpu.memory_space<vmem>>
      %dma_start3A_934 = arith.constant 0 : i32
      %dma_start3A_935 = tpu.memref_slice %arg4[%select_n3A_910, %dma_start3A_934, %mul3A_928] : memref<100x32x16384xf32, #tpu.memory_space<hbm>> -> memref<1x32x512xf32, #tpu.memory_space<hbm>>
      %dma_start3A_936 = tpu.memref_squeeze %dma_start3A_935 : memref<1x32x512xf32, #tpu.memory_space<hbm>> -> memref<32x512xf32, #tpu.memory_space<hbm>>
      %dma_start3A_937 = arith.constant 0 : i32
      %dma_start3A_938 = tpu.memref_slice %arg4[%select_n3A_910, %dma_start3A_937, %mul3A_928] : memref<100x32x16384xf32, #tpu.memory_space<hbm>> -> memref<1x32x512xf32, #tpu.memory_space<hbm>>
      %dma_start3A_939 = tpu.memref_squeeze %dma_start3A_938 : memref<1x32x512xf32, #tpu.memory_space<hbm>> -> memref<32x512xf32, #tpu.memory_space<hbm>>
      %dma_start3A_940 = arith.constant 0 : i32
      %dma_start3A_941 = arith.constant 0 : i32
      %dma_start3A_942 = tpu.memref_slice %arg7[%dma_start3A_929, %dma_start3A_940, %dma_start3A_941] : memref<2x32x513xf32, #tpu.memory_space<vmem>> -> memref<1x32x512xf32, #tpu.memory_space<vmem>>
      %dma_start3A_943 = tpu.memref_squeeze %dma_start3A_942 : memref<1x32x512xf32, #tpu.memory_space<vmem>> -> memref<32x512xf32, #tpu.memory_space<vmem>>
      tpu.enqueue_dma source(%dma_start3A_943 : memref<32x512xf32, #tpu.memory_space<vmem>>) target(%dma_start3A_939 : memref<32x512xf32, #tpu.memory_space<hbm>>) target_semaphore(%arg10 : memref<!tpu.dma_semaphore, #tpu.memory_space<semaphore_mem>>)
      %dma_wait3A_944 = arith.constant 0 : i32
      %dma_wait3A_945 = arith.constant 0 : i32
      %dma_wait3A_946 = arith.constant 0 : i32
      %dma_wait3A_947 = tpu.memref_slice %arg7[%dma_wait3A_944, %dma_wait3A_945, %dma_wait3A_946] : memref<2x32x513xf32, #tpu.memory_space<vmem>> -> memref<1x32x512xf32, #tpu.memory_space<vmem>>
      %dma_wait3A_948 = tpu.memref_squeeze %dma_wait3A_947 : memref<1x32x512xf32, #tpu.memory_space<vmem>> -> memref<32x512xf32, #tpu.memory_space<vmem>>
      %dma_wait3A_949 = arith.constant 0 : i32
      %dma_wait3A_950 = tpu.memref_slice %arg4[%select_n3A_823, %dma_wait3A_949, %mul3A_841] : memref<100x32x16384xf32, #tpu.memory_space<hbm>> -> memref<1x32x512xf32, #tpu.memory_space<hbm>>
      %dma_wait3A_951 = tpu.memref_squeeze %dma_wait3A_950 : memref<1x32x512xf32, #tpu.memory_space<hbm>> -> memref<32x512xf32, #tpu.memory_space<hbm>>
      %dma_wait3A_952 = arith.constant 0 : i32
      %dma_wait3A_953 = tpu.memref_slice %arg4[%select_n3A_823, %dma_wait3A_952, %mul3A_841] : memref<100x32x16384xf32, #tpu.memory_space<hbm>> -> memref<1x32x512xf32, #tpu.memory_space<hbm>>
      %dma_wait3A_954 = tpu.memref_squeeze %dma_wait3A_953 : memref<1x32x512xf32, #tpu.memory_space<hbm>> -> memref<32x512xf32, #tpu.memory_space<hbm>>
      %dma_wait3A_955 = arith.constant 0 : i32
      %dma_wait3A_956 = arith.constant 0 : i32
      %dma_wait3A_957 = tpu.memref_slice %arg7[%dma_wait3A_944, %dma_wait3A_955, %dma_wait3A_956] : memref<2x32x513xf32, #tpu.memory_space<vmem>> -> memref<1x32x512xf32, #tpu.memory_space<vmem>>
      %dma_wait3A_958 = tpu.memref_squeeze %dma_wait3A_957 : memref<1x32x512xf32, #tpu.memory_space<vmem>> -> memref<32x512xf32, #tpu.memory_space<vmem>>
      tpu.wait_dma2 semaphore(%arg10 : memref<!tpu.dma_semaphore, #tpu.memory_space<semaphore_mem>>) src(%dma_wait3A_958 : memref<32x512xf32, #tpu.memory_space<vmem>>) dst(%dma_wait3A_954 : memref<32x512xf32, #tpu.memory_space<hbm>>)
      %dma_wait3A_959 = arith.constant 1 : i32
      %dma_wait3A_960 = arith.constant 0 : i32
      %dma_wait3A_961 = arith.constant 0 : i32
      %dma_wait3A_962 = tpu.memref_slice %arg7[%dma_wait3A_959, %dma_wait3A_960, %dma_wait3A_961] : memref<2x32x513xf32, #tpu.memory_space<vmem>> -> memref<1x32x512xf32, #tpu.memory_space<vmem>>
      %dma_wait3A_963 = tpu.memref_squeeze %dma_wait3A_962 : memref<1x32x512xf32, #tpu.memory_space<vmem>> -> memref<32x512xf32, #tpu.memory_space<vmem>>
      %dma_wait3A_964 = arith.constant 0 : i32
      %dma_wait3A_965 = tpu.memref_slice %arg4[%select_n3A_910, %dma_wait3A_964, %mul3A_928] : memref<100x32x16384xf32, #tpu.memory_space<hbm>> -> memref<1x32x512xf32, #tpu.memory_space<hbm>>
      %dma_wait3A_966 = tpu.memref_squeeze %dma_wait3A_965 : memref<1x32x512xf32, #tpu.memory_space<hbm>> -> memref<32x512xf32, #tpu.memory_space<hbm>>
      %dma_wait3A_967 = arith.constant 0 : i32
      %dma_wait3A_968 = tpu.memref_slice %arg4[%select_n3A_910, %dma_wait3A_967, %mul3A_928] : memref<100x32x16384xf32, #tpu.memory_space<hbm>> -> memref<1x32x512xf32, #tpu.memory_space<hbm>>
      %dma_wait3A_969 = tpu.memref_squeeze %dma_wait3A_968 : memref<1x32x512xf32, #tpu.memory_space<hbm>> -> memref<32x512xf32, #tpu.memory_space<hbm>>
      %dma_wait3A_970 = arith.constant 0 : i32
      %dma_wait3A_971 = arith.constant 0 : i32
      %dma_wait3A_972 = tpu.memref_slice %arg7[%dma_wait3A_959, %dma_wait3A_970, %dma_wait3A_971] : memref<2x32x513xf32, #tpu.memory_space<vmem>> -> memref<1x32x512xf32, #tpu.memory_space<vmem>>
      %dma_wait3A_973 = tpu.memref_squeeze %dma_wait3A_972 : memref<1x32x512xf32, #tpu.memory_space<vmem>> -> memref<32x512xf32, #tpu.memory_space<vmem>>
      tpu.wait_dma2 semaphore(%arg10 : memref<!tpu.dma_semaphore, #tpu.memory_space<semaphore_mem>>) src(%dma_wait3A_973 : memref<32x512xf32, #tpu.memory_space<vmem>>) dst(%dma_wait3A_969 : memref<32x512xf32, #tpu.memory_space<hbm>>)
    }
    %scan3A_10 = arith.constant 10 : i32
    return
  }
}

</mosaic_0001>

<sc_bundles>
// kernel: kernel.4.cloned.1.call-start
scs
__scs_entry_jumppad:
0x0: {  	(pc) =	sbr.rel $0x88, $3  }
0x1: {  	(tag) =	ssettag $0x0;
	lr =	simm.s32 $0x1  }
0x2: {  	[smem:$0x3F9F] =	sst lr;
	_ =	strace $0xD0000000  }
0x3: {  	_ = 	snop  }
0x4: {  	_ = 	snop  }
0x5: {  	_ = 	snop  }
0x6: {  	_ = 	snop  }
0x7: {  	_ = 	snop  }
__scs_overlays_trampoline_lowered:
0x8: {  	[smem:$0x3FAE] =	sst s0  }
0x9: {  	[smem:$0x3FAF] =	sst s1  }
0xa: {  	[smem:$0x3FB0] =	sst s2  }
0xb: {  	[smem:$0x3FB1] =	sst s3  }
0xc: {  	[smem:$0x3FB2] =	sst s4  }
0xd: {  	[smem:$0x3FB3] =	sst s5  }
0xe: {  	[smem:$0x3FB4] =	sst s6  }
0xf: {  	[smem:$0x3FB5] =	sst s7  }
0x10: {  	[smem:$0x3FB6] =	sst s8  }
0x11: {  	[smem:$0x3FB7] =	sst s9;
	s0 =	simm.s32 @!p0 $0x0  }
0x12: {  	s1 =	sld [smem:$0x3F9D];
	s0 =	simm.s32 @p0 $0x1  }
0x13: {  	[smem:$0x3FB8] =	sst s0;
	s0 =	simm.s32 @!p1 $0x0  }
0x14: {  	s2 =	sld [smem:$0x3F9C];
	s0 =	simm.s32 @p1 $0x1  }
0x15: {  	[smem:$0x3FB9] =	sst s0;
	s0 =	simm.s32 @!p2 $0x0  }
0x16: {  	s3 =	sld [smem:$0x3FDB];
	s0 =	simm.s32 @p2 $0x1  }
0x17: {  	s4 =	simm.s32 $0x1BF5;
	[smem:$0x3FBB] =	sst s0  }
0x18: {  	s0 =	sld [smem:$0x3F9E];
	_ =	swait.ge [sflag:s4], $0x0  }
0x19: {  	s7 =	sld [smem:$0x3F9F]  }
0x1a: {  	s8 =	sadd.s32 $0xFFFFE003, lr  }
0x1b: {  	s9 =	sadd.s32 $0xFFFFFEF7, lr;
	s5 =	simm.s32 $0xFFFFFFFF;
	p2 =	slt.u32 s8, $0xFFFFF086  }
0x1c: {  	p1 =	slt.u32 s9, $0xF7A;
	s5 =	simm.s32 @!p2 $0x0  }
0x1d: {  	s5 =	simm.s32 @p1 $0x1;
	p0 =	seq.s32 s7, s2  }
0x1e: {  	s7 =	smul.u32 @!p0 $0xF7A, s2;
	p2 =	seq.s32 @!p0 s5, $0x0  }
0x1f: {  	s9 =	smul.u32 $0xF7A, s1;
	s8 =	simm.s32 @!p0 $0x1BF5;
	p2 =	por !p2, p0  }
0x20: {  	[sflag:s8] =	ssyncset.s32 @!p0 $0xFFFFF086;
	s6 =	sadd.s32 @!p0 s3, s7;
	s7 =	simm.s32 @!p0 $0x108  }
0x21: {  	s3 =	sadd.s32 s3, s9;
	s6 =	sadd.s32 @!p0 $0x88, s6;
	s7 =	simm.s32 @p2 $0x1082  }
0x22: {  	[simem:s7], [sflag:s8] =	dma.local @!p0 [hbm:s6], $0xF7A  }
0x23: {  	s9 =	sor.u32 $0xD0000000, s2;
	s6 =	simm.s32 $0x108;
	_ =	swait.ge @!p0 [sflag:s8], $0x0  }
0x24: {  	s3 =	sadd.s32 $0x88, s3;
	s6 =	simm.s32 @!p1 $0x1082;
	[sflag:s4] =	ssyncset.s32 $0xFFFFF086  }
0x25: {  	[simem:s6], [sflag:s4] =	dma.local [hbm:s3], $0xF7A  }
0x26: {  	[smem:$0x3F9F] =	sst s1;
	(tag) =	ssettag s2;
	_ =	strace s9  }
0x27: {  	s1 =	sld [smem:$0x3FAF]  }
0x28: {  	s2 =	sld [smem:$0x3FB0]  }
0x29: {  	s4 =	sld [smem:$0x3FB2]  }
0x2a: {  	p0 =	seq.s32 s5, $0x0;
	s5 =	sld [smem:$0x3FB3]  }
0x2b: {  	s6 =	sld [smem:$0x3FB4]  }
0x2c: {  	s7 =	sld [smem:$0x3FB5]  }
0x2d: {  	s3 =	simm.s32 $0x108;
	s8 =	sld [smem:$0x3FB6]  }
0x2e: {  	s3 =	simm.s32 @!p0 $0x1082;
	s9 =	sld [smem:$0x3FB7]  }
0x2f: {  	lr =	sadd.s32 s0, s3;
	s0 =	sld [smem:$0x3FAE]  }
0x30: {  	s3 =	sld [smem:$0x3FB1]  }
0x31: {  	[smem:$0x3FBA] =	sst s10  }
0x32: {  	s10 =	sld [smem:$0x3FB8];
	_ =	sdelay $0x3  }
0x33: {  	p0 =	seq.s32 s10, $0x1;
	s10 =	sld [smem:$0x3FBA];
	_ =	sdelay $0x3  }
0x34: {  	[smem:$0x3FBA] =	sst s10  }
0x35: {  	s10 =	sld [smem:$0x3FB9];
	_ =	sdelay $0x3  }
0x36: {  	p1 =	seq.s32 s10, $0x1;
	s10 =	sld [smem:$0x3FBA];
	_ =	sdelay $0x3  }
0x37: {  	[smem:$0x3FBA] =	sst s10  }
0x38: {  	s10 =	sld [smem:$0x3FBB]  }
0x39: {  	_ = 	snop;
	(pc) =	sbr.ind lr, $3  }
0x3a: {  	_ = 	snop  }
0x3b: {  	_ = 	snop  }
0x3c: {  	p2 =	seq.s32 s10, $0x1;
	s10 =	sld [smem:$0x3FBA]  }
0x3d: {  	_ =	shalt  }
0x3e: {  	_ =	shalt  }
0x3f: {  	_ =	shalt  }
0x40: {  	_ =	shalt  }
0x41: {  	_ =	shalt  }
0x42: {  	_ =	shalt  }
0x43: {  	_ =	shalt  }
0x44: {  	_ =	shalt  }
0x45: {  	_ =	shalt  }
0x46: {  	_ =	shalt  }
0x47: {  	_ =	shalt  }
0x48: {  	_ =	shalt  }
0x49: {  	_ =	shalt  }
0x4a: {  	_ =	shalt  }
0x4b: {  	_ =	shalt  }
0x4c: {  	_ =	shalt  }
0x4d: {  	_ =	shalt  }
0x4e: {  	_ =	shalt  }
0x4f: {  	_ =	shalt  }
0x50: {  	_ =	shalt  }
0x51: {  	_ =	shalt  }
0x52: {  	_ =	shalt  }
0x53: {  	_ =	shalt  }
0x54: {  	_ =	shalt  }
0x55: {  	_ =	shalt  }
0x56: {  	_ =	shalt  }
0x57: {  	_ =	shalt  }
0x58: {  	_ =	shalt  }
0x59: {  	_ =	shalt  }
0x5a: {  	_ =	shalt  }
0x5b: {  	_ =	shalt  }
0x5c: {  	_ =	shalt  }
0x5d: {  	_ =	shalt  }
0x5e: {  	_ =	shalt  }
0x5f: {  	_ =	shalt  }
0x60: {  	_ =	shalt  }
0x61: {  	_ =	shalt  }
0x62: {  	_ =	shalt  }
0x63: {  	_ =	shalt  }
0x64: {  	_ =	shalt  }
0x65: {  	_ =	shalt  }
0x66: {  	_ =	shalt  }
0x67: {  	_ =	shalt  }
0x68: {  	_ =	shalt  }
0x69: {  	_ =	shalt  }
0x6a: {  	_ =	shalt  }
0x6b: {  	_ =	shalt  }
0x6c: {  	_ =	shalt  }
0x6d: {  	_ =	shalt  }
0x6e: {  	_ =	shalt  }
0x6f: {  	_ =	shalt  }
0x70: {  	_ =	shalt  }
0x71: {  	_ =	shalt  }
0x72: {  	_ =	shalt  }
0x73: {  	_ =	shalt  }
0x74: {  	_ =	shalt  }
0x75: {  	_ =	shalt  }
0x76: {  	_ =	shalt  }
0x77: {  	_ =	shalt  }
0x78: {  	_ =	shalt  }
0x79: {  	_ =	shalt  }
0x7a: {  	_ =	shalt  }
0x7b: {  	_ =	shalt  }
0x7c: {  	_ =	shalt  }
0x7d: {  	_ =	shalt  }
0x7e: {  	_ =	shalt  }
0x7f: {  	_ =	shalt  }
0x80: {  	_ =	shalt  }
0x81: {  	_ =	shalt  }
0x82: {  	_ =	shalt  }
0x83: {  	_ =	shalt  }
0x84: {  	_ =	shalt  }
0x85: {  	_ =	shalt  }
0x86: {  	_ =	shalt  }
0x87: {  	_ =	shalt  }
.Lfunc_end0:
.L_simem_size_0:
called_computation_lowered:
.L_overlay_start_0:
0x88: {  	s2 =	sld [smem:$0x3FD9]  }
0x89: {  	s3 =	sld [smem:$0x3FFE];
	_ =	sdelay $0x1  }
0x8a: {  	s1 =	srdreg.scid  }
0x8b: {  	s0 =	sand.u32 $0x1, s1  }
0x8c: {  	s17 =	sshll.u32 s0, $0xA;
	s2 =	sadd.s32 s3, s2  }
0x8d: {  	s2 =	sadd.s32 s2, s17  }
0x8e: {  	[smem:$0x3FC6] =	sst s2  }
0x8f: {  	_ = 	snop  }
0x90: {  	s2 =	sld [smem:$0x3FC8]  }
0x91: {  	s18 =	sld [smem:$0x3FD0];
	(tm) =	ssettm $0x1  }
0x92: {  	s4 =	sld [smem:$0x3FFB];
	_ =	sdelay $0x3  }
0x93: {  	_ =	strace s4  }
0x94: {  	s4 =	sld [smem:$0x3FFC];
	_ =	sdelay $0x3  }
0x95: {  	_ =	strace s4  }
0x96: {  	s4 =	sld [smem:$0x3FFD];
	_ =	sdelay $0x3  }
0x97: {  	_ =	strace s4  }
0x98: {  	_ =	strace $0x8FFFFFFF  }
0x99: {  	s19 =	sld [smem:$0x3FDB];
	_ =	sdelay $0x1  }
0x9a: {  	s5 =	simm.s32 $_scs_section_size  }
0x9b: {  	s6 =	simm.s32 $_size__tile_overlayer_lowered;
	s7 =	simm.s32 $_tile_overlayer_lowered  }
0x9c: {  	s22 =	simm.s32 $0x1BFF;
	s21 =	sshll.u32 s7, $0x1;
	s4 =	sadd.s32 s5, s19  }
0x9d: {  	s8 =	simm.s32 $0x0;
	s20 =	sshll.u32 s6, $0x1;
	s6 =	sadd.s32 s21, s4  }
0x9e: {  	[timem:s8], [sflag:s22] =	dma.local [hbm:s6], s20  }
0x9f: {  	_ =	swait.ge [sflag:s22], s20  }
0xa0: {  	s5 =	ssub.s32 $0x0, s20;
	[sflag:s22] =	ssyncset.done $0x0  }
0xa1: {  	[sflag:s22] =	ssyncadd.s32 s5;
	_ =	sdelay $0x1  }
0xa2: {  	s23 =	simm.s32 $0x1B8B  }
0xa3: {  	_ =	swait.ge [sflag:s23], $0x1  }
0xa4: {  	[sflag:s23] =	ssyncset.done $0x0  }
0xa5: {  	s25 =	simm.s32 $0x1B8E;
	s24 =	sld [smem:$0x3FFE];
	[sflag:s23] =	ssyncadd.s32 $0xFFFFFFFF  }
0xa6: {  	s26 =	simm.s32 $execute0_lowered;
	[smem:$0x3FD2] =	sst s25  }
0xa7: {  	s6 =	sshll.u32 s26, $0x1;
	_ =	strace $0x80000046;
	[dreg:$0x1] =	wrdreg $0xFFFFFFFF  }
0xa8: {  	s28 =	simm.s32 $_size_execute0_lowered;
	s4 =	sadd.s32 s4, s6;
	[dreg:$0x0] =	wrdreg $0x0  }
0xa9: {  	s6 =	sshll.u32 s28, $0x1;
	[dreg:$0x2] =	wrdreg s4  }
0xaa: {  	[dreg:$0x3] =	wrdreg s6  }
0xab: {  	[dreg:$0x4] =	wrdreg $0xC0  }
0xac: {  	_ =	task [dreg:s8], $0x5FFFF  }
0xad: {  	[dreg:$0x1] =	wrdreg $0xFFFFFFFF  }
0xae: {  	[dreg:$0x0] =	wrdreg $0x60  }
0xaf: {  	[dreg:$0x2] =	wrdreg s2  }
0xb0: {  	[dreg:$0x3] =	wrdreg s24  }
0xb1: {  	[dreg:$0x4] =	wrdreg s18  }
0xb2: {  	[dreg:$0x5] =	wrdreg $0x9  }
0xb3: {  	_ =	task.clear_ibuf [dreg:s8], $0x6FFFF;
	_ =	strace $0x90000046  }
0xb4: {  	s29 =	simm.s32 $0x9;
	_ =	strace $0x80000048  }
0xb5: {  	_ =	swait.ge [sflag:s29], $0x1  }
0xb6: {  	[sflag:s29] =	ssyncadd.s32 $0xFFFFFFFF  }
0xb7: {  	_ =	strace $0x90000048  }
0xb8: {  	_ =	sfence  }
0xb9: {  	s30 =	sld [smem:$0x0];
	_ =	sdelay $0x2  }
0xba: {  	s31 =	sshll.u32 s1, $0xD;
	s1 =	sshrl.u32 s1, $0x2  }
0xbb: {  	s3 =	sand.u32 $0x4000, s31;
	s1 =	sadd.s32 s1, s30  }
0xbc: {  	s0 =	sor.u32 s3, s0;
	s1 =	sshll.u32 s1, $0x11  }
0xbd: {  	s0 =	sor.u32 s1, s0  }
0xbe: {  	s0 =	sadd.s32 $0x8F2B, s0  }
0xbf: {  	[sflag:s0] =	ssyncadd.remote.s32 $0x1  }
0xc0: {  	_ =	sfence.sel $0xFFFF  }
0xc1: {  	[dreg:$0x0] =	wrdreg $0xFFFFFFFF;
	(pc) =	sbr.abs _section_cstart, $3  }
0xc2: {  	[dreg:$0x1] =	wrdreg $0xFFFFFFFF  }
0xc3: {  	_ =	task.clear_ibuf [dreg:s8], $0x2FFFF;
	_ =	strace $0x9FFFFFFF  }
0xc4: {  	(tm) =	ssettm $0x7FFFFFFF  }
0xc5: {  	_ =	shalt  }
tec
execute0_lowered:
.L_overlay_start_1:
0x0: {  	(tag) =	ssettag $0x1  }
0x1: {  	s1 =	rddreg [dreg:$0x0]  }
0x2: {  	s0 =	rddreg [dreg:$0x1]  }
0x3: {  	s4 =	rddreg [dreg:$0x2];
	s2 =	srdreg.scid  }
0x4: {  	s5 =	simm.s32 $0x0;
	s3 =	stileid.u32;
	s14 =	simm.s32 $0x400  }
0x5: {  	s15 =	simm.s32 $0x800;
	s16 =	simm.s32 $0xC00;
	s17 =	simm.s32 $0x1  }
0x6: {  	s18 =	simm.s32 $0x1000;
	s19 =	simm.s32 $0x2080;
	s20 =	simm.s32 $0x2  }
0x7: {  	s2 =	sand.u32 $0x1, s2;
	[smem:$0x7FF] =	sst s5;
	s6 =	sshll.u32 s3, $0x1  }
0x8: {  	s0 =	sadd.s32 $0xA00, s0;
	s4 =	sadd.s32 $0x3D0800, s4;
	s9 =	sadd.s32 $0xF4280, s1  }
0x9: {  	s10 =	sadd.s32 $0x1E8500, s1;
	s11 =	sadd.s32 $0x2DC780, s1;
	s29 =	ssub.s32 $0x2, s2  }
0xa: {  	_ =	strace $0x80000047;
	s2 =	sor.u32 s2, s6;
	s7 =	sshrl.u32 s29, $0x1  }
.Ltmp0:
0xb: {  	[dreg:$0x4] =	wrdreg s0;
	s30 =	ssub.s32 s29, s7;
	(pc) =	sbr.rel .LBB2_1-.Ltmp0, $4  }
0xc: {  	[dreg:$0x5] =	wrdreg s4;
	p0 =	sne.s32 s2, $0x0;
	s0 =	smax.u32 s30, $0x1  }
0xd: {  	s4 =	smov.u32 s1;
	[dreg:$0x6] =	wrdreg s0;
	s0 =	sshll.u32 @!p0 s3, $0x6  }
0xe: {  	v0 =	vlaneseq.u32;
	s1 =	simm.s32 $0x0;
	s31 =	ssub.s32 $0x1EA3, s2;
	s0 =	sor.u32 @!p0 $0x1C02, s0  }
0xf: {  	v0 =	vmul.u32 $0x21, v0;
	s8 =	sshll.u32 s2, $0x7;
	s6 =	sshrl.u32 s31, $0x5;
	[dreg:$0x7] =	wrdreg s0  }
.LBB2_11:
0x10: {  	s1 =	rddreg [dreg:$0x8]  }
0x11: {  	s0 =	rddreg [dreg:$0x6];
	s1 =	sadd.s32 $0x1, s1  }
0x12: {  	p1 =	sne.s32 s1, s0  }
.Ltmp1:
0x13: {  	_ = 	snop;
	(pc) =	sbr.rel @!p1 .LBB2_12-.Ltmp1, $1  }
0x14: {  	_ =	sdelay $0x3  }
.LBB2_1:
0x15: {  	[dreg:$0x8] =	wrdreg s1  }
0x16: {  	s0 =	rddreg [dreg:$0x4]  }
0x17: {  	s1 =	rddreg [dreg:$0x5]  }
0x18: {  	s2 =	rddreg [dreg:$0x7]  }
0x19: {  	[hbm:s1], [sflag:s2] =	dma.local @!p0 [hbm:s0], $0x100  }
0x1a: {  	s0 =	simm.s32 @!p0 $0x2  }
0x1b: {  	_ =	swait.ge @!p0 [sflag:s0], $0x100  }
0x1c: {  	[sflag:s0] =	ssyncset.done @!p0 $0x0  }
0x1d: {  	s22 =	simm.s32 $0x0;
	[sflag:s0] =	ssyncadd.s32 @!p0 $0xFFFFFF00  }
.LBB2_2:
0x1e: {  	s0 =	sshll.u32 s22, $0xC  }
0x1f: {  	s23 =	sor.u32 s8, s0  }
0x20: {  	s5 =	simm.s32 $0x0;
	s0 =	sadd.s32 s4, s23  }
0x21: {  	[tilespmem:s5], [sflag:$0x1] =	stream.linear.gather [hbm4b:s0+s5], $0x400, $0x38;
	[tilespmem:$0x3080] =	vst v63  }
0x22: {  	s12 =	sadd.s32 s23, s9  }
0x23: {  	[tilespmem:s14], [sflag:$0x1] =	stream.linear.gather [hbm4b:s12+s5], $0x400, $0x38;
	[tilespmem:$0x3080] =	vst v63  }
0x24: {  	s13 =	sadd.s32 s23, s10  }
0x25: {  	[tilespmem:s15], [sflag:$0x1] =	stream.linear.gather [hbm4b:s13+s5], $0x400, $0x38;
	[tilespmem:$0x3080] =	vst v63  }
0x26: {  	s21 =	sadd.s32 s23, s11  }
0x27: {  	[tilespmem:s16], [sflag:$0x1] =	stream.linear.gather [hbm4b:s21+s5], $0x400, $0x38;
	[tilespmem:$0x3080] =	vst v63  }
0x28: {  	_ =	swait.ge [sflag:s17], $0x400  }
0x29: {  	[sflag:s17] =	ssyncset.done $0x0  }
0x2a: {  	[sflag:s17] =	ssyncadd.s32 $0xFFFFFC00  }
0x2b: {  	_ =	swait.ge [sflag:s17], $0x400  }
0x2c: {  	[sflag:s17] =	ssyncset.done $0x0  }
0x2d: {  	[sflag:s17] =	ssyncadd.s32 $0xFFFFFC00  }
0x2e: {  	_ =	swait.ge [sflag:s17], $0x400  }
0x2f: {  	[sflag:s17] =	ssyncset.done $0x0  }
0x30: {  	s24 =	simm.s32 $0x0;
	s2 =	simm.s32 $0x100;
	[sflag:s17] =	ssyncadd.s32 $0xFFFFFC00  }
0x31: {  	s2 =	sand.u32 $0x300, s2;
	s0 =	sand.u32 $0xC00, s24;
	_ =	swait.ge [sflag:s17], $0x400  }
0x32: {  	s7 =	simm.s32 $0x80;
	s2 =	sor.u32 s2, s0;
	[sflag:s17] =	ssyncset.done $0x0  }
0x33: {  	s12 =	simm.s32 $0x2;
	s13 =	simm.s32 $0x180;
	[sflag:s17] =	ssyncadd.s32 $0xFFFFFC00  }
0x34: {  	s7 =	sand.u32 $0x280, s7;
	v2 =	vadd.s32 s12, v0;
	s26 =	sand.u32 $0x380, s13;
	v1 =	vld [tilespmem:s2+$0x0]  }
0x35: {  	s31 =	simm.s32 $0x3;
	s30 =	sor.u32 s7, s0;
	s0 =	sor.u32 s26, s0  }
0x36: {  	s25 =	simm.s32 $0x1;
	v6 =	vadd.s32 s31, v0;
	v5 =	vld [tilespmem:s0+$0x0]  }
0x37: {  	v4 =	vadd.s32 s25, v0;
	v3 =	vld [tilespmem:s30+$0x0];
	_ =	sdelay $0x1  }
0x38: {  	s1 =	simm.s32 $0x212;
	[tilespmem:v2+s18+$0x0] =	vst.idx.msk $0xffff, v1  }
0x39: {  	s31 =	simm.s32 $0x40;
	v2 =	vadd.s32 s1, v0;
	v1 =	vld [tilespmem:s2+$0x10]  }
0x3a: {  	v8 =	vadd.s32 s5, v0;
	s12 =	simm.s32 $0x213;
	v7 =	vld [tilespmem:s31+$0xFFFFFFC0];
	[tilespmem:v6+s18+$0x0] =	vst.idx.msk $0xffff, v5  }
0x3b: {  	s3 =	simm.s32 $0x211;
	[tilespmem:v4+s18+$0x0] =	vst.idx.msk $0xffff, v3;
	v6 =	vadd.s32 s12, v0;
	v5 =	vld [tilespmem:s0+$0x10]  }
0x3c: {  	v4 =	vadd.s32 s3, v0;
	v3 =	vld [tilespmem:s30+$0x10];
	_ =	sdelay $0x1  }
0x3d: {  	s13 =	simm.s32 $0x422;
	[tilespmem:v2+s18+$0x0] =	vst.idx.msk $0xffff, v1  }
0x3e: {  	s25 =	simm.s32 $0x210;
	[tilespmem:v8+s18+$0x0] =	vst.idx.msk $0xffff, v7;
	v2 =	vadd.s32 s13, v0;
	v1 =	vld [tilespmem:s2+$0x20]  }
0x3f: {  	s24 =	simm.s32 $0x423;
	v8 =	vadd.s32 s25, v0;
	v7 =	vld [tilespmem:s31+$0xFFFFFFD0];
	[tilespmem:v6+s18+$0x0] =	vst.idx.msk $0xffff, v5  }
0x40: {  	s21 =	simm.s32 $0x421;
	[tilespmem:v4+s18+$0x0] =	vst.idx.msk $0xffff, v3;
	v6 =	vadd.s32 s24, v0;
	v5 =	vld [tilespmem:s0+$0x20]  }
0x41: {  	v4 =	vadd.s32 s21, v0;
	v3 =	vld [tilespmem:s30+$0x20];
	_ =	sdelay $0x1  }
0x42: {  	s26 =	simm.s32 $0x632;
	[tilespmem:v2+s18+$0x0] =	vst.idx.msk $0xffff, v1  }
0x43: {  	s7 =	simm.s32 $0x420;
	[tilespmem:v8+s18+$0x0] =	vst.idx.msk $0xffff, v7;
	v2 =	vadd.s32 s26, v0;
	v1 =	vld [tilespmem:s2+$0x30]  }
0x44: {  	s3 =	simm.s32 $0x633;
	v8 =	vadd.s32 s7, v0;
	v7 =	vld [tilespmem:s31+$0xFFFFFFE0];
	[tilespmem:v6+s18+$0x0] =	vst.idx.msk $0xffff, v5  }
0x45: {  	s1 =	simm.s32 $0x631;
	s25 =	simm.s32 $0x200;
	[tilespmem:v4+s18+$0x0] =	vst.idx.msk $0xffff, v3;
	v6 =	vadd.s32 s3, v0;
	s26 =	simm.s32 $0x280;
	v5 =	vld [tilespmem:s0+$0x30]  }
0x46: {  	s28 =	sand.u32 $0xC00, s25;
	v4 =	vadd.s32 s1, v0;
	v3 =	vld [tilespmem:s30+$0x30];
	s3 =	sand.u32 $0x280, s26  }
0x47: {  	s26 =	simm.s32 $0x5;
	s25 =	sor.u32 s3, s28  }
0x48: {  	s12 =	simm.s32 $0x842;
	v11 =	vadd.s32 s26, v0;
	v10 =	vld [tilespmem:s25+$0x0];
	[tilespmem:v2+s18+$0x0] =	vst.idx.msk $0xffff, v1  }
0x49: {  	s13 =	simm.s32 $0x843;
	s7 =	simm.s32 $0x630;
	[tilespmem:v8+s18+$0x0] =	vst.idx.msk $0xffff, v7;
	v2 =	vadd.s32 s12, v0;
	v1 =	vld [tilespmem:s2+$0x40]  }
0x4a: {  	s21 =	simm.s32 $0x841;
	v9 =	vadd.s32 s7, v0;
	s1 =	simm.s32 $0x300;
	v8 =	vld [tilespmem:s31+$0xFFFFFFF0];
	[tilespmem:v6+s18+$0x0] =	vst.idx.msk $0xffff, v5;
	v5 =	vadd.s32 s13, v0;
	s13 =	simm.s32 $0x380  }
0x4b: {  	v7 =	vadd.s32 s21, v0;
	s21 =	sand.u32 $0x300, s1;
	[tilespmem:v4+s18+$0x0] =	vst.idx.msk $0xffff, v3;
	v4 =	vld [tilespmem:s0+$0x40];
	s3 =	sand.u32 $0x380, s13  }
0x4c: {  	s26 =	sor.u32 s21, s28;
	s12 =	simm.s32 $0x7;
	v3 =	vld [tilespmem:s30+$0x40];
	s28 =	sor.u32 s3, s28  }
0x4d: {  	v13 =	vadd.s32 s12, v0;
	[tilespmem:v11+s18+$0x0] =	vst.idx.msk $0xffff, v10;
	s3 =	simm.s32 $0x215;
	v12 =	vld [tilespmem:s28+$0x0]  }
0x4e: {  	s5 =	simm.s32 $0xA52;
	v10 =	vld [tilespmem:s25+$0x10];
	v11 =	vadd.s32 s3, v0;
	[tilespmem:v2+s18+$0x0] =	vst.idx.msk $0xffff, v1  }
0x4f: {  	s1 =	simm.s32 $0x6;
	[tilespmem:v9+s18+$0x0] =	vst.idx.msk $0xffff, v8;
	v2 =	vadd.s32 s5, v0;
	v1 =	vld [tilespmem:s2+$0x50]  }
0x50: {  	s13 =	simm.s32 $0xA53;
	[tilespmem:v5+s18+$0x0] =	vst.idx.msk $0xffff, v4;
	v4 =	vld [tilespmem:s26+$0x0];
	v5 =	vadd.s32 s1, v0  }
0x51: {  	s21 =	simm.s32 $0xA51;
	[tilespmem:v7+s18+$0x0] =	vst.idx.msk $0xffff, v3;
	v7 =	vadd.s32 s13, v0;
	v3 =	vld [tilespmem:s0+$0x50]  }
0x52: {  	v9 =	vadd.s32 s21, v0;
	s13 =	simm.s32 $0x217;
	v8 =	vld [tilespmem:s30+$0x50];
	[tilespmem:v13+s18+$0x0] =	vst.idx.msk $0xffff, v12  }
0x53: {  	s3 =	simm.s32 $0x425;
	v61 =	vadd.s32 s13, v0;
	[tilespmem:v11+s18+$0x0] =	vst.idx.msk $0xffff, v10;
	v12 =	vld [tilespmem:s28+$0x10]  }
0x54: {  	s1 =	simm.s32 $0xC62;
	v11 =	vadd.s32 s3, v0;
	v10 =	vld [tilespmem:s25+$0x20];
	[tilespmem:v2+s18+$0x0] =	vst.idx.msk $0xffff, v1  }
0x55: {  	s12 =	simm.s32 $0x216;
	[tilespmem:v5+s18+$0x0] =	vst.idx.msk $0xffff, v4;
	v2 =	vadd.s32 s1, v0;
	v1 =	vld [tilespmem:s2+$0x60]  }
0x56: {  	s24 =	simm.s32 $0x240;
	v5 =	vadd.s32 s12, v0;
	v4 =	vld [tilespmem:s26+$0x10];
	[tilespmem:v7+s18+$0x0] =	vst.idx.msk $0xffff, v3  }
0x57: {  	v6 =	vld [tilespmem:s24+$0xFFFFFFC0];
	s21 =	simm.s32 $0xC63;
	[tilespmem:v9+s18+$0x0] =	vst.idx.msk $0xffff, v8  }
0x58: {  	s1 =	simm.s32 $0x840;
	v7 =	vadd.s32 s21, v0;
	v3 =	vld [tilespmem:s0+$0x60];
	[tilespmem:v61+s18+$0x0] =	vst.idx.msk $0xffff, v12  }
0x59: {  	s29 =	simm.s32 $0x4;
	v8 =	vld [tilespmem:s31+$0x0];
	v9 =	vadd.s32 s1, v0;
	[tilespmem:v11+s18+$0x0] =	vst.idx.msk $0xffff, v10  }
0x5a: {  	s7 =	simm.s32 $0x427;
	v12 =	vld [tilespmem:s28+$0x20];
	[tilespmem:v2+s18+$0x0] =	vst.idx.msk $0xffff, v1;
	v2 =	vadd.s32 s29, v0  }
0x5b: {  	v62 =	vadd.s32 s7, v0;
	s5 =	simm.s32 $0x426;
	v10 =	vld [tilespmem:s25+$0x30];
	[tilespmem:v5+s18+$0x0] =	vst.idx.msk $0xffff, v4  }
0x5c: {  	s1 =	simm.s32 $0x635;
	v5 =	vadd.s32 s5, v0;
	v4 =	vld [tilespmem:s26+$0x20]  }
0x5d: {  	s12 =	simm.s32 $0xE73;
	v11 =	vadd.s32 s1, v0;
	[tilespmem:v7+s18+$0x0] =	vst.idx.msk $0xffff, v3;
	v1 =	vld [tilespmem:s2+$0x70]  }
0x5e: {  	s13 =	simm.s32 $0xA50;
	[tilespmem:v9+s18+$0x0] =	vst.idx.msk $0xffff, v8;
	v7 =	vadd.s32 s12, v0;
	v3 =	vld [tilespmem:s0+$0x70]  }
0x5f: {  	s21 =	simm.s32 $0x214;
	v8 =	vadd.s32 s13, v0;
	[tilespmem:v2+s18+$0x0] =	vst.idx.msk $0xffff, v6;
	v2 =	vld [tilespmem:s31+$0x10]  }
0x60: {  	s3 =	simm.s32 $0x637;
	v9 =	vadd.s32 s21, v0;
	[tilespmem:v62+s18+$0x0] =	vst.idx.msk $0xffff, v12;
	v6 =	vld [tilespmem:s24+$0xFFFFFFD0]  }
0x61: {  	v63 =	vadd.s32 s3, v0;
	s2 =	simm.s32 $0x636;
	v12 =	vld [tilespmem:s28+$0x30];
	[tilespmem:v5+s18+$0x0] =	vst.idx.msk $0xffff, v4  }
0x62: {  	s5 =	simm.s32 $0xC61;
	[tilespmem:v11+s18+$0x0] =	vst.idx.msk $0xffff, v10;
	v5 =	vadd.s32 s2, v0;
	v4 =	vld [tilespmem:s26+$0x30]  }
0x63: {  	v14 =	vadd.s32 s5, v0;
	[tilespmem:v7+s18+$0x0] =	vst.idx.msk $0xffff, v3;
	v7 =	vld [tilespmem:s30+$0x60]  }
0x64: {  	s7 =	simm.s32 $0xC60;
	[tilespmem:v8+s18+$0x0] =	vst.idx.msk $0xffff, v2  }
0x65: {  	v15 =	vadd.s32 s7, v0;
	s12 =	simm.s32 $0x424;
	[tilespmem:v9+s18+$0x0] =	vst.idx.msk $0xffff, v6;
	v6 =	vld [tilespmem:s31+$0x20]  }
0x66: {  	v17 =	vadd.s32 s12, v0;
	[tilespmem:v63+s18+$0x0] =	vst.idx.msk $0xffff, v12;
	v16 =	vld [tilespmem:s24+$0xFFFFFFE0]  }
0x67: {  	s21 =	simm.s32 $0xE72;
	v3 =	vld [tilespmem:s25+$0x40];
	[tilespmem:v5+s18+$0x0] =	vst.idx.msk $0xffff, v4  }
0x68: {  	s1 =	simm.s32 $0x846;
	v9 =	vld [tilespmem:s28+$0x40];
	[tilespmem:v14+s18+$0x0] =	vst.idx.msk $0xffff, v7;
	v7 =	vadd.s32 s21, v0  }
0x69: {  	s7 =	simm.s32 $0x8;
	s3 =	simm.s32 $0x847;
	s13 =	simm.s32 $0xE70;
	v10 =	vadd.s32 s1, v0;
	v8 =	vld [tilespmem:s26+$0x40]  }
0x6a: {  	s5 =	simm.s32 $0x845;
	s12 =	simm.s32 $0xA56;
	v11 =	vadd.s32 s3, v0;
	s21 =	simm.s32 $0xE71;
	v4 =	vld [tilespmem:s30+$0x70];
	[tilespmem:v15+s18+$0x0] =	vst.idx.msk $0xffff, v6  }
0x6b: {  	s0 =	simm.s32 $0x440;
	v2 =	vadd.s32 s13, v0;
	s13 =	simm.s32 $0x634;
	v5 =	vadd.s32 s21, v0;
	s30 =	simm.s32 $0x580;
	[tilespmem:v17+s18+$0x0] =	vst.idx.msk $0xffff, v16;
	v6 =	vld [tilespmem:s31+$0x30]  }
.LBB2_3:
0x6c: {  	s2 =	sadd.s32 $0xFFFFFE80, s30;
	s21 =	sadd.s32 $0xFFFFFF00, s30;
	s1 =	sadd.s32 $0xFFFFFF80, s30  }
0x6d: {  	v12 =	vld [tilespmem:s0+$0xFFFFFFC0];
	v13 =	vadd.s32 s5, v0;
	[tilespmem:v7+s18+$0x0] =	vst.idx.msk $0xffff, v1;
	s31 =	smov.u32 s25;
	s5 =	smov.u32 s29;
	s29 =	smov.u32 s7  }
0x6e: {  	v7 =	vadd.s32 s13, v0;
	s3 =	sand.u32 $0xC00, s2;
	s2 =	sand.u32 $0x280, s21;
	s1 =	sand.u32 $0x300, s1;
	v1 =	vld [tilespmem:s24+$0xFFFFFFF0];
	[tilespmem:v10+s18+$0x0] =	vst.idx.msk $0xffff, v8  }
0x6f: {  	s13 =	sadd.s32 $0x1, s29;
	v10 =	vadd.s32 s12, v0;
	s25 =	sor.u32 s2, s3;
	s2 =	sadd.s32 $0x4, s7;
	v8 =	vld [tilespmem:s26+$0x50];
	[tilespmem:v11+s18+$0x0] =	vst.idx.msk $0xffff, v9  }
0x70: {  	s12 =	sand.u32 $0x380, s30;
	v11 =	vadd.s32 s13, v0;
	s13 =	sor.u32 s1, s3;
	s1 =	sadd.s32 $0x2, s29;
	v9 =	vld [tilespmem:s25+$0x0];
	[tilespmem:v5+s18+$0x0] =	vst.idx.msk $0xffff, v4  }
0x71: {  	p1 =	slt.u32 s7, $0x1C;
	s12 =	sor.u32 s12, s3;
	v5 =	vadd.s32 s1, v0;
	s1 =	sadd.s32 $0x3, s29;
	v4 =	vld [tilespmem:s13+$0x0];
	[tilespmem:v2+s18+$0x0] =	vst.idx.msk $0xffff, v6  }
0x72: {  	s7 =	smov.u32 s24;
	s24 =	smov.u32 s0;
	v6 =	vadd.s32 s1, v0;
	s1 =	sadd.s32 $0xA53, s5;
	v2 =	vld [tilespmem:s12+$0x0];
	[tilespmem:v13+s18+$0x0] =	vst.idx.msk $0xffff, v3  }
0x73: {  	s3 =	sadd.s32 $0xA51, s5;
	v3 =	vadd.s32 s1, v0;
	[tilespmem:v7+s18+$0x0] =	vst.idx.msk $0xffff, v1;
	v1 =	vld [tilespmem:s28+$0x50]  }
0x74: {  	v13 =	vadd.s32 s3, v0;
	s1 =	sadd.s32 $0xC62, s5;
	v7 =	vld [tilespmem:s31+$0x50];
	[tilespmem:v10+s18+$0x0] =	vst.idx.msk $0xffff, v8  }
0x75: {  	s3 =	sadd.s32 $0x211, s29;
	[tilespmem:v11+s18+$0x0] =	vst.idx.msk $0xffff, v9;
	v8 =	vld [tilespmem:s26+$0x60];
	v9 =	vadd.s32 s1, v0  }
0x76: {  	v11 =	vadd.s32 s3, v0;
	s1 =	sadd.s32 $0x212, s29;
	v10 =	vld [tilespmem:s25+$0x10];
	[tilespmem:v5+s18+$0x0] =	vst.idx.msk $0xffff, v4  }
0x77: {  	v5 =	vadd.s32 s1, v0;
	s1 =	sadd.s32 $0x213, s29;
	v4 =	vld [tilespmem:s13+$0x10];
	[tilespmem:v6+s18+$0x0] =	vst.idx.msk $0xffff, v2  }
0x78: {  	v6 =	vadd.s32 s1, v0;
	s1 =	sadd.s32 $0xC63, s5;
	v2 =	vld [tilespmem:s12+$0x10];
	[tilespmem:v3+s18+$0x0] =	vst.idx.msk $0xffff, v1  }
0x79: {  	s3 =	sadd.s32 $0x840, s5;
	[tilespmem:v13+s18+$0x0] =	vst.idx.msk $0xffff, v7;
	v3 =	vld [tilespmem:s28+$0x60];
	v7 =	vadd.s32 s1, v0  }
0x7a: {  	v14 =	vadd.s32 s3, v0;
	v13 =	vld [tilespmem:s7+$0x0];
	[tilespmem:v9+s18+$0x0] =	vst.idx.msk $0xffff, v8  }
0x7b: {  	s3 =	sadd.s32 $0xA50, s5;
	s1 =	sadd.s32 $0x421, s29;
	v8 =	vadd.s32 s29, v0;
	[tilespmem:v11+s18+$0x0] =	vst.idx.msk $0xffff, v10;
	v1 =	vld [tilespmem:s26+$0x70];
	s26 =	smov.u32 s13  }
0x7c: {  	v10 =	vadd.s32 s1, v0;
	s1 =	sadd.s32 $0x422, s29;
	v9 =	vld [tilespmem:s25+$0x20];
	[tilespmem:v5+s18+$0x0] =	vst.idx.msk $0xffff, v4;
	v4 =	vadd.s32 s3, v0  }
0x7d: {  	v11 =	vadd.s32 s1, v0;
	s1 =	sadd.s32 $0x423, s29;
	v5 =	vld [tilespmem:s26+$0x20];
	[tilespmem:v6+s18+$0x0] =	vst.idx.msk $0xffff, v2  }
0x7e: {  	v6 =	vadd.s32 s1, v0;
	s1 =	sadd.s32 $0xE73, s5;
	v2 =	vld [tilespmem:s12+$0x20];
	[tilespmem:v7+s18+$0x0] =	vst.idx.msk $0xffff, v3  }
0x7f: {  	v7 =	vadd.s32 s1, v0;
	[tilespmem:v14+s18+$0x0] =	vst.idx.msk $0xffff, v13;
	v3 =	vld [tilespmem:s28+$0x70];
	s28 =	smov.u32 s12  }
0x80: {  	s1 =	sadd.s32 $0x210, s29;
	[tilespmem:v8+s18+$0x0] =	vst.idx.msk $0xffff, v12;
	v8 =	vld [tilespmem:s7+$0x10]  }
0x81: {  	s3 =	sadd.s32 $0xC60, s5;
	v13 =	vadd.s32 s1, v0;
	s1 =	sadd.s32 $0x631, s29;
	v12 =	vld [tilespmem:s0+$0xFFFFFFD0];
	[tilespmem:v10+s18+$0x0] =	vst.idx.msk $0xffff, v9  }
0x82: {  	v10 =	vadd.s32 s1, v0;
	s1 =	sadd.s32 $0x632, s29;
	v9 =	vld [tilespmem:s25+$0x30];
	[tilespmem:v11+s18+$0x0] =	vst.idx.msk $0xffff, v5;
	v5 =	vadd.s32 s3, v0  }
0x83: {  	v14 =	vadd.s32 s1, v0;
	s1 =	sadd.s32 $0x633, s29;
	v11 =	vld [tilespmem:s26+$0x30];
	[tilespmem:v6+s18+$0x0] =	vst.idx.msk $0xffff, v2  }
0x84: {  	v15 =	vadd.s32 s1, v0;
	s1 =	sadd.s32 $0xC61, s5;
	v6 =	vld [tilespmem:s28+$0x30];
	[tilespmem:v7+s18+$0x0] =	vst.idx.msk $0xffff, v3  }
0x85: {  	v16 =	vadd.s32 s1, v0;
	[tilespmem:v4+s18+$0x0] =	vst.idx.msk $0xffff, v8;
	v4 =	vld [tilespmem:s31+$0x60]  }
0x86: {  	s1 =	sadd.s32 $0x420, s29;
	[tilespmem:v13+s18+$0x0] =	vst.idx.msk $0xffff, v12;
	v12 =	vld [tilespmem:s7+$0x20]  }
0x87: {  	s3 =	sadd.s32 $0xE72, s5;
	v17 =	vadd.s32 s1, v0;
	s1 =	sadd.s32 $0xE70, s5;
	v13 =	vld [tilespmem:s0+$0xFFFFFFE0];
	[tilespmem:v10+s18+$0x0] =	vst.idx.msk $0xffff, v9  }
.Ltmp2:
0x88: {  	s12 =	sadd.s32 $0x842, s29;
	v7 =	vadd.s32 s3, v0;
	v2 =	vadd.s32 s1, v0;
	v3 =	vld [tilespmem:s25+$0x40];
	[tilespmem:v14+s18+$0x0] =	vst.idx.msk $0xffff, v11;
	(pc) =	sbr.rel @p1 .LBB2_3-.Ltmp2, $4  }
0x89: {  	s1 =	sadd.s32 $0x843, s29;
	v10 =	vadd.s32 s12, v0;
	v8 =	vld [tilespmem:s26+$0x40];
	[tilespmem:v15+s18+$0x0] =	vst.idx.msk $0xffff, v6  }
0x8a: {  	v11 =	vadd.s32 s1, v0;
	s1 =	sadd.s32 $0xE71, s5;
	v9 =	vld [tilespmem:s28+$0x40];
	[tilespmem:v16+s18+$0x0] =	vst.idx.msk $0xffff, v4  }
0x8b: {  	s30 =	sadd.s32 $0x200, s30;
	s13 =	sadd.s32 $0x630, s29;
	s12 =	sadd.s32 $0xA52, s29;
	[tilespmem:v5+s18+$0x0] =	vst.idx.msk $0xffff, v12;
	v4 =	vld [tilespmem:s31+$0x70];
	v5 =	vadd.s32 s1, v0  }
0x8c: {  	s0 =	sadd.s32 $0x200, s0;
	s5 =	sadd.s32 $0x841, s29;
	[tilespmem:v17+s18+$0x0] =	vst.idx.msk $0xffff, v13;
	v6 =	vld [tilespmem:s7+$0x30];
	s7 =	smov.u32 s2  }
0x8d: {  	v12 =	vld [tilespmem:s24+$0xFFFFFFF0];
	v13 =	vadd.s32 s13, v0;
	_ =	sdelay $0x4  }
0x8e: {  	v14 =	vadd.s32 s5, v0;
	s0 =	sadd.s32 $0x840, s29;
	[tilespmem:v13+s18+$0x0] =	vst.idx.msk $0xffff, v12  }
0x8f: {  	v49 =	vadd.s32 s0, v0;
	v12 =	vld [tilespmem:s24+$0x0];
	_ =	sdelay $0x1  }
0x90: {  	s2 =	sadd.s32 $0xA53, s29;
	[tilespmem:v11+s18+$0x0] =	vst.idx.msk $0xffff, v9  }
0x91: {  	[tilespmem:v10+s18+$0x0] =	vst.idx.msk $0xffff, v8;
	v51 =	vadd.s32 s2, v0;
	v50 =	vld [tilespmem:s28+$0x50]  }
0x92: {  	v52 =	vadd.s32 s12, v0;
	s3 =	sadd.s32 $0xA51, s29;
	v10 =	vld [tilespmem:s26+$0x50];
	[tilespmem:v14+s18+$0x0] =	vst.idx.msk $0xffff, v3  }
0x93: {  	s5 =	sadd.s32 $0xA50, s29;
	v53 =	vadd.s32 s3, v0;
	v3 =	vld [tilespmem:s25+$0x50];
	[tilespmem:v49+s18+$0x0] =	vst.idx.msk $0xffff, v12  }
0x94: {  	v54 =	vadd.s32 s5, v0;
	v13 =	vld [tilespmem:s24+$0x10];
	_ =	sdelay $0x1  }
0x95: {  	s7 =	sadd.s32 $0xC63, s29;
	[tilespmem:v51+s18+$0x0] =	vst.idx.msk $0xffff, v50  }
0x96: {  	s1 =	sadd.s32 $0xC62, s29;
	v55 =	vadd.s32 s7, v0;
	[tilespmem:v52+s18+$0x0] =	vst.idx.msk $0xffff, v10;
	v8 =	vld [tilespmem:s28+$0x60]  }
0x97: {  	s12 =	sadd.s32 $0xC61, s29;
	v56 =	vadd.s32 s1, v0;
	v10 =	vld [tilespmem:s26+$0x60];
	[tilespmem:v53+s18+$0x0] =	vst.idx.msk $0xffff, v3  }
0x98: {  	s13 =	sadd.s32 $0xC60, s29;
	v57 =	vadd.s32 s12, v0;
	v3 =	vld [tilespmem:s25+$0x60];
	[tilespmem:v54+s18+$0x0] =	vst.idx.msk $0xffff, v13  }
0x99: {  	v58 =	vadd.s32 s13, v0;
	v59 =	vld [tilespmem:s24+$0x20]  }
0x9a: {  	[tilespmem:v7+s18+$0x0] =	vst.idx.msk $0xffff, v1  }
0x9b: {  	s21 =	sadd.s32 $0xE73, s29;
	[tilespmem:v55+s18+$0x0] =	vst.idx.msk $0xffff, v8  }
0x9c: {  	v60 =	vadd.s32 s21, v0;
	[tilespmem:v56+s18+$0x0] =	vst.idx.msk $0xffff, v10;
	v1 =	vld [tilespmem:s28+$0x70];
	s28 =	sadd.s32 $0xE72, s29  }
0x9d: {  	s30 =	sadd.s32 $0xE71, s29;
	v61 =	vld [tilespmem:s26+$0x70];
	v62 =	vadd.s32 s28, v0;
	[tilespmem:v57+s18+$0x0] =	vst.idx.msk $0xffff, v3  }
0x9e: {  	s31 =	sadd.s32 $0xE70, s29;
	v63 =	vadd.s32 s30, v0;
	v3 =	vld [tilespmem:s25+$0x70];
	[tilespmem:v58+s18+$0x0] =	vst.idx.msk $0xffff, v59  }
0x9f: {  	[tilespmem:v5+s18+$0x0] =	vst.idx.msk $0xffff, v4;
	v4 =	vadd.s32 s31, v0;
	v5 =	vld [tilespmem:s24+$0x30]  }
0xa0: {  	[tilespmem:v2+s18+$0x0] =	vst.idx.msk $0xffff, v6  }
0xa1: {  	[tilespmem:v60+s18+$0x0] =	vst.idx.msk $0xffff, v1  }
0xa2: {  	[tilespmem:v62+s18+$0x0] =	vst.idx.msk $0xffff, v61  }
0xa3: {  	[tilespmem:v63+s18+$0x0] =	vst.idx.msk $0xffff, v3  }
0xa4: {  	s24 =	simm.s32 $0x1042;
	[tilespmem:v4+s18+$0x0] =	vst.idx.msk $0xffff, v5  }
0xa5: {  	v1 =	vld [tilespmem:s24+$0x21]  }
0xa6: {  	v2 =	vld [tilespmem:s24+$0xFFFFFFDF]  }
0xa7: {  	p2 =	por $0x1, $0x1;
	v4 =	vld [tilespmem:s24+$0x0]  }
.Ltmp3:
0xa8: {  	_ = 	snop;
	(pc) =	sbr.rel @!p2 .LBB2_5-.Ltmp3, $4  }
0xa9: {  	s2 =	simm.s32 $0x20C0  }
0xaa: {  	v3 =	vld [tilespmem:s24+$0xFFFFFFBE];
	[tilespmem:s2+$0x20] =	vst v1  }
0xab: {  	[tilespmem:s2+$0xFFFFFFE0] =	vst v2;
	v2 =	vld [tilespmem:s24+$0x31]  }
0xac: {  	p1 =	por $0x0, $0x0;
	s0 =	simm.s32 $0x60;
	s7 =	simm.s32 $0x10C6;
	[tilespmem:s2+$0x0] =	vst v4;
	v1 =	vld [tilespmem:s24+$0xFFFFFFEF]  }
0xad: {  	v5 =	vld [tilespmem:s7+$0x21]  }
0xae: {  	v6 =	vld [tilespmem:s7+$0xFFFFFFDF]  }
0xaf: {  	v7 =	vld [tilespmem:s7+$0x0];
	s1 =	simm.s32 $0x20;
	s3 =	sor.u32 $0x70, s0;
	p2 =	por $0x1, $0x1;
	[tilespmem:s2+$0xFFFFFFC0] =	vst v3  }
.Ltmp4:
0xb0: {  	s1 =	sor.u32 $0x30, s1;
	v3 =	vld [tilespmem:s7+$0xFFFFFFBE];
	[tilespmem:s3+$0x2080] =	vst v2;
	(pc) =	sbr.rel @!p2 .LBB2_7-.Ltmp4, $4  }
0xb1: {  	s5 =	simm.s32 $0x2140;
	v4 =	vld [tilespmem:s24+$0xFFFFFFCE];
	[tilespmem:s1+$0x2080] =	vst v1  }
0xb2: {  	[tilespmem:s5+$0x20] =	vst v5;
	v5 =	vld [tilespmem:s24+$0x10]  }
0xb3: {  	s31 =	simm.s32 $0x40;
	s25 =	simm.s32 $0x114A;
	p1 =	por $0x1, $0x1;
	[tilespmem:s5+$0xFFFFFFE0] =	vst v6;
	v2 =	vld [tilespmem:s7+$0x31]  }
0xb4: {  	s13 =	simm.s32 $0x60;
	s12 =	sor.u32 $0x50, s31;
	s24 =	simm.s32 $0x4;
	[tilespmem:s5+$0x0] =	vst v7;
	v1 =	vld [tilespmem:s7+$0xFFFFFFEF]  }
.LBB2_8:
0xb5: {  	v6 =	vld [tilespmem:s25+$0x21];
	s24 =	sadd.s32 $0x4, s24;
	[tilespmem:s5+$0xFFFFFFC0] =	vst v3  }
0xb6: {  	s13 =	sadd.s32 $0x80, s13;
	v7 =	vld [tilespmem:s25+$0xFFFFFFDF];
	p2 =	slt.u32 s24, $0x7C;
	[tilespmem:s2+$0xFFFFFFD0] =	vst v4;
	s2 =	smov.u32 s5  }
0xb7: {  	s1 =	sadd.s32 $0xFFFFFFC0, s13;
	s3 =	sadd.s32 $0xFFFFFFE0, s13;
	s21 =	sor.u32 $0x70, s13;
	v8 =	vld [tilespmem:s25+$0x0];
	[tilespmem:s12+$0x2080] =	vst v5  }
.Ltmp5:
0xb8: {  	s1 =	sor.u32 $0x30, s1;
	s12 =	sor.u32 $0x50, s3;
	v3 =	vld [tilespmem:s25+$0xFFFFFFBE];
	[tilespmem:s21+$0x2080] =	vst v2;
	(pc) =	sbr.rel @p2 .LBB2_8-.Ltmp5, $4  }
0xb9: {  	s5 =	sadd.s32 $0x80, s5;
	v4 =	vld [tilespmem:s7+$0xFFFFFFCE];
	[tilespmem:s1+$0x2080] =	vst v1  }
0xba: {  	[tilespmem:s5+$0x20] =	vst v6;
	v5 =	vld [tilespmem:s7+$0x10];
	s7 =	smov.u32 s25  }
0xbb: {  	[tilespmem:s5+$0xFFFFFFE0] =	vst v7;
	v2 =	vld [tilespmem:s25+$0x31]  }
0xbc: {  	s25 =	sadd.s32 $0x84, s25;
	v1 =	vld [tilespmem:s7+$0xFFFFFFEF];
	[tilespmem:s5+$0x0] =	vst v8  }
0xbd: {  	s24 =	smov.u32 s7  }
.LBB2_10:
0xbe: {  	[tilespmem:s5+$0xFFFFFFC0] =	vst v3;
	s1 =	sadd.s32 @p1 $0x80, s13;
	v63 =	vld [tilespmem:s24+$0x10]  }
0xbf: {  	[tilespmem:s2+$0xFFFFFFD0] =	vst @p1 v4;
	v3 =	vld [tilespmem:s24+$0xFFFFFFCE];
	s0 =	smov.u32 @p1 s1  }
0xc0: {  	[tilespmem:s12+$0x2080] =	vst @p1 v5;
	s1 =	sadd.s32 $0xFFFFFFC0, s0;
	s28 =	sor.u32 $0x70, s0  }
0xc1: {  	s0 =	sadd.s32 $0xFFFFFFE0, s0;
	s1 =	sor.u32 $0x30, s1;
	[tilespmem:s28+$0x2080] =	vst v2  }
0xc2: {  	s29 =	sshll.u32 s23, $0x2;
	s0 =	sor.u32 $0x50, s0;
	[tilespmem:s1+$0x2080] =	vst v1  }
0xc3: {  	s30 =	rddreg [dreg:$0x2];
	s22 =	sadd.s32 $0x1, s22;
	s1 =	sand.u32 $0x1FFFFE00, s29;
	[tilespmem:s0+$0x2080] =	vst v63  }
0xc4: {  	s31 =	simm.s32 $0x0;
	p1 =	sne.s32 s22, s6;
	s0 =	sadd.s32 s30, s1;
	[tilespmem:s5+$0xFFFFFFD0] =	vst v3  }
0xc5: {  	[hbm4b:s0+s31] =	stream.linear.scatter [tilespmem:s19], [sflag:$0x2], $0x1000, $0x38;
	[tilespmem:$0x3080] =	vst v63  }
.Ltmp6:
0xc6: {  	_ = 	snop;
	(pc) =	sbr.rel @p1 .LBB2_2-.Ltmp6, $4  }
.Ltmp7:
0xc7: {  	_ = 	snop;
	(pc) =	sbr.rel @!p1 .LBB2_11-.Ltmp7, $4  }
0xc8: {  	_ =	swait.ge [sflag:s20], $0x1000  }
0xc9: {  	[sflag:s20] =	ssyncset.done $0x0  }
0xca: {  	[sflag:s20] =	ssyncadd.s32 $0xFFFFF000  }
0xcb: {  	_ = 	snop  }
.LBB2_5:
.Ltmp8:
0xcc: {  	(pc) =	sbr.rel .LBB2_10-.Ltmp8, $2  }
0xcd: {  	_ =	sdelay $0x2  }
0xce: {  	s5 =	simm.s32 $0x20C0;
	s13 =	simm.s32 $0x60  }
.LBB2_7:
.Ltmp9:
0xcf: {  	(pc) =	sbr.rel .LBB2_10-.Ltmp9, $2  }
0xd0: {  	_ =	sdelay $0x2  }
0xd1: {  	s13 =	simm.s32 $0x60;
	s24 =	simm.s32 $0x10C6  }
.LBB2_12:
0xd2: {  	_ =	sfence.sel $0x180000  }
0xd3: {  	[bflag:$0x0] =	sbarrier.arrive $0xFFFF  }
0xd4: {  	_ =	strace $0x90000047  }
0xd5: {  	s0 =	stileid.u32;
	[bflag:$0x2] =	sbarrier.arrive $0xFFFF  }
0xd6: {  	p0 =	sne.s32 s0, $0x0;
	s0 =	rddreg [dreg:$0x3]  }
0xd7: {  	s0 =	sadd.s32 @!p0 $0x100000, s0  }
0xd8: {  	[sflag:s0] =	ssyncadd.tile.s32 @!p0 $0x1;
	_ =	shalt  }
.Lfunc_end2:
_tile_overlayer_lowered:
.L_overlay_start_2:
0xd9: {  	(tag) =	ssettag $0x2  }
0xda: {  	s0 =	rddreg [dreg:$0x0];
	s2 =	stileid.u32  }
0xdb: {  	s1 =	rddreg [dreg:$0x1];
	p0 =	sne.s32 s2, $0x0  }
0xdc: {  	s3 =	rddreg [dreg:$0x2];
	[bflag:$0x3] =	sbarrier.arrive $0xFFFF;
	s2 =	simm.s32 @!p0 $0x1C02  }
0xdd: {  	[timem:s3], [sflag:s2] =	dma.local @!p0 [hbm:s0], s1  }
0xde: {  	s0 =	simm.s32 @!p0 $0x2  }
0xdf: {  	_ =	swait.ge @!p0 [sflag:s0], s1  }
0xe0: {  	s1 =	ssub.s32 @!p0 $0x0, s1;
	[sflag:s0] =	ssyncset.done @!p0 $0x0  }
0xe1: {  	[sflag:s0] =	ssyncadd.s32 @!p0 s1  }
0xe2: {  	[bflag:$0x3] =	sbarrier.arrive $0xFFFF  }
0xe3: {  	_ =	shalt  }

// kernel: kernel.7.cloned.1.call-start
scs
__scs_entry_jumppad:
0x0: {  	(pc) =	sbr.rel $0x88, $3  }
0x1: {  	(tag) =	ssettag $0x0;
	lr =	simm.s32 $0x1  }
0x2: {  	[smem:$0x3F9F] =	sst lr;
	_ =	strace $0xD0000000  }
0x3: {  	_ = 	snop  }
0x4: {  	_ = 	snop  }
0x5: {  	_ = 	snop  }
0x6: {  	_ = 	snop  }
0x7: {  	_ = 	snop  }
__scs_overlays_trampoline_lowered:
0x8: {  	[smem:$0x3FAE] =	sst s0  }
0x9: {  	[smem:$0x3FAF] =	sst s1  }
0xa: {  	[smem:$0x3FB0] =	sst s2  }
0xb: {  	[smem:$0x3FB1] =	sst s3  }
0xc: {  	[smem:$0x3FB2] =	sst s4  }
0xd: {  	[smem:$0x3FB3] =	sst s5  }
0xe: {  	[smem:$0x3FB4] =	sst s6  }
0xf: {  	[smem:$0x3FB5] =	sst s7  }
0x10: {  	[smem:$0x3FB6] =	sst s8  }
0x11: {  	[smem:$0x3FB7] =	sst s9;
	s0 =	simm.s32 @!p0 $0x0  }
0x12: {  	s1 =	sld [smem:$0x3F9D];
	s0 =	simm.s32 @p0 $0x1  }
0x13: {  	[smem:$0x3FB8] =	sst s0;
	s0 =	simm.s32 @!p1 $0x0  }
0x14: {  	s2 =	sld [smem:$0x3F9C];
	s0 =	simm.s32 @p1 $0x1  }
0x15: {  	[smem:$0x3FB9] =	sst s0;
	s0 =	simm.s32 @!p2 $0x0  }
0x16: {  	s3 =	sld [smem:$0x3FDB];
	s0 =	simm.s32 @p2 $0x1  }
0x17: {  	s4 =	simm.s32 $0x1BF5;
	[smem:$0x3FBB] =	sst s0  }
0x18: {  	s0 =	sld [smem:$0x3F9E];
	_ =	swait.ge [sflag:s4], $0x0  }
0x19: {  	s7 =	sld [smem:$0x3F9F]  }
0x1a: {  	s8 =	sadd.s32 $0xFFFFE003, lr  }
0x1b: {  	s9 =	sadd.s32 $0xFFFFFEF7, lr;
	s5 =	simm.s32 $0xFFFFFFFF;
	p2 =	slt.u32 s8, $0xFFFFF086  }
0x1c: {  	p1 =	slt.u32 s9, $0xF7A;
	s5 =	simm.s32 @!p2 $0x0  }
0x1d: {  	s5 =	simm.s32 @p1 $0x1;
	p0 =	seq.s32 s7, s2  }
0x1e: {  	s7 =	smul.u32 @!p0 $0xF7A, s2;
	p2 =	seq.s32 @!p0 s5, $0x0  }
0x1f: {  	s9 =	smul.u32 $0xF7A, s1;
	s8 =	simm.s32 @!p0 $0x1BF5;
	p2 =	por !p2, p0  }
0x20: {  	[sflag:s8] =	ssyncset.s32 @!p0 $0xFFFFF086;
	s6 =	sadd.s32 @!p0 s3, s7;
	s7 =	simm.s32 @!p0 $0x108  }
0x21: {  	s3 =	sadd.s32 s3, s9;
	s6 =	sadd.s32 @!p0 $0x88, s6;
	s7 =	simm.s32 @p2 $0x1082  }
0x22: {  	[simem:s7], [sflag:s8] =	dma.local @!p0 [hbm:s6], $0xF7A  }
0x23: {  	s9 =	sor.u32 $0xD0000000, s2;
	s6 =	simm.s32 $0x108;
	_ =	swait.ge @!p0 [sflag:s8], $0x0  }
0x24: {  	s3 =	sadd.s32 $0x88, s3;
	s6 =	simm.s32 @!p1 $0x1082;
	[sflag:s4] =	ssyncset.s32 $0xFFFFF086  }
0x25: {  	[simem:s6], [sflag:s4] =	dma.local [hbm:s3], $0xF7A  }
0x26: {  	[smem:$0x3F9F] =	sst s1;
	(tag) =	ssettag s2;
	_ =	strace s9  }
0x27: {  	s1 =	sld [smem:$0x3FAF]  }
0x28: {  	s2 =	sld [smem:$0x3FB0]  }
0x29: {  	s4 =	sld [smem:$0x3FB2]  }
0x2a: {  	p0 =	seq.s32 s5, $0x0;
	s5 =	sld [smem:$0x3FB3]  }
0x2b: {  	s6 =	sld [smem:$0x3FB4]  }
0x2c: {  	s7 =	sld [smem:$0x3FB5]  }
0x2d: {  	s3 =	simm.s32 $0x108;
	s8 =	sld [smem:$0x3FB6]  }
0x2e: {  	s3 =	simm.s32 @!p0 $0x1082;
	s9 =	sld [smem:$0x3FB7]  }
0x2f: {  	lr =	sadd.s32 s0, s3;
	s0 =	sld [smem:$0x3FAE]  }
0x30: {  	s3 =	sld [smem:$0x3FB1]  }
0x31: {  	[smem:$0x3FBA] =	sst s10  }
0x32: {  	s10 =	sld [smem:$0x3FB8];
	_ =	sdelay $0x3  }
0x33: {  	p0 =	seq.s32 s10, $0x1;
	s10 =	sld [smem:$0x3FBA];
	_ =	sdelay $0x3  }
0x34: {  	[smem:$0x3FBA] =	sst s10  }
0x35: {  	s10 =	sld [smem:$0x3FB9];
	_ =	sdelay $0x3  }
0x36: {  	p1 =	seq.s32 s10, $0x1;
	s10 =	sld [smem:$0x3FBA];
	_ =	sdelay $0x3  }
0x37: {  	[smem:$0x3FBA] =	sst s10  }
0x38: {  	s10 =	sld [smem:$0x3FBB]  }
0x39: {  	_ = 	snop;
	(pc) =	sbr.ind lr, $3  }
0x3a: {  	_ = 	snop  }
0x3b: {  	_ = 	snop  }
0x3c: {  	p2 =	seq.s32 s10, $0x1;
	s10 =	sld [smem:$0x3FBA]  }
0x3d: {  	_ =	shalt  }
0x3e: {  	_ =	shalt  }
0x3f: {  	_ =	shalt  }
0x40: {  	_ =	shalt  }
0x41: {  	_ =	shalt  }
0x42: {  	_ =	shalt  }
0x43: {  	_ =	shalt  }
0x44: {  	_ =	shalt  }
0x45: {  	_ =	shalt  }
0x46: {  	_ =	shalt  }
0x47: {  	_ =	shalt  }
0x48: {  	_ =	shalt  }
0x49: {  	_ =	shalt  }
0x4a: {  	_ =	shalt  }
0x4b: {  	_ =	shalt  }
0x4c: {  	_ =	shalt  }
0x4d: {  	_ =	shalt  }
0x4e: {  	_ =	shalt  }
0x4f: {  	_ =	shalt  }
0x50: {  	_ =	shalt  }
0x51: {  	_ =	shalt  }
0x52: {  	_ =	shalt  }
0x53: {  	_ =	shalt  }
0x54: {  	_ =	shalt  }
0x55: {  	_ =	shalt  }
0x56: {  	_ =	shalt  }
0x57: {  	_ =	shalt  }
0x58: {  	_ =	shalt  }
0x59: {  	_ =	shalt  }
0x5a: {  	_ =	shalt  }
0x5b: {  	_ =	shalt  }
0x5c: {  	_ =	shalt  }
0x5d: {  	_ =	shalt  }
0x5e: {  	_ =	shalt  }
0x5f: {  	_ =	shalt  }
0x60: {  	_ =	shalt  }
0x61: {  	_ =	shalt  }
0x62: {  	_ =	shalt  }
0x63: {  	_ =	shalt  }
0x64: {  	_ =	shalt  }
0x65: {  	_ =	shalt  }
0x66: {  	_ =	shalt  }
0x67: {  	_ =	shalt  }
0x68: {  	_ =	shalt  }
0x69: {  	_ =	shalt  }
0x6a: {  	_ =	shalt  }
0x6b: {  	_ =	shalt  }
0x6c: {  	_ =	shalt  }
0x6d: {  	_ =	shalt  }
0x6e: {  	_ =	shalt  }
0x6f: {  	_ =	shalt  }
0x70: {  	_ =	shalt  }
0x71: {  	_ =	shalt  }
0x72: {  	_ =	shalt  }
0x73: {  	_ =	shalt  }
0x74: {  	_ =	shalt  }
0x75: {  	_ =	shalt  }
0x76: {  	_ =	shalt  }
0x77: {  	_ =	shalt  }
0x78: {  	_ =	shalt  }
0x79: {  	_ =	shalt  }
0x7a: {  	_ =	shalt  }
0x7b: {  	_ =	shalt  }
0x7c: {  	_ =	shalt  }
0x7d: {  	_ =	shalt  }
0x7e: {  	_ =	shalt  }
0x7f: {  	_ =	shalt  }
0x80: {  	_ =	shalt  }
0x81: {  	_ =	shalt  }
0x82: {  	_ =	shalt  }
0x83: {  	_ =	shalt  }
0x84: {  	_ =	shalt  }
0x85: {  	_ =	shalt  }
0x86: {  	_ =	shalt  }
0x87: {  	_ =	shalt  }
.Lfunc_end0:
.L_simem_size_0:
called_computation.1_lowered:
.L_overlay_start_0:
0x88: {  	s2 =	sld [smem:$0x3FD9]  }
0x89: {  	s3 =	sld [smem:$0x3FFE];
	_ =	sdelay $0x1  }
0x8a: {  	s1 =	srdreg.scid  }
0x8b: {  	s0 =	sand.u32 $0x1, s1  }
0x8c: {  	s17 =	sshll.u32 s0, $0xA;
	s2 =	sadd.s32 s3, s2  }
0x8d: {  	s2 =	sadd.s32 s2, s17  }
0x8e: {  	[smem:$0x3FC6] =	sst s2  }
0x8f: {  	_ = 	snop  }
0x90: {  	s2 =	sld [smem:$0x3FD0];
	(tm) =	ssettm $0x1  }
0x91: {  	s18 =	sld [smem:$0x3FFB];
	_ =	sdelay $0x3  }
0x92: {  	_ =	strace s18  }
0x93: {  	s3 =	sld [smem:$0x3FFC];
	_ =	sdelay $0x3  }
0x94: {  	_ =	strace s3  }
0x95: {  	s3 =	sld [smem:$0x3FFD];
	_ =	sdelay $0x3  }
0x96: {  	_ =	strace s3  }
0x97: {  	_ =	strace $0x8FFFFFFF  }
0x98: {  	s19 =	sld [smem:$0x3FDB];
	_ =	sdelay $0x1  }
0x99: {  	s4 =	simm.s32 $_scs_section_size  }
0x9a: {  	s5 =	simm.s32 $_size__tile_overlayer_lowered;
	s6 =	simm.s32 $_tile_overlayer_lowered  }
0x9b: {  	s22 =	simm.s32 $0x1BFF;
	s21 =	sshll.u32 s6, $0x1;
	s3 =	sadd.s32 s4, s19  }
0x9c: {  	s7 =	simm.s32 $0x0;
	s20 =	sshll.u32 s5, $0x1;
	s5 =	sadd.s32 s21, s3  }
0x9d: {  	[timem:s7], [sflag:s22] =	dma.local [hbm:s5], s20  }
0x9e: {  	_ =	swait.ge [sflag:s22], s20  }
0x9f: {  	s4 =	ssub.s32 $0x0, s20;
	[sflag:s22] =	ssyncset.done $0x0  }
0xa0: {  	[sflag:s22] =	ssyncadd.s32 s4;
	_ =	sdelay $0x1  }
0xa1: {  	s23 =	simm.s32 $0x1B8B  }
0xa2: {  	_ =	swait.ge [sflag:s23], $0x1  }
0xa3: {  	[sflag:s23] =	ssyncset.done $0x0  }
0xa4: {  	s25 =	simm.s32 $0x1B8E;
	s24 =	sld [smem:$0x3FFE];
	[sflag:s23] =	ssyncadd.s32 $0xFFFFFFFF  }
0xa5: {  	s26 =	simm.s32 $execute0_lowered;
	[smem:$0x3FD2] =	sst s25  }
0xa6: {  	s5 =	sshll.u32 s26, $0x1;
	_ =	strace $0x80000049;
	[dreg:$0x1] =	wrdreg $0xFFFFFFFF  }
0xa7: {  	s28 =	simm.s32 $_size_execute0_lowered;
	s3 =	sadd.s32 s3, s5;
	[dreg:$0x0] =	wrdreg $0x0  }
0xa8: {  	s5 =	sshll.u32 s28, $0x1;
	[dreg:$0x2] =	wrdreg s3  }
0xa9: {  	[dreg:$0x3] =	wrdreg s5  }
0xaa: {  	[dreg:$0x4] =	wrdreg $0xC0  }
0xab: {  	_ =	task [dreg:s7], $0x5FFFF  }
0xac: {  	[dreg:$0x1] =	wrdreg $0xFFFFFFFF  }
0xad: {  	[dreg:$0x0] =	wrdreg $0x60  }
0xae: {  	[dreg:$0x2] =	wrdreg s24  }
0xaf: {  	[dreg:$0x3] =	wrdreg s2  }
0xb0: {  	[dreg:$0x4] =	wrdreg $0x9  }
0xb1: {  	_ =	task.clear_ibuf [dreg:s7], $0x5FFFF;
	_ =	strace $0x90000049  }
0xb2: {  	s29 =	simm.s32 $0x9;
	_ =	strace $0x8000004B  }
0xb3: {  	_ =	swait.ge [sflag:s29], $0x1  }
0xb4: {  	[sflag:s29] =	ssyncadd.s32 $0xFFFFFFFF  }
0xb5: {  	_ =	strace $0x9000004B  }
0xb6: {  	_ =	sfence  }
0xb7: {  	s30 =	sld [smem:$0x0];
	_ =	sdelay $0x2  }
0xb8: {  	s31 =	sshll.u32 s1, $0xD;
	s1 =	sshrl.u32 s1, $0x2  }
0xb9: {  	s3 =	sand.u32 $0x4000, s31;
	s1 =	sadd.s32 s1, s30  }
0xba: {  	s0 =	sor.u32 s3, s0;
	s1 =	sshll.u32 s1, $0x11  }
0xbb: {  	s0 =	sor.u32 s1, s0  }
0xbc: {  	s0 =	sadd.s32 $0x8F2B, s0  }
0xbd: {  	[sflag:s0] =	ssyncadd.remote.s32 $0x1  }
0xbe: {  	_ =	sfence.sel $0xFFFF  }
0xbf: {  	[dreg:$0x0] =	wrdreg $0xFFFFFFFF;
	(pc) =	sbr.abs _section_cstart, $3  }
0xc0: {  	[dreg:$0x1] =	wrdreg $0xFFFFFFFF  }
0xc1: {  	_ =	task.clear_ibuf [dreg:s7], $0x2FFFF;
	_ =	strace $0x9FFFFFFF  }
0xc2: {  	(tm) =	ssettm $0x7FFFFFFF  }
0xc3: {  	_ =	shalt  }
tec
execute0_lowered:
.L_overlay_start_1:
0x0: {  	(tag) =	ssettag $0x1  }
0x1: {  	s0 =	rddreg [dreg:$0x0]  }
0x2: {  	s1 =	rddreg [dreg:$0x1];
	s2 =	srdreg.scid  }
0x3: {  	s3 =	simm.s32 $0x0;
	s4 =	stileid.u32;
	s9 =	simm.s32 $0x200  }
0x4: {  	s10 =	simm.s32 $0x1400;
	s11 =	simm.s32 $0x5400;
	s12 =	simm.s32 $0x1  }
0x5: {  	s13 =	simm.s32 $0x9400;
	s14 =	simm.s32 $0x400;
	s15 =	simm.s32 $0x2  }
0x6: {  	v0 =	vlaneseq.u32;
	s16 =	simm.s32 $0xD500;
	s17 =	simm.s32 $0x600;
	s18 =	simm.s32 $0x3  }
0x7: {  	v1 =	vimm.s32 $0x0;
	vm0 =	vcmask $0x300;
	s19 =	simm.s32 $0x800;
	s20 =	simm.s32 $0xA00;
	s21 =	simm.s32 $0xC00;
	v0 =	vmul.u32 $0x208, v0  }
0x8: {  	s22 =	simm.s32 $0xE00;
	s23 =	simm.s32 $0x1000;
	s2 =	sand.u32 $0x1, s2;
	v1 =	vsel vm0, $0x3, v1  }
0x9: {  	s24 =	simm.s32 $0x1200;
	[smem:$0x7FF] =	sst s3;
	s5 =	ssub.s32 $0x2, s2;
	v2 =	vadd.s32 $0x2080, v0;
	v3 =	vor.u32 $0x1, v0;
	v4 =	vadd.s32 $0x2081, v0  }
0xa: {  	s7 =	sshll.u32 s4, $0x1;
	s4 =	sadd.s32 $0xC00, s0;
	s6 =	sshrl.u32 s5, $0x1;
	v5 =	vor.u32 $0x2, v0;
	v6 =	vadd.s32 $0x2082, v0;
	v7 =	vor.u32 $0x3, v0  }
0xb: {  	_ =	strace $0x8000004A;
	s2 =	sor.u32 s2, s7;
	v8 =	vadd.s32 $0x2083, v0;
	v9 =	vor.u32 $0x4, v0;
	v10 =	vadd.s32 $0x2084, v0;
	s8 =	ssub.s32 s5, s6  }
0xc: {  	v11 =	vor.u32 $0x5, v0;
	v12 =	vadd.s32 $0x2085, v0;
	v13 =	vor.u32 $0x6, v0;
	s5 =	sadd.s32 $0x32C00, s0;
	s6 =	smul.u32 $0x64, s2;
	s31 =	smax.u32 s8, $0x1  }
0xd: {  	v14 =	vadd.s32 $0x2086, v0;
	v15 =	vor.u32 $0x7, v0;
	v16 =	vadd.s32 $0x2087, v0;
	s2 =	simm.s32 $0x0;
	s8 =	simm.s32 $0x4;
	[dreg:$0x3] =	wrdreg s31  }
.LBB2_1:
0xe: {  	[dreg:$0x4] =	wrdreg s2;
	s26 =	simm.s32 $0x0  }
.LBB2_2:
0xf: {  	s0 =	smul.u32 $0xA, s26;
	_ =	sdelay $0x1  }
0x10: {  	s28 =	sadd.s32 s6, s0  }
0x11: {  	s29 =	sshll.u32 s28, $0x6  }
0x12: {  	s2 =	simm.s32 $0x0;
	s25 =	sadd.s32 s4, s29  }
0x13: {  	[tilespmem:s2], [sflag:$0x4] =	stream.linear.gather [hbm4b:s25+s2], $0x1400, $0x38;
	[tilespmem:$0x11600] =	vst v63  }
0x14: {  	_ =	swait.ge [sflag:s8], $0x1400  }
0x15: {  	[sflag:s8] =	ssyncset.done $0x0  }
0x16: {  	s7 =	simm.s32 $0x7;
	[sflag:s8] =	ssyncadd.s32 $0xFFFFEC00  }
0x17: {  	[tilespmem:s10], [sflag:$0x1] =	stream.indirect.gather [hbm4b:s1+s9], $0x20, s2, s9, $0xb8;
	[tilespmem:$0x11600] =	vst v63  }
0x18: {  	v17 =	vmov s7  }
0x19: {  	v18 =	vmov s2;
	v17 =	vshrl.u32 v17, $0x3;
	[tilespmem:s11], [sflag:$0x2] =	stream.indirect.gather [hbm4b:s1+s9], $0x20, s9, s9, $0xb8;
	[tilespmem:$0x11600] =	vst v63  }
0x1a: {  	v18 =	vshrl.u32 v18, $0x3;
	v17 =	vshll.u32 v17, v1;
	_ =	swait.ge [sflag:s12], $0x4000  }
0x1b: {  	v18 =	vshll.u32 v18, v1;
	v17 =	vbroadcast v17, $0x0;
	s25 =	simm.s32 $0x1;
	[sflag:s12] =	ssyncset.done $0x0  }
0x1c: {  	s30 =	simm.s32 $0x1480;
	v18 =	vbroadcast v18, $0x0;
	v19 =	vmov s25;
	s2 =	simm.s32 $0x2;
	[sflag:s12] =	ssyncadd.s32 $0xFFFFC000  }
0x1d: {  	v21 =	vadd.s32 v15, v17;
	v19 =	vshrl.u32 v19, $0x3;
	v22 =	vmov s2;
	v20 =	vld [tilespmem:s30+$0x60]  }
0x1e: {  	v25 =	vadd.s32 v0, v18;
	v19 =	vshll.u32 v19, v1;
	v22 =	vshrl.u32 v22, $0x3;
	v24 =	vld [tilespmem:s30+$0xFFFFFF80]  }
0x1f: {  	s7 =	simm.s32 $0x3;
	v17 =	vadd.s32 v16, v17;
	v19 =	vbroadcast v19, $0x0;
	v22 =	vshll.u32 v22, v1;
	v23 =	vld [tilespmem:s30+$0x70]  }
0x20: {  	v27 =	vmov s7;
	v18 =	vadd.s32 v2, v18;
	v22 =	vbroadcast v22, $0x0;
	v26 =	vld [tilespmem:s30+$0xFFFFFF90]  }
0x21: {  	v27 =	vshrl.u32 v27, $0x3;
	s25 =	simm.s32 $0x4;
	v29 =	vadd.s32 v3, v19;
	v31 =	vadd.s32 v4, v19;
	v28 =	vld [tilespmem:s30+$0xFFFFFFA0]  }
0x22: {  	v19 =	vshll.u32 v27, v1;
	v27 =	vmov s25;
	v32 =	vld [tilespmem:s30+$0xFFFFFFC0];
	v33 =	vadd.s32 v5, v22;
	[tilespmem:v21+s13+$0x0] =	vst.idx.msk $0xffff, v20  }
0x23: {  	s2 =	simm.s32 $0x5;
	v34 =	vbroadcast v19, $0x0;
	v19 =	vshrl.u32 v27, $0x3;
	v30 =	vld [tilespmem:s30+$0xFFFFFFB0];
	[tilespmem:v25+s13+$0x0] =	vst.idx.msk $0xffff, v24  }
0x24: {  	v19 =	vshll.u32 v19, v1;
	v20 =	vld [tilespmem:s30+$0xFFFFFFD0];
	v25 =	vadd.s32 v6, v22;
	v22 =	vmov s2;
	[tilespmem:v17+s13+$0x0] =	vst.idx.msk $0xffff, v23  }
0x25: {  	s7 =	simm.s32 $0x6;
	v35 =	vbroadcast v19, $0x0;
	v21 =	vadd.s32 v7, v34;
	[tilespmem:v18+s13+$0x0] =	vst.idx.msk $0xffff, v26;
	v17 =	vld [tilespmem:s30+$0xFFFFFFE0];
	v18 =	vshrl.u32 v22, $0x3  }
0x26: {  	v19 =	vld [tilespmem:s30+$0xFFFFFFF0];
	[tilespmem:v29+s13+$0x0] =	vst.idx.msk $0xffff, v28;
	v23 =	vadd.s32 v8, v34;
	v22 =	vmov s7;
	v18 =	vshll.u32 v18, v1  }
0x27: {  	s25 =	simm.s32 $0xF;
	v24 =	vld [tilespmem:s30+$0x0];
	[tilespmem:v33+s13+$0x0] =	vst.idx.msk $0xffff, v32;
	v26 =	vadd.s32 v9, v35;
	v29 =	vshrl.u32 v22, $0x3;
	v27 =	vbroadcast v18, $0x0  }
0x28: {  	s31 =	simm.s32 $0x8;
	s0 =	simm.s32 $0x10;
	v28 =	vmov s25;
	[tilespmem:v31+s13+$0x0] =	vst.idx.msk $0xffff, v30;
	v22 =	vadd.s32 v10, v35;
	v18 =	vld [tilespmem:s30+$0x10];
	v29 =	vshll.u32 v29, v1  }
.LBB2_3:
0x29: {  	p0 =	slt.u32 s0, $0x1F8;
	v28 =	vshrl.u32 v28, $0x3;
	[tilespmem:v25+s13+$0x0] =	vst.idx.msk $0xffff, v20;
	v20 =	vld [tilespmem:s30+$0x20];
	v25 =	vadd.s32 v11, v27;
	v29 =	vbroadcast v29, $0x0  }
0x2a: {  	v30 =	vmov s31;
	v28 =	vshll.u32 v28, v1;
	[tilespmem:v21+s13+$0x0] =	vst.idx.msk $0xffff, v17;
	v17 =	vld [tilespmem:s30+$0x30];
	v21 =	vadd.s32 v12, v27  }
0x2b: {  	s2 =	sadd.s32 $0x1, s31;
	v27 =	vshrl.u32 v30, $0x3;
	v28 =	vbroadcast v28, $0x0;
	[tilespmem:v23+s13+$0x0] =	vst.idx.msk $0xffff, v19;
	v19 =	vld [tilespmem:s30+$0x40];
	v23 =	vadd.s32 v13, v29  }
0x2c: {  	v30 =	vmov s2;
	v27 =	vshll.u32 v27, v1;
	[tilespmem:v26+s13+$0x0] =	vst.idx.msk $0xffff, v24;
	v24 =	vld [tilespmem:s30+$0x50];
	v26 =	vadd.s32 v14, v29;
	s30 =	sadd.s32 $0x100, s30  }
0x2d: {  	s2 =	sadd.s32 $0x2, s31;
	v27 =	vbroadcast v27, $0x0;
	v29 =	vshrl.u32 v30, $0x3;
	v30 =	vld [tilespmem:s30+$0x60];
	v31 =	vadd.s32 v15, v28;
	[tilespmem:v22+s13+$0x0] =	vst.idx.msk $0xffff, v18  }
0x2e: {  	v18 =	vshll.u32 v29, v1;
	v22 =	vmov s2;
	v28 =	vadd.s32 v16, v28;
	v29 =	vld [tilespmem:s30+$0x70];
	[tilespmem:v25+s13+$0x0] =	vst.idx.msk $0xffff, v20  }
0x2f: {  	s2 =	sadd.s32 $0x3, s31;
	v25 =	vadd.s32 v0, v27;
	v18 =	vbroadcast v18, $0x0;
	v22 =	vshrl.u32 v22, $0x3;
	v20 =	vld [tilespmem:s30+$0xFFFFFF80];
	[tilespmem:v21+s13+$0x0] =	vst.idx.msk $0xffff, v17  }
0x30: {  	v21 =	vadd.s32 v2, v27;
	v22 =	vshll.u32 v22, v1;
	v27 =	vmov s2;
	v17 =	vld [tilespmem:s30+$0xFFFFFF90];
	[tilespmem:v23+s13+$0x0] =	vst.idx.msk $0xffff, v19  }
0x31: {  	s2 =	sadd.s32 $0x4, s31;
	v23 =	vadd.s32 v3, v18;
	v22 =	vbroadcast v22, $0x0;
	v27 =	vshrl.u32 v27, $0x3;
	v19 =	vld [tilespmem:s30+$0xFFFFFFA0];
	[tilespmem:v26+s13+$0x0] =	vst.idx.msk $0xffff, v24  }
0x32: {  	v18 =	vadd.s32 v4, v18;
	v26 =	vshll.u32 v27, v1;
	v27 =	vmov s2;
	v24 =	vld [tilespmem:s30+$0xFFFFFFB0];
	[tilespmem:v31+s13+$0x0] =	vst.idx.msk $0xffff, v30  }
0x33: {  	s2 =	sadd.s32 $0x5, s31;
	v31 =	vadd.s32 v5, v22;
	v26 =	vbroadcast v26, $0x0;
	v27 =	vshrl.u32 v27, $0x3;
	v30 =	vld [tilespmem:s30+$0xFFFFFFC0];
	[tilespmem:v28+s13+$0x0] =	vst.idx.msk $0xffff, v29  }
.Ltmp0:
0x34: {  	[tilespmem:v25+s13+$0x0] =	vst.idx.msk $0xffff, v20;
	v20 =	vld [tilespmem:s30+$0xFFFFFFD0];
	v25 =	vadd.s32 v6, v22;
	v22 =	vshll.u32 v27, v1;
	v27 =	vmov s2;
	(pc) =	sbr.rel @p0 .LBB2_3-.Ltmp0, $4  }
0x35: {  	s2 =	sadd.s32 $0x6, s31;
	s31 =	smov.u32 s0;
	[tilespmem:v21+s13+$0x0] =	vst.idx.msk $0xffff, v17;
	v17 =	vld [tilespmem:s30+$0xFFFFFFE0];
	v21 =	vadd.s32 v7, v26;
	v22 =	vbroadcast v22, $0x0;
	v27 =	vshrl.u32 v27, $0x3  }
0x36: {  	v28 =	vmov s2;
	[tilespmem:v23+s13+$0x0] =	vst.idx.msk $0xffff, v19;
	v19 =	vld [tilespmem:s30+$0xFFFFFFF0];
	v23 =	vadd.s32 v8, v26;
	v27 =	vshll.u32 v27, v1  }
0x37: {  	s2 =	sadd.s32 $0x7, s0;
	v29 =	vshrl.u32 v28, $0x3;
	[tilespmem:v18+s13+$0x0] =	vst.idx.msk $0xffff, v24;
	v24 =	vld [tilespmem:s30+$0x0];
	v26 =	vadd.s32 v9, v22;
	v27 =	vbroadcast v27, $0x0  }
0x38: {  	s0 =	sadd.s32 $0x8, s0;
	v28 =	vmov s2;
	v22 =	vadd.s32 v10, v22;
	v29 =	vshll.u32 v29, v1;
	[tilespmem:v31+s13+$0x0] =	vst.idx.msk $0xffff, v30;
	v18 =	vld [tilespmem:s30+$0x10]  }
0x39: {  	_ =	sdelay $0x2  }
0x3a: {  	v28 =	vshrl.u32 v28, $0x3  }
0x3b: {  	[tilespmem:v25+s13+$0x0] =	vst.idx.msk $0xffff, v20;
	v59 =	vld [tilespmem:s30+$0x20];
	v60 =	vadd.s32 v11, v27;
	v29 =	vbroadcast v29, $0x0;
	v30 =	vmov s31  }
0x3c: {  	v61 =	vadd.s32 v12, v27;
	s0 =	sadd.s32 $0x1, s31;
	v28 =	vshll.u32 v28, v1;
	[tilespmem:v21+s13+$0x0] =	vst.idx.msk $0xffff, v17;
	v17 =	vld [tilespmem:s30+$0x30];
	v62 =	vshrl.u32 v30, $0x3  }
0x3d: {  	s2 =	sadd.s32 $0x2, s31;
	v33 =	vmov s0;
	v28 =	vbroadcast v28, $0x0;
	[tilespmem:v23+s13+$0x0] =	vst.idx.msk $0xffff, v19;
	v19 =	vld [tilespmem:s30+$0x40];
	v63 =	vadd.s32 v13, v29  }
0x3e: {  	v34 =	vld [tilespmem:s30+$0x50];
	s0 =	sadd.s32 $0x100, s30;
	v38 =	vmov s2;
	v27 =	vshll.u32 v62, v1;
	v35 =	vadd.s32 v14, v29;
	[tilespmem:v26+s13+$0x0] =	vst.idx.msk $0xffff, v24  }
0x3f: {  	s7 =	sadd.s32 $0x3, s31;
	v36 =	vshrl.u32 v33, $0x3;
	v37 =	vld [tilespmem:s0+$0x60];
	v27 =	vbroadcast v27, $0x0;
	v31 =	vadd.s32 v15, v28;
	[tilespmem:v22+s13+$0x0] =	vst.idx.msk $0xffff, v18  }
0x40: {  	v43 =	vmov s7;
	v39 =	vld [tilespmem:s0+$0x70];
	v18 =	vshll.u32 v36, v1;
	v28 =	vadd.s32 v16, v28;
	[tilespmem:v60+s13+$0x0] =	vst.idx.msk $0xffff, v59  }
0x41: {  	s25 =	sadd.s32 $0x4, s31;
	v40 =	vld [tilespmem:s0+$0xFFFFFF80];
	v22 =	vshrl.u32 v38, $0x3;
	v41 =	vadd.s32 v0, v27;
	v18 =	vbroadcast v18, $0x0;
	[tilespmem:v61+s13+$0x0] =	vst.idx.msk $0xffff, v17  }
0x42: {  	v47 =	vmov s25;
	v42 =	vadd.s32 v2, v27;
	v22 =	vshll.u32 v22, v1;
	v17 =	vld [tilespmem:s0+$0xFFFFFF90];
	[tilespmem:v63+s13+$0x0] =	vst.idx.msk $0xffff, v19  }
0x43: {  	s7 =	sadd.s32 $0x5, s31;
	v27 =	vshrl.u32 v43, $0x3;
	v22 =	vbroadcast v22, $0x0;
	v19 =	vld [tilespmem:s0+$0xFFFFFFA0];
	v44 =	vadd.s32 v3, v18;
	[tilespmem:v35+s13+$0x0] =	vst.idx.msk $0xffff, v34  }
0x44: {  	v45 =	vld [tilespmem:s0+$0xFFFFFFB0];
	v52 =	vmov s7;
	v46 =	vshll.u32 v27, v1;
	v18 =	vadd.s32 v4, v18;
	[tilespmem:v31+s13+$0x0] =	vst.idx.msk $0xffff, v37  }
0x45: {  	v48 =	vld [tilespmem:s0+$0xFFFFFFC0];
	v27 =	vshrl.u32 v47, $0x3;
	v26 =	vbroadcast v46, $0x0;
	v49 =	vadd.s32 v5, v22;
	[tilespmem:v28+s13+$0x0] =	vst.idx.msk $0xffff, v39  }
0x46: {  	v50 =	vld [tilespmem:s0+$0xFFFFFFD0];
	v51 =	vshll.u32 v27, v1;
	v27 =	vshrl.u32 v52, $0x3;
	v22 =	vadd.s32 v6, v22;
	[tilespmem:v41+s13+$0x0] =	vst.idx.msk $0xffff, v40  }
0x47: {  	s25 =	sadd.s32 $0x6, s31;
	v25 =	vbroadcast v51, $0x0;
	v55 =	vshll.u32 v27, v1;
	v53 =	vadd.s32 v7, v26;
	[tilespmem:v42+s13+$0x0] =	vst.idx.msk $0xffff, v17;
	v17 =	vld [tilespmem:s0+$0xFFFFFFE0]  }
0x48: {  	v56 =	vmov s25;
	v54 =	vadd.s32 v8, v26;
	v26 =	vbroadcast v55, $0x0;
	[tilespmem:v44+s13+$0x0] =	vst.idx.msk $0xffff, v19;
	v19 =	vld [tilespmem:s0+$0xFFFFFFF0]  }
0x49: {  	v27 =	vshrl.u32 v56, $0x3;
	v57 =	vadd.s32 v9, v25;
	[tilespmem:v18+s13+$0x0] =	vst.idx.msk $0xffff, v45;
	v18 =	vld [tilespmem:s0+$0x0]  }
0x4a: {  	v59 =	vld [tilespmem:s0+$0x20];
	v27 =	vshll.u32 v27, v1;
	v60 =	vadd.s32 v11, v26;
	[tilespmem:v49+s13+$0x0] =	vst.idx.msk $0xffff, v48  }
0x4b: {  	v58 =	vld [tilespmem:s0+$0x10];
	v25 =	vadd.s32 v10, v25;
	v27 =	vbroadcast v27, $0x0;
	[tilespmem:v22+s13+$0x0] =	vst.idx.msk $0xffff, v50  }
0x4c: {  	v61 =	vadd.s32 v12, v26;
	[tilespmem:v53+s13+$0x0] =	vst.idx.msk $0xffff, v17;
	v17 =	vld [tilespmem:s0+$0x30]  }
0x4d: {  	v62 =	vadd.s32 v13, v27;
	[tilespmem:v54+s13+$0x0] =	vst.idx.msk $0xffff, v19;
	v19 =	vld [tilespmem:s0+$0x40]  }
0x4e: {  	v63 =	vadd.s32 v14, v27;
	[tilespmem:v57+s13+$0x0] =	vst.idx.msk $0xffff, v18;
	v18 =	vld [tilespmem:s0+$0x50]  }
0x4f: {  	[tilespmem:v60+s13+$0x0] =	vst.idx.msk $0xffff, v59  }
0x50: {  	s29 =	sand.u32 $0x780, s29;
	s7 =	sshll.u32 s28, $0xB;
	[tilespmem:v25+s13+$0x0] =	vst.idx.msk $0xffff, v58  }
0x51: {  	s25 =	sadd.s32 s5, s29;
	s30 =	sand.u32 $0xFFF0000, s7;
	[tilespmem:v61+s13+$0x0] =	vst.idx.msk $0xffff, v17  }
0x52: {  	s2 =	simm.s32 $0x9400;
	s0 =	sadd.s32 s30, s25;
	[tilespmem:v62+s13+$0x0] =	vst.idx.msk $0xffff, v19  }
0x53: {  	s31 =	simm.s32 $0x800;
	s7 =	simm.s32 $0x9608;
	s25 =	sadd.s32 $0x0, s0;
	[tilespmem:v63+s13+$0x0] =	vst.idx.msk $0xffff, v18  }
.LBB2_5:
0x54: {  	[hbm4b:s25+s3] =	stream.linear.scatter [tilespmem:s2], [sflag:$0x3], $0x200, $0x38;
	[tilespmem:$0x11600] =	vst v63  }
0x55: {  	s25 =	smov.u32 s31;
	s2 =	smov.u32 s7;
	p0 =	sne.s32 s31, $0xF800  }
.Ltmp1:
0x56: {  	s31 =	sadd.s32 $0x800, s31;
	(pc) =	sbr.rel @p0 .LBB2_5-.Ltmp1, $2  }
0x57: {  	_ =	sdelay $0x2  }
0x58: {  	s7 =	sadd.s32 $0x208, s7;
	s25 =	sadd.s32 s25, s0  }
0x59: {  	[hbm4b:s25+s3] =	stream.linear.scatter [tilespmem:s2], [sflag:$0x3], $0x200, $0x38;
	[tilespmem:$0x11600] =	vst v63  }
0x5a: {  	s0 =	simm.s32 $0x7  }
0x5b: {  	s7 =	simm.s32 $0x0;
	v17 =	vmov s0  }
0x5c: {  	v18 =	vmov s7;
	[tilespmem:s10], [sflag:$0x1] =	stream.indirect.gather [hbm4b:s1+s9], $0x20, s14, s9, $0xb8;
	v17 =	vshrl.u32 v17, $0x3;
	[tilespmem:$0x11600] =	vst v63  }
0x5d: {  	v18 =	vshrl.u32 v18, $0x3;
	_ =	swait.ge [sflag:s15], $0x4000;
	v17 =	vshll.u32 v17, v1  }
0x5e: {  	s25 =	simm.s32 $0x1;
	v18 =	vshll.u32 v18, v1;
	[sflag:s15] =	ssyncset.done $0x0;
	v17 =	vbroadcast v17, $0x0  }
0x5f: {  	s31 =	simm.s32 $0x54F0;
	s2 =	simm.s32 $0x2;
	v19 =	vmov s25;
	v18 =	vbroadcast v18, $0x0;
	[sflag:s15] =	ssyncadd.s32 $0xFFFFC000  }
0x60: {  	v22 =	vmov s2;
	v19 =	vshrl.u32 v19, $0x3;
	v20 =	vld [tilespmem:s31+$0xFFFFFFF0];
	v21 =	vadd.s32 v15, v17  }
0x61: {  	v22 =	vshrl.u32 v22, $0x3;
	v19 =	vshll.u32 v19, v1;
	v24 =	vld [tilespmem:s31+$0xFFFFFF10];
	v25 =	vadd.s32 v0, v18  }
0x62: {  	s7 =	simm.s32 $0x3;
	v22 =	vshll.u32 v22, v1;
	v19 =	vbroadcast v19, $0x0;
	v23 =	vld [tilespmem:s31+$0x0];
	v17 =	vadd.s32 v16, v17  }
0x63: {  	v27 =	vmov s7;
	v22 =	vbroadcast v22, $0x0;
	v26 =	vld [tilespmem:s31+$0xFFFFFF20];
	v18 =	vadd.s32 v2, v18  }
0x64: {  	s25 =	simm.s32 $0x4;
	v27 =	vshrl.u32 v27, $0x3;
	v28 =	vld [tilespmem:s31+$0xFFFFFF30];
	v29 =	vadd.s32 v3, v19;
	v31 =	vadd.s32 v4, v19  }
0x65: {  	v19 =	vshll.u32 v27, v1;
	v27 =	vmov s25;
	v32 =	vld [tilespmem:s31+$0xFFFFFF50];
	v33 =	vadd.s32 v5, v22;
	[tilespmem:v21+s16+$0x0] =	vst.idx.msk $0xffff, v20  }
0x66: {  	s2 =	simm.s32 $0x5;
	v30 =	vld [tilespmem:s31+$0xFFFFFF40];
	v34 =	vbroadcast v19, $0x0;
	v19 =	vshrl.u32 v27, $0x3;
	[tilespmem:v25+s16+$0x0] =	vst.idx.msk $0xffff, v24  }
0x67: {  	v19 =	vshll.u32 v19, v1;
	v20 =	vld [tilespmem:s31+$0xFFFFFF60];
	v25 =	vadd.s32 v6, v22;
	v22 =	vmov s2;
	[tilespmem:v17+s16+$0x0] =	vst.idx.msk $0xffff, v23  }
0x68: {  	s7 =	simm.s32 $0x6;
	v35 =	vbroadcast v19, $0x0;
	v21 =	vadd.s32 v7, v34;
	[tilespmem:v18+s16+$0x0] =	vst.idx.msk $0xffff, v26;
	v17 =	vld [tilespmem:s31+$0xFFFFFF70];
	v18 =	vshrl.u32 v22, $0x3  }
0x69: {  	v19 =	vld [tilespmem:s31+$0xFFFFFF80];
	[tilespmem:v29+s16+$0x0] =	vst.idx.msk $0xffff, v28;
	v23 =	vadd.s32 v8, v34;
	v22 =	vmov s7;
	v18 =	vshll.u32 v18, v1  }
0x6a: {  	s25 =	simm.s32 $0xF;
	v24 =	vld [tilespmem:s31+$0xFFFFFF90];
	[tilespmem:v33+s16+$0x0] =	vst.idx.msk $0xffff, v32;
	v26 =	vadd.s32 v9, v35;
	v29 =	vshrl.u32 v22, $0x3;
	v27 =	vbroadcast v18, $0x0  }
0x6b: {  	s0 =	simm.s32 $0x8;
	v28 =	vmov s25;
	s2 =	simm.s32 $0x10;
	[tilespmem:v31+s16+$0x0] =	vst.idx.msk $0xffff, v30;
	v22 =	vadd.s32 v10, v35;
	v18 =	vld [tilespmem:s31+$0xFFFFFFA0];
	v29 =	vshll.u32 v29, v1  }
.LBB2_7:
0x6c: {  	p0 =	slt.u32 s2, $0x1F8;
	v28 =	vshrl.u32 v28, $0x3;
	[tilespmem:v25+s16+$0x0] =	vst.idx.msk $0xffff, v20;
	v20 =	vld [tilespmem:s31+$0xFFFFFFB0];
	v25 =	vadd.s32 v11, v27;
	v29 =	vbroadcast v29, $0x0  }
0x6d: {  	v30 =	vmov s0;
	v28 =	vshll.u32 v28, v1;
	[tilespmem:v21+s16+$0x0] =	vst.idx.msk $0xffff, v17;
	v17 =	vld [tilespmem:s31+$0xFFFFFFC0];
	v21 =	vadd.s32 v12, v27  }
0x6e: {  	s7 =	sadd.s32 $0x1, s0;
	v27 =	vshrl.u32 v30, $0x3;
	v28 =	vbroadcast v28, $0x0;
	[tilespmem:v23+s16+$0x0] =	vst.idx.msk $0xffff, v19;
	v19 =	vld [tilespmem:s31+$0xFFFFFFD0];
	v23 =	vadd.s32 v13, v29  }
0x6f: {  	v30 =	vmov s7;
	v27 =	vshll.u32 v27, v1;
	[tilespmem:v26+s16+$0x0] =	vst.idx.msk $0xffff, v24;
	v24 =	vld [tilespmem:s31+$0xFFFFFFE0];
	v26 =	vadd.s32 v14, v29;
	s31 =	sadd.s32 $0x100, s31  }
0x70: {  	s7 =	sadd.s32 $0x2, s0;
	v27 =	vbroadcast v27, $0x0;
	v29 =	vshrl.u32 v30, $0x3;
	v30 =	vld [tilespmem:s31+$0xFFFFFFF0];
	v31 =	vadd.s32 v15, v28;
	[tilespmem:v22+s16+$0x0] =	vst.idx.msk $0xffff, v18  }
0x71: {  	v18 =	vshll.u32 v29, v1;
	v22 =	vmov s7;
	v28 =	vadd.s32 v16, v28;
	v29 =	vld [tilespmem:s31+$0x0];
	[tilespmem:v25+s16+$0x0] =	vst.idx.msk $0xffff, v20  }
0x72: {  	s7 =	sadd.s32 $0x3, s0;
	v25 =	vadd.s32 v0, v27;
	v18 =	vbroadcast v18, $0x0;
	v22 =	vshrl.u32 v22, $0x3;
	v20 =	vld [tilespmem:s31+$0xFFFFFF10];
	[tilespmem:v21+s16+$0x0] =	vst.idx.msk $0xffff, v17  }
0x73: {  	v21 =	vadd.s32 v2, v27;
	v22 =	vshll.u32 v22, v1;
	v27 =	vmov s7;
	v17 =	vld [tilespmem:s31+$0xFFFFFF20];
	[tilespmem:v23+s16+$0x0] =	vst.idx.msk $0xffff, v19  }
0x74: {  	s7 =	sadd.s32 $0x4, s0;
	v23 =	vadd.s32 v3, v18;
	v22 =	vbroadcast v22, $0x0;
	v27 =	vshrl.u32 v27, $0x3;
	v19 =	vld [tilespmem:s31+$0xFFFFFF30];
	[tilespmem:v26+s16+$0x0] =	vst.idx.msk $0xffff, v24  }
0x75: {  	v18 =	vadd.s32 v4, v18;
	v26 =	vshll.u32 v27, v1;
	v27 =	vmov s7;
	v24 =	vld [tilespmem:s31+$0xFFFFFF40];
	[tilespmem:v31+s16+$0x0] =	vst.idx.msk $0xffff, v30  }
0x76: {  	s7 =	sadd.s32 $0x5, s0;
	v31 =	vadd.s32 v5, v22;
	v26 =	vbroadcast v26, $0x0;
	v27 =	vshrl.u32 v27, $0x3;
	v30 =	vld [tilespmem:s31+$0xFFFFFF50];
	[tilespmem:v28+s16+$0x0] =	vst.idx.msk $0xffff, v29  }
.Ltmp2:
0x77: {  	[tilespmem:v25+s16+$0x0] =	vst.idx.msk $0xffff, v20;
	v20 =	vld [tilespmem:s31+$0xFFFFFF60];
	v25 =	vadd.s32 v6, v22;
	v22 =	vshll.u32 v27, v1;
	v27 =	vmov s7;
	(pc) =	sbr.rel @p0 .LBB2_7-.Ltmp2, $4  }
0x78: {  	s7 =	sadd.s32 $0x6, s0;
	s0 =	smov.u32 s2;
	[tilespmem:v21+s16+$0x0] =	vst.idx.msk $0xffff, v17;
	v17 =	vld [tilespmem:s31+$0xFFFFFF70];
	v21 =	vadd.s32 v7, v26;
	v22 =	vbroadcast v22, $0x0;
	v27 =	vshrl.u32 v27, $0x3  }
0x79: {  	v28 =	vmov s7;
	[tilespmem:v23+s16+$0x0] =	vst.idx.msk $0xffff, v19;
	v19 =	vld [tilespmem:s31+$0xFFFFFF80];
	v23 =	vadd.s32 v8, v26;
	v27 =	vshll.u32 v27, v1  }
0x7a: {  	s7 =	sadd.s32 $0x7, s2;
	v29 =	vshrl.u32 v28, $0x3;
	[tilespmem:v18+s16+$0x0] =	vst.idx.msk $0xffff, v24;
	v24 =	vld [tilespmem:s31+$0xFFFFFF90];
	v26 =	vadd.s32 v9, v22;
	v27 =	vbroadcast v27, $0x0  }
0x7b: {  	s2 =	sadd.s32 $0x8, s2;
	v28 =	vmov s7;
	v22 =	vadd.s32 v10, v22;
	v29 =	vshll.u32 v29, v1;
	[tilespmem:v31+s16+$0x0] =	vst.idx.msk $0xffff, v30;
	v18 =	vld [tilespmem:s31+$0xFFFFFFA0]  }
0x7c: {  	_ =	sdelay $0x2  }
0x7d: {  	v28 =	vshrl.u32 v28, $0x3  }
0x7e: {  	[tilespmem:v25+s16+$0x0] =	vst.idx.msk $0xffff, v20;
	v59 =	vld [tilespmem:s31+$0xFFFFFFB0];
	v60 =	vadd.s32 v11, v27;
	v29 =	vbroadcast v29, $0x0;
	v30 =	vmov s0  }
0x7f: {  	v61 =	vadd.s32 v12, v27;
	s2 =	sadd.s32 $0x1, s0;
	v28 =	vshll.u32 v28, v1;
	[tilespmem:v21+s16+$0x0] =	vst.idx.msk $0xffff, v17;
	v17 =	vld [tilespmem:s31+$0xFFFFFFC0];
	v62 =	vshrl.u32 v30, $0x3  }
0x80: {  	s7 =	sadd.s32 $0x2, s0;
	v33 =	vmov s2;
	v28 =	vbroadcast v28, $0x0;
	[tilespmem:v23+s16+$0x0] =	vst.idx.msk $0xffff, v19;
	v19 =	vld [tilespmem:s31+$0xFFFFFFD0];
	v63 =	vadd.s32 v13, v29  }
0x81: {  	v34 =	vld [tilespmem:s31+$0xFFFFFFE0];
	s2 =	sadd.s32 $0x100, s31;
	v38 =	vmov s7;
	v27 =	vshll.u32 v62, v1;
	v35 =	vadd.s32 v14, v29;
	[tilespmem:v26+s16+$0x0] =	vst.idx.msk $0xffff, v24  }
0x82: {  	s25 =	sadd.s32 $0x4, s0;
	v36 =	vshrl.u32 v33, $0x3;
	v37 =	vld [tilespmem:s2+$0xFFFFFFF0];
	v27 =	vbroadcast v27, $0x0;
	v31 =	vadd.s32 v15, v28;
	[tilespmem:v22+s16+$0x0] =	vst.idx.msk $0xffff, v18  }
0x83: {  	v47 =	vmov s25;
	v39 =	vld [tilespmem:s2+$0x0];
	v18 =	vshll.u32 v36, v1;
	v28 =	vadd.s32 v16, v28;
	[tilespmem:v60+s16+$0x0] =	vst.idx.msk $0xffff, v59  }
0x84: {  	v40 =	vld [tilespmem:s2+$0xFFFFFF10];
	s31 =	sadd.s32 $0x3, s0;
	v22 =	vshrl.u32 v38, $0x3;
	v41 =	vadd.s32 v0, v27;
	v18 =	vbroadcast v18, $0x0;
	[tilespmem:v61+s16+$0x0] =	vst.idx.msk $0xffff, v17  }
0x85: {  	v43 =	vmov s31;
	v42 =	vadd.s32 v2, v27;
	v22 =	vshll.u32 v22, v1;
	v17 =	vld [tilespmem:s2+$0xFFFFFF20];
	[tilespmem:v63+s16+$0x0] =	vst.idx.msk $0xffff, v19  }
0x86: {  	s31 =	sadd.s32 $0x5, s0;
	v27 =	vshrl.u32 v43, $0x3;
	v22 =	vbroadcast v22, $0x0;
	v19 =	vld [tilespmem:s2+$0xFFFFFF30];
	v44 =	vadd.s32 v3, v18;
	[tilespmem:v35+s16+$0x0] =	vst.idx.msk $0xffff, v34  }
0x87: {  	v45 =	vld [tilespmem:s2+$0xFFFFFF40];
	v52 =	vmov s31;
	v46 =	vshll.u32 v27, v1;
	v18 =	vadd.s32 v4, v18;
	[tilespmem:v31+s16+$0x0] =	vst.idx.msk $0xffff, v37  }
0x88: {  	v48 =	vld [tilespmem:s2+$0xFFFFFF50];
	v27 =	vshrl.u32 v47, $0x3;
	v26 =	vbroadcast v46, $0x0;
	v49 =	vadd.s32 v5, v22;
	[tilespmem:v28+s16+$0x0] =	vst.idx.msk $0xffff, v39  }
0x89: {  	v50 =	vld [tilespmem:s2+$0xFFFFFF60];
	v51 =	vshll.u32 v27, v1;
	v27 =	vshrl.u32 v52, $0x3;
	v22 =	vadd.s32 v6, v22;
	[tilespmem:v41+s16+$0x0] =	vst.idx.msk $0xffff, v40  }
0x8a: {  	s25 =	sadd.s32 $0x6, s0;
	v25 =	vbroadcast v51, $0x0;
	v55 =	vshll.u32 v27, v1;
	v53 =	vadd.s32 v7, v26;
	[tilespmem:v42+s16+$0x0] =	vst.idx.msk $0xffff, v17;
	v17 =	vld [tilespmem:s2+$0xFFFFFF70]  }
0x8b: {  	v56 =	vmov s25;
	v54 =	vadd.s32 v8, v26;
	v26 =	vbroadcast v55, $0x0;
	[tilespmem:v44+s16+$0x0] =	vst.idx.msk $0xffff, v19;
	v19 =	vld [tilespmem:s2+$0xFFFFFF80]  }
0x8c: {  	v27 =	vshrl.u32 v56, $0x3;
	v57 =	vadd.s32 v9, v25;
	[tilespmem:v18+s16+$0x0] =	vst.idx.msk $0xffff, v45;
	v18 =	vld [tilespmem:s2+$0xFFFFFF90]  }
0x8d: {  	v59 =	vld [tilespmem:s2+$0xFFFFFFB0];
	v27 =	vshll.u32 v27, v1;
	v60 =	vadd.s32 v11, v26;
	[tilespmem:v49+s16+$0x0] =	vst.idx.msk $0xffff, v48  }
0x8e: {  	v58 =	vld [tilespmem:s2+$0xFFFFFFA0];
	v25 =	vadd.s32 v10, v25;
	v27 =	vbroadcast v27, $0x0;
	[tilespmem:v22+s16+$0x0] =	vst.idx.msk $0xffff, v50  }
0x8f: {  	v61 =	vadd.s32 v12, v26;
	[tilespmem:v53+s16+$0x0] =	vst.idx.msk $0xffff, v17;
	v17 =	vld [tilespmem:s2+$0xFFFFFFC0]  }
0x90: {  	v62 =	vadd.s32 v13, v27;
	[tilespmem:v54+s16+$0x0] =	vst.idx.msk $0xffff, v19;
	v19 =	vld [tilespmem:s2+$0xFFFFFFD0]  }
0x91: {  	v63 =	vadd.s32 v14, v27;
	[tilespmem:v57+s16+$0x0] =	vst.idx.msk $0xffff, v18;
	v18 =	vld [tilespmem:s2+$0xFFFFFFE0]  }
0x92: {  	[tilespmem:v60+s16+$0x0] =	vst.idx.msk $0xffff, v59  }
0x93: {  	s31 =	sadd.s32 s5, s30;
	[tilespmem:v25+s16+$0x0] =	vst.idx.msk $0xffff, v58  }
0x94: {  	s0 =	sadd.s32 s29, s31;
	[tilespmem:v61+s16+$0x0] =	vst.idx.msk $0xffff, v17  }
0x95: {  	s7 =	simm.s32 $0xD708;
	s0 =	sadd.s32 $0x40, s0;
	[tilespmem:v62+s16+$0x0] =	vst.idx.msk $0xffff, v19  }
0x96: {  	s29 =	simm.s32 $0x800;
	s25 =	sadd.s32 $0x0, s0;
	s2 =	simm.s32 $0xD500;
	[tilespmem:v63+s16+$0x0] =	vst.idx.msk $0xffff, v18  }
.LBB2_9:
0x97: {  	[hbm4b:s25+s3] =	stream.linear.scatter [tilespmem:s2], [sflag:$0x3], $0x200, $0x38;
	[tilespmem:$0x11600] =	vst v63  }
0x98: {  	s25 =	smov.u32 s29;
	s2 =	smov.u32 s7;
	p0 =	sne.s32 s29, $0xF800  }
.Ltmp3:
0x99: {  	s29 =	sadd.s32 $0x800, s29;
	(pc) =	sbr.rel @p0 .LBB2_9-.Ltmp3, $2  }
0x9a: {  	_ =	sdelay $0x2  }
0x9b: {  	s7 =	sadd.s32 $0x208, s7;
	s25 =	sadd.s32 s25, s0  }
0x9c: {  	[hbm4b:s25+s3] =	stream.linear.scatter [tilespmem:s2], [sflag:$0x3], $0x200, $0x38;
	[tilespmem:$0x11600] =	vst v63  }
0x9d: {  	_ = 	snop  }
0x9e: {  	[tilespmem:s11], [sflag:$0x2] =	stream.indirect.gather [hbm4b:s1+s9], $0x20, s17, s9, $0xb8;
	[tilespmem:$0x11600] =	vst v63  }
0x9f: {  	s0 =	simm.s32 $0x7;
	_ =	swait.ge [sflag:s12], $0x4000  }
0xa0: {  	s25 =	simm.s32 $0x0;
	v17 =	vmov s0;
	[sflag:s12] =	ssyncset.done $0x0  }
0xa1: {  	v18 =	vmov s25;
	v17 =	vshrl.u32 v17, $0x3;
	[sflag:s12] =	ssyncadd.s32 $0xFFFFC000  }
0xa2: {  	v18 =	vshrl.u32 v18, $0x3;
	v17 =	vshll.u32 v17, v1;
	_ =	swait.ge [sflag:s18], $0x4000  }
0xa3: {  	s30 =	simm.s32 $0x1;
	v18 =	vshll.u32 v18, v1;
	v17 =	vbroadcast v17, $0x0;
	[sflag:s18] =	ssyncset.done $0x0  }
0xa4: {  	s29 =	simm.s32 $0x1480;
	s31 =	simm.s32 $0x2;
	v19 =	vmov s30;
	v18 =	vbroadcast v18, $0x0;
	[sflag:s18] =	ssyncadd.s32 $0xFFFFC000  }
0xa5: {  	v22 =	vmov s31;
	v19 =	vshrl.u32 v19, $0x3;
	v21 =	vadd.s32 v15, v17;
	v20 =	vld [tilespmem:s29+$0x60]  }
0xa6: {  	v22 =	vshrl.u32 v22, $0x3;
	v19 =	vshll.u32 v19, v1;
	v25 =	vadd.s32 v0, v18;
	v24 =	vld [tilespmem:s29+$0xFFFFFF80]  }
0xa7: {  	s2 =	simm.s32 $0x3;
	v22 =	vshll.u32 v22, v1;
	v19 =	vbroadcast v19, $0x0;
	v17 =	vadd.s32 v16, v17;
	v23 =	vld [tilespmem:s29+$0x70]  }
0xa8: {  	v27 =	vmov s2;
	v22 =	vbroadcast v22, $0x0;
	v18 =	vadd.s32 v2, v18;
	v26 =	vld [tilespmem:s29+$0xFFFFFF90]  }
0xa9: {  	s7 =	simm.s32 $0x4;
	v27 =	vshrl.u32 v27, $0x3;
	v29 =	vadd.s32 v3, v19;
	v31 =	vadd.s32 v4, v19;
	v28 =	vld [tilespmem:s29+$0xFFFFFFA0]  }
0xaa: {  	v19 =	vshll.u32 v27, v1;
	v27 =	vmov s7;
	v33 =	vadd.s32 v5, v22;
	v32 =	vld [tilespmem:s29+$0xFFFFFFC0];
	[tilespmem:v21+s13+$0x0] =	vst.idx.msk $0xffff, v20  }
0xab: {  	s25 =	simm.s32 $0x5;
	v34 =	vbroadcast v19, $0x0;
	v19 =	vshrl.u32 v27, $0x3;
	v30 =	vld [tilespmem:s29+$0xFFFFFFB0];
	[tilespmem:v25+s13+$0x0] =	vst.idx.msk $0xffff, v24  }
0xac: {  	v19 =	vshll.u32 v19, v1;
	v20 =	vld [tilespmem:s29+$0xFFFFFFD0];
	v25 =	vadd.s32 v6, v22;
	v22 =	vmov s25;
	[tilespmem:v17+s13+$0x0] =	vst.idx.msk $0xffff, v23  }
0xad: {  	s30 =	simm.s32 $0x6;
	v35 =	vbroadcast v19, $0x0;
	v21 =	vadd.s32 v7, v34;
	[tilespmem:v18+s13+$0x0] =	vst.idx.msk $0xffff, v26;
	v17 =	vld [tilespmem:s29+$0xFFFFFFE0];
	v18 =	vshrl.u32 v22, $0x3  }
0xae: {  	v19 =	vld [tilespmem:s29+$0xFFFFFFF0];
	[tilespmem:v29+s13+$0x0] =	vst.idx.msk $0xffff, v28;
	v23 =	vadd.s32 v8, v34;
	v22 =	vmov s30;
	v18 =	vshll.u32 v18, v1  }
0xaf: {  	s31 =	simm.s32 $0xF;
	v24 =	vld [tilespmem:s29+$0x0];
	[tilespmem:v33+s13+$0x0] =	vst.idx.msk $0xffff, v32;
	v26 =	vadd.s32 v9, v35;
	v29 =	vshrl.u32 v22, $0x3;
	v27 =	vbroadcast v18, $0x0  }
0xb0: {  	s0 =	simm.s32 $0x8;
	s2 =	simm.s32 $0x10;
	v28 =	vmov s31;
	[tilespmem:v31+s13+$0x0] =	vst.idx.msk $0xffff, v30;
	v22 =	vadd.s32 v10, v35;
	v18 =	vld [tilespmem:s29+$0x10];
	v29 =	vshll.u32 v29, v1  }
.LBB2_11:
0xb1: {  	p0 =	slt.u32 s2, $0x1F8;
	v28 =	vshrl.u32 v28, $0x3;
	[tilespmem:v25+s13+$0x0] =	vst.idx.msk $0xffff, v20;
	v20 =	vld [tilespmem:s29+$0x20];
	v25 =	vadd.s32 v11, v27;
	v29 =	vbroadcast v29, $0x0  }
0xb2: {  	v30 =	vmov s0;
	v28 =	vshll.u32 v28, v1;
	[tilespmem:v21+s13+$0x0] =	vst.idx.msk $0xffff, v17;
	v17 =	vld [tilespmem:s29+$0x30];
	v21 =	vadd.s32 v12, v27  }
0xb3: {  	s7 =	sadd.s32 $0x1, s0;
	v27 =	vshrl.u32 v30, $0x3;
	v28 =	vbroadcast v28, $0x0;
	[tilespmem:v23+s13+$0x0] =	vst.idx.msk $0xffff, v19;
	v19 =	vld [tilespmem:s29+$0x40];
	v23 =	vadd.s32 v13, v29  }
0xb4: {  	v30 =	vmov s7;
	v27 =	vshll.u32 v27, v1;
	[tilespmem:v26+s13+$0x0] =	vst.idx.msk $0xffff, v24;
	v24 =	vld [tilespmem:s29+$0x50];
	v26 =	vadd.s32 v14, v29;
	s29 =	sadd.s32 $0x100, s29  }
0xb5: {  	s7 =	sadd.s32 $0x2, s0;
	v27 =	vbroadcast v27, $0x0;
	v29 =	vshrl.u32 v30, $0x3;
	v30 =	vld [tilespmem:s29+$0x60];
	v31 =	vadd.s32 v15, v28;
	[tilespmem:v22+s13+$0x0] =	vst.idx.msk $0xffff, v18  }
0xb6: {  	v18 =	vshll.u32 v29, v1;
	v22 =	vmov s7;
	v28 =	vadd.s32 v16, v28;
	v29 =	vld [tilespmem:s29+$0x70];
	[tilespmem:v25+s13+$0x0] =	vst.idx.msk $0xffff, v20  }
0xb7: {  	s7 =	sadd.s32 $0x3, s0;
	v25 =	vadd.s32 v0, v27;
	v18 =	vbroadcast v18, $0x0;
	v22 =	vshrl.u32 v22, $0x3;
	v20 =	vld [tilespmem:s29+$0xFFFFFF80];
	[tilespmem:v21+s13+$0x0] =	vst.idx.msk $0xffff, v17  }
0xb8: {  	v21 =	vadd.s32 v2, v27;
	v22 =	vshll.u32 v22, v1;
	v27 =	vmov s7;
	v17 =	vld [tilespmem:s29+$0xFFFFFF90];
	[tilespmem:v23+s13+$0x0] =	vst.idx.msk $0xffff, v19  }
0xb9: {  	s7 =	sadd.s32 $0x4, s0;
	v23 =	vadd.s32 v3, v18;
	v22 =	vbroadcast v22, $0x0;
	v27 =	vshrl.u32 v27, $0x3;
	v19 =	vld [tilespmem:s29+$0xFFFFFFA0];
	[tilespmem:v26+s13+$0x0] =	vst.idx.msk $0xffff, v24  }
0xba: {  	v18 =	vadd.s32 v4, v18;
	v26 =	vshll.u32 v27, v1;
	v27 =	vmov s7;
	v24 =	vld [tilespmem:s29+$0xFFFFFFB0];
	[tilespmem:v31+s13+$0x0] =	vst.idx.msk $0xffff, v30  }
0xbb: {  	s7 =	sadd.s32 $0x5, s0;
	v31 =	vadd.s32 v5, v22;
	v26 =	vbroadcast v26, $0x0;
	v27 =	vshrl.u32 v27, $0x3;
	v30 =	vld [tilespmem:s29+$0xFFFFFFC0];
	[tilespmem:v28+s13+$0x0] =	vst.idx.msk $0xffff, v29  }
.Ltmp4:
0xbc: {  	[tilespmem:v25+s13+$0x0] =	vst.idx.msk $0xffff, v20;
	v20 =	vld [tilespmem:s29+$0xFFFFFFD0];
	v25 =	vadd.s32 v6, v22;
	v22 =	vshll.u32 v27, v1;
	v27 =	vmov s7;
	(pc) =	sbr.rel @p0 .LBB2_11-.Ltmp4, $4  }
0xbd: {  	s7 =	sadd.s32 $0x6, s0;
	s0 =	smov.u32 s2;
	[tilespmem:v21+s13+$0x0] =	vst.idx.msk $0xffff, v17;
	v17 =	vld [tilespmem:s29+$0xFFFFFFE0];
	v21 =	vadd.s32 v7, v26;
	v22 =	vbroadcast v22, $0x0;
	v27 =	vshrl.u32 v27, $0x3  }
0xbe: {  	v28 =	vmov s7;
	[tilespmem:v23+s13+$0x0] =	vst.idx.msk $0xffff, v19;
	v19 =	vld [tilespmem:s29+$0xFFFFFFF0];
	v23 =	vadd.s32 v8, v26;
	v27 =	vshll.u32 v27, v1  }
0xbf: {  	s7 =	sadd.s32 $0x7, s2;
	v29 =	vshrl.u32 v28, $0x3;
	[tilespmem:v18+s13+$0x0] =	vst.idx.msk $0xffff, v24;
	v24 =	vld [tilespmem:s29+$0x0];
	v26 =	vadd.s32 v9, v22;
	v27 =	vbroadcast v27, $0x0  }
0xc0: {  	s2 =	sadd.s32 $0x8, s2;
	v28 =	vmov s7;
	v22 =	vadd.s32 v10, v22;
	v29 =	vshll.u32 v29, v1;
	[tilespmem:v31+s13+$0x0] =	vst.idx.msk $0xffff, v30;
	v18 =	vld [tilespmem:s29+$0x10]  }
0xc1: {  	_ =	sdelay $0x2  }
0xc2: {  	v28 =	vshrl.u32 v28, $0x3  }
0xc3: {  	[tilespmem:v25+s13+$0x0] =	vst.idx.msk $0xffff, v20;
	v59 =	vld [tilespmem:s29+$0x20];
	v60 =	vadd.s32 v11, v27;
	v29 =	vbroadcast v29, $0x0;
	v30 =	vmov s0  }
0xc4: {  	v61 =	vadd.s32 v12, v27;
	s2 =	sadd.s32 $0x1, s0;
	v28 =	vshll.u32 v28, v1;
	[tilespmem:v21+s13+$0x0] =	vst.idx.msk $0xffff, v17;
	v17 =	vld [tilespmem:s29+$0x30];
	v62 =	vshrl.u32 v30, $0x3  }
0xc5: {  	s7 =	sadd.s32 $0x2, s0;
	v33 =	vmov s2;
	v28 =	vbroadcast v28, $0x0;
	[tilespmem:v23+s13+$0x0] =	vst.idx.msk $0xffff, v19;
	v19 =	vld [tilespmem:s29+$0x40];
	v63 =	vadd.s32 v13, v29  }
0xc6: {  	v34 =	vld [tilespmem:s29+$0x50];
	s2 =	sadd.s32 $0x100, s29;
	v38 =	vmov s7;
	v27 =	vshll.u32 v62, v1;
	v35 =	vadd.s32 v14, v29;
	[tilespmem:v26+s13+$0x0] =	vst.idx.msk $0xffff, v24  }
0xc7: {  	s25 =	sadd.s32 $0x3, s0;
	v36 =	vshrl.u32 v33, $0x3;
	v37 =	vld [tilespmem:s2+$0x60];
	v27 =	vbroadcast v27, $0x0;
	v31 =	vadd.s32 v15, v28;
	[tilespmem:v22+s13+$0x0] =	vst.idx.msk $0xffff, v18  }
0xc8: {  	v43 =	vmov s25;
	v39 =	vld [tilespmem:s2+$0x70];
	v18 =	vshll.u32 v36, v1;
	v28 =	vadd.s32 v16, v28;
	[tilespmem:v60+s13+$0x0] =	vst.idx.msk $0xffff, v59  }
0xc9: {  	s30 =	sadd.s32 $0x4, s0;
	v40 =	vld [tilespmem:s2+$0xFFFFFF80];
	v22 =	vshrl.u32 v38, $0x3;
	v41 =	vadd.s32 v0, v27;
	v18 =	vbroadcast v18, $0x0;
	[tilespmem:v61+s13+$0x0] =	vst.idx.msk $0xffff, v17  }
0xca: {  	v47 =	vmov s30;
	v42 =	vadd.s32 v2, v27;
	v22 =	vshll.u32 v22, v1;
	v17 =	vld [tilespmem:s2+$0xFFFFFF90];
	[tilespmem:v63+s13+$0x0] =	vst.idx.msk $0xffff, v19  }
0xcb: {  	s31 =	sadd.s32 $0x5, s0;
	v27 =	vshrl.u32 v43, $0x3;
	v22 =	vbroadcast v22, $0x0;
	v19 =	vld [tilespmem:s2+$0xFFFFFFA0];
	v44 =	vadd.s32 v3, v18;
	[tilespmem:v35+s13+$0x0] =	vst.idx.msk $0xffff, v34  }
0xcc: {  	v52 =	vmov s31;
	v45 =	vld [tilespmem:s2+$0xFFFFFFB0];
	v46 =	vshll.u32 v27, v1;
	v18 =	vadd.s32 v4, v18;
	[tilespmem:v31+s13+$0x0] =	vst.idx.msk $0xffff, v37  }
0xcd: {  	v48 =	vld [tilespmem:s2+$0xFFFFFFC0];
	v27 =	vshrl.u32 v47, $0x3;
	v26 =	vbroadcast v46, $0x0;
	v49 =	vadd.s32 v5, v22;
	[tilespmem:v28+s13+$0x0] =	vst.idx.msk $0xffff, v39  }
0xce: {  	v50 =	vld [tilespmem:s2+$0xFFFFFFD0];
	v51 =	vshll.u32 v27, v1;
	v27 =	vshrl.u32 v52, $0x3;
	v22 =	vadd.s32 v6, v22;
	[tilespmem:v41+s13+$0x0] =	vst.idx.msk $0xffff, v40  }
0xcf: {  	s25 =	sadd.s32 $0x6, s0;
	v25 =	vbroadcast v51, $0x0;
	v55 =	vshll.u32 v27, v1;
	v53 =	vadd.s32 v7, v26;
	[tilespmem:v42+s13+$0x0] =	vst.idx.msk $0xffff, v17;
	v17 =	vld [tilespmem:s2+$0xFFFFFFE0]  }
0xd0: {  	v56 =	vmov s25;
	v54 =	vadd.s32 v8, v26;
	v26 =	vbroadcast v55, $0x0;
	[tilespmem:v44+s13+$0x0] =	vst.idx.msk $0xffff, v19;
	v19 =	vld [tilespmem:s2+$0xFFFFFFF0]  }
0xd1: {  	v27 =	vshrl.u32 v56, $0x3;
	v57 =	vadd.s32 v9, v25;
	[tilespmem:v18+s13+$0x0] =	vst.idx.msk $0xffff, v45;
	v18 =	vld [tilespmem:s2+$0x0]  }
0xd2: {  	v59 =	vld [tilespmem:s2+$0x20];
	v27 =	vshll.u32 v27, v1;
	v60 =	vadd.s32 v11, v26;
	[tilespmem:v49+s13+$0x0] =	vst.idx.msk $0xffff, v48  }
0xd3: {  	v58 =	vld [tilespmem:s2+$0x10];
	v25 =	vadd.s32 v10, v25;
	v27 =	vbroadcast v27, $0x0;
	[tilespmem:v22+s13+$0x0] =	vst.idx.msk $0xffff, v50  }
0xd4: {  	v61 =	vadd.s32 v12, v26;
	[tilespmem:v53+s13+$0x0] =	vst.idx.msk $0xffff, v17;
	v17 =	vld [tilespmem:s2+$0x30]  }
0xd5: {  	v62 =	vadd.s32 v13, v27;
	[tilespmem:v54+s13+$0x0] =	vst.idx.msk $0xffff, v19;
	v19 =	vld [tilespmem:s2+$0x40]  }
0xd6: {  	s30 =	sadd.s32 $0x2, s28;
	v63 =	vadd.s32 v14, v27;
	[tilespmem:v57+s13+$0x0] =	vst.idx.msk $0xffff, v18;
	v18 =	vld [tilespmem:s2+$0x50]  }
0xd7: {  	s31 =	sshll.u32 s30, $0x6;
	[tilespmem:v60+s13+$0x0] =	vst.idx.msk $0xffff, v59  }
0xd8: {  	s0 =	sshll.u32 s30, $0xB;
	s2 =	sand.u32 $0x780, s31;
	[tilespmem:v25+s13+$0x0] =	vst.idx.msk $0xffff, v58  }
0xd9: {  	s0 =	sand.u32 $0xFFF0000, s0;
	s2 =	sadd.s32 s5, s2;
	[tilespmem:v61+s13+$0x0] =	vst.idx.msk $0xffff, v17  }
0xda: {  	s7 =	simm.s32 $0x9608;
	s0 =	sadd.s32 s0, s2;
	[tilespmem:v62+s13+$0x0] =	vst.idx.msk $0xffff, v19  }
0xdb: {  	s29 =	simm.s32 $0x800;
	s2 =	simm.s32 $0x9400;
	s25 =	sadd.s32 $0x0, s0;
	[tilespmem:v63+s13+$0x0] =	vst.idx.msk $0xffff, v18  }
.LBB2_13:
0xdc: {  	[hbm4b:s25+s3] =	stream.linear.scatter [tilespmem:s2], [sflag:$0x3], $0x200, $0x38;
	[tilespmem:$0x11600] =	vst v63  }
0xdd: {  	s25 =	smov.u32 s29;
	s2 =	smov.u32 s7;
	p0 =	sne.s32 s29, $0xF800  }
.Ltmp5:
0xde: {  	s29 =	sadd.s32 $0x800, s29;
	(pc) =	sbr.rel @p0 .LBB2_13-.Ltmp5, $2  }
0xdf: {  	_ =	sdelay $0x2  }
0xe0: {  	s7 =	sadd.s32 $0x208, s7;
	s25 =	sadd.s32 s25, s0  }
0xe1: {  	[hbm4b:s25+s3] =	stream.linear.scatter [tilespmem:s2], [sflag:$0x3], $0x200, $0x38;
	[tilespmem:$0x11600] =	vst v63  }
0xe2: {  	_ = 	snop  }
0xe3: {  	[tilespmem:s10], [sflag:$0x1] =	stream.indirect.gather [hbm4b:s1+s9], $0x20, s19, s9, $0xb8;
	[tilespmem:$0x11600] =	vst v63  }
0xe4: {  	s0 =	simm.s32 $0x7;
	_ =	swait.ge [sflag:s15], $0x4000  }
0xe5: {  	s25 =	simm.s32 $0x0;
	v17 =	vmov s0;
	[sflag:s15] =	ssyncset.done $0x0  }
0xe6: {  	v18 =	vmov s25;
	v17 =	vshrl.u32 v17, $0x3;
	[sflag:s15] =	ssyncadd.s32 $0xFFFFC000  }
0xe7: {  	v18 =	vshrl.u32 v18, $0x3;
	v17 =	vshll.u32 v17, v1;
	_ =	swait.ge [sflag:s18], $0x4000  }
0xe8: {  	s30 =	simm.s32 $0x1;
	v18 =	vshll.u32 v18, v1;
	v17 =	vbroadcast v17, $0x0;
	[sflag:s18] =	ssyncset.done $0x0  }
0xe9: {  	s29 =	simm.s32 $0x54F0;
	s31 =	simm.s32 $0x2;
	v19 =	vmov s30;
	v18 =	vbroadcast v18, $0x0;
	[sflag:s18] =	ssyncadd.s32 $0xFFFFC000  }
0xea: {  	v22 =	vmov s31;
	v19 =	vshrl.u32 v19, $0x3;
	v21 =	vadd.s32 v15, v17;
	v20 =	vld [tilespmem:s29+$0xFFFFFFF0]  }
0xeb: {  	v22 =	vshrl.u32 v22, $0x3;
	v19 =	vshll.u32 v19, v1;
	v25 =	vadd.s32 v0, v18;
	v24 =	vld [tilespmem:s29+$0xFFFFFF10]  }
0xec: {  	s2 =	simm.s32 $0x3;
	v22 =	vshll.u32 v22, v1;
	v19 =	vbroadcast v19, $0x0;
	v17 =	vadd.s32 v16, v17;
	v23 =	vld [tilespmem:s29+$0x0]  }
0xed: {  	v27 =	vmov s2;
	v22 =	vbroadcast v22, $0x0;
	v18 =	vadd.s32 v2, v18;
	v26 =	vld [tilespmem:s29+$0xFFFFFF20]  }
0xee: {  	s7 =	simm.s32 $0x4;
	v27 =	vshrl.u32 v27, $0x3;
	v29 =	vadd.s32 v3, v19;
	v31 =	vadd.s32 v4, v19;
	v28 =	vld [tilespmem:s29+$0xFFFFFF30]  }
0xef: {  	v19 =	vshll.u32 v27, v1;
	v27 =	vmov s7;
	v33 =	vadd.s32 v5, v22;
	v32 =	vld [tilespmem:s29+$0xFFFFFF50];
	[tilespmem:v21+s16+$0x0] =	vst.idx.msk $0xffff, v20  }
0xf0: {  	s25 =	simm.s32 $0x5;
	v34 =	vbroadcast v19, $0x0;
	v19 =	vshrl.u32 v27, $0x3;
	v30 =	vld [tilespmem:s29+$0xFFFFFF40];
	[tilespmem:v25+s16+$0x0] =	vst.idx.msk $0xffff, v24  }
0xf1: {  	v19 =	vshll.u32 v19, v1;
	v20 =	vld [tilespmem:s29+$0xFFFFFF60];
	v25 =	vadd.s32 v6, v22;
	v22 =	vmov s25;
	[tilespmem:v17+s16+$0x0] =	vst.idx.msk $0xffff, v23  }
0xf2: {  	s30 =	simm.s32 $0x6;
	v35 =	vbroadcast v19, $0x0;
	v21 =	vadd.s32 v7, v34;
	[tilespmem:v18+s16+$0x0] =	vst.idx.msk $0xffff, v26;
	v17 =	vld [tilespmem:s29+$0xFFFFFF70];
	v18 =	vshrl.u32 v22, $0x3  }
0xf3: {  	v19 =	vld [tilespmem:s29+$0xFFFFFF80];
	[tilespmem:v29+s16+$0x0] =	vst.idx.msk $0xffff, v28;
	v23 =	vadd.s32 v8, v34;
	v22 =	vmov s30;
	v18 =	vshll.u32 v18, v1  }
0xf4: {  	s31 =	simm.s32 $0xF;
	v24 =	vld [tilespmem:s29+$0xFFFFFF90];
	[tilespmem:v33+s16+$0x0] =	vst.idx.msk $0xffff, v32;
	v26 =	vadd.s32 v9, v35;
	v29 =	vshrl.u32 v22, $0x3;
	v27 =	vbroadcast v18, $0x0  }
0xf5: {  	s0 =	simm.s32 $0x8;
	s2 =	simm.s32 $0x10;
	v28 =	vmov s31;
	[tilespmem:v31+s16+$0x0] =	vst.idx.msk $0xffff, v30;
	v22 =	vadd.s32 v10, v35;
	v18 =	vld [tilespmem:s29+$0xFFFFFFA0];
	v29 =	vshll.u32 v29, v1  }
.LBB2_15:
0xf6: {  	p0 =	slt.u32 s2, $0x1F8;
	v28 =	vshrl.u32 v28, $0x3;
	[tilespmem:v25+s16+$0x0] =	vst.idx.msk $0xffff, v20;
	v20 =	vld [tilespmem:s29+$0xFFFFFFB0];
	v25 =	vadd.s32 v11, v27;
	v29 =	vbroadcast v29, $0x0  }
0xf7: {  	v30 =	vmov s0;
	v28 =	vshll.u32 v28, v1;
	[tilespmem:v21+s16+$0x0] =	vst.idx.msk $0xffff, v17;
	v17 =	vld [tilespmem:s29+$0xFFFFFFC0];
	v21 =	vadd.s32 v12, v27  }
0xf8: {  	s7 =	sadd.s32 $0x1, s0;
	v27 =	vshrl.u32 v30, $0x3;
	v28 =	vbroadcast v28, $0x0;
	[tilespmem:v23+s16+$0x0] =	vst.idx.msk $0xffff, v19;
	v19 =	vld [tilespmem:s29+$0xFFFFFFD0];
	v23 =	vadd.s32 v13, v29  }
0xf9: {  	v30 =	vmov s7;
	v27 =	vshll.u32 v27, v1;
	[tilespmem:v26+s16+$0x0] =	vst.idx.msk $0xffff, v24;
	v24 =	vld [tilespmem:s29+$0xFFFFFFE0];
	v26 =	vadd.s32 v14, v29;
	s29 =	sadd.s32 $0x100, s29  }
0xfa: {  	s7 =	sadd.s32 $0x2, s0;
	v27 =	vbroadcast v27, $0x0;
	v29 =	vshrl.u32 v30, $0x3;
	v30 =	vld [tilespmem:s29+$0xFFFFFFF0];
	v31 =	vadd.s32 v15, v28;
	[tilespmem:v22+s16+$0x0] =	vst.idx.msk $0xffff, v18  }
0xfb: {  	v18 =	vshll.u32 v29, v1;
	v22 =	vmov s7;
	v28 =	vadd.s32 v16, v28;
	v29 =	vld [tilespmem:s29+$0x0];
	[tilespmem:v25+s16+$0x0] =	vst.idx.msk $0xffff, v20  }
0xfc: {  	s7 =	sadd.s32 $0x3, s0;
	v25 =	vadd.s32 v0, v27;
	v18 =	vbroadcast v18, $0x0;
	v22 =	vshrl.u32 v22, $0x3;
	v20 =	vld [tilespmem:s29+$0xFFFFFF10];
	[tilespmem:v21+s16+$0x0] =	vst.idx.msk $0xffff, v17  }
0xfd: {  	v21 =	vadd.s32 v2, v27;
	v22 =	vshll.u32 v22, v1;
	v27 =	vmov s7;
	v17 =	vld [tilespmem:s29+$0xFFFFFF20];
	[tilespmem:v23+s16+$0x0] =	vst.idx.msk $0xffff, v19  }
0xfe: {  	s7 =	sadd.s32 $0x4, s0;
	v23 =	vadd.s32 v3, v18;
	v22 =	vbroadcast v22, $0x0;
	v27 =	vshrl.u32 v27, $0x3;
	v19 =	vld [tilespmem:s29+$0xFFFFFF30];
	[tilespmem:v26+s16+$0x0] =	vst.idx.msk $0xffff, v24  }
0xff: {  	v18 =	vadd.s32 v4, v18;
	v26 =	vshll.u32 v27, v1;
	v27 =	vmov s7;
	v24 =	vld [tilespmem:s29+$0xFFFFFF40];
	[tilespmem:v31+s16+$0x0] =	vst.idx.msk $0xffff, v30  }
0x100: {  	s7 =	sadd.s32 $0x5, s0;
	v31 =	vadd.s32 v5, v22;
	v26 =	vbroadcast v26, $0x0;
	v27 =	vshrl.u32 v27, $0x3;
	v30 =	vld [tilespmem:s29+$0xFFFFFF50];
	[tilespmem:v28+s16+$0x0] =	vst.idx.msk $0xffff, v29  }
.Ltmp6:
0x101: {  	[tilespmem:v25+s16+$0x0] =	vst.idx.msk $0xffff, v20;
	v20 =	vld [tilespmem:s29+$0xFFFFFF60];
	v25 =	vadd.s32 v6, v22;
	v22 =	vshll.u32 v27, v1;
	v27 =	vmov s7;
	(pc) =	sbr.rel @p0 .LBB2_15-.Ltmp6, $4  }
0x102: {  	s7 =	sadd.s32 $0x6, s0;
	s0 =	smov.u32 s2;
	[tilespmem:v21+s16+$0x0] =	vst.idx.msk $0xffff, v17;
	v17 =	vld [tilespmem:s29+$0xFFFFFF70];
	v21 =	vadd.s32 v7, v26;
	v22 =	vbroadcast v22, $0x0;
	v27 =	vshrl.u32 v27, $0x3  }
0x103: {  	v28 =	vmov s7;
	[tilespmem:v23+s16+$0x0] =	vst.idx.msk $0xffff, v19;
	v19 =	vld [tilespmem:s29+$0xFFFFFF80];
	v23 =	vadd.s32 v8, v26;
	v27 =	vshll.u32 v27, v1  }
0x104: {  	s7 =	sadd.s32 $0x7, s2;
	v29 =	vshrl.u32 v28, $0x3;
	[tilespmem:v18+s16+$0x0] =	vst.idx.msk $0xffff, v24;
	v24 =	vld [tilespmem:s29+$0xFFFFFF90];
	v26 =	vadd.s32 v9, v22;
	v27 =	vbroadcast v27, $0x0  }
0x105: {  	s2 =	sadd.s32 $0x8, s2;
	v28 =	vmov s7;
	v22 =	vadd.s32 v10, v22;
	v29 =	vshll.u32 v29, v1;
	[tilespmem:v31+s16+$0x0] =	vst.idx.msk $0xffff, v30;
	v18 =	vld [tilespmem:s29+$0xFFFFFFA0]  }
0x106: {  	_ =	sdelay $0x2  }
0x107: {  	v28 =	vshrl.u32 v28, $0x3  }
0x108: {  	[tilespmem:v25+s16+$0x0] =	vst.idx.msk $0xffff, v20;
	v59 =	vld [tilespmem:s29+$0xFFFFFFB0];
	v60 =	vadd.s32 v11, v27;
	v29 =	vbroadcast v29, $0x0;
	v30 =	vmov s0  }
0x109: {  	v61 =	vadd.s32 v12, v27;
	s2 =	sadd.s32 $0x1, s0;
	v28 =	vshll.u32 v28, v1;
	[tilespmem:v21+s16+$0x0] =	vst.idx.msk $0xffff, v17;
	v17 =	vld [tilespmem:s29+$0xFFFFFFC0];
	v62 =	vshrl.u32 v30, $0x3  }
0x10a: {  	s7 =	sadd.s32 $0x2, s0;
	v33 =	vmov s2;
	v28 =	vbroadcast v28, $0x0;
	[tilespmem:v23+s16+$0x0] =	vst.idx.msk $0xffff, v19;
	v19 =	vld [tilespmem:s29+$0xFFFFFFD0];
	v63 =	vadd.s32 v13, v29  }
0x10b: {  	v34 =	vld [tilespmem:s29+$0xFFFFFFE0];
	s2 =	sadd.s32 $0x100, s29;
	v38 =	vmov s7;
	v27 =	vshll.u32 v62, v1;
	v35 =	vadd.s32 v14, v29;
	[tilespmem:v26+s16+$0x0] =	vst.idx.msk $0xffff, v24  }
0x10c: {  	s25 =	sadd.s32 $0x3, s0;
	v36 =	vshrl.u32 v33, $0x3;
	v37 =	vld [tilespmem:s2+$0xFFFFFFF0];
	v27 =	vbroadcast v27, $0x0;
	v31 =	vadd.s32 v15, v28;
	[tilespmem:v22+s16+$0x0] =	vst.idx.msk $0xffff, v18  }
0x10d: {  	v43 =	vmov s25;
	v39 =	vld [tilespmem:s2+$0x0];
	v18 =	vshll.u32 v36, v1;
	v28 =	vadd.s32 v16, v28;
	[tilespmem:v60+s16+$0x0] =	vst.idx.msk $0xffff, v59  }
0x10e: {  	s30 =	sadd.s32 $0x4, s0;
	v40 =	vld [tilespmem:s2+$0xFFFFFF10];
	v22 =	vshrl.u32 v38, $0x3;
	v41 =	vadd.s32 v0, v27;
	v18 =	vbroadcast v18, $0x0;
	[tilespmem:v61+s16+$0x0] =	vst.idx.msk $0xffff, v17  }
0x10f: {  	v47 =	vmov s30;
	v42 =	vadd.s32 v2, v27;
	v22 =	vshll.u32 v22, v1;
	v17 =	vld [tilespmem:s2+$0xFFFFFF20];
	[tilespmem:v63+s16+$0x0] =	vst.idx.msk $0xffff, v19  }
0x110: {  	s31 =	sadd.s32 $0x5, s0;
	v27 =	vshrl.u32 v43, $0x3;
	v22 =	vbroadcast v22, $0x0;
	v19 =	vld [tilespmem:s2+$0xFFFFFF30];
	v44 =	vadd.s32 v3, v18;
	[tilespmem:v35+s16+$0x0] =	vst.idx.msk $0xffff, v34  }
0x111: {  	v52 =	vmov s31;
	v45 =	vld [tilespmem:s2+$0xFFFFFF40];
	v46 =	vshll.u32 v27, v1;
	v18 =	vadd.s32 v4, v18;
	[tilespmem:v31+s16+$0x0] =	vst.idx.msk $0xffff, v37  }
0x112: {  	v48 =	vld [tilespmem:s2+$0xFFFFFF50];
	v27 =	vshrl.u32 v47, $0x3;
	v26 =	vbroadcast v46, $0x0;
	v49 =	vadd.s32 v5, v22;
	[tilespmem:v28+s16+$0x0] =	vst.idx.msk $0xffff, v39  }
0x113: {  	v50 =	vld [tilespmem:s2+$0xFFFFFF60];
	v51 =	vshll.u32 v27, v1;
	v27 =	vshrl.u32 v52, $0x3;
	v22 =	vadd.s32 v6, v22;
	[tilespmem:v41+s16+$0x0] =	vst.idx.msk $0xffff, v40  }
0x114: {  	s25 =	sadd.s32 $0x6, s0;
	v25 =	vbroadcast v51, $0x0;
	v55 =	vshll.u32 v27, v1;
	v53 =	vadd.s32 v7, v26;
	[tilespmem:v42+s16+$0x0] =	vst.idx.msk $0xffff, v17;
	v17 =	vld [tilespmem:s2+$0xFFFFFF70]  }
0x115: {  	v56 =	vmov s25;
	v54 =	vadd.s32 v8, v26;
	v26 =	vbroadcast v55, $0x0;
	[tilespmem:v44+s16+$0x0] =	vst.idx.msk $0xffff, v19;
	v19 =	vld [tilespmem:s2+$0xFFFFFF80]  }
0x116: {  	v27 =	vshrl.u32 v56, $0x3;
	v57 =	vadd.s32 v9, v25;
	[tilespmem:v18+s16+$0x0] =	vst.idx.msk $0xffff, v45;
	v18 =	vld [tilespmem:s2+$0xFFFFFF90]  }
0x117: {  	v59 =	vld [tilespmem:s2+$0xFFFFFFB0];
	v27 =	vshll.u32 v27, v1;
	v60 =	vadd.s32 v11, v26;
	[tilespmem:v49+s16+$0x0] =	vst.idx.msk $0xffff, v48  }
0x118: {  	v58 =	vld [tilespmem:s2+$0xFFFFFFA0];
	v25 =	vadd.s32 v10, v25;
	v27 =	vbroadcast v27, $0x0;
	[tilespmem:v22+s16+$0x0] =	vst.idx.msk $0xffff, v50  }
0x119: {  	v61 =	vadd.s32 v12, v26;
	[tilespmem:v53+s16+$0x0] =	vst.idx.msk $0xffff, v17;
	v17 =	vld [tilespmem:s2+$0xFFFFFFC0]  }
0x11a: {  	v62 =	vadd.s32 v13, v27;
	[tilespmem:v54+s16+$0x0] =	vst.idx.msk $0xffff, v19;
	v19 =	vld [tilespmem:s2+$0xFFFFFFD0]  }
0x11b: {  	s30 =	sadd.s32 $0x3, s28;
	v63 =	vadd.s32 v14, v27;
	[tilespmem:v57+s16+$0x0] =	vst.idx.msk $0xffff, v18;
	v18 =	vld [tilespmem:s2+$0xFFFFFFE0]  }
0x11c: {  	s31 =	sshll.u32 s30, $0x6;
	[tilespmem:v60+s16+$0x0] =	vst.idx.msk $0xffff, v59  }
0x11d: {  	s0 =	sshll.u32 s30, $0xB;
	s2 =	sand.u32 $0x7C0, s31;
	[tilespmem:v25+s16+$0x0] =	vst.idx.msk $0xffff, v58  }
0x11e: {  	s0 =	sand.u32 $0xFFF0000, s0;
	s2 =	sadd.s32 s5, s2;
	[tilespmem:v61+s16+$0x0] =	vst.idx.msk $0xffff, v17  }
0x11f: {  	s7 =	simm.s32 $0xD708;
	s0 =	sadd.s32 s0, s2;
	[tilespmem:v62+s16+$0x0] =	vst.idx.msk $0xffff, v19  }
0x120: {  	s29 =	simm.s32 $0x800;
	s2 =	simm.s32 $0xD500;
	s25 =	sadd.s32 $0x0, s0;
	[tilespmem:v63+s16+$0x0] =	vst.idx.msk $0xffff, v18  }
.LBB2_17:
0x121: {  	[hbm4b:s25+s3] =	stream.linear.scatter [tilespmem:s2], [sflag:$0x3], $0x200, $0x38;
	[tilespmem:$0x11600] =	vst v63  }
0x122: {  	s25 =	smov.u32 s29;
	s2 =	smov.u32 s7;
	p0 =	sne.s32 s29, $0xF800  }
.Ltmp7:
0x123: {  	s29 =	sadd.s32 $0x800, s29;
	(pc) =	sbr.rel @p0 .LBB2_17-.Ltmp7, $2  }
0x124: {  	_ =	sdelay $0x2  }
0x125: {  	s7 =	sadd.s32 $0x208, s7;
	s25 =	sadd.s32 s25, s0  }
0x126: {  	[hbm4b:s25+s3] =	stream.linear.scatter [tilespmem:s2], [sflag:$0x3], $0x200, $0x38;
	[tilespmem:$0x11600] =	vst v63  }
0x127: {  	_ = 	snop  }
0x128: {  	[tilespmem:s11], [sflag:$0x2] =	stream.indirect.gather [hbm4b:s1+s9], $0x20, s20, s9, $0xb8;
	[tilespmem:$0x11600] =	vst v63  }
0x129: {  	s0 =	simm.s32 $0x7;
	_ =	swait.ge [sflag:s12], $0x4000  }
0x12a: {  	s25 =	simm.s32 $0x0;
	v17 =	vmov s0;
	[sflag:s12] =	ssyncset.done $0x0  }
0x12b: {  	v18 =	vmov s25;
	v17 =	vshrl.u32 v17, $0x3;
	[sflag:s12] =	ssyncadd.s32 $0xFFFFC000  }
0x12c: {  	v18 =	vshrl.u32 v18, $0x3;
	v17 =	vshll.u32 v17, v1;
	_ =	swait.ge [sflag:s18], $0x4000  }
0x12d: {  	s30 =	simm.s32 $0x1;
	v18 =	vshll.u32 v18, v1;
	v17 =	vbroadcast v17, $0x0;
	[sflag:s18] =	ssyncset.done $0x0  }
0x12e: {  	s29 =	simm.s32 $0x1480;
	s31 =	simm.s32 $0x2;
	v19 =	vmov s30;
	v18 =	vbroadcast v18, $0x0;
	[sflag:s18] =	ssyncadd.s32 $0xFFFFC000  }
0x12f: {  	v22 =	vmov s31;
	v19 =	vshrl.u32 v19, $0x3;
	v21 =	vadd.s32 v15, v17;
	v20 =	vld [tilespmem:s29+$0x60]  }
0x130: {  	v22 =	vshrl.u32 v22, $0x3;
	v19 =	vshll.u32 v19, v1;
	v25 =	vadd.s32 v0, v18;
	v24 =	vld [tilespmem:s29+$0xFFFFFF80]  }
0x131: {  	s2 =	simm.s32 $0x3;
	v22 =	vshll.u32 v22, v1;
	v19 =	vbroadcast v19, $0x0;
	v17 =	vadd.s32 v16, v17;
	v23 =	vld [tilespmem:s29+$0x70]  }
0x132: {  	v27 =	vmov s2;
	v22 =	vbroadcast v22, $0x0;
	v18 =	vadd.s32 v2, v18;
	v26 =	vld [tilespmem:s29+$0xFFFFFF90]  }
0x133: {  	s7 =	simm.s32 $0x4;
	v27 =	vshrl.u32 v27, $0x3;
	v29 =	vadd.s32 v3, v19;
	v31 =	vadd.s32 v4, v19;
	v28 =	vld [tilespmem:s29+$0xFFFFFFA0]  }
0x134: {  	v19 =	vshll.u32 v27, v1;
	v27 =	vmov s7;
	v33 =	vadd.s32 v5, v22;
	v32 =	vld [tilespmem:s29+$0xFFFFFFC0];
	[tilespmem:v21+s13+$0x0] =	vst.idx.msk $0xffff, v20  }
0x135: {  	s25 =	simm.s32 $0x5;
	v34 =	vbroadcast v19, $0x0;
	v19 =	vshrl.u32 v27, $0x3;
	v30 =	vld [tilespmem:s29+$0xFFFFFFB0];
	[tilespmem:v25+s13+$0x0] =	vst.idx.msk $0xffff, v24  }
0x136: {  	v19 =	vshll.u32 v19, v1;
	v20 =	vld [tilespmem:s29+$0xFFFFFFD0];
	v25 =	vadd.s32 v6, v22;
	v22 =	vmov s25;
	[tilespmem:v17+s13+$0x0] =	vst.idx.msk $0xffff, v23  }
0x137: {  	s30 =	simm.s32 $0x6;
	v35 =	vbroadcast v19, $0x0;
	v21 =	vadd.s32 v7, v34;
	[tilespmem:v18+s13+$0x0] =	vst.idx.msk $0xffff, v26;
	v17 =	vld [tilespmem:s29+$0xFFFFFFE0];
	v18 =	vshrl.u32 v22, $0x3  }
0x138: {  	v19 =	vld [tilespmem:s29+$0xFFFFFFF0];
	[tilespmem:v29+s13+$0x0] =	vst.idx.msk $0xffff, v28;
	v23 =	vadd.s32 v8, v34;
	v22 =	vmov s30;
	v18 =	vshll.u32 v18, v1  }
0x139: {  	s31 =	simm.s32 $0xF;
	v24 =	vld [tilespmem:s29+$0x0];
	[tilespmem:v33+s13+$0x0] =	vst.idx.msk $0xffff, v32;
	v26 =	vadd.s32 v9, v35;
	v29 =	vshrl.u32 v22, $0x3;
	v27 =	vbroadcast v18, $0x0  }
0x13a: {  	s0 =	simm.s32 $0x8;
	s2 =	simm.s32 $0x10;
	v28 =	vmov s31;
	[tilespmem:v31+s13+$0x0] =	vst.idx.msk $0xffff, v30;
	v22 =	vadd.s32 v10, v35;
	v18 =	vld [tilespmem:s29+$0x10];
	v29 =	vshll.u32 v29, v1  }
.LBB2_19:
0x13b: {  	p0 =	slt.u32 s2, $0x1F8;
	v28 =	vshrl.u32 v28, $0x3;
	[tilespmem:v25+s13+$0x0] =	vst.idx.msk $0xffff, v20;
	v20 =	vld [tilespmem:s29+$0x20];
	v25 =	vadd.s32 v11, v27;
	v29 =	vbroadcast v29, $0x0  }
0x13c: {  	v30 =	vmov s0;
	v28 =	vshll.u32 v28, v1;
	[tilespmem:v21+s13+$0x0] =	vst.idx.msk $0xffff, v17;
	v17 =	vld [tilespmem:s29+$0x30];
	v21 =	vadd.s32 v12, v27  }
0x13d: {  	s7 =	sadd.s32 $0x1, s0;
	v27 =	vshrl.u32 v30, $0x3;
	v28 =	vbroadcast v28, $0x0;
	[tilespmem:v23+s13+$0x0] =	vst.idx.msk $0xffff, v19;
	v19 =	vld [tilespmem:s29+$0x40];
	v23 =	vadd.s32 v13, v29  }
0x13e: {  	v30 =	vmov s7;
	v27 =	vshll.u32 v27, v1;
	[tilespmem:v26+s13+$0x0] =	vst.idx.msk $0xffff, v24;
	v24 =	vld [tilespmem:s29+$0x50];
	v26 =	vadd.s32 v14, v29;
	s29 =	sadd.s32 $0x100, s29  }
0x13f: {  	s7 =	sadd.s32 $0x2, s0;
	v27 =	vbroadcast v27, $0x0;
	v29 =	vshrl.u32 v30, $0x3;
	v30 =	vld [tilespmem:s29+$0x60];
	v31 =	vadd.s32 v15, v28;
	[tilespmem:v22+s13+$0x0] =	vst.idx.msk $0xffff, v18  }
0x140: {  	v18 =	vshll.u32 v29, v1;
	v22 =	vmov s7;
	v28 =	vadd.s32 v16, v28;
	v29 =	vld [tilespmem:s29+$0x70];
	[tilespmem:v25+s13+$0x0] =	vst.idx.msk $0xffff, v20  }
0x141: {  	s7 =	sadd.s32 $0x3, s0;
	v25 =	vadd.s32 v0, v27;
	v18 =	vbroadcast v18, $0x0;
	v22 =	vshrl.u32 v22, $0x3;
	v20 =	vld [tilespmem:s29+$0xFFFFFF80];
	[tilespmem:v21+s13+$0x0] =	vst.idx.msk $0xffff, v17  }
0x142: {  	v21 =	vadd.s32 v2, v27;
	v22 =	vshll.u32 v22, v1;
	v27 =	vmov s7;
	v17 =	vld [tilespmem:s29+$0xFFFFFF90];
	[tilespmem:v23+s13+$0x0] =	vst.idx.msk $0xffff, v19  }
0x143: {  	s7 =	sadd.s32 $0x4, s0;
	v23 =	vadd.s32 v3, v18;
	v22 =	vbroadcast v22, $0x0;
	v27 =	vshrl.u32 v27, $0x3;
	v19 =	vld [tilespmem:s29+$0xFFFFFFA0];
	[tilespmem:v26+s13+$0x0] =	vst.idx.msk $0xffff, v24  }
0x144: {  	v18 =	vadd.s32 v4, v18;
	v26 =	vshll.u32 v27, v1;
	v27 =	vmov s7;
	v24 =	vld [tilespmem:s29+$0xFFFFFFB0];
	[tilespmem:v31+s13+$0x0] =	vst.idx.msk $0xffff, v30  }
0x145: {  	s7 =	sadd.s32 $0x5, s0;
	v31 =	vadd.s32 v5, v22;
	v26 =	vbroadcast v26, $0x0;
	v27 =	vshrl.u32 v27, $0x3;
	v30 =	vld [tilespmem:s29+$0xFFFFFFC0];
	[tilespmem:v28+s13+$0x0] =	vst.idx.msk $0xffff, v29  }
.Ltmp8:
0x146: {  	[tilespmem:v25+s13+$0x0] =	vst.idx.msk $0xffff, v20;
	v20 =	vld [tilespmem:s29+$0xFFFFFFD0];
	v25 =	vadd.s32 v6, v22;
	v22 =	vshll.u32 v27, v1;
	v27 =	vmov s7;
	(pc) =	sbr.rel @p0 .LBB2_19-.Ltmp8, $4  }
0x147: {  	s7 =	sadd.s32 $0x6, s0;
	s0 =	smov.u32 s2;
	[tilespmem:v21+s13+$0x0] =	vst.idx.msk $0xffff, v17;
	v17 =	vld [tilespmem:s29+$0xFFFFFFE0];
	v21 =	vadd.s32 v7, v26;
	v22 =	vbroadcast v22, $0x0;
	v27 =	vshrl.u32 v27, $0x3  }
0x148: {  	v28 =	vmov s7;
	[tilespmem:v23+s13+$0x0] =	vst.idx.msk $0xffff, v19;
	v19 =	vld [tilespmem:s29+$0xFFFFFFF0];
	v23 =	vadd.s32 v8, v26;
	v27 =	vshll.u32 v27, v1  }
0x149: {  	s7 =	sadd.s32 $0x7, s2;
	v29 =	vshrl.u32 v28, $0x3;
	[tilespmem:v18+s13+$0x0] =	vst.idx.msk $0xffff, v24;
	v24 =	vld [tilespmem:s29+$0x0];
	v26 =	vadd.s32 v9, v22;
	v27 =	vbroadcast v27, $0x0  }
0x14a: {  	s2 =	sadd.s32 $0x8, s2;
	v28 =	vmov s7;
	v22 =	vadd.s32 v10, v22;
	v29 =	vshll.u32 v29, v1;
	[tilespmem:v31+s13+$0x0] =	vst.idx.msk $0xffff, v30;
	v18 =	vld [tilespmem:s29+$0x10]  }
0x14b: {  	_ =	sdelay $0x2  }
0x14c: {  	v28 =	vshrl.u32 v28, $0x3  }
0x14d: {  	[tilespmem:v25+s13+$0x0] =	vst.idx.msk $0xffff, v20;
	v59 =	vld [tilespmem:s29+$0x20];
	v60 =	vadd.s32 v11, v27;
	v29 =	vbroadcast v29, $0x0;
	v30 =	vmov s0  }
0x14e: {  	v61 =	vadd.s32 v12, v27;
	s2 =	sadd.s32 $0x1, s0;
	v28 =	vshll.u32 v28, v1;
	[tilespmem:v21+s13+$0x0] =	vst.idx.msk $0xffff, v17;
	v17 =	vld [tilespmem:s29+$0x30];
	v62 =	vshrl.u32 v30, $0x3  }
0x14f: {  	s7 =	sadd.s32 $0x2, s0;
	v33 =	vmov s2;
	v28 =	vbroadcast v28, $0x0;
	[tilespmem:v23+s13+$0x0] =	vst.idx.msk $0xffff, v19;
	v19 =	vld [tilespmem:s29+$0x40];
	v63 =	vadd.s32 v13, v29  }
0x150: {  	v34 =	vld [tilespmem:s29+$0x50];
	s2 =	sadd.s32 $0x100, s29;
	v38 =	vmov s7;
	v27 =	vshll.u32 v62, v1;
	v35 =	vadd.s32 v14, v29;
	[tilespmem:v26+s13+$0x0] =	vst.idx.msk $0xffff, v24  }
0x151: {  	s25 =	sadd.s32 $0x3, s0;
	v36 =	vshrl.u32 v33, $0x3;
	v37 =	vld [tilespmem:s2+$0x60];
	v27 =	vbroadcast v27, $0x0;
	v31 =	vadd.s32 v15, v28;
	[tilespmem:v22+s13+$0x0] =	vst.idx.msk $0xffff, v18  }
0x152: {  	v43 =	vmov s25;
	v39 =	vld [tilespmem:s2+$0x70];
	v18 =	vshll.u32 v36, v1;
	v28 =	vadd.s32 v16, v28;
	[tilespmem:v60+s13+$0x0] =	vst.idx.msk $0xffff, v59  }
0x153: {  	s30 =	sadd.s32 $0x4, s0;
	v40 =	vld [tilespmem:s2+$0xFFFFFF80];
	v22 =	vshrl.u32 v38, $0x3;
	v41 =	vadd.s32 v0, v27;
	v18 =	vbroadcast v18, $0x0;
	[tilespmem:v61+s13+$0x0] =	vst.idx.msk $0xffff, v17  }
0x154: {  	v47 =	vmov s30;
	v42 =	vadd.s32 v2, v27;
	v22 =	vshll.u32 v22, v1;
	v17 =	vld [tilespmem:s2+$0xFFFFFF90];
	[tilespmem:v63+s13+$0x0] =	vst.idx.msk $0xffff, v19  }
0x155: {  	s31 =	sadd.s32 $0x5, s0;
	v27 =	vshrl.u32 v43, $0x3;
	v22 =	vbroadcast v22, $0x0;
	v19 =	vld [tilespmem:s2+$0xFFFFFFA0];
	v44 =	vadd.s32 v3, v18;
	[tilespmem:v35+s13+$0x0] =	vst.idx.msk $0xffff, v34  }
0x156: {  	v52 =	vmov s31;
	v45 =	vld [tilespmem:s2+$0xFFFFFFB0];
	v46 =	vshll.u32 v27, v1;
	v18 =	vadd.s32 v4, v18;
	[tilespmem:v31+s13+$0x0] =	vst.idx.msk $0xffff, v37  }
0x157: {  	v48 =	vld [tilespmem:s2+$0xFFFFFFC0];
	v27 =	vshrl.u32 v47, $0x3;
	v26 =	vbroadcast v46, $0x0;
	v49 =	vadd.s32 v5, v22;
	[tilespmem:v28+s13+$0x0] =	vst.idx.msk $0xffff, v39  }
0x158: {  	v50 =	vld [tilespmem:s2+$0xFFFFFFD0];
	v51 =	vshll.u32 v27, v1;
	v27 =	vshrl.u32 v52, $0x3;
	v22 =	vadd.s32 v6, v22;
	[tilespmem:v41+s13+$0x0] =	vst.idx.msk $0xffff, v40  }
0x159: {  	s25 =	sadd.s32 $0x6, s0;
	v25 =	vbroadcast v51, $0x0;
	v55 =	vshll.u32 v27, v1;
	v53 =	vadd.s32 v7, v26;
	[tilespmem:v42+s13+$0x0] =	vst.idx.msk $0xffff, v17;
	v17 =	vld [tilespmem:s2+$0xFFFFFFE0]  }
0x15a: {  	v56 =	vmov s25;
	v54 =	vadd.s32 v8, v26;
	v26 =	vbroadcast v55, $0x0;
	[tilespmem:v44+s13+$0x0] =	vst.idx.msk $0xffff, v19;
	v19 =	vld [tilespmem:s2+$0xFFFFFFF0]  }
0x15b: {  	v27 =	vshrl.u32 v56, $0x3;
	v57 =	vadd.s32 v9, v25;
	[tilespmem:v18+s13+$0x0] =	vst.idx.msk $0xffff, v45;
	v18 =	vld [tilespmem:s2+$0x0]  }
0x15c: {  	v59 =	vld [tilespmem:s2+$0x20];
	v27 =	vshll.u32 v27, v1;
	v60 =	vadd.s32 v11, v26;
	[tilespmem:v49+s13+$0x0] =	vst.idx.msk $0xffff, v48  }
0x15d: {  	v58 =	vld [tilespmem:s2+$0x10];
	v25 =	vadd.s32 v10, v25;
	v27 =	vbroadcast v27, $0x0;
	[tilespmem:v22+s13+$0x0] =	vst.idx.msk $0xffff, v50  }
0x15e: {  	v61 =	vadd.s32 v12, v26;
	[tilespmem:v53+s13+$0x0] =	vst.idx.msk $0xffff, v17;
	v17 =	vld [tilespmem:s2+$0x30]  }
0x15f: {  	v62 =	vadd.s32 v13, v27;
	[tilespmem:v54+s13+$0x0] =	vst.idx.msk $0xffff, v19;
	v19 =	vld [tilespmem:s2+$0x40]  }
0x160: {  	s30 =	sadd.s32 $0x4, s28;
	v63 =	vadd.s32 v14, v27;
	[tilespmem:v57+s13+$0x0] =	vst.idx.msk $0xffff, v18;
	v18 =	vld [tilespmem:s2+$0x50]  }
0x161: {  	s31 =	sshll.u32 s30, $0x6;
	[tilespmem:v60+s13+$0x0] =	vst.idx.msk $0xffff, v59  }
0x162: {  	s0 =	sshll.u32 s30, $0xB;
	s2 =	sand.u32 $0x780, s31;
	[tilespmem:v25+s13+$0x0] =	vst.idx.msk $0xffff, v58  }
0x163: {  	s0 =	sand.u32 $0xFFF0000, s0;
	s2 =	sadd.s32 s5, s2;
	[tilespmem:v61+s13+$0x0] =	vst.idx.msk $0xffff, v17  }
0x164: {  	s7 =	simm.s32 $0x9608;
	s0 =	sadd.s32 s0, s2;
	[tilespmem:v62+s13+$0x0] =	vst.idx.msk $0xffff, v19  }
0x165: {  	s29 =	simm.s32 $0x800;
	s2 =	simm.s32 $0x9400;
	s25 =	sadd.s32 $0x0, s0;
	[tilespmem:v63+s13+$0x0] =	vst.idx.msk $0xffff, v18  }
.LBB2_21:
0x166: {  	[hbm4b:s25+s3] =	stream.linear.scatter [tilespmem:s2], [sflag:$0x3], $0x200, $0x38;
	[tilespmem:$0x11600] =	vst v63  }
0x167: {  	s25 =	smov.u32 s29;
	s2 =	smov.u32 s7;
	p0 =	sne.s32 s29, $0xF800  }
.Ltmp9:
0x168: {  	s29 =	sadd.s32 $0x800, s29;
	(pc) =	sbr.rel @p0 .LBB2_21-.Ltmp9, $2  }
0x169: {  	_ =	sdelay $0x2  }
0x16a: {  	s7 =	sadd.s32 $0x208, s7;
	s25 =	sadd.s32 s25, s0  }
0x16b: {  	[hbm4b:s25+s3] =	stream.linear.scatter [tilespmem:s2], [sflag:$0x3], $0x200, $0x38;
	[tilespmem:$0x11600] =	vst v63  }
0x16c: {  	_ = 	snop  }
0x16d: {  	[tilespmem:s10], [sflag:$0x1] =	stream.indirect.gather [hbm4b:s1+s9], $0x20, s21, s9, $0xb8;
	[tilespmem:$0x11600] =	vst v63  }
0x16e: {  	s0 =	simm.s32 $0x7;
	_ =	swait.ge [sflag:s15], $0x4000  }
0x16f: {  	s25 =	simm.s32 $0x0;
	v17 =	vmov s0;
	[sflag:s15] =	ssyncset.done $0x0  }
0x170: {  	v18 =	vmov s25;
	v17 =	vshrl.u32 v17, $0x3;
	[sflag:s15] =	ssyncadd.s32 $0xFFFFC000  }
0x171: {  	v18 =	vshrl.u32 v18, $0x3;
	v17 =	vshll.u32 v17, v1;
	_ =	swait.ge [sflag:s18], $0x4000  }
0x172: {  	s30 =	simm.s32 $0x1;
	v18 =	vshll.u32 v18, v1;
	v17 =	vbroadcast v17, $0x0;
	[sflag:s18] =	ssyncset.done $0x0  }
0x173: {  	s29 =	simm.s32 $0x54F0;
	s31 =	simm.s32 $0x2;
	v19 =	vmov s30;
	v18 =	vbroadcast v18, $0x0;
	[sflag:s18] =	ssyncadd.s32 $0xFFFFC000  }
0x174: {  	v22 =	vmov s31;
	v19 =	vshrl.u32 v19, $0x3;
	v21 =	vadd.s32 v15, v17;
	v20 =	vld [tilespmem:s29+$0xFFFFFFF0]  }
0x175: {  	v22 =	vshrl.u32 v22, $0x3;
	v19 =	vshll.u32 v19, v1;
	v25 =	vadd.s32 v0, v18;
	v24 =	vld [tilespmem:s29+$0xFFFFFF10]  }
0x176: {  	s2 =	simm.s32 $0x3;
	v22 =	vshll.u32 v22, v1;
	v19 =	vbroadcast v19, $0x0;
	v17 =	vadd.s32 v16, v17;
	v23 =	vld [tilespmem:s29+$0x0]  }
0x177: {  	v27 =	vmov s2;
	v22 =	vbroadcast v22, $0x0;
	v18 =	vadd.s32 v2, v18;
	v26 =	vld [tilespmem:s29+$0xFFFFFF20]  }
0x178: {  	s7 =	simm.s32 $0x4;
	v27 =	vshrl.u32 v27, $0x3;
	v29 =	vadd.s32 v3, v19;
	v31 =	vadd.s32 v4, v19;
	v28 =	vld [tilespmem:s29+$0xFFFFFF30]  }
0x179: {  	v19 =	vshll.u32 v27, v1;
	v27 =	vmov s7;
	v33 =	vadd.s32 v5, v22;
	v32 =	vld [tilespmem:s29+$0xFFFFFF50];
	[tilespmem:v21+s16+$0x0] =	vst.idx.msk $0xffff, v20  }
0x17a: {  	s25 =	simm.s32 $0x5;
	v34 =	vbroadcast v19, $0x0;
	v19 =	vshrl.u32 v27, $0x3;
	v30 =	vld [tilespmem:s29+$0xFFFFFF40];
	[tilespmem:v25+s16+$0x0] =	vst.idx.msk $0xffff, v24  }
0x17b: {  	v19 =	vshll.u32 v19, v1;
	v20 =	vld [tilespmem:s29+$0xFFFFFF60];
	v25 =	vadd.s32 v6, v22;
	v22 =	vmov s25;
	[tilespmem:v17+s16+$0x0] =	vst.idx.msk $0xffff, v23  }
0x17c: {  	s30 =	simm.s32 $0x6;
	v35 =	vbroadcast v19, $0x0;
	v21 =	vadd.s32 v7, v34;
	[tilespmem:v18+s16+$0x0] =	vst.idx.msk $0xffff, v26;
	v17 =	vld [tilespmem:s29+$0xFFFFFF70];
	v18 =	vshrl.u32 v22, $0x3  }
0x17d: {  	v19 =	vld [tilespmem:s29+$0xFFFFFF80];
	[tilespmem:v29+s16+$0x0] =	vst.idx.msk $0xffff, v28;
	v23 =	vadd.s32 v8, v34;
	v22 =	vmov s30;
	v18 =	vshll.u32 v18, v1  }
0x17e: {  	s31 =	simm.s32 $0xF;
	v24 =	vld [tilespmem:s29+$0xFFFFFF90];
	[tilespmem:v33+s16+$0x0] =	vst.idx.msk $0xffff, v32;
	v26 =	vadd.s32 v9, v35;
	v29 =	vshrl.u32 v22, $0x3;
	v27 =	vbroadcast v18, $0x0  }
0x17f: {  	s0 =	simm.s32 $0x8;
	s2 =	simm.s32 $0x10;
	v28 =	vmov s31;
	[tilespmem:v31+s16+$0x0] =	vst.idx.msk $0xffff, v30;
	v22 =	vadd.s32 v10, v35;
	v18 =	vld [tilespmem:s29+$0xFFFFFFA0];
	v29 =	vshll.u32 v29, v1  }
.LBB2_23:
0x180: {  	p0 =	slt.u32 s2, $0x1F8;
	v28 =	vshrl.u32 v28, $0x3;
	[tilespmem:v25+s16+$0x0] =	vst.idx.msk $0xffff, v20;
	v20 =	vld [tilespmem:s29+$0xFFFFFFB0];
	v25 =	vadd.s32 v11, v27;
	v29 =	vbroadcast v29, $0x0  }
0x181: {  	v30 =	vmov s0;
	v28 =	vshll.u32 v28, v1;
	[tilespmem:v21+s16+$0x0] =	vst.idx.msk $0xffff, v17;
	v17 =	vld [tilespmem:s29+$0xFFFFFFC0];
	v21 =	vadd.s32 v12, v27  }
0x182: {  	s7 =	sadd.s32 $0x1, s0;
	v27 =	vshrl.u32 v30, $0x3;
	v28 =	vbroadcast v28, $0x0;
	[tilespmem:v23+s16+$0x0] =	vst.idx.msk $0xffff, v19;
	v19 =	vld [tilespmem:s29+$0xFFFFFFD0];
	v23 =	vadd.s32 v13, v29  }
0x183: {  	v30 =	vmov s7;
	v27 =	vshll.u32 v27, v1;
	[tilespmem:v26+s16+$0x0] =	vst.idx.msk $0xffff, v24;
	v24 =	vld [tilespmem:s29+$0xFFFFFFE0];
	v26 =	vadd.s32 v14, v29;
	s29 =	sadd.s32 $0x100, s29  }
0x184: {  	s7 =	sadd.s32 $0x2, s0;
	v27 =	vbroadcast v27, $0x0;
	v29 =	vshrl.u32 v30, $0x3;
	v30 =	vld [tilespmem:s29+$0xFFFFFFF0];
	v31 =	vadd.s32 v15, v28;
	[tilespmem:v22+s16+$0x0] =	vst.idx.msk $0xffff, v18  }
0x185: {  	v18 =	vshll.u32 v29, v1;
	v22 =	vmov s7;
	v28 =	vadd.s32 v16, v28;
	v29 =	vld [tilespmem:s29+$0x0];
	[tilespmem:v25+s16+$0x0] =	vst.idx.msk $0xffff, v20  }
0x186: {  	s7 =	sadd.s32 $0x3, s0;
	v25 =	vadd.s32 v0, v27;
	v18 =	vbroadcast v18, $0x0;
	v22 =	vshrl.u32 v22, $0x3;
	v20 =	vld [tilespmem:s29+$0xFFFFFF10];
	[tilespmem:v21+s16+$0x0] =	vst.idx.msk $0xffff, v17  }
0x187: {  	v21 =	vadd.s32 v2, v27;
	v22 =	vshll.u32 v22, v1;
	v27 =	vmov s7;
	v17 =	vld [tilespmem:s29+$0xFFFFFF20];
	[tilespmem:v23+s16+$0x0] =	vst.idx.msk $0xffff, v19  }
0x188: {  	s7 =	sadd.s32 $0x4, s0;
	v23 =	vadd.s32 v3, v18;
	v22 =	vbroadcast v22, $0x0;
	v27 =	vshrl.u32 v27, $0x3;
	v19 =	vld [tilespmem:s29+$0xFFFFFF30];
	[tilespmem:v26+s16+$0x0] =	vst.idx.msk $0xffff, v24  }
0x189: {  	v18 =	vadd.s32 v4, v18;
	v26 =	vshll.u32 v27, v1;
	v27 =	vmov s7;
	v24 =	vld [tilespmem:s29+$0xFFFFFF40];
	[tilespmem:v31+s16+$0x0] =	vst.idx.msk $0xffff, v30  }
0x18a: {  	s7 =	sadd.s32 $0x5, s0;
	v31 =	vadd.s32 v5, v22;
	v26 =	vbroadcast v26, $0x0;
	v27 =	vshrl.u32 v27, $0x3;
	v30 =	vld [tilespmem:s29+$0xFFFFFF50];
	[tilespmem:v28+s16+$0x0] =	vst.idx.msk $0xffff, v29  }
.Ltmp10:
0x18b: {  	[tilespmem:v25+s16+$0x0] =	vst.idx.msk $0xffff, v20;
	v20 =	vld [tilespmem:s29+$0xFFFFFF60];
	v25 =	vadd.s32 v6, v22;
	v22 =	vshll.u32 v27, v1;
	v27 =	vmov s7;
	(pc) =	sbr.rel @p0 .LBB2_23-.Ltmp10, $4  }
0x18c: {  	s7 =	sadd.s32 $0x6, s0;
	s0 =	smov.u32 s2;
	[tilespmem:v21+s16+$0x0] =	vst.idx.msk $0xffff, v17;
	v17 =	vld [tilespmem:s29+$0xFFFFFF70];
	v21 =	vadd.s32 v7, v26;
	v22 =	vbroadcast v22, $0x0;
	v27 =	vshrl.u32 v27, $0x3  }
0x18d: {  	v28 =	vmov s7;
	[tilespmem:v23+s16+$0x0] =	vst.idx.msk $0xffff, v19;
	v19 =	vld [tilespmem:s29+$0xFFFFFF80];
	v23 =	vadd.s32 v8, v26;
	v27 =	vshll.u32 v27, v1  }
0x18e: {  	s7 =	sadd.s32 $0x7, s2;
	v29 =	vshrl.u32 v28, $0x3;
	[tilespmem:v18+s16+$0x0] =	vst.idx.msk $0xffff, v24;
	v24 =	vld [tilespmem:s29+$0xFFFFFF90];
	v26 =	vadd.s32 v9, v22;
	v27 =	vbroadcast v27, $0x0  }
0x18f: {  	s2 =	sadd.s32 $0x8, s2;
	v28 =	vmov s7;
	v22 =	vadd.s32 v10, v22;
	v29 =	vshll.u32 v29, v1;
	[tilespmem:v31+s16+$0x0] =	vst.idx.msk $0xffff, v30;
	v18 =	vld [tilespmem:s29+$0xFFFFFFA0]  }
0x190: {  	_ =	sdelay $0x2  }
0x191: {  	v28 =	vshrl.u32 v28, $0x3  }
0x192: {  	[tilespmem:v25+s16+$0x0] =	vst.idx.msk $0xffff, v20;
	v59 =	vld [tilespmem:s29+$0xFFFFFFB0];
	v60 =	vadd.s32 v11, v27;
	v29 =	vbroadcast v29, $0x0;
	v30 =	vmov s0  }
0x193: {  	v61 =	vadd.s32 v12, v27;
	s2 =	sadd.s32 $0x1, s0;
	v28 =	vshll.u32 v28, v1;
	[tilespmem:v21+s16+$0x0] =	vst.idx.msk $0xffff, v17;
	v17 =	vld [tilespmem:s29+$0xFFFFFFC0];
	v62 =	vshrl.u32 v30, $0x3  }
0x194: {  	s7 =	sadd.s32 $0x2, s0;
	v33 =	vmov s2;
	v28 =	vbroadcast v28, $0x0;
	[tilespmem:v23+s16+$0x0] =	vst.idx.msk $0xffff, v19;
	v19 =	vld [tilespmem:s29+$0xFFFFFFD0];
	v63 =	vadd.s32 v13, v29  }
0x195: {  	v34 =	vld [tilespmem:s29+$0xFFFFFFE0];
	s2 =	sadd.s32 $0x100, s29;
	v38 =	vmov s7;
	v27 =	vshll.u32 v62, v1;
	v35 =	vadd.s32 v14, v29;
	[tilespmem:v26+s16+$0x0] =	vst.idx.msk $0xffff, v24  }
0x196: {  	s25 =	sadd.s32 $0x3, s0;
	v36 =	vshrl.u32 v33, $0x3;
	v37 =	vld [tilespmem:s2+$0xFFFFFFF0];
	v27 =	vbroadcast v27, $0x0;
	v31 =	vadd.s32 v15, v28;
	[tilespmem:v22+s16+$0x0] =	vst.idx.msk $0xffff, v18  }
0x197: {  	v43 =	vmov s25;
	v39 =	vld [tilespmem:s2+$0x0];
	v18 =	vshll.u32 v36, v1;
	v28 =	vadd.s32 v16, v28;
	[tilespmem:v60+s16+$0x0] =	vst.idx.msk $0xffff, v59  }
0x198: {  	s30 =	sadd.s32 $0x4, s0;
	v40 =	vld [tilespmem:s2+$0xFFFFFF10];
	v22 =	vshrl.u32 v38, $0x3;
	v41 =	vadd.s32 v0, v27;
	v18 =	vbroadcast v18, $0x0;
	[tilespmem:v61+s16+$0x0] =	vst.idx.msk $0xffff, v17  }
0x199: {  	v47 =	vmov s30;
	v42 =	vadd.s32 v2, v27;
	v22 =	vshll.u32 v22, v1;
	v17 =	vld [tilespmem:s2+$0xFFFFFF20];
	[tilespmem:v63+s16+$0x0] =	vst.idx.msk $0xffff, v19  }
0x19a: {  	s31 =	sadd.s32 $0x5, s0;
	v27 =	vshrl.u32 v43, $0x3;
	v22 =	vbroadcast v22, $0x0;
	v19 =	vld [tilespmem:s2+$0xFFFFFF30];
	v44 =	vadd.s32 v3, v18;
	[tilespmem:v35+s16+$0x0] =	vst.idx.msk $0xffff, v34  }
0x19b: {  	v52 =	vmov s31;
	v45 =	vld [tilespmem:s2+$0xFFFFFF40];
	v46 =	vshll.u32 v27, v1;
	v18 =	vadd.s32 v4, v18;
	[tilespmem:v31+s16+$0x0] =	vst.idx.msk $0xffff, v37  }
0x19c: {  	v48 =	vld [tilespmem:s2+$0xFFFFFF50];
	v27 =	vshrl.u32 v47, $0x3;
	v26 =	vbroadcast v46, $0x0;
	v49 =	vadd.s32 v5, v22;
	[tilespmem:v28+s16+$0x0] =	vst.idx.msk $0xffff, v39  }
0x19d: {  	v50 =	vld [tilespmem:s2+$0xFFFFFF60];
	v51 =	vshll.u32 v27, v1;
	v27 =	vshrl.u32 v52, $0x3;
	v22 =	vadd.s32 v6, v22;
	[tilespmem:v41+s16+$0x0] =	vst.idx.msk $0xffff, v40  }
0x19e: {  	s25 =	sadd.s32 $0x6, s0;
	v25 =	vbroadcast v51, $0x0;
	v55 =	vshll.u32 v27, v1;
	v53 =	vadd.s32 v7, v26;
	[tilespmem:v42+s16+$0x0] =	vst.idx.msk $0xffff, v17;
	v17 =	vld [tilespmem:s2+$0xFFFFFF70]  }
0x19f: {  	v56 =	vmov s25;
	v54 =	vadd.s32 v8, v26;
	v26 =	vbroadcast v55, $0x0;
	[tilespmem:v44+s16+$0x0] =	vst.idx.msk $0xffff, v19;
	v19 =	vld [tilespmem:s2+$0xFFFFFF80]  }
0x1a0: {  	v27 =	vshrl.u32 v56, $0x3;
	v57 =	vadd.s32 v9, v25;
	[tilespmem:v18+s16+$0x0] =	vst.idx.msk $0xffff, v45;
	v18 =	vld [tilespmem:s2+$0xFFFFFF90]  }
0x1a1: {  	v59 =	vld [tilespmem:s2+$0xFFFFFFB0];
	v27 =	vshll.u32 v27, v1;
	v60 =	vadd.s32 v11, v26;
	[tilespmem:v49+s16+$0x0] =	vst.idx.msk $0xffff, v48  }
0x1a2: {  	v58 =	vld [tilespmem:s2+$0xFFFFFFA0];
	v25 =	vadd.s32 v10, v25;
	v27 =	vbroadcast v27, $0x0;
	[tilespmem:v22+s16+$0x0] =	vst.idx.msk $0xffff, v50  }
0x1a3: {  	v61 =	vadd.s32 v12, v26;
	[tilespmem:v53+s16+$0x0] =	vst.idx.msk $0xffff, v17;
	v17 =	vld [tilespmem:s2+$0xFFFFFFC0]  }
0x1a4: {  	v62 =	vadd.s32 v13, v27;
	[tilespmem:v54+s16+$0x0] =	vst.idx.msk $0xffff, v19;
	v19 =	vld [tilespmem:s2+$0xFFFFFFD0]  }
0x1a5: {  	s30 =	sadd.s32 $0x5, s28;
	v63 =	vadd.s32 v14, v27;
	[tilespmem:v57+s16+$0x0] =	vst.idx.msk $0xffff, v18;
	v18 =	vld [tilespmem:s2+$0xFFFFFFE0]  }
0x1a6: {  	s31 =	sshll.u32 s30, $0x6;
	[tilespmem:v60+s16+$0x0] =	vst.idx.msk $0xffff, v59  }
0x1a7: {  	s0 =	sshll.u32 s30, $0xB;
	s2 =	sand.u32 $0x7C0, s31;
	[tilespmem:v25+s16+$0x0] =	vst.idx.msk $0xffff, v58  }
0x1a8: {  	s0 =	sand.u32 $0xFFF0000, s0;
	s2 =	sadd.s32 s5, s2;
	[tilespmem:v61+s16+$0x0] =	vst.idx.msk $0xffff, v17  }
0x1a9: {  	s7 =	simm.s32 $0xD708;
	s0 =	sadd.s32 s0, s2;
	[tilespmem:v62+s16+$0x0] =	vst.idx.msk $0xffff, v19  }
0x1aa: {  	s29 =	simm.s32 $0x800;
	s2 =	simm.s32 $0xD500;
	s25 =	sadd.s32 $0x0, s0;
	[tilespmem:v63+s16+$0x0] =	vst.idx.msk $0xffff, v18  }
.LBB2_25:
0x1ab: {  	[hbm4b:s25+s3] =	stream.linear.scatter [tilespmem:s2], [sflag:$0x3], $0x200, $0x38;
	[tilespmem:$0x11600] =	vst v63  }
0x1ac: {  	s25 =	smov.u32 s29;
	s2 =	smov.u32 s7;
	p0 =	sne.s32 s29, $0xF800  }
.Ltmp11:
0x1ad: {  	s29 =	sadd.s32 $0x800, s29;
	(pc) =	sbr.rel @p0 .LBB2_25-.Ltmp11, $2  }
0x1ae: {  	_ =	sdelay $0x2  }
0x1af: {  	s7 =	sadd.s32 $0x208, s7;
	s25 =	sadd.s32 s25, s0  }
0x1b0: {  	[hbm4b:s25+s3] =	stream.linear.scatter [tilespmem:s2], [sflag:$0x3], $0x200, $0x38;
	[tilespmem:$0x11600] =	vst v63  }
0x1b1: {  	_ = 	snop  }
0x1b2: {  	[tilespmem:s11], [sflag:$0x2] =	stream.indirect.gather [hbm4b:s1+s9], $0x20, s22, s9, $0xb8;
	[tilespmem:$0x11600] =	vst v63  }
0x1b3: {  	s0 =	simm.s32 $0x7;
	_ =	swait.ge [sflag:s12], $0x4000  }
0x1b4: {  	s25 =	simm.s32 $0x0;
	v17 =	vmov s0;
	[sflag:s12] =	ssyncset.done $0x0  }
0x1b5: {  	v18 =	vmov s25;
	v17 =	vshrl.u32 v17, $0x3;
	[sflag:s12] =	ssyncadd.s32 $0xFFFFC000  }
0x1b6: {  	v18 =	vshrl.u32 v18, $0x3;
	v17 =	vshll.u32 v17, v1;
	_ =	swait.ge [sflag:s18], $0x4000  }
0x1b7: {  	s30 =	simm.s32 $0x1;
	v18 =	vshll.u32 v18, v1;
	v17 =	vbroadcast v17, $0x0;
	[sflag:s18] =	ssyncset.done $0x0  }
0x1b8: {  	s29 =	simm.s32 $0x1480;
	s31 =	simm.s32 $0x2;
	v19 =	vmov s30;
	v18 =	vbroadcast v18, $0x0;
	[sflag:s18] =	ssyncadd.s32 $0xFFFFC000  }
0x1b9: {  	v22 =	vmov s31;
	v19 =	vshrl.u32 v19, $0x3;
	v21 =	vadd.s32 v15, v17;
	v20 =	vld [tilespmem:s29+$0x60]  }
0x1ba: {  	v22 =	vshrl.u32 v22, $0x3;
	v19 =	vshll.u32 v19, v1;
	v25 =	vadd.s32 v0, v18;
	v24 =	vld [tilespmem:s29+$0xFFFFFF80]  }
0x1bb: {  	s2 =	simm.s32 $0x3;
	v22 =	vshll.u32 v22, v1;
	v19 =	vbroadcast v19, $0x0;
	v17 =	vadd.s32 v16, v17;
	v23 =	vld [tilespmem:s29+$0x70]  }
0x1bc: {  	v27 =	vmov s2;
	v22 =	vbroadcast v22, $0x0;
	v18 =	vadd.s32 v2, v18;
	v26 =	vld [tilespmem:s29+$0xFFFFFF90]  }
0x1bd: {  	s7 =	simm.s32 $0x4;
	v27 =	vshrl.u32 v27, $0x3;
	v29 =	vadd.s32 v3, v19;
	v31 =	vadd.s32 v4, v19;
	v28 =	vld [tilespmem:s29+$0xFFFFFFA0]  }
0x1be: {  	v19 =	vshll.u32 v27, v1;
	v27 =	vmov s7;
	v33 =	vadd.s32 v5, v22;
	v32 =	vld [tilespmem:s29+$0xFFFFFFC0];
	[tilespmem:v21+s13+$0x0] =	vst.idx.msk $0xffff, v20  }
0x1bf: {  	s25 =	simm.s32 $0x5;
	v34 =	vbroadcast v19, $0x0;
	v19 =	vshrl.u32 v27, $0x3;
	v30 =	vld [tilespmem:s29+$0xFFFFFFB0];
	[tilespmem:v25+s13+$0x0] =	vst.idx.msk $0xffff, v24  }
0x1c0: {  	v19 =	vshll.u32 v19, v1;
	v20 =	vld [tilespmem:s29+$0xFFFFFFD0];
	v25 =	vadd.s32 v6, v22;
	v22 =	vmov s25;
	[tilespmem:v17+s13+$0x0] =	vst.idx.msk $0xffff, v23  }
0x1c1: {  	s30 =	simm.s32 $0x6;
	v35 =	vbroadcast v19, $0x0;
	v21 =	vadd.s32 v7, v34;
	[tilespmem:v18+s13+$0x0] =	vst.idx.msk $0xffff, v26;
	v17 =	vld [tilespmem:s29+$0xFFFFFFE0];
	v18 =	vshrl.u32 v22, $0x3  }
0x1c2: {  	v19 =	vld [tilespmem:s29+$0xFFFFFFF0];
	[tilespmem:v29+s13+$0x0] =	vst.idx.msk $0xffff, v28;
	v23 =	vadd.s32 v8, v34;
	v22 =	vmov s30;
	v18 =	vshll.u32 v18, v1  }
0x1c3: {  	s31 =	simm.s32 $0xF;
	v24 =	vld [tilespmem:s29+$0x0];
	[tilespmem:v33+s13+$0x0] =	vst.idx.msk $0xffff, v32;
	v26 =	vadd.s32 v9, v35;
	v29 =	vshrl.u32 v22, $0x3;
	v27 =	vbroadcast v18, $0x0  }
0x1c4: {  	s0 =	simm.s32 $0x8;
	s2 =	simm.s32 $0x10;
	v28 =	vmov s31;
	[tilespmem:v31+s13+$0x0] =	vst.idx.msk $0xffff, v30;
	v22 =	vadd.s32 v10, v35;
	v18 =	vld [tilespmem:s29+$0x10];
	v29 =	vshll.u32 v29, v1  }
.LBB2_27:
0x1c5: {  	p0 =	slt.u32 s2, $0x1F8;
	v28 =	vshrl.u32 v28, $0x3;
	[tilespmem:v25+s13+$0x0] =	vst.idx.msk $0xffff, v20;
	v20 =	vld [tilespmem:s29+$0x20];
	v25 =	vadd.s32 v11, v27;
	v29 =	vbroadcast v29, $0x0  }
0x1c6: {  	v30 =	vmov s0;
	v28 =	vshll.u32 v28, v1;
	[tilespmem:v21+s13+$0x0] =	vst.idx.msk $0xffff, v17;
	v17 =	vld [tilespmem:s29+$0x30];
	v21 =	vadd.s32 v12, v27  }
0x1c7: {  	s7 =	sadd.s32 $0x1, s0;
	v27 =	vshrl.u32 v30, $0x3;
	v28 =	vbroadcast v28, $0x0;
	[tilespmem:v23+s13+$0x0] =	vst.idx.msk $0xffff, v19;
	v19 =	vld [tilespmem:s29+$0x40];
	v23 =	vadd.s32 v13, v29  }
0x1c8: {  	v30 =	vmov s7;
	v27 =	vshll.u32 v27, v1;
	[tilespmem:v26+s13+$0x0] =	vst.idx.msk $0xffff, v24;
	v24 =	vld [tilespmem:s29+$0x50];
	v26 =	vadd.s32 v14, v29;
	s29 =	sadd.s32 $0x100, s29  }
0x1c9: {  	s7 =	sadd.s32 $0x2, s0;
	v27 =	vbroadcast v27, $0x0;
	v29 =	vshrl.u32 v30, $0x3;
	v30 =	vld [tilespmem:s29+$0x60];
	v31 =	vadd.s32 v15, v28;
	[tilespmem:v22+s13+$0x0] =	vst.idx.msk $0xffff, v18  }
0x1ca: {  	v18 =	vshll.u32 v29, v1;
	v22 =	vmov s7;
	v28 =	vadd.s32 v16, v28;
	v29 =	vld [tilespmem:s29+$0x70];
	[tilespmem:v25+s13+$0x0] =	vst.idx.msk $0xffff, v20  }
0x1cb: {  	s7 =	sadd.s32 $0x3, s0;
	v25 =	vadd.s32 v0, v27;
	v18 =	vbroadcast v18, $0x0;
	v22 =	vshrl.u32 v22, $0x3;
	v20 =	vld [tilespmem:s29+$0xFFFFFF80];
	[tilespmem:v21+s13+$0x0] =	vst.idx.msk $0xffff, v17  }
0x1cc: {  	v21 =	vadd.s32 v2, v27;
	v22 =	vshll.u32 v22, v1;
	v27 =	vmov s7;
	v17 =	vld [tilespmem:s29+$0xFFFFFF90];
	[tilespmem:v23+s13+$0x0] =	vst.idx.msk $0xffff, v19  }
0x1cd: {  	s7 =	sadd.s32 $0x4, s0;
	v23 =	vadd.s32 v3, v18;
	v22 =	vbroadcast v22, $0x0;
	v27 =	vshrl.u32 v27, $0x3;
	v19 =	vld [tilespmem:s29+$0xFFFFFFA0];
	[tilespmem:v26+s13+$0x0] =	vst.idx.msk $0xffff, v24  }
0x1ce: {  	v18 =	vadd.s32 v4, v18;
	v26 =	vshll.u32 v27, v1;
	v27 =	vmov s7;
	v24 =	vld [tilespmem:s29+$0xFFFFFFB0];
	[tilespmem:v31+s13+$0x0] =	vst.idx.msk $0xffff, v30  }
0x1cf: {  	s7 =	sadd.s32 $0x5, s0;
	v31 =	vadd.s32 v5, v22;
	v26 =	vbroadcast v26, $0x0;
	v27 =	vshrl.u32 v27, $0x3;
	v30 =	vld [tilespmem:s29+$0xFFFFFFC0];
	[tilespmem:v28+s13+$0x0] =	vst.idx.msk $0xffff, v29  }
.Ltmp12:
0x1d0: {  	[tilespmem:v25+s13+$0x0] =	vst.idx.msk $0xffff, v20;
	v20 =	vld [tilespmem:s29+$0xFFFFFFD0];
	v25 =	vadd.s32 v6, v22;
	v22 =	vshll.u32 v27, v1;
	v27 =	vmov s7;
	(pc) =	sbr.rel @p0 .LBB2_27-.Ltmp12, $4  }
0x1d1: {  	s7 =	sadd.s32 $0x6, s0;
	s0 =	smov.u32 s2;
	[tilespmem:v21+s13+$0x0] =	vst.idx.msk $0xffff, v17;
	v17 =	vld [tilespmem:s29+$0xFFFFFFE0];
	v21 =	vadd.s32 v7, v26;
	v22 =	vbroadcast v22, $0x0;
	v27 =	vshrl.u32 v27, $0x3  }
0x1d2: {  	v28 =	vmov s7;
	[tilespmem:v23+s13+$0x0] =	vst.idx.msk $0xffff, v19;
	v19 =	vld [tilespmem:s29+$0xFFFFFFF0];
	v23 =	vadd.s32 v8, v26;
	v27 =	vshll.u32 v27, v1  }
0x1d3: {  	s7 =	sadd.s32 $0x7, s2;
	v29 =	vshrl.u32 v28, $0x3;
	[tilespmem:v18+s13+$0x0] =	vst.idx.msk $0xffff, v24;
	v24 =	vld [tilespmem:s29+$0x0];
	v26 =	vadd.s32 v9, v22;
	v27 =	vbroadcast v27, $0x0  }
0x1d4: {  	s2 =	sadd.s32 $0x8, s2;
	v28 =	vmov s7;
	v22 =	vadd.s32 v10, v22;
	v29 =	vshll.u32 v29, v1;
	[tilespmem:v31+s13+$0x0] =	vst.idx.msk $0xffff, v30;
	v18 =	vld [tilespmem:s29+$0x10]  }
0x1d5: {  	_ =	sdelay $0x2  }
0x1d6: {  	v28 =	vshrl.u32 v28, $0x3  }
0x1d7: {  	[tilespmem:v25+s13+$0x0] =	vst.idx.msk $0xffff, v20;
	v59 =	vld [tilespmem:s29+$0x20];
	v60 =	vadd.s32 v11, v27;
	v29 =	vbroadcast v29, $0x0;
	v30 =	vmov s0  }
0x1d8: {  	v61 =	vadd.s32 v12, v27;
	s2 =	sadd.s32 $0x1, s0;
	v28 =	vshll.u32 v28, v1;
	[tilespmem:v21+s13+$0x0] =	vst.idx.msk $0xffff, v17;
	v17 =	vld [tilespmem:s29+$0x30];
	v62 =	vshrl.u32 v30, $0x3  }
0x1d9: {  	s7 =	sadd.s32 $0x2, s0;
	v33 =	vmov s2;
	v28 =	vbroadcast v28, $0x0;
	[tilespmem:v23+s13+$0x0] =	vst.idx.msk $0xffff, v19;
	v19 =	vld [tilespmem:s29+$0x40];
	v63 =	vadd.s32 v13, v29  }
0x1da: {  	v34 =	vld [tilespmem:s29+$0x50];
	s2 =	sadd.s32 $0x100, s29;
	v38 =	vmov s7;
	v27 =	vshll.u32 v62, v1;
	v35 =	vadd.s32 v14, v29;
	[tilespmem:v26+s13+$0x0] =	vst.idx.msk $0xffff, v24  }
0x1db: {  	s25 =	sadd.s32 $0x3, s0;
	v36 =	vshrl.u32 v33, $0x3;
	v37 =	vld [tilespmem:s2+$0x60];
	v27 =	vbroadcast v27, $0x0;
	v31 =	vadd.s32 v15, v28;
	[tilespmem:v22+s13+$0x0] =	vst.idx.msk $0xffff, v18  }
0x1dc: {  	v43 =	vmov s25;
	v39 =	vld [tilespmem:s2+$0x70];
	v18 =	vshll.u32 v36, v1;
	v28 =	vadd.s32 v16, v28;
	[tilespmem:v60+s13+$0x0] =	vst.idx.msk $0xffff, v59  }
0x1dd: {  	s30 =	sadd.s32 $0x4, s0;
	v40 =	vld [tilespmem:s2+$0xFFFFFF80];
	v22 =	vshrl.u32 v38, $0x3;
	v41 =	vadd.s32 v0, v27;
	v18 =	vbroadcast v18, $0x0;
	[tilespmem:v61+s13+$0x0] =	vst.idx.msk $0xffff, v17  }
0x1de: {  	v47 =	vmov s30;
	v42 =	vadd.s32 v2, v27;
	v22 =	vshll.u32 v22, v1;
	v17 =	vld [tilespmem:s2+$0xFFFFFF90];
	[tilespmem:v63+s13+$0x0] =	vst.idx.msk $0xffff, v19  }
0x1df: {  	s31 =	sadd.s32 $0x5, s0;
	v27 =	vshrl.u32 v43, $0x3;
	v22 =	vbroadcast v22, $0x0;
	v19 =	vld [tilespmem:s2+$0xFFFFFFA0];
	v44 =	vadd.s32 v3, v18;
	[tilespmem:v35+s13+$0x0] =	vst.idx.msk $0xffff, v34  }
0x1e0: {  	v52 =	vmov s31;
	v45 =	vld [tilespmem:s2+$0xFFFFFFB0];
	v46 =	vshll.u32 v27, v1;
	v18 =	vadd.s32 v4, v18;
	[tilespmem:v31+s13+$0x0] =	vst.idx.msk $0xffff, v37  }
0x1e1: {  	v48 =	vld [tilespmem:s2+$0xFFFFFFC0];
	v27 =	vshrl.u32 v47, $0x3;
	v26 =	vbroadcast v46, $0x0;
	v49 =	vadd.s32 v5, v22;
	[tilespmem:v28+s13+$0x0] =	vst.idx.msk $0xffff, v39  }
0x1e2: {  	v50 =	vld [tilespmem:s2+$0xFFFFFFD0];
	v51 =	vshll.u32 v27, v1;
	v27 =	vshrl.u32 v52, $0x3;
	v22 =	vadd.s32 v6, v22;
	[tilespmem:v41+s13+$0x0] =	vst.idx.msk $0xffff, v40  }
0x1e3: {  	s25 =	sadd.s32 $0x6, s0;
	v25 =	vbroadcast v51, $0x0;
	v55 =	vshll.u32 v27, v1;
	v53 =	vadd.s32 v7, v26;
	[tilespmem:v42+s13+$0x0] =	vst.idx.msk $0xffff, v17;
	v17 =	vld [tilespmem:s2+$0xFFFFFFE0]  }
0x1e4: {  	v56 =	vmov s25;
	v54 =	vadd.s32 v8, v26;
	v26 =	vbroadcast v55, $0x0;
	[tilespmem:v44+s13+$0x0] =	vst.idx.msk $0xffff, v19;
	v19 =	vld [tilespmem:s2+$0xFFFFFFF0]  }
0x1e5: {  	v27 =	vshrl.u32 v56, $0x3;
	v57 =	vadd.s32 v9, v25;
	[tilespmem:v18+s13+$0x0] =	vst.idx.msk $0xffff, v45;
	v18 =	vld [tilespmem:s2+$0x0]  }
0x1e6: {  	v59 =	vld [tilespmem:s2+$0x20];
	v27 =	vshll.u32 v27, v1;
	v60 =	vadd.s32 v11, v26;
	[tilespmem:v49+s13+$0x0] =	vst.idx.msk $0xffff, v48  }
0x1e7: {  	v58 =	vld [tilespmem:s2+$0x10];
	v25 =	vadd.s32 v10, v25;
	v27 =	vbroadcast v27, $0x0;
	[tilespmem:v22+s13+$0x0] =	vst.idx.msk $0xffff, v50  }
0x1e8: {  	v61 =	vadd.s32 v12, v26;
	[tilespmem:v53+s13+$0x0] =	vst.idx.msk $0xffff, v17;
	v17 =	vld [tilespmem:s2+$0x30]  }
0x1e9: {  	v62 =	vadd.s32 v13, v27;
	[tilespmem:v54+s13+$0x0] =	vst.idx.msk $0xffff, v19;
	v19 =	vld [tilespmem:s2+$0x40]  }
0x1ea: {  	s30 =	sadd.s32 $0x6, s28;
	v63 =	vadd.s32 v14, v27;
	[tilespmem:v57+s13+$0x0] =	vst.idx.msk $0xffff, v18;
	v18 =	vld [tilespmem:s2+$0x50]  }
0x1eb: {  	s31 =	sshll.u32 s30, $0x6;
	[tilespmem:v60+s13+$0x0] =	vst.idx.msk $0xffff, v59  }
0x1ec: {  	s0 =	sshll.u32 s30, $0xB;
	s2 =	sand.u32 $0x780, s31;
	[tilespmem:v25+s13+$0x0] =	vst.idx.msk $0xffff, v58  }
0x1ed: {  	s0 =	sand.u32 $0xFFF0000, s0;
	s2 =	sadd.s32 s5, s2;
	[tilespmem:v61+s13+$0x0] =	vst.idx.msk $0xffff, v17  }
0x1ee: {  	s7 =	simm.s32 $0x9608;
	s0 =	sadd.s32 s0, s2;
	[tilespmem:v62+s13+$0x0] =	vst.idx.msk $0xffff, v19  }
0x1ef: {  	s29 =	simm.s32 $0x800;
	s2 =	simm.s32 $0x9400;
	s25 =	sadd.s32 $0x0, s0;
	[tilespmem:v63+s13+$0x0] =	vst.idx.msk $0xffff, v18  }
.LBB2_29:
0x1f0: {  	[hbm4b:s25+s3] =	stream.linear.scatter [tilespmem:s2], [sflag:$0x3], $0x200, $0x38;
	[tilespmem:$0x11600] =	vst v63  }
0x1f1: {  	s25 =	smov.u32 s29;
	s2 =	smov.u32 s7;
	p0 =	sne.s32 s29, $0xF800  }
.Ltmp13:
0x1f2: {  	s29 =	sadd.s32 $0x800, s29;
	(pc) =	sbr.rel @p0 .LBB2_29-.Ltmp13, $2  }
0x1f3: {  	_ =	sdelay $0x2  }
0x1f4: {  	s7 =	sadd.s32 $0x208, s7;
	s25 =	sadd.s32 s25, s0  }
0x1f5: {  	[hbm4b:s25+s3] =	stream.linear.scatter [tilespmem:s2], [sflag:$0x3], $0x200, $0x38;
	[tilespmem:$0x11600] =	vst v63  }
0x1f6: {  	_ = 	snop  }
0x1f7: {  	[tilespmem:s10], [sflag:$0x1] =	stream.indirect.gather [hbm4b:s1+s9], $0x20, s23, s9, $0xb8;
	[tilespmem:$0x11600] =	vst v63  }
0x1f8: {  	s0 =	simm.s32 $0x7;
	_ =	swait.ge [sflag:s15], $0x4000  }
0x1f9: {  	s25 =	simm.s32 $0x0;
	v17 =	vmov s0;
	[sflag:s15] =	ssyncset.done $0x0  }
0x1fa: {  	v18 =	vmov s25;
	v17 =	vshrl.u32 v17, $0x3;
	[sflag:s15] =	ssyncadd.s32 $0xFFFFC000  }
0x1fb: {  	v18 =	vshrl.u32 v18, $0x3;
	v17 =	vshll.u32 v17, v1;
	_ =	swait.ge [sflag:s18], $0x4000  }
0x1fc: {  	s30 =	simm.s32 $0x1;
	v18 =	vshll.u32 v18, v1;
	v17 =	vbroadcast v17, $0x0;
	[sflag:s18] =	ssyncset.done $0x0  }
0x1fd: {  	s29 =	simm.s32 $0x54F0;
	s31 =	simm.s32 $0x2;
	v19 =	vmov s30;
	v18 =	vbroadcast v18, $0x0;
	[sflag:s18] =	ssyncadd.s32 $0xFFFFC000  }
0x1fe: {  	v22 =	vmov s31;
	v19 =	vshrl.u32 v19, $0x3;
	v21 =	vadd.s32 v15, v17;
	v20 =	vld [tilespmem:s29+$0xFFFFFFF0]  }
0x1ff: {  	v22 =	vshrl.u32 v22, $0x3;
	v19 =	vshll.u32 v19, v1;
	v25 =	vadd.s32 v0, v18;
	v24 =	vld [tilespmem:s29+$0xFFFFFF10]  }
0x200: {  	s2 =	simm.s32 $0x3;
	v22 =	vshll.u32 v22, v1;
	v19 =	vbroadcast v19, $0x0;
	v17 =	vadd.s32 v16, v17;
	v23 =	vld [tilespmem:s29+$0x0]  }
0x201: {  	v27 =	vmov s2;
	v22 =	vbroadcast v22, $0x0;
	v18 =	vadd.s32 v2, v18;
	v26 =	vld [tilespmem:s29+$0xFFFFFF20]  }
0x202: {  	s7 =	simm.s32 $0x4;
	v27 =	vshrl.u32 v27, $0x3;
	v29 =	vadd.s32 v3, v19;
	v31 =	vadd.s32 v4, v19;
	v28 =	vld [tilespmem:s29+$0xFFFFFF30]  }
0x203: {  	v19 =	vshll.u32 v27, v1;
	v27 =	vmov s7;
	v33 =	vadd.s32 v5, v22;
	v32 =	vld [tilespmem:s29+$0xFFFFFF50];
	[tilespmem:v21+s16+$0x0] =	vst.idx.msk $0xffff, v20  }
0x204: {  	s25 =	simm.s32 $0x5;
	v34 =	vbroadcast v19, $0x0;
	v19 =	vshrl.u32 v27, $0x3;
	v30 =	vld [tilespmem:s29+$0xFFFFFF40];
	[tilespmem:v25+s16+$0x0] =	vst.idx.msk $0xffff, v24  }
0x205: {  	v19 =	vshll.u32 v19, v1;
	v20 =	vld [tilespmem:s29+$0xFFFFFF60];
	v25 =	vadd.s32 v6, v22;
	v22 =	vmov s25;
	[tilespmem:v17+s16+$0x0] =	vst.idx.msk $0xffff, v23  }
0x206: {  	s30 =	simm.s32 $0x6;
	v35 =	vbroadcast v19, $0x0;
	v21 =	vadd.s32 v7, v34;
	[tilespmem:v18+s16+$0x0] =	vst.idx.msk $0xffff, v26;
	v17 =	vld [tilespmem:s29+$0xFFFFFF70];
	v18 =	vshrl.u32 v22, $0x3  }
0x207: {  	v19 =	vld [tilespmem:s29+$0xFFFFFF80];
	[tilespmem:v29+s16+$0x0] =	vst.idx.msk $0xffff, v28;
	v23 =	vadd.s32 v8, v34;
	v22 =	vmov s30;
	v18 =	vshll.u32 v18, v1  }
0x208: {  	s31 =	simm.s32 $0xF;
	v24 =	vld [tilespmem:s29+$0xFFFFFF90];
	[tilespmem:v33+s16+$0x0] =	vst.idx.msk $0xffff, v32;
	v26 =	vadd.s32 v9, v35;
	v29 =	vshrl.u32 v22, $0x3;
	v27 =	vbroadcast v18, $0x0  }
0x209: {  	s0 =	simm.s32 $0x8;
	s2 =	simm.s32 $0x10;
	v28 =	vmov s31;
	[tilespmem:v31+s16+$0x0] =	vst.idx.msk $0xffff, v30;
	v22 =	vadd.s32 v10, v35;
	v18 =	vld [tilespmem:s29+$0xFFFFFFA0];
	v29 =	vshll.u32 v29, v1  }
.LBB2_31:
0x20a: {  	p0 =	slt.u32 s2, $0x1F8;
	v28 =	vshrl.u32 v28, $0x3;
	[tilespmem:v25+s16+$0x0] =	vst.idx.msk $0xffff, v20;
	v20 =	vld [tilespmem:s29+$0xFFFFFFB0];
	v25 =	vadd.s32 v11, v27;
	v29 =	vbroadcast v29, $0x0  }
0x20b: {  	v30 =	vmov s0;
	v28 =	vshll.u32 v28, v1;
	[tilespmem:v21+s16+$0x0] =	vst.idx.msk $0xffff, v17;
	v17 =	vld [tilespmem:s29+$0xFFFFFFC0];
	v21 =	vadd.s32 v12, v27  }
0x20c: {  	s7 =	sadd.s32 $0x1, s0;
	v27 =	vshrl.u32 v30, $0x3;
	v28 =	vbroadcast v28, $0x0;
	[tilespmem:v23+s16+$0x0] =	vst.idx.msk $0xffff, v19;
	v19 =	vld [tilespmem:s29+$0xFFFFFFD0];
	v23 =	vadd.s32 v13, v29  }
0x20d: {  	v30 =	vmov s7;
	v27 =	vshll.u32 v27, v1;
	[tilespmem:v26+s16+$0x0] =	vst.idx.msk $0xffff, v24;
	v24 =	vld [tilespmem:s29+$0xFFFFFFE0];
	v26 =	vadd.s32 v14, v29;
	s29 =	sadd.s32 $0x100, s29  }
0x20e: {  	s7 =	sadd.s32 $0x2, s0;
	v27 =	vbroadcast v27, $0x0;
	v29 =	vshrl.u32 v30, $0x3;
	v30 =	vld [tilespmem:s29+$0xFFFFFFF0];
	v31 =	vadd.s32 v15, v28;
	[tilespmem:v22+s16+$0x0] =	vst.idx.msk $0xffff, v18  }
0x20f: {  	v18 =	vshll.u32 v29, v1;
	v22 =	vmov s7;
	v28 =	vadd.s32 v16, v28;
	v29 =	vld [tilespmem:s29+$0x0];
	[tilespmem:v25+s16+$0x0] =	vst.idx.msk $0xffff, v20  }
0x210: {  	s7 =	sadd.s32 $0x3, s0;
	v25 =	vadd.s32 v0, v27;
	v18 =	vbroadcast v18, $0x0;
	v22 =	vshrl.u32 v22, $0x3;
	v20 =	vld [tilespmem:s29+$0xFFFFFF10];
	[tilespmem:v21+s16+$0x0] =	vst.idx.msk $0xffff, v17  }
0x211: {  	v21 =	vadd.s32 v2, v27;
	v22 =	vshll.u32 v22, v1;
	v27 =	vmov s7;
	v17 =	vld [tilespmem:s29+$0xFFFFFF20];
	[tilespmem:v23+s16+$0x0] =	vst.idx.msk $0xffff, v19  }
0x212: {  	s7 =	sadd.s32 $0x4, s0;
	v23 =	vadd.s32 v3, v18;
	v22 =	vbroadcast v22, $0x0;
	v27 =	vshrl.u32 v27, $0x3;
	v19 =	vld [tilespmem:s29+$0xFFFFFF30];
	[tilespmem:v26+s16+$0x0] =	vst.idx.msk $0xffff, v24  }
0x213: {  	v18 =	vadd.s32 v4, v18;
	v26 =	vshll.u32 v27, v1;
	v27 =	vmov s7;
	v24 =	vld [tilespmem:s29+$0xFFFFFF40];
	[tilespmem:v31+s16+$0x0] =	vst.idx.msk $0xffff, v30  }
0x214: {  	s7 =	sadd.s32 $0x5, s0;
	v31 =	vadd.s32 v5, v22;
	v26 =	vbroadcast v26, $0x0;
	v27 =	vshrl.u32 v27, $0x3;
	v30 =	vld [tilespmem:s29+$0xFFFFFF50];
	[tilespmem:v28+s16+$0x0] =	vst.idx.msk $0xffff, v29  }
.Ltmp14:
0x215: {  	[tilespmem:v25+s16+$0x0] =	vst.idx.msk $0xffff, v20;
	v20 =	vld [tilespmem:s29+$0xFFFFFF60];
	v25 =	vadd.s32 v6, v22;
	v22 =	vshll.u32 v27, v1;
	v27 =	vmov s7;
	(pc) =	sbr.rel @p0 .LBB2_31-.Ltmp14, $4  }
0x216: {  	s7 =	sadd.s32 $0x6, s0;
	s0 =	smov.u32 s2;
	[tilespmem:v21+s16+$0x0] =	vst.idx.msk $0xffff, v17;
	v17 =	vld [tilespmem:s29+$0xFFFFFF70];
	v21 =	vadd.s32 v7, v26;
	v22 =	vbroadcast v22, $0x0;
	v27 =	vshrl.u32 v27, $0x3  }
0x217: {  	v28 =	vmov s7;
	[tilespmem:v23+s16+$0x0] =	vst.idx.msk $0xffff, v19;
	v19 =	vld [tilespmem:s29+$0xFFFFFF80];
	v23 =	vadd.s32 v8, v26;
	v27 =	vshll.u32 v27, v1  }
0x218: {  	s7 =	sadd.s32 $0x7, s2;
	v29 =	vshrl.u32 v28, $0x3;
	[tilespmem:v18+s16+$0x0] =	vst.idx.msk $0xffff, v24;
	v24 =	vld [tilespmem:s29+$0xFFFFFF90];
	v26 =	vadd.s32 v9, v22;
	v27 =	vbroadcast v27, $0x0  }
0x219: {  	s2 =	sadd.s32 $0x8, s2;
	v28 =	vmov s7;
	v22 =	vadd.s32 v10, v22;
	v29 =	vshll.u32 v29, v1;
	[tilespmem:v31+s16+$0x0] =	vst.idx.msk $0xffff, v30;
	v18 =	vld [tilespmem:s29+$0xFFFFFFA0]  }
0x21a: {  	_ =	sdelay $0x2  }
0x21b: {  	v28 =	vshrl.u32 v28, $0x3  }
0x21c: {  	[tilespmem:v25+s16+$0x0] =	vst.idx.msk $0xffff, v20;
	v59 =	vld [tilespmem:s29+$0xFFFFFFB0];
	v60 =	vadd.s32 v11, v27;
	v29 =	vbroadcast v29, $0x0;
	v30 =	vmov s0  }
0x21d: {  	v61 =	vadd.s32 v12, v27;
	s2 =	sadd.s32 $0x1, s0;
	v28 =	vshll.u32 v28, v1;
	[tilespmem:v21+s16+$0x0] =	vst.idx.msk $0xffff, v17;
	v17 =	vld [tilespmem:s29+$0xFFFFFFC0];
	v62 =	vshrl.u32 v30, $0x3  }
0x21e: {  	s7 =	sadd.s32 $0x2, s0;
	v33 =	vmov s2;
	v28 =	vbroadcast v28, $0x0;
	[tilespmem:v23+s16+$0x0] =	vst.idx.msk $0xffff, v19;
	v19 =	vld [tilespmem:s29+$0xFFFFFFD0];
	v63 =	vadd.s32 v13, v29  }
0x21f: {  	v34 =	vld [tilespmem:s29+$0xFFFFFFE0];
	s2 =	sadd.s32 $0x100, s29;
	v38 =	vmov s7;
	v27 =	vshll.u32 v62, v1;
	v35 =	vadd.s32 v14, v29;
	[tilespmem:v26+s16+$0x0] =	vst.idx.msk $0xffff, v24  }
0x220: {  	s25 =	sadd.s32 $0x3, s0;
	v36 =	vshrl.u32 v33, $0x3;
	v37 =	vld [tilespmem:s2+$0xFFFFFFF0];
	v27 =	vbroadcast v27, $0x0;
	v31 =	vadd.s32 v15, v28;
	[tilespmem:v22+s16+$0x0] =	vst.idx.msk $0xffff, v18  }
0x221: {  	v43 =	vmov s25;
	v39 =	vld [tilespmem:s2+$0x0];
	v18 =	vshll.u32 v36, v1;
	v28 =	vadd.s32 v16, v28;
	[tilespmem:v60+s16+$0x0] =	vst.idx.msk $0xffff, v59  }
0x222: {  	s30 =	sadd.s32 $0x4, s0;
	v40 =	vld [tilespmem:s2+$0xFFFFFF10];
	v22 =	vshrl.u32 v38, $0x3;
	v41 =	vadd.s32 v0, v27;
	v18 =	vbroadcast v18, $0x0;
	[tilespmem:v61+s16+$0x0] =	vst.idx.msk $0xffff, v17  }
0x223: {  	v47 =	vmov s30;
	v42 =	vadd.s32 v2, v27;
	v22 =	vshll.u32 v22, v1;
	v17 =	vld [tilespmem:s2+$0xFFFFFF20];
	[tilespmem:v63+s16+$0x0] =	vst.idx.msk $0xffff, v19  }
0x224: {  	s31 =	sadd.s32 $0x5, s0;
	v27 =	vshrl.u32 v43, $0x3;
	v22 =	vbroadcast v22, $0x0;
	v19 =	vld [tilespmem:s2+$0xFFFFFF30];
	v44 =	vadd.s32 v3, v18;
	[tilespmem:v35+s16+$0x0] =	vst.idx.msk $0xffff, v34  }
0x225: {  	v52 =	vmov s31;
	v45 =	vld [tilespmem:s2+$0xFFFFFF40];
	v46 =	vshll.u32 v27, v1;
	v18 =	vadd.s32 v4, v18;
	[tilespmem:v31+s16+$0x0] =	vst.idx.msk $0xffff, v37  }
0x226: {  	v48 =	vld [tilespmem:s2+$0xFFFFFF50];
	v27 =	vshrl.u32 v47, $0x3;
	v26 =	vbroadcast v46, $0x0;
	v49 =	vadd.s32 v5, v22;
	[tilespmem:v28+s16+$0x0] =	vst.idx.msk $0xffff, v39  }
0x227: {  	v50 =	vld [tilespmem:s2+$0xFFFFFF60];
	v51 =	vshll.u32 v27, v1;
	v27 =	vshrl.u32 v52, $0x3;
	v22 =	vadd.s32 v6, v22;
	[tilespmem:v41+s16+$0x0] =	vst.idx.msk $0xffff, v40  }
0x228: {  	s25 =	sadd.s32 $0x6, s0;
	v25 =	vbroadcast v51, $0x0;
	v55 =	vshll.u32 v27, v1;
	v53 =	vadd.s32 v7, v26;
	[tilespmem:v42+s16+$0x0] =	vst.idx.msk $0xffff, v17;
	v17 =	vld [tilespmem:s2+$0xFFFFFF70]  }
0x229: {  	v56 =	vmov s25;
	v54 =	vadd.s32 v8, v26;
	v26 =	vbroadcast v55, $0x0;
	[tilespmem:v44+s16+$0x0] =	vst.idx.msk $0xffff, v19;
	v19 =	vld [tilespmem:s2+$0xFFFFFF80]  }
0x22a: {  	v27 =	vshrl.u32 v56, $0x3;
	v57 =	vadd.s32 v9, v25;
	[tilespmem:v18+s16+$0x0] =	vst.idx.msk $0xffff, v45;
	v18 =	vld [tilespmem:s2+$0xFFFFFF90]  }
0x22b: {  	v59 =	vld [tilespmem:s2+$0xFFFFFFB0];
	v27 =	vshll.u32 v27, v1;
	v60 =	vadd.s32 v11, v26;
	[tilespmem:v49+s16+$0x0] =	vst.idx.msk $0xffff, v48  }
0x22c: {  	v58 =	vld [tilespmem:s2+$0xFFFFFFA0];
	v25 =	vadd.s32 v10, v25;
	v27 =	vbroadcast v27, $0x0;
	[tilespmem:v22+s16+$0x0] =	vst.idx.msk $0xffff, v50  }
0x22d: {  	v61 =	vadd.s32 v12, v26;
	[tilespmem:v53+s16+$0x0] =	vst.idx.msk $0xffff, v17;
	v17 =	vld [tilespmem:s2+$0xFFFFFFC0]  }
0x22e: {  	v62 =	vadd.s32 v13, v27;
	[tilespmem:v54+s16+$0x0] =	vst.idx.msk $0xffff, v19;
	v19 =	vld [tilespmem:s2+$0xFFFFFFD0]  }
0x22f: {  	s30 =	sadd.s32 $0x7, s28;
	v63 =	vadd.s32 v14, v27;
	[tilespmem:v57+s16+$0x0] =	vst.idx.msk $0xffff, v18;
	v18 =	vld [tilespmem:s2+$0xFFFFFFE0]  }
0x230: {  	s31 =	sshll.u32 s30, $0x6;
	[tilespmem:v60+s16+$0x0] =	vst.idx.msk $0xffff, v59  }
0x231: {  	s0 =	sshll.u32 s30, $0xB;
	s2 =	sand.u32 $0x7C0, s31;
	[tilespmem:v25+s16+$0x0] =	vst.idx.msk $0xffff, v58  }
0x232: {  	s0 =	sand.u32 $0xFFF0000, s0;
	s2 =	sadd.s32 s5, s2;
	[tilespmem:v61+s16+$0x0] =	vst.idx.msk $0xffff, v17  }
0x233: {  	s7 =	simm.s32 $0xD708;
	s0 =	sadd.s32 s0, s2;
	[tilespmem:v62+s16+$0x0] =	vst.idx.msk $0xffff, v19  }
0x234: {  	s29 =	simm.s32 $0x800;
	s2 =	simm.s32 $0xD500;
	s25 =	sadd.s32 $0x0, s0;
	[tilespmem:v63+s16+$0x0] =	vst.idx.msk $0xffff, v18  }
.LBB2_33:
0x235: {  	[hbm4b:s25+s3] =	stream.linear.scatter [tilespmem:s2], [sflag:$0x3], $0x200, $0x38;
	[tilespmem:$0x11600] =	vst v63  }
0x236: {  	s25 =	smov.u32 s29;
	s2 =	smov.u32 s7;
	p0 =	sne.s32 s29, $0xF800  }
.Ltmp15:
0x237: {  	s29 =	sadd.s32 $0x800, s29;
	(pc) =	sbr.rel @p0 .LBB2_33-.Ltmp15, $2  }
0x238: {  	_ =	sdelay $0x2  }
0x239: {  	s7 =	sadd.s32 $0x208, s7;
	s25 =	sadd.s32 s25, s0  }
0x23a: {  	[hbm4b:s25+s3] =	stream.linear.scatter [tilespmem:s2], [sflag:$0x3], $0x200, $0x38;
	[tilespmem:$0x11600] =	vst v63  }
0x23b: {  	_ = 	snop  }
0x23c: {  	[tilespmem:s11], [sflag:$0x2] =	stream.indirect.gather [hbm4b:s1+s9], $0x20, s24, s9, $0xb8;
	[tilespmem:$0x11600] =	vst v63  }
0x23d: {  	s0 =	simm.s32 $0x7;
	_ =	swait.ge [sflag:s12], $0x4000  }
0x23e: {  	s25 =	simm.s32 $0x0;
	v17 =	vmov s0;
	[sflag:s12] =	ssyncset.done $0x0  }
0x23f: {  	v18 =	vmov s25;
	v17 =	vshrl.u32 v17, $0x3;
	[sflag:s12] =	ssyncadd.s32 $0xFFFFC000  }
0x240: {  	v18 =	vshrl.u32 v18, $0x3;
	v17 =	vshll.u32 v17, v1;
	_ =	swait.ge [sflag:s18], $0x4000  }
0x241: {  	s30 =	simm.s32 $0x1;
	v18 =	vshll.u32 v18, v1;
	v17 =	vbroadcast v17, $0x0;
	[sflag:s18] =	ssyncset.done $0x0  }
0x242: {  	s29 =	simm.s32 $0x1480;
	s31 =	simm.s32 $0x2;
	v19 =	vmov s30;
	v18 =	vbroadcast v18, $0x0;
	[sflag:s18] =	ssyncadd.s32 $0xFFFFC000  }
0x243: {  	v22 =	vmov s31;
	v19 =	vshrl.u32 v19, $0x3;
	v21 =	vadd.s32 v15, v17;
	v20 =	vld [tilespmem:s29+$0x60]  }
0x244: {  	v22 =	vshrl.u32 v22, $0x3;
	v19 =	vshll.u32 v19, v1;
	v25 =	vadd.s32 v0, v18;
	v24 =	vld [tilespmem:s29+$0xFFFFFF80]  }
0x245: {  	s2 =	simm.s32 $0x3;
	v22 =	vshll.u32 v22, v1;
	v19 =	vbroadcast v19, $0x0;
	v17 =	vadd.s32 v16, v17;
	v23 =	vld [tilespmem:s29+$0x70]  }
0x246: {  	v27 =	vmov s2;
	v22 =	vbroadcast v22, $0x0;
	v18 =	vadd.s32 v2, v18;
	v26 =	vld [tilespmem:s29+$0xFFFFFF90]  }
0x247: {  	s7 =	simm.s32 $0x4;
	v27 =	vshrl.u32 v27, $0x3;
	v29 =	vadd.s32 v3, v19;
	v31 =	vadd.s32 v4, v19;
	v28 =	vld [tilespmem:s29+$0xFFFFFFA0]  }
0x248: {  	v19 =	vshll.u32 v27, v1;
	v27 =	vmov s7;
	v33 =	vadd.s32 v5, v22;
	v32 =	vld [tilespmem:s29+$0xFFFFFFC0];
	[tilespmem:v21+s13+$0x0] =	vst.idx.msk $0xffff, v20  }
0x249: {  	s25 =	simm.s32 $0x5;
	v34 =	vbroadcast v19, $0x0;
	v19 =	vshrl.u32 v27, $0x3;
	v30 =	vld [tilespmem:s29+$0xFFFFFFB0];
	[tilespmem:v25+s13+$0x0] =	vst.idx.msk $0xffff, v24  }
0x24a: {  	v19 =	vshll.u32 v19, v1;
	v20 =	vld [tilespmem:s29+$0xFFFFFFD0];
	v25 =	vadd.s32 v6, v22;
	v22 =	vmov s25;
	[tilespmem:v17+s13+$0x0] =	vst.idx.msk $0xffff, v23  }
0x24b: {  	s30 =	simm.s32 $0x6;
	v35 =	vbroadcast v19, $0x0;
	v21 =	vadd.s32 v7, v34;
	[tilespmem:v18+s13+$0x0] =	vst.idx.msk $0xffff, v26;
	v17 =	vld [tilespmem:s29+$0xFFFFFFE0];
	v18 =	vshrl.u32 v22, $0x3  }
0x24c: {  	v19 =	vld [tilespmem:s29+$0xFFFFFFF0];
	[tilespmem:v29+s13+$0x0] =	vst.idx.msk $0xffff, v28;
	v23 =	vadd.s32 v8, v34;
	v22 =	vmov s30;
	v18 =	vshll.u32 v18, v1  }
0x24d: {  	s31 =	simm.s32 $0xF;
	v24 =	vld [tilespmem:s29+$0x0];
	[tilespmem:v33+s13+$0x0] =	vst.idx.msk $0xffff, v32;
	v26 =	vadd.s32 v9, v35;
	v29 =	vshrl.u32 v22, $0x3;
	v27 =	vbroadcast v18, $0x0  }
0x24e: {  	s0 =	simm.s32 $0x8;
	s2 =	simm.s32 $0x10;
	v28 =	vmov s31;
	[tilespmem:v31+s13+$0x0] =	vst.idx.msk $0xffff, v30;
	v22 =	vadd.s32 v10, v35;
	v18 =	vld [tilespmem:s29+$0x10];
	v29 =	vshll.u32 v29, v1  }
.LBB2_35:
0x24f: {  	p0 =	slt.u32 s2, $0x1F8;
	v28 =	vshrl.u32 v28, $0x3;
	[tilespmem:v25+s13+$0x0] =	vst.idx.msk $0xffff, v20;
	v20 =	vld [tilespmem:s29+$0x20];
	v25 =	vadd.s32 v11, v27;
	v29 =	vbroadcast v29, $0x0  }
0x250: {  	v30 =	vmov s0;
	v28 =	vshll.u32 v28, v1;
	[tilespmem:v21+s13+$0x0] =	vst.idx.msk $0xffff, v17;
	v17 =	vld [tilespmem:s29+$0x30];
	v21 =	vadd.s32 v12, v27  }
0x251: {  	s7 =	sadd.s32 $0x1, s0;
	v27 =	vshrl.u32 v30, $0x3;
	v28 =	vbroadcast v28, $0x0;
	[tilespmem:v23+s13+$0x0] =	vst.idx.msk $0xffff, v19;
	v19 =	vld [tilespmem:s29+$0x40];
	v23 =	vadd.s32 v13, v29  }
0x252: {  	v30 =	vmov s7;
	v27 =	vshll.u32 v27, v1;
	[tilespmem:v26+s13+$0x0] =	vst.idx.msk $0xffff, v24;
	v24 =	vld [tilespmem:s29+$0x50];
	v26 =	vadd.s32 v14, v29;
	s29 =	sadd.s32 $0x100, s29  }
0x253: {  	s7 =	sadd.s32 $0x2, s0;
	v27 =	vbroadcast v27, $0x0;
	v29 =	vshrl.u32 v30, $0x3;
	v30 =	vld [tilespmem:s29+$0x60];
	v31 =	vadd.s32 v15, v28;
	[tilespmem:v22+s13+$0x0] =	vst.idx.msk $0xffff, v18  }
0x254: {  	v18 =	vshll.u32 v29, v1;
	v22 =	vmov s7;
	v28 =	vadd.s32 v16, v28;
	v29 =	vld [tilespmem:s29+$0x70];
	[tilespmem:v25+s13+$0x0] =	vst.idx.msk $0xffff, v20  }
0x255: {  	s7 =	sadd.s32 $0x3, s0;
	v25 =	vadd.s32 v0, v27;
	v18 =	vbroadcast v18, $0x0;
	v22 =	vshrl.u32 v22, $0x3;
	v20 =	vld [tilespmem:s29+$0xFFFFFF80];
	[tilespmem:v21+s13+$0x0] =	vst.idx.msk $0xffff, v17  }
0x256: {  	v21 =	vadd.s32 v2, v27;
	v22 =	vshll.u32 v22, v1;
	v27 =	vmov s7;
	v17 =	vld [tilespmem:s29+$0xFFFFFF90];
	[tilespmem:v23+s13+$0x0] =	vst.idx.msk $0xffff, v19  }
0x257: {  	s7 =	sadd.s32 $0x4, s0;
	v23 =	vadd.s32 v3, v18;
	v22 =	vbroadcast v22, $0x0;
	v27 =	vshrl.u32 v27, $0x3;
	v19 =	vld [tilespmem:s29+$0xFFFFFFA0];
	[tilespmem:v26+s13+$0x0] =	vst.idx.msk $0xffff, v24  }
0x258: {  	v18 =	vadd.s32 v4, v18;
	v26 =	vshll.u32 v27, v1;
	v27 =	vmov s7;
	v24 =	vld [tilespmem:s29+$0xFFFFFFB0];
	[tilespmem:v31+s13+$0x0] =	vst.idx.msk $0xffff, v30  }
0x259: {  	s7 =	sadd.s32 $0x5, s0;
	v31 =	vadd.s32 v5, v22;
	v26 =	vbroadcast v26, $0x0;
	v27 =	vshrl.u32 v27, $0x3;
	v30 =	vld [tilespmem:s29+$0xFFFFFFC0];
	[tilespmem:v28+s13+$0x0] =	vst.idx.msk $0xffff, v29  }
.Ltmp16:
0x25a: {  	[tilespmem:v25+s13+$0x0] =	vst.idx.msk $0xffff, v20;
	v20 =	vld [tilespmem:s29+$0xFFFFFFD0];
	v25 =	vadd.s32 v6, v22;
	v22 =	vshll.u32 v27, v1;
	v27 =	vmov s7;
	(pc) =	sbr.rel @p0 .LBB2_35-.Ltmp16, $4  }
0x25b: {  	s7 =	sadd.s32 $0x6, s0;
	s0 =	smov.u32 s2;
	[tilespmem:v21+s13+$0x0] =	vst.idx.msk $0xffff, v17;
	v17 =	vld [tilespmem:s29+$0xFFFFFFE0];
	v21 =	vadd.s32 v7, v26;
	v22 =	vbroadcast v22, $0x0;
	v27 =	vshrl.u32 v27, $0x3  }
0x25c: {  	v28 =	vmov s7;
	[tilespmem:v23+s13+$0x0] =	vst.idx.msk $0xffff, v19;
	v19 =	vld [tilespmem:s29+$0xFFFFFFF0];
	v23 =	vadd.s32 v8, v26;
	v27 =	vshll.u32 v27, v1  }
0x25d: {  	s7 =	sadd.s32 $0x7, s2;
	v29 =	vshrl.u32 v28, $0x3;
	[tilespmem:v18+s13+$0x0] =	vst.idx.msk $0xffff, v24;
	v24 =	vld [tilespmem:s29+$0x0];
	v26 =	vadd.s32 v9, v22;
	v27 =	vbroadcast v27, $0x0  }
0x25e: {  	s2 =	sadd.s32 $0x8, s2;
	v28 =	vmov s7;
	v22 =	vadd.s32 v10, v22;
	v29 =	vshll.u32 v29, v1;
	[tilespmem:v31+s13+$0x0] =	vst.idx.msk $0xffff, v30;
	v18 =	vld [tilespmem:s29+$0x10]  }
0x25f: {  	_ =	sdelay $0x2  }
0x260: {  	v28 =	vshrl.u32 v28, $0x3  }
0x261: {  	[tilespmem:v25+s13+$0x0] =	vst.idx.msk $0xffff, v20;
	v59 =	vld [tilespmem:s29+$0x20];
	v60 =	vadd.s32 v11, v27;
	v29 =	vbroadcast v29, $0x0;
	v30 =	vmov s0  }
0x262: {  	v61 =	vadd.s32 v12, v27;
	s2 =	sadd.s32 $0x1, s0;
	v28 =	vshll.u32 v28, v1;
	[tilespmem:v21+s13+$0x0] =	vst.idx.msk $0xffff, v17;
	v17 =	vld [tilespmem:s29+$0x30];
	v62 =	vshrl.u32 v30, $0x3  }
0x263: {  	s7 =	sadd.s32 $0x2, s0;
	v33 =	vmov s2;
	v28 =	vbroadcast v28, $0x0;
	[tilespmem:v23+s13+$0x0] =	vst.idx.msk $0xffff, v19;
	v19 =	vld [tilespmem:s29+$0x40];
	v63 =	vadd.s32 v13, v29  }
0x264: {  	v34 =	vld [tilespmem:s29+$0x50];
	s2 =	sadd.s32 $0x100, s29;
	v38 =	vmov s7;
	v27 =	vshll.u32 v62, v1;
	v35 =	vadd.s32 v14, v29;
	[tilespmem:v26+s13+$0x0] =	vst.idx.msk $0xffff, v24  }
0x265: {  	s25 =	sadd.s32 $0x3, s0;
	v36 =	vshrl.u32 v33, $0x3;
	v37 =	vld [tilespmem:s2+$0x60];
	v27 =	vbroadcast v27, $0x0;
	v31 =	vadd.s32 v15, v28;
	[tilespmem:v22+s13+$0x0] =	vst.idx.msk $0xffff, v18  }
0x266: {  	v43 =	vmov s25;
	v39 =	vld [tilespmem:s2+$0x70];
	v18 =	vshll.u32 v36, v1;
	v28 =	vadd.s32 v16, v28;
	[tilespmem:v60+s13+$0x0] =	vst.idx.msk $0xffff, v59  }
0x267: {  	s30 =	sadd.s32 $0x4, s0;
	v40 =	vld [tilespmem:s2+$0xFFFFFF80];
	v22 =	vshrl.u32 v38, $0x3;
	v41 =	vadd.s32 v0, v27;
	v18 =	vbroadcast v18, $0x0;
	[tilespmem:v61+s13+$0x0] =	vst.idx.msk $0xffff, v17  }
0x268: {  	v47 =	vmov s30;
	v42 =	vadd.s32 v2, v27;
	v22 =	vshll.u32 v22, v1;
	v17 =	vld [tilespmem:s2+$0xFFFFFF90];
	[tilespmem:v63+s13+$0x0] =	vst.idx.msk $0xffff, v19  }
0x269: {  	s31 =	sadd.s32 $0x5, s0;
	v27 =	vshrl.u32 v43, $0x3;
	v22 =	vbroadcast v22, $0x0;
	v19 =	vld [tilespmem:s2+$0xFFFFFFA0];
	v44 =	vadd.s32 v3, v18;
	[tilespmem:v35+s13+$0x0] =	vst.idx.msk $0xffff, v34  }
0x26a: {  	v52 =	vmov s31;
	v45 =	vld [tilespmem:s2+$0xFFFFFFB0];
	v46 =	vshll.u32 v27, v1;
	v18 =	vadd.s32 v4, v18;
	[tilespmem:v31+s13+$0x0] =	vst.idx.msk $0xffff, v37  }
0x26b: {  	v48 =	vld [tilespmem:s2+$0xFFFFFFC0];
	v27 =	vshrl.u32 v47, $0x3;
	v26 =	vbroadcast v46, $0x0;
	v49 =	vadd.s32 v5, v22;
	[tilespmem:v28+s13+$0x0] =	vst.idx.msk $0xffff, v39  }
0x26c: {  	v50 =	vld [tilespmem:s2+$0xFFFFFFD0];
	v51 =	vshll.u32 v27, v1;
	v27 =	vshrl.u32 v52, $0x3;
	v22 =	vadd.s32 v6, v22;
	[tilespmem:v41+s13+$0x0] =	vst.idx.msk $0xffff, v40  }
0x26d: {  	s25 =	sadd.s32 $0x6, s0;
	v25 =	vbroadcast v51, $0x0;
	v55 =	vshll.u32 v27, v1;
	v53 =	vadd.s32 v7, v26;
	[tilespmem:v42+s13+$0x0] =	vst.idx.msk $0xffff, v17;
	v17 =	vld [tilespmem:s2+$0xFFFFFFE0]  }
0x26e: {  	v56 =	vmov s25;
	v54 =	vadd.s32 v8, v26;
	v26 =	vbroadcast v55, $0x0;
	[tilespmem:v44+s13+$0x0] =	vst.idx.msk $0xffff, v19;
	v19 =	vld [tilespmem:s2+$0xFFFFFFF0]  }
0x26f: {  	v27 =	vshrl.u32 v56, $0x3;
	v57 =	vadd.s32 v9, v25;
	[tilespmem:v18+s13+$0x0] =	vst.idx.msk $0xffff, v45;
	v18 =	vld [tilespmem:s2+$0x0]  }
0x270: {  	v59 =	vld [tilespmem:s2+$0x20];
	v27 =	vshll.u32 v27, v1;
	v60 =	vadd.s32 v11, v26;
	[tilespmem:v49+s13+$0x0] =	vst.idx.msk $0xffff, v48  }
0x271: {  	v58 =	vld [tilespmem:s2+$0x10];
	v25 =	vadd.s32 v10, v25;
	v27 =	vbroadcast v27, $0x0;
	[tilespmem:v22+s13+$0x0] =	vst.idx.msk $0xffff, v50  }
0x272: {  	v61 =	vadd.s32 v12, v26;
	[tilespmem:v53+s13+$0x0] =	vst.idx.msk $0xffff, v17;
	v17 =	vld [tilespmem:s2+$0x30]  }
0x273: {  	v62 =	vadd.s32 v13, v27;
	[tilespmem:v54+s13+$0x0] =	vst.idx.msk $0xffff, v19;
	v19 =	vld [tilespmem:s2+$0x40]  }
0x274: {  	s30 =	sadd.s32 $0x8, s28;
	v63 =	vadd.s32 v14, v27;
	[tilespmem:v57+s13+$0x0] =	vst.idx.msk $0xffff, v18;
	v18 =	vld [tilespmem:s2+$0x50]  }
0x275: {  	s31 =	sshll.u32 s30, $0x6;
	[tilespmem:v60+s13+$0x0] =	vst.idx.msk $0xffff, v59  }
0x276: {  	s0 =	sshll.u32 s30, $0xB;
	s2 =	sand.u32 $0x780, s31;
	[tilespmem:v25+s13+$0x0] =	vst.idx.msk $0xffff, v58  }
0x277: {  	s0 =	sand.u32 $0xFFF0000, s0;
	s2 =	sadd.s32 s5, s2;
	[tilespmem:v61+s13+$0x0] =	vst.idx.msk $0xffff, v17  }
0x278: {  	s7 =	simm.s32 $0x9608;
	s0 =	sadd.s32 s0, s2;
	[tilespmem:v62+s13+$0x0] =	vst.idx.msk $0xffff, v19  }
0x279: {  	s29 =	simm.s32 $0x800;
	s2 =	simm.s32 $0x9400;
	s25 =	sadd.s32 $0x0, s0;
	[tilespmem:v63+s13+$0x0] =	vst.idx.msk $0xffff, v18  }
.LBB2_37:
0x27a: {  	[hbm4b:s25+s3] =	stream.linear.scatter [tilespmem:s2], [sflag:$0x3], $0x200, $0x38;
	[tilespmem:$0x11600] =	vst v63  }
0x27b: {  	s25 =	smov.u32 s29;
	s2 =	smov.u32 s7;
	p0 =	sne.s32 s29, $0xF800  }
.Ltmp17:
0x27c: {  	s29 =	sadd.s32 $0x800, s29;
	(pc) =	sbr.rel @p0 .LBB2_37-.Ltmp17, $2  }
0x27d: {  	_ =	sdelay $0x2  }
0x27e: {  	s7 =	sadd.s32 $0x208, s7;
	s25 =	sadd.s32 s25, s0  }
0x27f: {  	[hbm4b:s25+s3] =	stream.linear.scatter [tilespmem:s2], [sflag:$0x3], $0x200, $0x38;
	[tilespmem:$0x11600] =	vst v63  }
0x280: {  	s0 =	simm.s32 $0x7;
	_ =	swait.ge [sflag:s15], $0x4000  }
0x281: {  	s25 =	simm.s32 $0x0;
	v17 =	vmov s0;
	[sflag:s15] =	ssyncset.done $0x0  }
0x282: {  	v18 =	vmov s25;
	v17 =	vshrl.u32 v17, $0x3;
	[sflag:s15] =	ssyncadd.s32 $0xFFFFC000  }
0x283: {  	v18 =	vshrl.u32 v18, $0x3;
	v17 =	vshll.u32 v17, v1;
	_ =	swait.ge [sflag:s18], $0x4000  }
0x284: {  	s30 =	simm.s32 $0x1;
	v18 =	vshll.u32 v18, v1;
	v17 =	vbroadcast v17, $0x0;
	[sflag:s18] =	ssyncset.done $0x0  }
0x285: {  	s29 =	simm.s32 $0x54F0;
	s31 =	simm.s32 $0x2;
	v19 =	vmov s30;
	v18 =	vbroadcast v18, $0x0;
	[sflag:s18] =	ssyncadd.s32 $0xFFFFC000  }
0x286: {  	v22 =	vmov s31;
	v19 =	vshrl.u32 v19, $0x3;
	v21 =	vadd.s32 v15, v17;
	v20 =	vld [tilespmem:s29+$0xFFFFFFF0]  }
0x287: {  	v22 =	vshrl.u32 v22, $0x3;
	v19 =	vshll.u32 v19, v1;
	v25 =	vadd.s32 v0, v18;
	v24 =	vld [tilespmem:s29+$0xFFFFFF10]  }
0x288: {  	s2 =	simm.s32 $0x3;
	v22 =	vshll.u32 v22, v1;
	v19 =	vbroadcast v19, $0x0;
	v17 =	vadd.s32 v16, v17;
	v23 =	vld [tilespmem:s29+$0x0]  }
0x289: {  	v27 =	vmov s2;
	v22 =	vbroadcast v22, $0x0;
	v18 =	vadd.s32 v2, v18;
	v26 =	vld [tilespmem:s29+$0xFFFFFF20]  }
0x28a: {  	s7 =	simm.s32 $0x4;
	v27 =	vshrl.u32 v27, $0x3;
	v29 =	vadd.s32 v3, v19;
	v31 =	vadd.s32 v4, v19;
	v28 =	vld [tilespmem:s29+$0xFFFFFF30]  }
0x28b: {  	v19 =	vshll.u32 v27, v1;
	v27 =	vmov s7;
	v33 =	vadd.s32 v5, v22;
	v32 =	vld [tilespmem:s29+$0xFFFFFF50];
	[tilespmem:v21+s16+$0x0] =	vst.idx.msk $0xffff, v20  }
0x28c: {  	s25 =	simm.s32 $0x5;
	v30 =	vld [tilespmem:s29+$0xFFFFFF40];
	v34 =	vbroadcast v19, $0x0;
	v19 =	vshrl.u32 v27, $0x3;
	[tilespmem:v25+s16+$0x0] =	vst.idx.msk $0xffff, v24  }
0x28d: {  	v19 =	vshll.u32 v19, v1;
	v20 =	vld [tilespmem:s29+$0xFFFFFF60];
	v25 =	vadd.s32 v6, v22;
	v22 =	vmov s25;
	[tilespmem:v17+s16+$0x0] =	vst.idx.msk $0xffff, v23  }
0x28e: {  	s30 =	simm.s32 $0x6;
	v35 =	vbroadcast v19, $0x0;
	v21 =	vadd.s32 v7, v34;
	[tilespmem:v18+s16+$0x0] =	vst.idx.msk $0xffff, v26;
	v17 =	vld [tilespmem:s29+$0xFFFFFF70];
	v18 =	vshrl.u32 v22, $0x3  }
0x28f: {  	v19 =	vld [tilespmem:s29+$0xFFFFFF80];
	[tilespmem:v29+s16+$0x0] =	vst.idx.msk $0xffff, v28;
	v23 =	vadd.s32 v8, v34;
	v22 =	vmov s30;
	v18 =	vshll.u32 v18, v1  }
0x290: {  	s31 =	simm.s32 $0xF;
	v24 =	vld [tilespmem:s29+$0xFFFFFF90];
	[tilespmem:v33+s16+$0x0] =	vst.idx.msk $0xffff, v32;
	v26 =	vadd.s32 v9, v35;
	v29 =	vshrl.u32 v22, $0x3;
	v27 =	vbroadcast v18, $0x0  }
0x291: {  	s0 =	simm.s32 $0x8;
	s2 =	simm.s32 $0x10;
	v28 =	vmov s31;
	[tilespmem:v31+s16+$0x0] =	vst.idx.msk $0xffff, v30;
	v22 =	vadd.s32 v10, v35;
	v18 =	vld [tilespmem:s29+$0xFFFFFFA0];
	v29 =	vshll.u32 v29, v1  }
.LBB2_39:
0x292: {  	p0 =	slt.u32 s2, $0x1F8;
	v28 =	vshrl.u32 v28, $0x3;
	[tilespmem:v25+s16+$0x0] =	vst.idx.msk $0xffff, v20;
	v20 =	vld [tilespmem:s29+$0xFFFFFFB0];
	v25 =	vadd.s32 v11, v27;
	v29 =	vbroadcast v29, $0x0  }
0x293: {  	v30 =	vmov s0;
	v28 =	vshll.u32 v28, v1;
	[tilespmem:v21+s16+$0x0] =	vst.idx.msk $0xffff, v17;
	v17 =	vld [tilespmem:s29+$0xFFFFFFC0];
	v21 =	vadd.s32 v12, v27  }
0x294: {  	s7 =	sadd.s32 $0x1, s0;
	v27 =	vshrl.u32 v30, $0x3;
	v28 =	vbroadcast v28, $0x0;
	[tilespmem:v23+s16+$0x0] =	vst.idx.msk $0xffff, v19;
	v19 =	vld [tilespmem:s29+$0xFFFFFFD0];
	v23 =	vadd.s32 v13, v29  }
0x295: {  	v30 =	vmov s7;
	v27 =	vshll.u32 v27, v1;
	[tilespmem:v26+s16+$0x0] =	vst.idx.msk $0xffff, v24;
	v24 =	vld [tilespmem:s29+$0xFFFFFFE0];
	v26 =	vadd.s32 v14, v29;
	s29 =	sadd.s32 $0x100, s29  }
0x296: {  	s7 =	sadd.s32 $0x2, s0;
	v27 =	vbroadcast v27, $0x0;
	v29 =	vshrl.u32 v30, $0x3;
	v30 =	vld [tilespmem:s29+$0xFFFFFFF0];
	v31 =	vadd.s32 v15, v28;
	[tilespmem:v22+s16+$0x0] =	vst.idx.msk $0xffff, v18  }
0x297: {  	v18 =	vshll.u32 v29, v1;
	v22 =	vmov s7;
	v28 =	vadd.s32 v16, v28;
	v29 =	vld [tilespmem:s29+$0x0];
	[tilespmem:v25+s16+$0x0] =	vst.idx.msk $0xffff, v20  }
0x298: {  	s7 =	sadd.s32 $0x3, s0;
	v25 =	vadd.s32 v0, v27;
	v18 =	vbroadcast v18, $0x0;
	v22 =	vshrl.u32 v22, $0x3;
	v20 =	vld [tilespmem:s29+$0xFFFFFF10];
	[tilespmem:v21+s16+$0x0] =	vst.idx.msk $0xffff, v17  }
0x299: {  	v21 =	vadd.s32 v2, v27;
	v22 =	vshll.u32 v22, v1;
	v27 =	vmov s7;
	v17 =	vld [tilespmem:s29+$0xFFFFFF20];
	[tilespmem:v23+s16+$0x0] =	vst.idx.msk $0xffff, v19  }
0x29a: {  	s7 =	sadd.s32 $0x4, s0;
	v23 =	vadd.s32 v3, v18;
	v22 =	vbroadcast v22, $0x0;
	v27 =	vshrl.u32 v27, $0x3;
	v19 =	vld [tilespmem:s29+$0xFFFFFF30];
	[tilespmem:v26+s16+$0x0] =	vst.idx.msk $0xffff, v24  }
0x29b: {  	v18 =	vadd.s32 v4, v18;
	v26 =	vshll.u32 v27, v1;
	v27 =	vmov s7;
	v24 =	vld [tilespmem:s29+$0xFFFFFF40];
	[tilespmem:v31+s16+$0x0] =	vst.idx.msk $0xffff, v30  }
0x29c: {  	s7 =	sadd.s32 $0x5, s0;
	v31 =	vadd.s32 v5, v22;
	v26 =	vbroadcast v26, $0x0;
	v27 =	vshrl.u32 v27, $0x3;
	v30 =	vld [tilespmem:s29+$0xFFFFFF50];
	[tilespmem:v28+s16+$0x0] =	vst.idx.msk $0xffff, v29  }
.Ltmp18:
0x29d: {  	[tilespmem:v25+s16+$0x0] =	vst.idx.msk $0xffff, v20;
	v20 =	vld [tilespmem:s29+$0xFFFFFF60];
	v25 =	vadd.s32 v6, v22;
	v22 =	vshll.u32 v27, v1;
	v27 =	vmov s7;
	(pc) =	sbr.rel @p0 .LBB2_39-.Ltmp18, $4  }
0x29e: {  	s7 =	sadd.s32 $0x6, s0;
	s0 =	smov.u32 s2;
	[tilespmem:v21+s16+$0x0] =	vst.idx.msk $0xffff, v17;
	v17 =	vld [tilespmem:s29+$0xFFFFFF70];
	v21 =	vadd.s32 v7, v26;
	v22 =	vbroadcast v22, $0x0;
	v27 =	vshrl.u32 v27, $0x3  }
0x29f: {  	v28 =	vmov s7;
	[tilespmem:v23+s16+$0x0] =	vst.idx.msk $0xffff, v19;
	v19 =	vld [tilespmem:s29+$0xFFFFFF80];
	v23 =	vadd.s32 v8, v26;
	v27 =	vshll.u32 v27, v1  }
0x2a0: {  	s7 =	sadd.s32 $0x7, s2;
	v29 =	vshrl.u32 v28, $0x3;
	[tilespmem:v18+s16+$0x0] =	vst.idx.msk $0xffff, v24;
	v24 =	vld [tilespmem:s29+$0xFFFFFF90];
	v26 =	vadd.s32 v9, v22;
	v27 =	vbroadcast v27, $0x0  }
0x2a1: {  	s2 =	sadd.s32 $0x8, s2;
	v28 =	vmov s7;
	v22 =	vadd.s32 v10, v22;
	v29 =	vshll.u32 v29, v1;
	[tilespmem:v31+s16+$0x0] =	vst.idx.msk $0xffff, v30;
	v18 =	vld [tilespmem:s29+$0xFFFFFFA0]  }
0x2a2: {  	_ =	sdelay $0x2  }
0x2a3: {  	v28 =	vshrl.u32 v28, $0x3  }
0x2a4: {  	[tilespmem:v25+s16+$0x0] =	vst.idx.msk $0xffff, v20;
	v59 =	vld [tilespmem:s29+$0xFFFFFFB0];
	v60 =	vadd.s32 v11, v27;
	v29 =	vbroadcast v29, $0x0;
	v30 =	vmov s0  }
0x2a5: {  	v61 =	vadd.s32 v12, v27;
	s2 =	sadd.s32 $0x1, s0;
	v28 =	vshll.u32 v28, v1;
	[tilespmem:v21+s16+$0x0] =	vst.idx.msk $0xffff, v17;
	v17 =	vld [tilespmem:s29+$0xFFFFFFC0];
	v62 =	vshrl.u32 v30, $0x3  }
0x2a6: {  	s7 =	sadd.s32 $0x2, s0;
	v33 =	vmov s2;
	v28 =	vbroadcast v28, $0x0;
	[tilespmem:v23+s16+$0x0] =	vst.idx.msk $0xffff, v19;
	v19 =	vld [tilespmem:s29+$0xFFFFFFD0];
	v63 =	vadd.s32 v13, v29  }
0x2a7: {  	v34 =	vld [tilespmem:s29+$0xFFFFFFE0];
	s2 =	sadd.s32 $0x100, s29;
	v38 =	vmov s7;
	v27 =	vshll.u32 v62, v1;
	v35 =	vadd.s32 v14, v29;
	[tilespmem:v26+s16+$0x0] =	vst.idx.msk $0xffff, v24  }
0x2a8: {  	s30 =	sadd.s32 $0x3, s0;
	v36 =	vshrl.u32 v33, $0x3;
	v37 =	vld [tilespmem:s2+$0xFFFFFFF0];
	v27 =	vbroadcast v27, $0x0;
	v31 =	vadd.s32 v15, v28;
	[tilespmem:v22+s16+$0x0] =	vst.idx.msk $0xffff, v18  }
0x2a9: {  	v43 =	vmov s30;
	v39 =	vld [tilespmem:s2+$0x0];
	v18 =	vshll.u32 v36, v1;
	v28 =	vadd.s32 v16, v28;
	[tilespmem:v60+s16+$0x0] =	vst.idx.msk $0xffff, v59  }
0x2aa: {  	s31 =	sadd.s32 $0x4, s0;
	v40 =	vld [tilespmem:s2+$0xFFFFFF10];
	v22 =	vshrl.u32 v38, $0x3;
	v41 =	vadd.s32 v0, v27;
	v18 =	vbroadcast v18, $0x0;
	[tilespmem:v61+s16+$0x0] =	vst.idx.msk $0xffff, v17  }
0x2ab: {  	v47 =	vmov s31;
	v42 =	vadd.s32 v2, v27;
	v22 =	vshll.u32 v22, v1;
	v17 =	vld [tilespmem:s2+$0xFFFFFF20];
	[tilespmem:v63+s16+$0x0] =	vst.idx.msk $0xffff, v19  }
0x2ac: {  	s25 =	sadd.s32 $0x5, s0;
	v27 =	vshrl.u32 v43, $0x3;
	v22 =	vbroadcast v22, $0x0;
	v19 =	vld [tilespmem:s2+$0xFFFFFF30];
	v44 =	vadd.s32 v3, v18;
	[tilespmem:v35+s16+$0x0] =	vst.idx.msk $0xffff, v34  }
0x2ad: {  	v52 =	vmov s25;
	v45 =	vld [tilespmem:s2+$0xFFFFFF40];
	v46 =	vshll.u32 v27, v1;
	v18 =	vadd.s32 v4, v18;
	[tilespmem:v31+s16+$0x0] =	vst.idx.msk $0xffff, v37  }
0x2ae: {  	v48 =	vld [tilespmem:s2+$0xFFFFFF50];
	v27 =	vshrl.u32 v47, $0x3;
	v26 =	vbroadcast v46, $0x0;
	v49 =	vadd.s32 v5, v22;
	[tilespmem:v28+s16+$0x0] =	vst.idx.msk $0xffff, v39  }
0x2af: {  	v50 =	vld [tilespmem:s2+$0xFFFFFF60];
	v51 =	vshll.u32 v27, v1;
	v27 =	vshrl.u32 v52, $0x3;
	v22 =	vadd.s32 v6, v22;
	[tilespmem:v41+s16+$0x0] =	vst.idx.msk $0xffff, v40  }
0x2b0: {  	s29 =	sadd.s32 $0x6, s0;
	v25 =	vbroadcast v51, $0x0;
	v55 =	vshll.u32 v27, v1;
	v53 =	vadd.s32 v7, v26;
	[tilespmem:v42+s16+$0x0] =	vst.idx.msk $0xffff, v17;
	v17 =	vld [tilespmem:s2+$0xFFFFFF70]  }
0x2b1: {  	v56 =	vmov s29;
	v54 =	vadd.s32 v8, v26;
	v26 =	vbroadcast v55, $0x0;
	[tilespmem:v44+s16+$0x0] =	vst.idx.msk $0xffff, v19;
	v19 =	vld [tilespmem:s2+$0xFFFFFF80]  }
0x2b2: {  	v27 =	vshrl.u32 v56, $0x3;
	v57 =	vadd.s32 v9, v25;
	[tilespmem:v18+s16+$0x0] =	vst.idx.msk $0xffff, v45;
	v18 =	vld [tilespmem:s2+$0xFFFFFF90]  }
0x2b3: {  	v59 =	vld [tilespmem:s2+$0xFFFFFFB0];
	v27 =	vshll.u32 v27, v1;
	v60 =	vadd.s32 v11, v26;
	[tilespmem:v49+s16+$0x0] =	vst.idx.msk $0xffff, v48  }
0x2b4: {  	v58 =	vld [tilespmem:s2+$0xFFFFFFA0];
	v25 =	vadd.s32 v10, v25;
	v27 =	vbroadcast v27, $0x0;
	[tilespmem:v22+s16+$0x0] =	vst.idx.msk $0xffff, v50  }
0x2b5: {  	v61 =	vadd.s32 v12, v26;
	[tilespmem:v53+s16+$0x0] =	vst.idx.msk $0xffff, v17;
	v17 =	vld [tilespmem:s2+$0xFFFFFFC0]  }
0x2b6: {  	v62 =	vadd.s32 v13, v27;
	[tilespmem:v54+s16+$0x0] =	vst.idx.msk $0xffff, v19;
	v19 =	vld [tilespmem:s2+$0xFFFFFFD0]  }
0x2b7: {  	s30 =	sadd.s32 $0x9, s28;
	v63 =	vadd.s32 v14, v27;
	[tilespmem:v57+s16+$0x0] =	vst.idx.msk $0xffff, v18;
	v18 =	vld [tilespmem:s2+$0xFFFFFFE0]  }
0x2b8: {  	s31 =	sshll.u32 s30, $0x6;
	[tilespmem:v60+s16+$0x0] =	vst.idx.msk $0xffff, v59  }
0x2b9: {  	s0 =	sshll.u32 s30, $0xB;
	s2 =	sand.u32 $0x7C0, s31;
	[tilespmem:v25+s16+$0x0] =	vst.idx.msk $0xffff, v58  }
0x2ba: {  	s0 =	sand.u32 $0xFFF0000, s0;
	s2 =	sadd.s32 s5, s2;
	[tilespmem:v61+s16+$0x0] =	vst.idx.msk $0xffff, v17  }
0x2bb: {  	s28 =	simm.s32 $0x800;
	s0 =	sadd.s32 s0, s2;
	[tilespmem:v62+s16+$0x0] =	vst.idx.msk $0xffff, v19  }
0x2bc: {  	s7 =	simm.s32 $0xD708;
	s2 =	simm.s32 $0xD500;
	s25 =	sadd.s32 $0x0, s0;
	[tilespmem:v63+s16+$0x0] =	vst.idx.msk $0xffff, v18  }
.LBB2_41:
0x2bd: {  	[hbm4b:s25+s3] =	stream.linear.scatter [tilespmem:s2], [sflag:$0x3], $0x200, $0x38;
	[tilespmem:$0x11600] =	vst v63  }
0x2be: {  	s25 =	smov.u32 s28;
	s2 =	smov.u32 s7;
	p0 =	sne.s32 s28, $0xF800  }
.Ltmp19:
0x2bf: {  	s28 =	sadd.s32 $0x800, s28;
	(pc) =	sbr.rel @p0 .LBB2_41-.Ltmp19, $2  }
0x2c0: {  	_ =	sdelay $0x2  }
0x2c1: {  	s7 =	sadd.s32 $0x208, s7;
	s25 =	sadd.s32 s25, s0  }
0x2c2: {  	[hbm4b:s25+s3] =	stream.linear.scatter [tilespmem:s2], [sflag:$0x3], $0x200, $0x38;
	[tilespmem:$0x11600] =	vst v63  }
0x2c3: {  	s26 =	sadd.s32 $0x1, s26  }
0x2c4: {  	_ =	swait.ge [sflag:s18], $0x4000;
	p0 =	sne.s32 s26, $0xA  }
.Ltmp20:
0x2c5: {  	[sflag:s18] =	ssyncset.done $0x0;
	(pc) =	sbr.rel @p0 .LBB2_2-.Ltmp20, $4  }
0x2c6: {  	[sflag:s18] =	ssyncadd.s32 $0xFFFFC000  }
0x2c7: {  	_ =	swait.ge [sflag:s18], $0x4000  }
0x2c8: {  	[sflag:s18] =	ssyncset.done $0x0  }
0x2c9: {  	[sflag:s18] =	ssyncadd.s32 $0xFFFFC000  }
0x2ca: {  	s2 =	rddreg [dreg:$0x4]  }
0x2cb: {  	s0 =	rddreg [dreg:$0x3];
	s2 =	sadd.s32 $0x1, s2  }
0x2cc: {  	p0 =	sne.s32 s2, s0  }
.Ltmp21:
0x2cd: {  	_ = 	snop;
	(pc) =	sbr.rel @p0 .LBB2_1-.Ltmp21, $1  }
0x2ce: {  	_ =	sdelay $0x3  }
0x2cf: {  	_ =	sfence.sel $0x180000  }
0x2d0: {  	[bflag:$0x0] =	sbarrier.arrive $0xFFFF  }
0x2d1: {  	_ =	strace $0x9000004A  }
0x2d2: {  	s0 =	stileid.u32;
	[bflag:$0x2] =	sbarrier.arrive $0xFFFF  }
0x2d3: {  	p0 =	sne.s32 s0, $0x0;
	s0 =	rddreg [dreg:$0x2]  }
0x2d4: {  	s0 =	sadd.s32 @!p0 $0x100000, s0  }
0x2d5: {  	[sflag:s0] =	ssyncadd.tile.s32 @!p0 $0x1;
	_ =	shalt  }
.Lfunc_end2:
_tile_overlayer_lowered:
.L_overlay_start_2:
0x2d6: {  	(tag) =	ssettag $0x2  }
0x2d7: {  	s0 =	rddreg [dreg:$0x0];
	s2 =	stileid.u32  }
0x2d8: {  	s1 =	rddreg [dreg:$0x1];
	p0 =	sne.s32 s2, $0x0  }
0x2d9: {  	s3 =	rddreg [dreg:$0x2];
	[bflag:$0x3] =	sbarrier.arrive $0xFFFF;
	s2 =	simm.s32 @!p0 $0x1C04  }
0x2da: {  	[timem:s3], [sflag:s2] =	dma.local @!p0 [hbm:s0], s1  }
0x2db: {  	s0 =	simm.s32 @!p0 $0x4  }
0x2dc: {  	_ =	swait.ge @!p0 [sflag:s0], s1  }
0x2dd: {  	s1 =	ssub.s32 @!p0 $0x0, s1;
	[sflag:s0] =	ssyncset.done @!p0 $0x0  }
0x2de: {  	[sflag:s0] =	ssyncadd.s32 @!p0 s1  }
0x2df: {  	[bflag:$0x3] =	sbarrier.arrive $0xFFFF  }
0x2e0: {  	_ =	shalt  }

</sc_bundles>
